<compile_context>
chip_gen: v7x
topology: tpu7x:2x2x1
jax: 0.10.2.dev20260603
libtpu: 0.0.44.dev20260713+nightly
codegen_flags: <defaults>
</compile_context>

<pallas_src>
import functools

import jax
import jax.numpy as jnp
from jax import lax
from jax.experimental import pallas as pl
from jax.experimental.pallas import tpu as pltpu
from jax.experimental.pallas import tpu_sc as plsc

N = 10000
E = 320000
D = 128
EPS = 1e-5
ALPHA = 0.01

NC = 2
NS = 16
NW = NC * NS
EPW = E // NW
ECH = 128
ENFULL = EPW // ECH
CH = 96
NFULL = EPW // CH
TAIL = EPW - NFULL * CH
TRASH = N
RPT = 640
NACC = NS * RPT

_mesh = plsc.VectorSubcoreMesh(core_axis_name="c", subcore_axis_name="s")


@functools.partial(
    pl.kernel,
    mesh=_mesh,
    out_type=(
        jax.ShapeDtypeStruct((NC * NACC,), jnp.float32),
        jax.ShapeDtypeStruct((E,), jnp.int32),
    ),
    scratch_types=[
        pltpu.VMEM((EPW,), jnp.int32),
        pltpu.VMEM((EPW,), jnp.int32),
        pltpu.VMEM((EPW,), jnp.int32),
        pltpu.VMEM((ECH,), jnp.int32),
        pltpu.VMEM((ECH,), jnp.int32),
        pltpu.VMEM((ECH,), jnp.float32),
        pltpu.VMEM((ECH,), jnp.float32),
        pltpu.VMEM((TAIL,), jnp.int32),
        pltpu.VMEM((TAIL,), jnp.float32),
        pltpu.VMEM((RPT,), jnp.float32),
        pltpu.VMEM_SHARED((NACC,), jnp.float32),
        pltpu.SemaphoreType.DMA,
        pltpu.SemaphoreType.DMA,
    ],
)
def _edge_prep(src_h, dst_h, degp_h, dstp_h,
               srcb, dstb, ndb, ic0, ic1, vc0, vc1, srct, valt, zb, deg_sh,
               s0, s1):
    cid = lax.axis_index("c")
    sid = lax.axis_index("s")
    wid = sid * NC + cid
    ebase = wid * EPW

    pltpu.async_copy(src_h.at[pl.ds(ebase, EPW)], srcb, s0)
    pltpu.async_copy(dst_h.at[pl.ds(ebase, EPW)], dstb, s1)
    for j in range(RPT // 16):
        zb[pl.ds(j * 16, 16)] = jnp.zeros((16,), jnp.float32)
    pltpu.sync_copy(zb, deg_sh.at[pl.ds(sid * RPT, RPT)])
    pltpu.make_async_copy(src_h.at[pl.ds(ebase, EPW)], srcb, s0).wait()
    pltpu.make_async_copy(dst_h.at[pl.ds(ebase, EPW)], dstb, s1).wait()
    plsc.subcore_barrier()

    bufs = ((ic0, vc0, s0), (ic1, vc1, s1))

    def compute(i, ic, vc):
        off = i * ECH
        for k in range(ECH // 16):
            sl = pl.ds(k * 16, 16)
            dsl = pl.ds(off + k * 16, 16)
            s16 = srcb[dsl]
            d16 = dstb[dsl]
            m = s16 == d16
            ndb[dsl] = jnp.where(m, TRASH, d16)
            ic[sl] = s16
            vc[sl] = jnp.where(m, 0.0, 1.0)

    for b in range(2):
        ic, vc, sem = bufs[b]
        compute(b, ic, vc)
        pltpu.async_copy(vc, deg_sh.at[ic], sem, add=True)

    def body(j, carry):
        for b in range(2):
            i = 2 * j + 2 + b
            ic, vc, sem = bufs[b]
            pltpu.make_async_copy(vc, deg_sh.at[ic], sem).wait()
            compute(i, ic, vc)
            pltpu.async_copy(vc, deg_sh.at[ic], sem, add=True)
        return carry

    lax.fori_loop(0, ENFULL // 2 - 1, body, 0)
    for b in range(2):
        ic, vc, sem = bufs[b]
        pltpu.make_async_copy(vc, deg_sh.at[ic], sem).wait()

    off = ENFULL * ECH
    dsl = pl.ds(off, 16)
    s16 = srcb[dsl]
    d16 = dstb[dsl]
    m = s16 == d16
    ndb[dsl] = jnp.where(m, TRASH, d16)
    srct[...] = s16
    valt[...] = jnp.where(m, 0.0, 1.0)
    pltpu.sync_copy(valt, deg_sh.at[srct], add=True)

    pltpu.sync_copy(ndb, dstp_h.at[pl.ds(ebase, EPW)])

    plsc.subcore_barrier()
    pltpu.sync_copy(
        deg_sh.at[pl.ds(sid * RPT, RPT)],
        degp_h.at[pl.ds(cid * NACC + sid * RPT, RPT)],
    )


@functools.partial(
    pl.kernel,
    mesh=_mesh,
    out_type=jax.ShapeDtypeStruct((NC * NACC, D), jnp.float32),
    scratch_types=[
        pltpu.VMEM((EPW,), jnp.int32),
        pltpu.VMEM((CH,), jnp.int32),
        pltpu.VMEM((CH,), jnp.int32),
        pltpu.VMEM((CH,), jnp.int32),
        pltpu.VMEM((CH, D), jnp.float32),
        pltpu.VMEM((CH, D), jnp.float32),
        pltpu.VMEM((CH, D), jnp.float32),
        pltpu.VMEM((TAIL,), jnp.int32),
        pltpu.VMEM((4, D), jnp.float32),
        pltpu.VMEM_SHARED((NACC, D), jnp.float32),
        pltpu.SemaphoreType.DMA,
        pltpu.SemaphoreType.DMA,
        pltpu.SemaphoreType.DMA,
        pltpu.SemaphoreType.DMA,
        pltpu.SemaphoreType.DMA,
        pltpu.SemaphoreType.DMA,
        pltpu.SemaphoreType.DMA,
        pltpu.SemaphoreType.DMA,
        pltpu.SemaphoreType.DMA,
    ],
)
def _spmv(g_h, src_h, dstp_h, out_h,
          srcb, dc0, dc1, dc2, r0, r1, r2, dstt, zb, acc_sh,
          sg0, sg1, sg2, sd0, sd1, sd2, ss0, ss1, ss2):
    cid = lax.axis_index("c")
    sid = lax.axis_index("s")
    wid = sid * NC + cid
    ebase = wid * EPW

    for r in range(4):
        for j in range(D // 16):
            zb[r, pl.ds(j * 16, 16)] = jnp.zeros((16,), jnp.float32)

    pltpu.async_copy(src_h.at[pl.ds(ebase, EPW)], srcb, sg0)

    def zbody(i, carry):
        pltpu.sync_copy(zb, acc_sh.at[pl.ds(sid * RPT + i * 4, 4)])
        return carry

    lax.fori_loop(0, RPT // 4, zbody, 0)
    pltpu.make_async_copy(src_h.at[pl.ds(ebase, EPW)], srcb, sg0).wait()
    plsc.subcore_barrier()

    DC = (dc0, dc1, dc2)
    RW = (r0, r1, r2)
    SG = (sg0, sg1, sg2)
    SD = (sd0, sd1, sd2)
    SS = (ss0, ss1, ss2)

    def gather(i, b):
        off = i * CH
        pltpu.async_copy(dstp_h.at[pl.ds(ebase + off, CH)], DC[b], SD[b])
        pltpu.async_copy(g_h.at[srcb.at[pl.ds(off, CH)]], RW[b], SG[b])

    def wait_gather(i, b):
        off = i * CH
        pltpu.make_async_copy(dstp_h.at[pl.ds(ebase + off, CH)], DC[b],
                              SD[b]).wait()
        pltpu.make_async_copy(g_h.at[srcb.at[pl.ds(off, CH)]], RW[b],
                              SG[b]).wait()

    def scatter(b):
        pltpu.async_copy(RW[b], acc_sh.at[DC[b]], SS[b], add=True)

    def wait_scatter(b):
        pltpu.make_async_copy(RW[b], acc_sh.at[DC[b]], SS[b]).wait()

    gather(0, 0)
    gather(1, 1)
    gather(2, 2)
    wait_gather(0, 0)
    scatter(0)
    wait_scatter(0)
    gather(3, 0)
    wait_gather(1, 1)
    scatter(1)
    wait_scatter(1)
    gather(4, 1)
    wait_gather(2, 2)
    scatter(2)

    def body(j, carry):
        for b in range(3):
            i = 3 * j + b
            bt = (b + 2) % 3
            wait_scatter(bt)
            gather(i + 2, bt)
            wait_gather(i, b)
            scatter(b)
        return carry

    lax.fori_loop(1, (NFULL - 2) // 3, body, 0)

    wait_scatter(2)
    wait_gather(NFULL - 2, 0)
    scatter(0)
    wait_scatter(0)
    wait_gather(NFULL - 1, 1)
    scatter(1)
    wait_scatter(1)

    off = NFULL * CH
    pltpu.async_copy(dstp_h.at[pl.ds(ebase + off, TAIL)], dstt, sd0).wait()
    pltpu.async_copy(g_h.at[srcb.at[pl.ds(off, TAIL)]],
                     r0.at[pl.ds(0, TAIL)], sg0).wait()
    pltpu.sync_copy(r0.at[pl.ds(0, TAIL)], acc_sh.at[dstt], add=True)

    plsc.subcore_barrier()
    pltpu.sync_copy(
        acc_sh.at[pl.ds(sid * RPT, RPT)],
        out_h.at[pl.ds(cid * NACC + sid * RPT, RPT)],
    )


BLK = 1000
GRID = N // BLK


def _prescale_body(degT_ref, x_ref, dinv_ref, g_ref):
    deg = degT_ref[...]
    d = deg[:, 0:1] + deg[:, 1:2]
    dinv = jnp.where(d > 0.0, lax.rsqrt(d), 0.0)
    dinv_ref[...] = dinv
    g_ref[...] = x_ref[...] * dinv


def _prescale(degT, x):
    return pl.pallas_call(
        _prescale_body,
        grid=(GRID,),
        in_specs=[
            pl.BlockSpec((BLK, NC), lambda i: (i, 0)),
            pl.BlockSpec((BLK, D), lambda i: (i, 0)),
        ],
        out_specs=[
            pl.BlockSpec((BLK, 1), lambda i: (i, 0)),
            pl.BlockSpec((BLK, D), lambda i: (i, 0)),
        ],
        out_shape=[
            jax.ShapeDtypeStruct((N, 1), jnp.float32),
            jax.ShapeDtypeStruct((N, D), jnp.float32),
        ],
    )(degT, x)


def _mid_body(dinv_ref, s1a_ref, s1b_ref, g2_ref):
    d = dinv_ref[...]
    g2_ref[...] = -(d * d) * (s1a_ref[...] + s1b_ref[...])


def _mid(dinv, sa, sb):
    return pl.pallas_call(
        _mid_body,
        grid=(GRID,),
        in_specs=[
            pl.BlockSpec((BLK, 1), lambda i: (i, 0)),
            pl.BlockSpec((BLK, D), lambda i: (i, 0)),
            pl.BlockSpec((BLK, D), lambda i: (i, 0)),
        ],
        out_specs=pl.BlockSpec((BLK, D), lambda i: (i, 0)),
        out_shape=jax.ShapeDtypeStruct((N, D), jnp.float32),
    )(dinv, sa, sb)


def _midb_body(x_ref, dinv_ref, s1a, s1b, w_ref, b_ref, o_ref):
    d = dinv_ref[...]
    tx1 = -d * (s1a[...] + s1b[...])
    o_ref[...] = (jnp.dot(x_ref[...], w_ref[0], preferred_element_type=jnp.float32)
                  + jnp.dot(tx1, w_ref[1], preferred_element_type=jnp.float32)
                  + b_ref[...])


def _midb(x, dinv, s1a, s1b, W, b2):
    return pl.pallas_call(
        _midb_body,
        grid=(GRID,),
        in_specs=[
            pl.BlockSpec((BLK, D), lambda i: (i, 0)),
            pl.BlockSpec((BLK, 1), lambda i: (i, 0)),
            pl.BlockSpec((BLK, D), lambda i: (i, 0)),
            pl.BlockSpec((BLK, D), lambda i: (i, 0)),
            pl.BlockSpec((3, D, D), lambda i: (0, 0, 0)),
            pl.BlockSpec((1, D), lambda i: (0, 0)),
        ],
        out_specs=pl.BlockSpec((BLK, D), lambda i: (i, 0)),
        out_shape=jax.ShapeDtypeStruct((N, D), jnp.float32),
    )(x, dinv, s1a, s1b, W, b2)


def _mmn_body(op1_ref, x_ref, dinv_ref, s2a, s2b, w_ref,
              gam_ref, bet_ref, y_ref, acc, oall):
    p = pl.program_id(0)
    i = pl.program_id(1)

    @pl.when(p == 0)
    def _compute():
        d = dinv_ref[...]
        tx2 = -2.0 * d * (s2a[...] + s2b[...]) - x_ref[...]
        o = (op1_ref[...]
             + jnp.dot(tx2, w_ref[2], preferred_element_type=jnp.float32))
        oall[pl.ds(i * BLK, BLK), :] = o

        @pl.when(i == 0)
        def _init():
            acc[...] = jnp.zeros_like(acc)

        acc[0:1, :] += jnp.sum(o, axis=0, keepdims=True)
        acc[1:2, :] += jnp.sum(o * o, axis=0, keepdims=True)

    @pl.when(p == 1)
    def _normalize():
        st = acc[...]
        mean = st[0:1, :] * (1.0 / N)
        var = st[1:2, :] * (1.0 / N) - mean * mean
        scale = lax.rsqrt(var + EPS) * gam_ref[...]
        o = oall[pl.ds(i * BLK, BLK), :]
        y = (o - mean) * scale + bet_ref[...]
        y_ref[...] = jnp.where(y >= 0.0, y, ALPHA * y)


def _mmn(op1, x, dinv, s2a, s2b, W, gam2, bet2):
    blk = lambda p, i: (i * (1 - p), 0)
    return pl.pallas_call(
        _mmn_body,
        grid=(2, GRID),
        in_specs=[
            pl.BlockSpec((BLK, D), blk),
            pl.BlockSpec((BLK, D), blk),
            pl.BlockSpec((BLK, 1), blk),
            pl.BlockSpec((BLK, D), blk),
            pl.BlockSpec((BLK, D), blk),
            pl.BlockSpec((3, D, D), lambda p, i: (0, 0, 0)),
            pl.BlockSpec((1, D), lambda p, i: (0, 0)),
            pl.BlockSpec((1, D), lambda p, i: (0, 0)),
        ],
        out_specs=pl.BlockSpec((BLK, D), lambda p, i: (i * p, 0)),
        out_shape=jax.ShapeDtypeStruct((N, D), jnp.float32),
        scratch_shapes=[
            pltpu.VMEM((2, D), jnp.float32),
            pltpu.VMEM((N, D), jnp.float32),
        ],
    )(op1, x, dinv, s2a, s2b, W, gam2, bet2)


@jax.jit
def kernel(x, edge_idx, W, b, gamma, beta):
    src = edge_idx[0]
    dst = edge_idx[1]
    degp, dstp = _edge_prep(src, dst)
    degT = jnp.transpose(degp.reshape(NC, NACC)[:, :N])
    dinv, g1 = _prescale(degT, x)
    s1 = _spmv(g1, src, dstp)
    s1a, s1b = s1[:N], s1[NACC:NACC + N]
    g2 = _mid(dinv, s1a, s1b)
    s2 = _spmv(g2, src, dstp)
    op1 = _midb(x, dinv, s1a, s1b, W, b.reshape(1, D))
    s2a, s2b = s2[:N], s2[NACC:NACC + N]
    return _mmn(op1, x, dinv, s2a, s2b, W,
                gamma.reshape(1, D), beta.reshape(1, D))

# --- scband reference (transcript-rebuilt; emitter-appended) ---
"""Pipeline reference for scband-cheb-conv-layer-10943576670987 (READ-ONLY COPY).

The authoritative reference and input builder live on the scoring server;
editing this copy changes nothing except your own understanding.
"""

import jax, jax.numpy as jnp
import numpy as np

N = 10000
E = 320000
D_IN = 128
D_OUT = 128
K = 3
EPS = 1e-5
ALPHA = 0.01
LAMBDA_MAX = 2.0


def setup_inputs(seed: int = 0) -> dict:
    key = jax.random.key(seed)
    ks = jax.random.split(key, 6)
    x = jax.random.normal(ks[0], (N, D_IN), dtype=jnp.float32)
    edge_idx = jax.random.randint(ks[1], (2, E), 0, N, dtype=jnp.int32)
    # ChebConv has K separate Linear(in, out, bias=False) weights + one bias
    W = jax.random.normal(ks[2], (K, D_IN, D_OUT), dtype=jnp.float32) * (1.0 / np.sqrt(D_IN))
    b = jax.random.normal(ks[3], (D_OUT,), dtype=jnp.float32) * 0.01
    # BatchNorm1d affine params (defaults: gamma=1, beta=0)
    gamma = jnp.ones((D_OUT,), dtype=jnp.float32)
    beta = jnp.zeros((D_OUT,), dtype=jnp.float32)
    return {"x": x, "edge_idx": edge_idx, "W": W, "b": b, "gamma": gamma, "beta": beta}


def reference(x, edge_idx, W, b, gamma, beta):
    src = edge_idx[0]
    dst = edge_idx[1]
    # remove_self_loops: zero out any self-loop edges (keeps static shapes)
    w = jnp.where(src == dst, 0.0, 1.0).astype(jnp.float32)
    # get_laplacian(normalization='sym'): L = I - D^-1/2 A D^-1/2
    deg = jax.ops.segment_sum(w, src, num_segments=N)
    dinv = jnp.where(deg > 0, 1.0 / jnp.sqrt(deg), 0.0)
    norm = dinv[src] * w * dinv[dst]
    # scaled Laplacian L~ = (2/lambda_max) * L - I
    ew = -(2.0 / LAMBDA_MAX) * norm              # off-diagonal entries
    diag = (2.0 / LAMBDA_MAX) * 1.0 - 1.0        # diagonal entries (=0 for lambda_max=2)

    def spmv(h):
        out = jax.ops.segment_sum(ew[:, None] * h[src], dst, num_segments=N)
        return out + diag * h

    # Chebyshev recurrence: Tx0 = x, Tx1 = L~ x, Txk = 2 L~ Tx_{k-1} - Tx_{k-2}
    Tx0 = x
    out = Tx0 @ W[0]
    Tx1 = spmv(Tx0)
    out = out + Tx1 @ W[1]
    Txp, Txc = Tx0, Tx1
    for i in range(2, K):
        Txn = 2.0 * spmv(Txc) - Txp
        out = out + Txn @ W[i]
        Txp, Txc = Txc, Txn
    out = out + b
    # BatchNorm1d in training mode: batch statistics, biased variance
    mean = jnp.mean(out, axis=0)
    var = jnp.var(out, axis=0)
    out = (out - mean) / jnp.sqrt(var + EPS) * gamma + beta
    # LeakyReLU(alpha=0.01)
    out = jnp.where(out >= 0, out, ALPHA * out)
    return out

if __name__ == "__main__":
    import jax
    _d = setup_inputs()
    print(jax.jit(kernel)(*tuple(_d.values())))

</pallas_src>

<mosaic_0001>
#map = affine_map<(d0, d1) -> (0)>
module attributes {stable_mosaic.version = 14 : i64} {
  func.func @_edge_prep(%arg0: i32, %arg1: i32, %arg2: memref<320000xi32, #tpu.memory_space<hbm>>, %arg3: memref<320000xi32, #tpu.memory_space<hbm>>, %arg4: memref<20480xf32, #tpu.memory_space<hbm>>, %arg5: memref<320000xi32, #tpu.memory_space<hbm>>, %arg6: memref<10000xi32, #tpu.memory_space<vmem>>, %arg7: memref<10000xi32, #tpu.memory_space<vmem>>, %arg8: memref<10000xi32, #tpu.memory_space<vmem>>, %arg9: memref<128xi32, #tpu.memory_space<vmem>>, %arg10: memref<128xi32, #tpu.memory_space<vmem>>, %arg11: memref<128xf32, #tpu.memory_space<vmem>>, %arg12: memref<128xf32, #tpu.memory_space<vmem>>, %arg13: memref<16xi32, #tpu.memory_space<vmem>>, %arg14: memref<16xf32, #tpu.memory_space<vmem>>, %arg15: memref<640xf32, #tpu.memory_space<vmem>>, %arg16: memref<10240xf32, #tpu.memory_space<vmem_shared>>, %arg17: memref<!tpu.dma_semaphore, #tpu.memory_space<semaphore_mem>>, %arg18: memref<!tpu.dma_semaphore, #tpu.memory_space<semaphore_mem>>) attributes {dimension_semantics = [#tpu.dimension_semantics<core_parallel>, #tpu.dimension_semantics<subcore_parallel>], iteration_bounds = array<i64: 2, 16>, scalar_prefetch = 0 : i64, scratch_operands = 13 : i64, tpu.core_type = #tpu.core_type<sc_vector_subcore>, window_params = [{transform_indices = #map}, {transform_indices = #map}, {transform_indices = #map}, {transform_indices = #map}]} {
    %mul3A = arith.constant 2 : i32
    %mul3A_0 = arith.muli %arg1, %mul3A : i32
    %add3A = arith.addi %mul3A_0, %arg0 : i32
    %mul3A_1 = arith.constant 10000 : i32
    %mul3A_2 = arith.muli %add3A, %mul3A_1 : i32
    %dma_start3A = tpu.memref_slice %arg2[%mul3A_2] : memref<320000xi32, #tpu.memory_space<hbm>> -> memref<10000xi32, #tpu.memory_space<hbm>>
    %dma_start3A_3 = tpu.memref_slice %arg2[%mul3A_2] : memref<320000xi32, #tpu.memory_space<hbm>> -> memref<10000xi32, #tpu.memory_space<hbm>>
    tpu.enqueue_dma source(%dma_start3A_3 : memref<10000xi32, #tpu.memory_space<hbm>>) target(%arg6 : memref<10000xi32, #tpu.memory_space<vmem>>) target_semaphore(%arg17 : memref<!tpu.dma_semaphore, #tpu.memory_space<semaphore_mem>>)
    %dma_start3A_4 = tpu.memref_slice %arg3[%mul3A_2] : memref<320000xi32, #tpu.memory_space<hbm>> -> memref<10000xi32, #tpu.memory_space<hbm>>
    %dma_start3A_5 = tpu.memref_slice %arg3[%mul3A_2] : memref<320000xi32, #tpu.memory_space<hbm>> -> memref<10000xi32, #tpu.memory_space<hbm>>
    tpu.enqueue_dma source(%dma_start3A_5 : memref<10000xi32, #tpu.memory_space<hbm>>) target(%arg7 : memref<10000xi32, #tpu.memory_space<vmem>>) target_semaphore(%arg18 : memref<!tpu.dma_semaphore, #tpu.memory_space<semaphore_mem>>)
    %broadcast_in_dim3A = arith.constant 0.000000e+00 : f32
    %broadcast_in_dim3A_6 = vector.broadcast %broadcast_in_dim3A : f32 to vector<16xf32>
    %swap3A = arith.constant 0 : index
    %swap3A_7 = tpu.vector_load %arg15[%swap3A] {strides = array<i32>} : memref<640xf32, #tpu.memory_space<vmem>>, vector<16xf32>,
    %swap3A_8 = vector.shape_cast %swap3A_7 : vector<16xf32> to vector<16xf32>
    %swap3A_9 = vector.shape_cast %broadcast_in_dim3A_6 : vector<16xf32> to vector<16xf32>
    tpu.vector_store %arg15[%swap3A], %swap3A_9 {strides = array<i32>} : memref<640xf32, #tpu.memory_space<vmem>>, vector<16xf32>,
    %broadcast_in_dim3A_10 = arith.constant 0.000000e+00 : f32
    %broadcast_in_dim3A_11 = vector.broadcast %broadcast_in_dim3A_10 : f32 to vector<16xf32>
    %swap3A_12 = arith.constant 16 : index
    %swap3A_13 = tpu.vector_load %arg15[%swap3A_12] {strides = array<i32>} : memref<640xf32, #tpu.memory_space<vmem>>, vector<16xf32>,
    %swap3A_14 = vector.shape_cast %swap3A_13 : vector<16xf32> to vector<16xf32>
    %swap3A_15 = vector.shape_cast %broadcast_in_dim3A_11 : vector<16xf32> to vector<16xf32>
    tpu.vector_store %arg15[%swap3A_12], %swap3A_15 {strides = array<i32>} : memref<640xf32, #tpu.memory_space<vmem>>, vector<16xf32>,
    %broadcast_in_dim3A_16 = arith.constant 0.000000e+00 : f32
    %broadcast_in_dim3A_17 = vector.broadcast %broadcast_in_dim3A_16 : f32 to vector<16xf32>
    %swap3A_18 = arith.constant 32 : index
    %swap3A_19 = tpu.vector_load %arg15[%swap3A_18] {strides = array<i32>} : memref<640xf32, #tpu.memory_space<vmem>>, vector<16xf32>,
    %swap3A_20 = vector.shape_cast %swap3A_19 : vector<16xf32> to vector<16xf32>
    %swap3A_21 = vector.shape_cast %broadcast_in_dim3A_17 : vector<16xf32> to vector<16xf32>
    tpu.vector_store %arg15[%swap3A_18], %swap3A_21 {strides = array<i32>} : memref<640xf32, #tpu.memory_space<vmem>>, vector<16xf32>,
    %broadcast_in_dim3A_22 = arith.constant 0.000000e+00 : f32
    %broadcast_in_dim3A_23 = vector.broadcast %broadcast_in_dim3A_22 : f32 to vector<16xf32>
    %swap3A_24 = arith.constant 48 : index
    %swap3A_25 = tpu.vector_load %arg15[%swap3A_24] {strides = array<i32>} : memref<640xf32, #tpu.memory_space<vmem>>, vector<16xf32>,
    %swap3A_26 = vector.shape_cast %swap3A_25 : vector<16xf32> to vector<16xf32>
    %swap3A_27 = vector.shape_cast %broadcast_in_dim3A_23 : vector<16xf32> to vector<16xf32>
    tpu.vector_store %arg15[%swap3A_24], %swap3A_27 {strides = array<i32>} : memref<640xf32, #tpu.memory_space<vmem>>, vector<16xf32>,
    %broadcast_in_dim3A_28 = arith.constant 0.000000e+00 : f32
    %broadcast_in_dim3A_29 = vector.broadcast %broadcast_in_dim3A_28 : f32 to vector<16xf32>
    %swap3A_30 = arith.constant 64 : index
    %swap3A_31 = tpu.vector_load %arg15[%swap3A_30] {strides = array<i32>} : memref<640xf32, #tpu.memory_space<vmem>>, vector<16xf32>,
    %swap3A_32 = vector.shape_cast %swap3A_31 : vector<16xf32> to vector<16xf32>
    %swap3A_33 = vector.shape_cast %broadcast_in_dim3A_29 : vector<16xf32> to vector<16xf32>
    tpu.vector_store %arg15[%swap3A_30], %swap3A_33 {strides = array<i32>} : memref<640xf32, #tpu.memory_space<vmem>>, vector<16xf32>,
    %broadcast_in_dim3A_34 = arith.constant 0.000000e+00 : f32
    %broadcast_in_dim3A_35 = vector.broadcast %broadcast_in_dim3A_34 : f32 to vector<16xf32>
    %swap3A_36 = arith.constant 80 : index
    %swap3A_37 = tpu.vector_load %arg15[%swap3A_36] {strides = array<i32>} : memref<640xf32, #tpu.memory_space<vmem>>, vector<16xf32>,
    %swap3A_38 = vector.shape_cast %swap3A_37 : vector<16xf32> to vector<16xf32>
    %swap3A_39 = vector.shape_cast %broadcast_in_dim3A_35 : vector<16xf32> to vector<16xf32>
    tpu.vector_store %arg15[%swap3A_36], %swap3A_39 {strides = array<i32>} : memref<640xf32, #tpu.memory_space<vmem>>, vector<16xf32>,
    %broadcast_in_dim3A_40 = arith.constant 0.000000e+00 : f32
    %broadcast_in_dim3A_41 = vector.broadcast %broadcast_in_dim3A_40 : f32 to vector<16xf32>
    %swap3A_42 = arith.constant 96 : index
    %swap3A_43 = tpu.vector_load %arg15[%swap3A_42] {strides = array<i32>} : memref<640xf32, #tpu.memory_space<vmem>>, vector<16xf32>,
    %swap3A_44 = vector.shape_cast %swap3A_43 : vector<16xf32> to vector<16xf32>
    %swap3A_45 = vector.shape_cast %broadcast_in_dim3A_41 : vector<16xf32> to vector<16xf32>
    tpu.vector_store %arg15[%swap3A_42], %swap3A_45 {strides = array<i32>} : memref<640xf32, #tpu.memory_space<vmem>>, vector<16xf32>,
    %broadcast_in_dim3A_46 = arith.constant 0.000000e+00 : f32
    %broadcast_in_dim3A_47 = vector.broadcast %broadcast_in_dim3A_46 : f32 to vector<16xf32>
    %swap3A_48 = arith.constant 112 : index
    %swap3A_49 = tpu.vector_load %arg15[%swap3A_48] {strides = array<i32>} : memref<640xf32, #tpu.memory_space<vmem>>, vector<16xf32>,
    %swap3A_50 = vector.shape_cast %swap3A_49 : vector<16xf32> to vector<16xf32>
    %swap3A_51 = vector.shape_cast %broadcast_in_dim3A_47 : vector<16xf32> to vector<16xf32>
    tpu.vector_store %arg15[%swap3A_48], %swap3A_51 {strides = array<i32>} : memref<640xf32, #tpu.memory_space<vmem>>, vector<16xf32>,
    %broadcast_in_dim3A_52 = arith.constant 0.000000e+00 : f32
    %broadcast_in_dim3A_53 = vector.broadcast %broadcast_in_dim3A_52 : f32 to vector<16xf32>
    %swap3A_54 = arith.constant 128 : index
    %swap3A_55 = tpu.vector_load %arg15[%swap3A_54] {strides = array<i32>} : memref<640xf32, #tpu.memory_space<vmem>>, vector<16xf32>,
    %swap3A_56 = vector.shape_cast %swap3A_55 : vector<16xf32> to vector<16xf32>
    %swap3A_57 = vector.shape_cast %broadcast_in_dim3A_53 : vector<16xf32> to vector<16xf32>
    tpu.vector_store %arg15[%swap3A_54], %swap3A_57 {strides = array<i32>} : memref<640xf32, #tpu.memory_space<vmem>>, vector<16xf32>,
    %broadcast_in_dim3A_58 = arith.constant 0.000000e+00 : f32
    %broadcast_in_dim3A_59 = vector.broadcast %broadcast_in_dim3A_58 : f32 to vector<16xf32>
    %swap3A_60 = arith.constant 144 : index
    %swap3A_61 = tpu.vector_load %arg15[%swap3A_60] {strides = array<i32>} : memref<640xf32, #tpu.memory_space<vmem>>, vector<16xf32>,
    %swap3A_62 = vector.shape_cast %swap3A_61 : vector<16xf32> to vector<16xf32>
    %swap3A_63 = vector.shape_cast %broadcast_in_dim3A_59 : vector<16xf32> to vector<16xf32>
    tpu.vector_store %arg15[%swap3A_60], %swap3A_63 {strides = array<i32>} : memref<640xf32, #tpu.memory_space<vmem>>, vector<16xf32>,
    %broadcast_in_dim3A_64 = arith.constant 0.000000e+00 : f32
    %broadcast_in_dim3A_65 = vector.broadcast %broadcast_in_dim3A_64 : f32 to vector<16xf32>
    %swap3A_66 = arith.constant 160 : index
    %swap3A_67 = tpu.vector_load %arg15[%swap3A_66] {strides = array<i32>} : memref<640xf32, #tpu.memory_space<vmem>>, vector<16xf32>,
    %swap3A_68 = vector.shape_cast %swap3A_67 : vector<16xf32> to vector<16xf32>
    %swap3A_69 = vector.shape_cast %broadcast_in_dim3A_65 : vector<16xf32> to vector<16xf32>
    tpu.vector_store %arg15[%swap3A_66], %swap3A_69 {strides = array<i32>} : memref<640xf32, #tpu.memory_space<vmem>>, vector<16xf32>,
    %broadcast_in_dim3A_70 = arith.constant 0.000000e+00 : f32
    %broadcast_in_dim3A_71 = vector.broadcast %broadcast_in_dim3A_70 : f32 to vector<16xf32>
    %swap3A_72 = arith.constant 176 : index
    %swap3A_73 = tpu.vector_load %arg15[%swap3A_72] {strides = array<i32>} : memref<640xf32, #tpu.memory_space<vmem>>, vector<16xf32>,
    %swap3A_74 = vector.shape_cast %swap3A_73 : vector<16xf32> to vector<16xf32>
    %swap3A_75 = vector.shape_cast %broadcast_in_dim3A_71 : vector<16xf32> to vector<16xf32>
    tpu.vector_store %arg15[%swap3A_72], %swap3A_75 {strides = array<i32>} : memref<640xf32, #tpu.memory_space<vmem>>, vector<16xf32>,
    %broadcast_in_dim3A_76 = arith.constant 0.000000e+00 : f32
    %broadcast_in_dim3A_77 = vector.broadcast %broadcast_in_dim3A_76 : f32 to vector<16xf32>
    %swap3A_78 = arith.constant 192 : index
    %swap3A_79 = tpu.vector_load %arg15[%swap3A_78] {strides = array<i32>} : memref<640xf32, #tpu.memory_space<vmem>>, vector<16xf32>,
    %swap3A_80 = vector.shape_cast %swap3A_79 : vector<16xf32> to vector<16xf32>
    %swap3A_81 = vector.shape_cast %broadcast_in_dim3A_77 : vector<16xf32> to vector<16xf32>
    tpu.vector_store %arg15[%swap3A_78], %swap3A_81 {strides = array<i32>} : memref<640xf32, #tpu.memory_space<vmem>>, vector<16xf32>,
    %broadcast_in_dim3A_82 = arith.constant 0.000000e+00 : f32
    %broadcast_in_dim3A_83 = vector.broadcast %broadcast_in_dim3A_82 : f32 to vector<16xf32>
    %swap3A_84 = arith.constant 208 : index
    %swap3A_85 = tpu.vector_load %arg15[%swap3A_84] {strides = array<i32>} : memref<640xf32, #tpu.memory_space<vmem>>, vector<16xf32>,
    %swap3A_86 = vector.shape_cast %swap3A_85 : vector<16xf32> to vector<16xf32>
    %swap3A_87 = vector.shape_cast %broadcast_in_dim3A_83 : vector<16xf32> to vector<16xf32>
    tpu.vector_store %arg15[%swap3A_84], %swap3A_87 {strides = array<i32>} : memref<640xf32, #tpu.memory_space<vmem>>, vector<16xf32>,
    %broadcast_in_dim3A_88 = arith.constant 0.000000e+00 : f32
    %broadcast_in_dim3A_89 = vector.broadcast %broadcast_in_dim3A_88 : f32 to vector<16xf32>
    %swap3A_90 = arith.constant 224 : index
    %swap3A_91 = tpu.vector_load %arg15[%swap3A_90] {strides = array<i32>} : memref<640xf32, #tpu.memory_space<vmem>>, vector<16xf32>,
    %swap3A_92 = vector.shape_cast %swap3A_91 : vector<16xf32> to vector<16xf32>
    %swap3A_93 = vector.shape_cast %broadcast_in_dim3A_89 : vector<16xf32> to vector<16xf32>
    tpu.vector_store %arg15[%swap3A_90], %swap3A_93 {strides = array<i32>} : memref<640xf32, #tpu.memory_space<vmem>>, vector<16xf32>,
    %broadcast_in_dim3A_94 = arith.constant 0.000000e+00 : f32
    %broadcast_in_dim3A_95 = vector.broadcast %broadcast_in_dim3A_94 : f32 to vector<16xf32>
    %swap3A_96 = arith.constant 240 : index
    %swap3A_97 = tpu.vector_load %arg15[%swap3A_96] {strides = array<i32>} : memref<640xf32, #tpu.memory_space<vmem>>, vector<16xf32>,
    %swap3A_98 = vector.shape_cast %swap3A_97 : vector<16xf32> to vector<16xf32>
    %swap3A_99 = vector.shape_cast %broadcast_in_dim3A_95 : vector<16xf32> to vector<16xf32>
    tpu.vector_store %arg15[%swap3A_96], %swap3A_99 {strides = array<i32>} : memref<640xf32, #tpu.memory_space<vmem>>, vector<16xf32>,
    %broadcast_in_dim3A_100 = arith.constant 0.000000e+00 : f32
    %broadcast_in_dim3A_101 = vector.broadcast %broadcast_in_dim3A_100 : f32 to vector<16xf32>
    %swap3A_102 = arith.constant 256 : index
    %swap3A_103 = tpu.vector_load %arg15[%swap3A_102] {strides = array<i32>} : memref<640xf32, #tpu.memory_space<vmem>>, vector<16xf32>,
    %swap3A_104 = vector.shape_cast %swap3A_103 : vector<16xf32> to vector<16xf32>
    %swap3A_105 = vector.shape_cast %broadcast_in_dim3A_101 : vector<16xf32> to vector<16xf32>
    tpu.vector_store %arg15[%swap3A_102], %swap3A_105 {strides = array<i32>} : memref<640xf32, #tpu.memory_space<vmem>>, vector<16xf32>,
    %broadcast_in_dim3A_106 = arith.constant 0.000000e+00 : f32
    %broadcast_in_dim3A_107 = vector.broadcast %broadcast_in_dim3A_106 : f32 to vector<16xf32>
    %swap3A_108 = arith.constant 272 : index
    %swap3A_109 = tpu.vector_load %arg15[%swap3A_108] {strides = array<i32>} : memref<640xf32, #tpu.memory_space<vmem>>, vector<16xf32>,
    %swap3A_110 = vector.shape_cast %swap3A_109 : vector<16xf32> to vector<16xf32>
    %swap3A_111 = vector.shape_cast %broadcast_in_dim3A_107 : vector<16xf32> to vector<16xf32>
    tpu.vector_store %arg15[%swap3A_108], %swap3A_111 {strides = array<i32>} : memref<640xf32, #tpu.memory_space<vmem>>, vector<16xf32>,
    %broadcast_in_dim3A_112 = arith.constant 0.000000e+00 : f32
    %broadcast_in_dim3A_113 = vector.broadcast %broadcast_in_dim3A_112 : f32 to vector<16xf32>
    %swap3A_114 = arith.constant 288 : index
    %swap3A_115 = tpu.vector_load %arg15[%swap3A_114] {strides = array<i32>} : memref<640xf32, #tpu.memory_space<vmem>>, vector<16xf32>,
    %swap3A_116 = vector.shape_cast %swap3A_115 : vector<16xf32> to vector<16xf32>
    %swap3A_117 = vector.shape_cast %broadcast_in_dim3A_113 : vector<16xf32> to vector<16xf32>
    tpu.vector_store %arg15[%swap3A_114], %swap3A_117 {strides = array<i32>} : memref<640xf32, #tpu.memory_space<vmem>>, vector<16xf32>,
    %broadcast_in_dim3A_118 = arith.constant 0.000000e+00 : f32
    %broadcast_in_dim3A_119 = vector.broadcast %broadcast_in_dim3A_118 : f32 to vector<16xf32>
    %swap3A_120 = arith.constant 304 : index
    %swap3A_121 = tpu.vector_load %arg15[%swap3A_120] {strides = array<i32>} : memref<640xf32, #tpu.memory_space<vmem>>, vector<16xf32>,
    %swap3A_122 = vector.shape_cast %swap3A_121 : vector<16xf32> to vector<16xf32>
    %swap3A_123 = vector.shape_cast %broadcast_in_dim3A_119 : vector<16xf32> to vector<16xf32>
    tpu.vector_store %arg15[%swap3A_120], %swap3A_123 {strides = array<i32>} : memref<640xf32, #tpu.memory_space<vmem>>, vector<16xf32>,
    %broadcast_in_dim3A_124 = arith.constant 0.000000e+00 : f32
    %broadcast_in_dim3A_125 = vector.broadcast %broadcast_in_dim3A_124 : f32 to vector<16xf32>
    %swap3A_126 = arith.constant 320 : index
    %swap3A_127 = tpu.vector_load %arg15[%swap3A_126] {strides = array<i32>} : memref<640xf32, #tpu.memory_space<vmem>>, vector<16xf32>,
    %swap3A_128 = vector.shape_cast %swap3A_127 : vector<16xf32> to vector<16xf32>
    %swap3A_129 = vector.shape_cast %broadcast_in_dim3A_125 : vector<16xf32> to vector<16xf32>
    tpu.vector_store %arg15[%swap3A_126], %swap3A_129 {strides = array<i32>} : memref<640xf32, #tpu.memory_space<vmem>>, vector<16xf32>,
    %broadcast_in_dim3A_130 = arith.constant 0.000000e+00 : f32
    %broadcast_in_dim3A_131 = vector.broadcast %broadcast_in_dim3A_130 : f32 to vector<16xf32>
    %swap3A_132 = arith.constant 336 : index
    %swap3A_133 = tpu.vector_load %arg15[%swap3A_132] {strides = array<i32>} : memref<640xf32, #tpu.memory_space<vmem>>, vector<16xf32>,
    %swap3A_134 = vector.shape_cast %swap3A_133 : vector<16xf32> to vector<16xf32>
    %swap3A_135 = vector.shape_cast %broadcast_in_dim3A_131 : vector<16xf32> to vector<16xf32>
    tpu.vector_store %arg15[%swap3A_132], %swap3A_135 {strides = array<i32>} : memref<640xf32, #tpu.memory_space<vmem>>, vector<16xf32>,
    %broadcast_in_dim3A_136 = arith.constant 0.000000e+00 : f32
    %broadcast_in_dim3A_137 = vector.broadcast %broadcast_in_dim3A_136 : f32 to vector<16xf32>
    %swap3A_138 = arith.constant 352 : index
    %swap3A_139 = tpu.vector_load %arg15[%swap3A_138] {strides = array<i32>} : memref<640xf32, #tpu.memory_space<vmem>>, vector<16xf32>,
    %swap3A_140 = vector.shape_cast %swap3A_139 : vector<16xf32> to vector<16xf32>
    %swap3A_141 = vector.shape_cast %broadcast_in_dim3A_137 : vector<16xf32> to vector<16xf32>
    tpu.vector_store %arg15[%swap3A_138], %swap3A_141 {strides = array<i32>} : memref<640xf32, #tpu.memory_space<vmem>>, vector<16xf32>,
    %broadcast_in_dim3A_142 = arith.constant 0.000000e+00 : f32
    %broadcast_in_dim3A_143 = vector.broadcast %broadcast_in_dim3A_142 : f32 to vector<16xf32>
    %swap3A_144 = arith.constant 368 : index
    %swap3A_145 = tpu.vector_load %arg15[%swap3A_144] {strides = array<i32>} : memref<640xf32, #tpu.memory_space<vmem>>, vector<16xf32>,
    %swap3A_146 = vector.shape_cast %swap3A_145 : vector<16xf32> to vector<16xf32>
    %swap3A_147 = vector.shape_cast %broadcast_in_dim3A_143 : vector<16xf32> to vector<16xf32>
    tpu.vector_store %arg15[%swap3A_144], %swap3A_147 {strides = array<i32>} : memref<640xf32, #tpu.memory_space<vmem>>, vector<16xf32>,
    %broadcast_in_dim3A_148 = arith.constant 0.000000e+00 : f32
    %broadcast_in_dim3A_149 = vector.broadcast %broadcast_in_dim3A_148 : f32 to vector<16xf32>
    %swap3A_150 = arith.constant 384 : index
    %swap3A_151 = tpu.vector_load %arg15[%swap3A_150] {strides = array<i32>} : memref<640xf32, #tpu.memory_space<vmem>>, vector<16xf32>,
    %swap3A_152 = vector.shape_cast %swap3A_151 : vector<16xf32> to vector<16xf32>
    %swap3A_153 = vector.shape_cast %broadcast_in_dim3A_149 : vector<16xf32> to vector<16xf32>
    tpu.vector_store %arg15[%swap3A_150], %swap3A_153 {strides = array<i32>} : memref<640xf32, #tpu.memory_space<vmem>>, vector<16xf32>,
    %broadcast_in_dim3A_154 = arith.constant 0.000000e+00 : f32
    %broadcast_in_dim3A_155 = vector.broadcast %broadcast_in_dim3A_154 : f32 to vector<16xf32>
    %swap3A_156 = arith.constant 400 : index
    %swap3A_157 = tpu.vector_load %arg15[%swap3A_156] {strides = array<i32>} : memref<640xf32, #tpu.memory_space<vmem>>, vector<16xf32>,
    %swap3A_158 = vector.shape_cast %swap3A_157 : vector<16xf32> to vector<16xf32>
    %swap3A_159 = vector.shape_cast %broadcast_in_dim3A_155 : vector<16xf32> to vector<16xf32>
    tpu.vector_store %arg15[%swap3A_156], %swap3A_159 {strides = array<i32>} : memref<640xf32, #tpu.memory_space<vmem>>, vector<16xf32>,
    %broadcast_in_dim3A_160 = arith.constant 0.000000e+00 : f32
    %broadcast_in_dim3A_161 = vector.broadcast %broadcast_in_dim3A_160 : f32 to vector<16xf32>
    %swap3A_162 = arith.constant 416 : index
    %swap3A_163 = tpu.vector_load %arg15[%swap3A_162] {strides = array<i32>} : memref<640xf32, #tpu.memory_space<vmem>>, vector<16xf32>,
    %swap3A_164 = vector.shape_cast %swap3A_163 : vector<16xf32> to vector<16xf32>
    %swap3A_165 = vector.shape_cast %broadcast_in_dim3A_161 : vector<16xf32> to vector<16xf32>
    tpu.vector_store %arg15[%swap3A_162], %swap3A_165 {strides = array<i32>} : memref<640xf32, #tpu.memory_space<vmem>>, vector<16xf32>,
    %broadcast_in_dim3A_166 = arith.constant 0.000000e+00 : f32
    %broadcast_in_dim3A_167 = vector.broadcast %broadcast_in_dim3A_166 : f32 to vector<16xf32>
    %swap3A_168 = arith.constant 432 : index
    %swap3A_169 = tpu.vector_load %arg15[%swap3A_168] {strides = array<i32>} : memref<640xf32, #tpu.memory_space<vmem>>, vector<16xf32>,
    %swap3A_170 = vector.shape_cast %swap3A_169 : vector<16xf32> to vector<16xf32>
    %swap3A_171 = vector.shape_cast %broadcast_in_dim3A_167 : vector<16xf32> to vector<16xf32>
    tpu.vector_store %arg15[%swap3A_168], %swap3A_171 {strides = array<i32>} : memref<640xf32, #tpu.memory_space<vmem>>, vector<16xf32>,
    %broadcast_in_dim3A_172 = arith.constant 0.000000e+00 : f32
    %broadcast_in_dim3A_173 = vector.broadcast %broadcast_in_dim3A_172 : f32 to vector<16xf32>
    %swap3A_174 = arith.constant 448 : index
    %swap3A_175 = tpu.vector_load %arg15[%swap3A_174] {strides = array<i32>} : memref<640xf32, #tpu.memory_space<vmem>>, vector<16xf32>,
    %swap3A_176 = vector.shape_cast %swap3A_175 : vector<16xf32> to vector<16xf32>
    %swap3A_177 = vector.shape_cast %broadcast_in_dim3A_173 : vector<16xf32> to vector<16xf32>
    tpu.vector_store %arg15[%swap3A_174], %swap3A_177 {strides = array<i32>} : memref<640xf32, #tpu.memory_space<vmem>>, vector<16xf32>,
    %broadcast_in_dim3A_178 = arith.constant 0.000000e+00 : f32
    %broadcast_in_dim3A_179 = vector.broadcast %broadcast_in_dim3A_178 : f32 to vector<16xf32>
    %swap3A_180 = arith.constant 464 : index
    %swap3A_181 = tpu.vector_load %arg15[%swap3A_180] {strides = array<i32>} : memref<640xf32, #tpu.memory_space<vmem>>, vector<16xf32>,
    %swap3A_182 = vector.shape_cast %swap3A_181 : vector<16xf32> to vector<16xf32>
    %swap3A_183 = vector.shape_cast %broadcast_in_dim3A_179 : vector<16xf32> to vector<16xf32>
    tpu.vector_store %arg15[%swap3A_180], %swap3A_183 {strides = array<i32>} : memref<640xf32, #tpu.memory_space<vmem>>, vector<16xf32>,
    %broadcast_in_dim3A_184 = arith.constant 0.000000e+00 : f32
    %broadcast_in_dim3A_185 = vector.broadcast %broadcast_in_dim3A_184 : f32 to vector<16xf32>
    %swap3A_186 = arith.constant 480 : index
    %swap3A_187 = tpu.vector_load %arg15[%swap3A_186] {strides = array<i32>} : memref<640xf32, #tpu.memory_space<vmem>>, vector<16xf32>,
    %swap3A_188 = vector.shape_cast %swap3A_187 : vector<16xf32> to vector<16xf32>
    %swap3A_189 = vector.shape_cast %broadcast_in_dim3A_185 : vector<16xf32> to vector<16xf32>
    tpu.vector_store %arg15[%swap3A_186], %swap3A_189 {strides = array<i32>} : memref<640xf32, #tpu.memory_space<vmem>>, vector<16xf32>,
    %broadcast_in_dim3A_190 = arith.constant 0.000000e+00 : f32
    %broadcast_in_dim3A_191 = vector.broadcast %broadcast_in_dim3A_190 : f32 to vector<16xf32>
    %swap3A_192 = arith.constant 496 : index
    %swap3A_193 = tpu.vector_load %arg15[%swap3A_192] {strides = array<i32>} : memref<640xf32, #tpu.memory_space<vmem>>, vector<16xf32>,
    %swap3A_194 = vector.shape_cast %swap3A_193 : vector<16xf32> to vector<16xf32>
    %swap3A_195 = vector.shape_cast %broadcast_in_dim3A_191 : vector<16xf32> to vector<16xf32>
    tpu.vector_store %arg15[%swap3A_192], %swap3A_195 {strides = array<i32>} : memref<640xf32, #tpu.memory_space<vmem>>, vector<16xf32>,
    %broadcast_in_dim3A_196 = arith.constant 0.000000e+00 : f32
    %broadcast_in_dim3A_197 = vector.broadcast %broadcast_in_dim3A_196 : f32 to vector<16xf32>
    %swap3A_198 = arith.constant 512 : index
    %swap3A_199 = tpu.vector_load %arg15[%swap3A_198] {strides = array<i32>} : memref<640xf32, #tpu.memory_space<vmem>>, vector<16xf32>,
    %swap3A_200 = vector.shape_cast %swap3A_199 : vector<16xf32> to vector<16xf32>
    %swap3A_201 = vector.shape_cast %broadcast_in_dim3A_197 : vector<16xf32> to vector<16xf32>
    tpu.vector_store %arg15[%swap3A_198], %swap3A_201 {strides = array<i32>} : memref<640xf32, #tpu.memory_space<vmem>>, vector<16xf32>,
    %broadcast_in_dim3A_202 = arith.constant 0.000000e+00 : f32
    %broadcast_in_dim3A_203 = vector.broadcast %broadcast_in_dim3A_202 : f32 to vector<16xf32>
    %swap3A_204 = arith.constant 528 : index
    %swap3A_205 = tpu.vector_load %arg15[%swap3A_204] {strides = array<i32>} : memref<640xf32, #tpu.memory_space<vmem>>, vector<16xf32>,
    %swap3A_206 = vector.shape_cast %swap3A_205 : vector<16xf32> to vector<16xf32>
    %swap3A_207 = vector.shape_cast %broadcast_in_dim3A_203 : vector<16xf32> to vector<16xf32>
    tpu.vector_store %arg15[%swap3A_204], %swap3A_207 {strides = array<i32>} : memref<640xf32, #tpu.memory_space<vmem>>, vector<16xf32>,
    %broadcast_in_dim3A_208 = arith.constant 0.000000e+00 : f32
    %broadcast_in_dim3A_209 = vector.broadcast %broadcast_in_dim3A_208 : f32 to vector<16xf32>
    %swap3A_210 = arith.constant 544 : index
    %swap3A_211 = tpu.vector_load %arg15[%swap3A_210] {strides = array<i32>} : memref<640xf32, #tpu.memory_space<vmem>>, vector<16xf32>,
    %swap3A_212 = vector.shape_cast %swap3A_211 : vector<16xf32> to vector<16xf32>
    %swap3A_213 = vector.shape_cast %broadcast_in_dim3A_209 : vector<16xf32> to vector<16xf32>
    tpu.vector_store %arg15[%swap3A_210], %swap3A_213 {strides = array<i32>} : memref<640xf32, #tpu.memory_space<vmem>>, vector<16xf32>,
    %broadcast_in_dim3A_214 = arith.constant 0.000000e+00 : f32
    %broadcast_in_dim3A_215 = vector.broadcast %broadcast_in_dim3A_214 : f32 to vector<16xf32>
    %swap3A_216 = arith.constant 560 : index
    %swap3A_217 = tpu.vector_load %arg15[%swap3A_216] {strides = array<i32>} : memref<640xf32, #tpu.memory_space<vmem>>, vector<16xf32>,
    %swap3A_218 = vector.shape_cast %swap3A_217 : vector<16xf32> to vector<16xf32>
    %swap3A_219 = vector.shape_cast %broadcast_in_dim3A_215 : vector<16xf32> to vector<16xf32>
    tpu.vector_store %arg15[%swap3A_216], %swap3A_219 {strides = array<i32>} : memref<640xf32, #tpu.memory_space<vmem>>, vector<16xf32>,
    %broadcast_in_dim3A_220 = arith.constant 0.000000e+00 : f32
    %broadcast_in_dim3A_221 = vector.broadcast %broadcast_in_dim3A_220 : f32 to vector<16xf32>
    %swap3A_222 = arith.constant 576 : index
    %swap3A_223 = tpu.vector_load %arg15[%swap3A_222] {strides = array<i32>} : memref<640xf32, #tpu.memory_space<vmem>>, vector<16xf32>,
    %swap3A_224 = vector.shape_cast %swap3A_223 : vector<16xf32> to vector<16xf32>
    %swap3A_225 = vector.shape_cast %broadcast_in_dim3A_221 : vector<16xf32> to vector<16xf32>
    tpu.vector_store %arg15[%swap3A_222], %swap3A_225 {strides = array<i32>} : memref<640xf32, #tpu.memory_space<vmem>>, vector<16xf32>,
    %broadcast_in_dim3A_226 = arith.constant 0.000000e+00 : f32
    %broadcast_in_dim3A_227 = vector.broadcast %broadcast_in_dim3A_226 : f32 to vector<16xf32>
    %swap3A_228 = arith.constant 592 : index
    %swap3A_229 = tpu.vector_load %arg15[%swap3A_228] {strides = array<i32>} : memref<640xf32, #tpu.memory_space<vmem>>, vector<16xf32>,
    %swap3A_230 = vector.shape_cast %swap3A_229 : vector<16xf32> to vector<16xf32>
    %swap3A_231 = vector.shape_cast %broadcast_in_dim3A_227 : vector<16xf32> to vector<16xf32>
    tpu.vector_store %arg15[%swap3A_228], %swap3A_231 {strides = array<i32>} : memref<640xf32, #tpu.memory_space<vmem>>, vector<16xf32>,
    %broadcast_in_dim3A_232 = arith.constant 0.000000e+00 : f32
    %broadcast_in_dim3A_233 = vector.broadcast %broadcast_in_dim3A_232 : f32 to vector<16xf32>
    %swap3A_234 = arith.constant 608 : index
    %swap3A_235 = tpu.vector_load %arg15[%swap3A_234] {strides = array<i32>} : memref<640xf32, #tpu.memory_space<vmem>>, vector<16xf32>,
    %swap3A_236 = vector.shape_cast %swap3A_235 : vector<16xf32> to vector<16xf32>
    %swap3A_237 = vector.shape_cast %broadcast_in_dim3A_233 : vector<16xf32> to vector<16xf32>
    tpu.vector_store %arg15[%swap3A_234], %swap3A_237 {strides = array<i32>} : memref<640xf32, #tpu.memory_space<vmem>>, vector<16xf32>,
    %broadcast_in_dim3A_238 = arith.constant 0.000000e+00 : f32
    %broadcast_in_dim3A_239 = vector.broadcast %broadcast_in_dim3A_238 : f32 to vector<16xf32>
    %swap3A_240 = arith.constant 624 : index
    %swap3A_241 = tpu.vector_load %arg15[%swap3A_240] {strides = array<i32>} : memref<640xf32, #tpu.memory_space<vmem>>, vector<16xf32>,
    %swap3A_242 = vector.shape_cast %swap3A_241 : vector<16xf32> to vector<16xf32>
    %swap3A_243 = vector.shape_cast %broadcast_in_dim3A_239 : vector<16xf32> to vector<16xf32>
    tpu.vector_store %arg15[%swap3A_240], %swap3A_243 {strides = array<i32>} : memref<640xf32, #tpu.memory_space<vmem>>, vector<16xf32>,
    %mul3A_244 = arith.constant 640 : i32
    %mul3A_245 = arith.muli %arg1, %mul3A_244 : i32
    "tpu.region"() ({
      %run_scoped3A = tpu.sem_alloc : memref<!tpu.dma_semaphore, #tpu.memory_space<semaphore_mem>>
      %dma_start3A_725 = tpu.memref_slice %arg16[%mul3A_245] : memref<10240xf32, #tpu.memory_space<vmem_shared>> -> memref<640xf32, #tpu.memory_space<vmem_shared>>
      %dma_start3A_726 = tpu.memref_slice %arg16[%mul3A_245] : memref<10240xf32, #tpu.memory_space<vmem_shared>> -> memref<640xf32, #tpu.memory_space<vmem_shared>>
      tpu.enqueue_dma source(%arg15 : memref<640xf32, #tpu.memory_space<vmem>>) target(%dma_start3A_726 : memref<640xf32, #tpu.memory_space<vmem_shared>>) target_semaphore(%run_scoped3A : memref<!tpu.dma_semaphore, #tpu.memory_space<semaphore_mem>>)
      %dma_wait3A_727 = tpu.memref_slice %arg16[%mul3A_245] : memref<10240xf32, #tpu.memory_space<vmem_shared>> -> memref<640xf32, #tpu.memory_space<vmem_shared>>
      %dma_wait3A_728 = tpu.memref_slice %arg16[%mul3A_245] : memref<10240xf32, #tpu.memory_space<vmem_shared>> -> memref<640xf32, #tpu.memory_space<vmem_shared>>
      tpu.wait_dma2 semaphore(%run_scoped3A : memref<!tpu.dma_semaphore, #tpu.memory_space<semaphore_mem>>) src(%arg15 : memref<640xf32, #tpu.memory_space<vmem>>) dst(%dma_wait3A_728 : memref<640xf32, #tpu.memory_space<vmem_shared>>)
      tpu.yield
    }) : () -> ()
    %dma_wait3A = tpu.memref_slice %arg2[%mul3A_2] : memref<320000xi32, #tpu.memory_space<hbm>> -> memref<10000xi32, #tpu.memory_space<hbm>>
    %dma_wait3A_246 = tpu.memref_slice %arg2[%mul3A_2] : memref<320000xi32, #tpu.memory_space<hbm>> -> memref<10000xi32, #tpu.memory_space<hbm>>
    tpu.wait_dma2 semaphore(%arg17 : memref<!tpu.dma_semaphore, #tpu.memory_space<semaphore_mem>>) src(%dma_wait3A_246 : memref<10000xi32, #tpu.memory_space<hbm>>) dst(%arg6 : memref<10000xi32, #tpu.memory_space<vmem>>)
    %dma_wait3A_247 = tpu.memref_slice %arg3[%mul3A_2] : memref<320000xi32, #tpu.memory_space<hbm>> -> memref<10000xi32, #tpu.memory_space<hbm>>
    %dma_wait3A_248 = tpu.memref_slice %arg3[%mul3A_2] : memref<320000xi32, #tpu.memory_space<hbm>> -> memref<10000xi32, #tpu.memory_space<hbm>>
    tpu.wait_dma2 semaphore(%arg18 : memref<!tpu.dma_semaphore, #tpu.memory_space<semaphore_mem>>) src(%dma_wait3A_248 : memref<10000xi32, #tpu.memory_space<hbm>>) dst(%arg7 : memref<10000xi32, #tpu.memory_space<vmem>>)
    %barrier3A = arith.constant 0 : index
    tpu.barrier barrier_id(%barrier3A)
    %get3A = arith.constant 0 : index
    %get3A_249 = tpu.vector_load %arg6[%get3A] {strides = array<i32>} : memref<10000xi32, #tpu.memory_space<vmem>>, vector<16xi32>,
    %get3A_250 = vector.shape_cast %get3A_249 : vector<16xi32> to vector<16xi32>
    %get3A_251 = arith.constant 0 : index
    %get3A_252 = tpu.vector_load %arg7[%get3A_251] {strides = array<i32>} : memref<10000xi32, #tpu.memory_space<vmem>>, vector<16xi32>,
    %get3A_253 = vector.shape_cast %get3A_252 : vector<16xi32> to vector<16xi32>
    %eq3A = arith.cmpi eq, %get3A_250, %get3A_253 : vector<16xi32>
    %jit3A = arith.constant 10000 : i32
    %broadcast_in_dim3A_254 = vector.broadcast %jit3A : i32 to vector<16xi32>
    %select_n3A = arith.select %eq3A, %broadcast_in_dim3A_254, %get3A_253 : vector<16xi1>, vector<16xi32>
    %swap3A_255 = arith.constant 0 : index
    %swap3A_256 = tpu.vector_load %arg8[%swap3A_255] {strides = array<i32>} : memref<10000xi32, #tpu.memory_space<vmem>>, vector<16xi32>,
    %swap3A_257 = vector.shape_cast %swap3A_256 : vector<16xi32> to vector<16xi32>
    %swap3A_258 = vector.shape_cast %select_n3A : vector<16xi32> to vector<16xi32>
    tpu.vector_store %arg8[%swap3A_255], %swap3A_258 {strides = array<i32>} : memref<10000xi32, #tpu.memory_space<vmem>>, vector<16xi32>,
    %swap3A_259 = arith.constant 0 : index
    %swap3A_260 = tpu.vector_load %arg9[%swap3A_259] {strides = array<i32>} : memref<128xi32, #tpu.memory_space<vmem>>, vector<16xi32>,
    %swap3A_261 = vector.shape_cast %swap3A_260 : vector<16xi32> to vector<16xi32>
    %swap3A_262 = vector.shape_cast %get3A_250 : vector<16xi32> to vector<16xi32>
    tpu.vector_store %arg9[%swap3A_259], %swap3A_262 {strides = array<i32>} : memref<128xi32, #tpu.memory_space<vmem>>, vector<16xi32>,
    %jit3A_263 = arith.constant 0.000000e+00 : f32
    %jit3A_264 = arith.constant 1.000000e+00 : f32
    %broadcast_in_dim3A_265 = vector.broadcast %jit3A_263 : f32 to vector<16xf32>
    %broadcast_in_dim3A_266 = vector.broadcast %jit3A_264 : f32 to vector<16xf32>
    %select_n3A_267 = arith.select %eq3A, %broadcast_in_dim3A_265, %broadcast_in_dim3A_266 : vector<16xi1>, vector<16xf32>
    %swap3A_268 = arith.constant 0 : index
    %swap3A_269 = tpu.vector_load %arg11[%swap3A_268] {strides = array<i32>} : memref<128xf32, #tpu.memory_space<vmem>>, vector<16xf32>,
    %swap3A_270 = vector.shape_cast %swap3A_269 : vector<16xf32> to vector<16xf32>
    %swap3A_271 = vector.shape_cast %select_n3A_267 : vector<16xf32> to vector<16xf32>
    tpu.vector_store %arg11[%swap3A_268], %swap3A_271 {strides = array<i32>} : memref<128xf32, #tpu.memory_space<vmem>>, vector<16xf32>,
    %get3A_272 = arith.constant 16 : index
    %get3A_273 = tpu.vector_load %arg6[%get3A_272] {strides = array<i32>} : memref<10000xi32, #tpu.memory_space<vmem>>, vector<16xi32>,
    %get3A_274 = vector.shape_cast %get3A_273 : vector<16xi32> to vector<16xi32>
    %get3A_275 = arith.constant 16 : index
    %get3A_276 = tpu.vector_load %arg7[%get3A_275] {strides = array<i32>} : memref<10000xi32, #tpu.memory_space<vmem>>, vector<16xi32>,
    %get3A_277 = vector.shape_cast %get3A_276 : vector<16xi32> to vector<16xi32>
    %eq3A_278 = arith.cmpi eq, %get3A_274, %get3A_277 : vector<16xi32>
    %jit3A_279 = arith.constant 10000 : i32
    %broadcast_in_dim3A_280 = vector.broadcast %jit3A_279 : i32 to vector<16xi32>
    %select_n3A_281 = arith.select %eq3A_278, %broadcast_in_dim3A_280, %get3A_277 : vector<16xi1>, vector<16xi32>
    %swap3A_282 = arith.constant 16 : index
    %swap3A_283 = tpu.vector_load %arg8[%swap3A_282] {strides = array<i32>} : memref<10000xi32, #tpu.memory_space<vmem>>, vector<16xi32>,
    %swap3A_284 = vector.shape_cast %swap3A_283 : vector<16xi32> to vector<16xi32>
    %swap3A_285 = vector.shape_cast %select_n3A_281 : vector<16xi32> to vector<16xi32>
    tpu.vector_store %arg8[%swap3A_282], %swap3A_285 {strides = array<i32>} : memref<10000xi32, #tpu.memory_space<vmem>>, vector<16xi32>,
    %swap3A_286 = arith.constant 16 : index
    %swap3A_287 = tpu.vector_load %arg9[%swap3A_286] {strides = array<i32>} : memref<128xi32, #tpu.memory_space<vmem>>, vector<16xi32>,
    %swap3A_288 = vector.shape_cast %swap3A_287 : vector<16xi32> to vector<16xi32>
    %swap3A_289 = vector.shape_cast %get3A_274 : vector<16xi32> to vector<16xi32>
    tpu.vector_store %arg9[%swap3A_286], %swap3A_289 {strides = array<i32>} : memref<128xi32, #tpu.memory_space<vmem>>, vector<16xi32>,
    %jit3A_290 = arith.constant 0.000000e+00 : f32
    %jit3A_291 = arith.constant 1.000000e+00 : f32
    %broadcast_in_dim3A_292 = vector.broadcast %jit3A_290 : f32 to vector<16xf32>
    %broadcast_in_dim3A_293 = vector.broadcast %jit3A_291 : f32 to vector<16xf32>
    %select_n3A_294 = arith.select %eq3A_278, %broadcast_in_dim3A_292, %broadcast_in_dim3A_293 : vector<16xi1>, vector<16xf32>
    %swap3A_295 = arith.constant 16 : index
    %swap3A_296 = tpu.vector_load %arg11[%swap3A_295] {strides = array<i32>} : memref<128xf32, #tpu.memory_space<vmem>>, vector<16xf32>,
    %swap3A_297 = vector.shape_cast %swap3A_296 : vector<16xf32> to vector<16xf32>
    %swap3A_298 = vector.shape_cast %select_n3A_294 : vector<16xf32> to vector<16xf32>
    tpu.vector_store %arg11[%swap3A_295], %swap3A_298 {strides = array<i32>} : memref<128xf32, #tpu.memory_space<vmem>>, vector<16xf32>,
    %get3A_299 = arith.constant 32 : index
    %get3A_300 = tpu.vector_load %arg6[%get3A_299] {strides = array<i32>} : memref<10000xi32, #tpu.memory_space<vmem>>, vector<16xi32>,
    %get3A_301 = vector.shape_cast %get3A_300 : vector<16xi32> to vector<16xi32>
    %get3A_302 = arith.constant 32 : index
    %get3A_303 = tpu.vector_load %arg7[%get3A_302] {strides = array<i32>} : memref<10000xi32, #tpu.memory_space<vmem>>, vector<16xi32>,
    %get3A_304 = vector.shape_cast %get3A_303 : vector<16xi32> to vector<16xi32>
    %eq3A_305 = arith.cmpi eq, %get3A_301, %get3A_304 : vector<16xi32>
    %jit3A_306 = arith.constant 10000 : i32
    %broadcast_in_dim3A_307 = vector.broadcast %jit3A_306 : i32 to vector<16xi32>
    %select_n3A_308 = arith.select %eq3A_305, %broadcast_in_dim3A_307, %get3A_304 : vector<16xi1>, vector<16xi32>
    %swap3A_309 = arith.constant 32 : index
    %swap3A_310 = tpu.vector_load %arg8[%swap3A_309] {strides = array<i32>} : memref<10000xi32, #tpu.memory_space<vmem>>, vector<16xi32>,
    %swap3A_311 = vector.shape_cast %swap3A_310 : vector<16xi32> to vector<16xi32>
    %swap3A_312 = vector.shape_cast %select_n3A_308 : vector<16xi32> to vector<16xi32>
    tpu.vector_store %arg8[%swap3A_309], %swap3A_312 {strides = array<i32>} : memref<10000xi32, #tpu.memory_space<vmem>>, vector<16xi32>,
    %swap3A_313 = arith.constant 32 : index
    %swap3A_314 = tpu.vector_load %arg9[%swap3A_313] {strides = array<i32>} : memref<128xi32, #tpu.memory_space<vmem>>, vector<16xi32>,
    %swap3A_315 = vector.shape_cast %swap3A_314 : vector<16xi32> to vector<16xi32>
    %swap3A_316 = vector.shape_cast %get3A_301 : vector<16xi32> to vector<16xi32>
    tpu.vector_store %arg9[%swap3A_313], %swap3A_316 {strides = array<i32>} : memref<128xi32, #tpu.memory_space<vmem>>, vector<16xi32>,
    %jit3A_317 = arith.constant 0.000000e+00 : f32
    %jit3A_318 = arith.constant 1.000000e+00 : f32
    %broadcast_in_dim3A_319 = vector.broadcast %jit3A_317 : f32 to vector<16xf32>
    %broadcast_in_dim3A_320 = vector.broadcast %jit3A_318 : f32 to vector<16xf32>
    %select_n3A_321 = arith.select %eq3A_305, %broadcast_in_dim3A_319, %broadcast_in_dim3A_320 : vector<16xi1>, vector<16xf32>
    %swap3A_322 = arith.constant 32 : index
    %swap3A_323 = tpu.vector_load %arg11[%swap3A_322] {strides = array<i32>} : memref<128xf32, #tpu.memory_space<vmem>>, vector<16xf32>,
    %swap3A_324 = vector.shape_cast %swap3A_323 : vector<16xf32> to vector<16xf32>
    %swap3A_325 = vector.shape_cast %select_n3A_321 : vector<16xf32> to vector<16xf32>
    tpu.vector_store %arg11[%swap3A_322], %swap3A_325 {strides = array<i32>} : memref<128xf32, #tpu.memory_space<vmem>>, vector<16xf32>,
    %get3A_326 = arith.constant 48 : index
    %get3A_327 = tpu.vector_load %arg6[%get3A_326] {strides = array<i32>} : memref<10000xi32, #tpu.memory_space<vmem>>, vector<16xi32>,
    %get3A_328 = vector.shape_cast %get3A_327 : vector<16xi32> to vector<16xi32>
    %get3A_329 = arith.constant 48 : index
    %get3A_330 = tpu.vector_load %arg7[%get3A_329] {strides = array<i32>} : memref<10000xi32, #tpu.memory_space<vmem>>, vector<16xi32>,
    %get3A_331 = vector.shape_cast %get3A_330 : vector<16xi32> to vector<16xi32>
    %eq3A_332 = arith.cmpi eq, %get3A_328, %get3A_331 : vector<16xi32>
    %jit3A_333 = arith.constant 10000 : i32
    %broadcast_in_dim3A_334 = vector.broadcast %jit3A_333 : i32 to vector<16xi32>
    %select_n3A_335 = arith.select %eq3A_332, %broadcast_in_dim3A_334, %get3A_331 : vector<16xi1>, vector<16xi32>
    %swap3A_336 = arith.constant 48 : index
    %swap3A_337 = tpu.vector_load %arg8[%swap3A_336] {strides = array<i32>} : memref<10000xi32, #tpu.memory_space<vmem>>, vector<16xi32>,
    %swap3A_338 = vector.shape_cast %swap3A_337 : vector<16xi32> to vector<16xi32>
    %swap3A_339 = vector.shape_cast %select_n3A_335 : vector<16xi32> to vector<16xi32>
    tpu.vector_store %arg8[%swap3A_336], %swap3A_339 {strides = array<i32>} : memref<10000xi32, #tpu.memory_space<vmem>>, vector<16xi32>,
    %swap3A_340 = arith.constant 48 : index
    %swap3A_341 = tpu.vector_load %arg9[%swap3A_340] {strides = array<i32>} : memref<128xi32, #tpu.memory_space<vmem>>, vector<16xi32>,
    %swap3A_342 = vector.shape_cast %swap3A_341 : vector<16xi32> to vector<16xi32>
    %swap3A_343 = vector.shape_cast %get3A_328 : vector<16xi32> to vector<16xi32>
    tpu.vector_store %arg9[%swap3A_340], %swap3A_343 {strides = array<i32>} : memref<128xi32, #tpu.memory_space<vmem>>, vector<16xi32>,
    %jit3A_344 = arith.constant 0.000000e+00 : f32
    %jit3A_345 = arith.constant 1.000000e+00 : f32
    %broadcast_in_dim3A_346 = vector.broadcast %jit3A_344 : f32 to vector<16xf32>
    %broadcast_in_dim3A_347 = vector.broadcast %jit3A_345 : f32 to vector<16xf32>
    %select_n3A_348 = arith.select %eq3A_332, %broadcast_in_dim3A_346, %broadcast_in_dim3A_347 : vector<16xi1>, vector<16xf32>
    %swap3A_349 = arith.constant 48 : index
    %swap3A_350 = tpu.vector_load %arg11[%swap3A_349] {strides = array<i32>} : memref<128xf32, #tpu.memory_space<vmem>>, vector<16xf32>,
    %swap3A_351 = vector.shape_cast %swap3A_350 : vector<16xf32> to vector<16xf32>
    %swap3A_352 = vector.shape_cast %select_n3A_348 : vector<16xf32> to vector<16xf32>
    tpu.vector_store %arg11[%swap3A_349], %swap3A_352 {strides = array<i32>} : memref<128xf32, #tpu.memory_space<vmem>>, vector<16xf32>,
    %get3A_353 = arith.constant 64 : index
    %get3A_354 = tpu.vector_load %arg6[%get3A_353] {strides = array<i32>} : memref<10000xi32, #tpu.memory_space<vmem>>, vector<16xi32>,
    %get3A_355 = vector.shape_cast %get3A_354 : vector<16xi32> to vector<16xi32>
    %get3A_356 = arith.constant 64 : index
    %get3A_357 = tpu.vector_load %arg7[%get3A_356] {strides = array<i32>} : memref<10000xi32, #tpu.memory_space<vmem>>, vector<16xi32>,
    %get3A_358 = vector.shape_cast %get3A_357 : vector<16xi32> to vector<16xi32>
    %eq3A_359 = arith.cmpi eq, %get3A_355, %get3A_358 : vector<16xi32>
    %jit3A_360 = arith.constant 10000 : i32
    %broadcast_in_dim3A_361 = vector.broadcast %jit3A_360 : i32 to vector<16xi32>
    %select_n3A_362 = arith.select %eq3A_359, %broadcast_in_dim3A_361, %get3A_358 : vector<16xi1>, vector<16xi32>
    %swap3A_363 = arith.constant 64 : index
    %swap3A_364 = tpu.vector_load %arg8[%swap3A_363] {strides = array<i32>} : memref<10000xi32, #tpu.memory_space<vmem>>, vector<16xi32>,
    %swap3A_365 = vector.shape_cast %swap3A_364 : vector<16xi32> to vector<16xi32>
    %swap3A_366 = vector.shape_cast %select_n3A_362 : vector<16xi32> to vector<16xi32>
    tpu.vector_store %arg8[%swap3A_363], %swap3A_366 {strides = array<i32>} : memref<10000xi32, #tpu.memory_space<vmem>>, vector<16xi32>,
    %swap3A_367 = arith.constant 64 : index
    %swap3A_368 = tpu.vector_load %arg9[%swap3A_367] {strides = array<i32>} : memref<128xi32, #tpu.memory_space<vmem>>, vector<16xi32>,
    %swap3A_369 = vector.shape_cast %swap3A_368 : vector<16xi32> to vector<16xi32>
    %swap3A_370 = vector.shape_cast %get3A_355 : vector<16xi32> to vector<16xi32>
    tpu.vector_store %arg9[%swap3A_367], %swap3A_370 {strides = array<i32>} : memref<128xi32, #tpu.memory_space<vmem>>, vector<16xi32>,
    %jit3A_371 = arith.constant 0.000000e+00 : f32
    %jit3A_372 = arith.constant 1.000000e+00 : f32
    %broadcast_in_dim3A_373 = vector.broadcast %jit3A_371 : f32 to vector<16xf32>
    %broadcast_in_dim3A_374 = vector.broadcast %jit3A_372 : f32 to vector<16xf32>
    %select_n3A_375 = arith.select %eq3A_359, %broadcast_in_dim3A_373, %broadcast_in_dim3A_374 : vector<16xi1>, vector<16xf32>
    %swap3A_376 = arith.constant 64 : index
    %swap3A_377 = tpu.vector_load %arg11[%swap3A_376] {strides = array<i32>} : memref<128xf32, #tpu.memory_space<vmem>>, vector<16xf32>,
    %swap3A_378 = vector.shape_cast %swap3A_377 : vector<16xf32> to vector<16xf32>
    %swap3A_379 = vector.shape_cast %select_n3A_375 : vector<16xf32> to vector<16xf32>
    tpu.vector_store %arg11[%swap3A_376], %swap3A_379 {strides = array<i32>} : memref<128xf32, #tpu.memory_space<vmem>>, vector<16xf32>,
    %get3A_380 = arith.constant 80 : index
    %get3A_381 = tpu.vector_load %arg6[%get3A_380] {strides = array<i32>} : memref<10000xi32, #tpu.memory_space<vmem>>, vector<16xi32>,
    %get3A_382 = vector.shape_cast %get3A_381 : vector<16xi32> to vector<16xi32>
    %get3A_383 = arith.constant 80 : index
    %get3A_384 = tpu.vector_load %arg7[%get3A_383] {strides = array<i32>} : memref<10000xi32, #tpu.memory_space<vmem>>, vector<16xi32>,
    %get3A_385 = vector.shape_cast %get3A_384 : vector<16xi32> to vector<16xi32>
    %eq3A_386 = arith.cmpi eq, %get3A_382, %get3A_385 : vector<16xi32>
    %jit3A_387 = arith.constant 10000 : i32
    %broadcast_in_dim3A_388 = vector.broadcast %jit3A_387 : i32 to vector<16xi32>
    %select_n3A_389 = arith.select %eq3A_386, %broadcast_in_dim3A_388, %get3A_385 : vector<16xi1>, vector<16xi32>
    %swap3A_390 = arith.constant 80 : index
    %swap3A_391 = tpu.vector_load %arg8[%swap3A_390] {strides = array<i32>} : memref<10000xi32, #tpu.memory_space<vmem>>, vector<16xi32>,
    %swap3A_392 = vector.shape_cast %swap3A_391 : vector<16xi32> to vector<16xi32>
    %swap3A_393 = vector.shape_cast %select_n3A_389 : vector<16xi32> to vector<16xi32>
    tpu.vector_store %arg8[%swap3A_390], %swap3A_393 {strides = array<i32>} : memref<10000xi32, #tpu.memory_space<vmem>>, vector<16xi32>,
    %swap3A_394 = arith.constant 80 : index
    %swap3A_395 = tpu.vector_load %arg9[%swap3A_394] {strides = array<i32>} : memref<128xi32, #tpu.memory_space<vmem>>, vector<16xi32>,
    %swap3A_396 = vector.shape_cast %swap3A_395 : vector<16xi32> to vector<16xi32>
    %swap3A_397 = vector.shape_cast %get3A_382 : vector<16xi32> to vector<16xi32>
    tpu.vector_store %arg9[%swap3A_394], %swap3A_397 {strides = array<i32>} : memref<128xi32, #tpu.memory_space<vmem>>, vector<16xi32>,
    %jit3A_398 = arith.constant 0.000000e+00 : f32
    %jit3A_399 = arith.constant 1.000000e+00 : f32
    %broadcast_in_dim3A_400 = vector.broadcast %jit3A_398 : f32 to vector<16xf32>
    %broadcast_in_dim3A_401 = vector.broadcast %jit3A_399 : f32 to vector<16xf32>
    %select_n3A_402 = arith.select %eq3A_386, %broadcast_in_dim3A_400, %broadcast_in_dim3A_401 : vector<16xi1>, vector<16xf32>
    %swap3A_403 = arith.constant 80 : index
    %swap3A_404 = tpu.vector_load %arg11[%swap3A_403] {strides = array<i32>} : memref<128xf32, #tpu.memory_space<vmem>>, vector<16xf32>,
    %swap3A_405 = vector.shape_cast %swap3A_404 : vector<16xf32> to vector<16xf32>
    %swap3A_406 = vector.shape_cast %select_n3A_402 : vector<16xf32> to vector<16xf32>
    tpu.vector_store %arg11[%swap3A_403], %swap3A_406 {strides = array<i32>} : memref<128xf32, #tpu.memory_space<vmem>>, vector<16xf32>,
    %get3A_407 = arith.constant 96 : index
    %get3A_408 = tpu.vector_load %arg6[%get3A_407] {strides = array<i32>} : memref<10000xi32, #tpu.memory_space<vmem>>, vector<16xi32>,
    %get3A_409 = vector.shape_cast %get3A_408 : vector<16xi32> to vector<16xi32>
    %get3A_410 = arith.constant 96 : index
    %get3A_411 = tpu.vector_load %arg7[%get3A_410] {strides = array<i32>} : memref<10000xi32, #tpu.memory_space<vmem>>, vector<16xi32>,
    %get3A_412 = vector.shape_cast %get3A_411 : vector<16xi32> to vector<16xi32>
    %eq3A_413 = arith.cmpi eq, %get3A_409, %get3A_412 : vector<16xi32>
    %jit3A_414 = arith.constant 10000 : i32
    %broadcast_in_dim3A_415 = vector.broadcast %jit3A_414 : i32 to vector<16xi32>
    %select_n3A_416 = arith.select %eq3A_413, %broadcast_in_dim3A_415, %get3A_412 : vector<16xi1>, vector<16xi32>
    %swap3A_417 = arith.constant 96 : index
    %swap3A_418 = tpu.vector_load %arg8[%swap3A_417] {strides = array<i32>} : memref<10000xi32, #tpu.memory_space<vmem>>, vector<16xi32>,
    %swap3A_419 = vector.shape_cast %swap3A_418 : vector<16xi32> to vector<16xi32>
    %swap3A_420 = vector.shape_cast %select_n3A_416 : vector<16xi32> to vector<16xi32>
    tpu.vector_store %arg8[%swap3A_417], %swap3A_420 {strides = array<i32>} : memref<10000xi32, #tpu.memory_space<vmem>>, vector<16xi32>,
    %swap3A_421 = arith.constant 96 : index
    %swap3A_422 = tpu.vector_load %arg9[%swap3A_421] {strides = array<i32>} : memref<128xi32, #tpu.memory_space<vmem>>, vector<16xi32>,
    %swap3A_423 = vector.shape_cast %swap3A_422 : vector<16xi32> to vector<16xi32>
    %swap3A_424 = vector.shape_cast %get3A_409 : vector<16xi32> to vector<16xi32>
    tpu.vector_store %arg9[%swap3A_421], %swap3A_424 {strides = array<i32>} : memref<128xi32, #tpu.memory_space<vmem>>, vector<16xi32>,
    %jit3A_425 = arith.constant 0.000000e+00 : f32
    %jit3A_426 = arith.constant 1.000000e+00 : f32
    %broadcast_in_dim3A_427 = vector.broadcast %jit3A_425 : f32 to vector<16xf32>
    %broadcast_in_dim3A_428 = vector.broadcast %jit3A_426 : f32 to vector<16xf32>
    %select_n3A_429 = arith.select %eq3A_413, %broadcast_in_dim3A_427, %broadcast_in_dim3A_428 : vector<16xi1>, vector<16xf32>
    %swap3A_430 = arith.constant 96 : index
    %swap3A_431 = tpu.vector_load %arg11[%swap3A_430] {strides = array<i32>} : memref<128xf32, #tpu.memory_space<vmem>>, vector<16xf32>,
    %swap3A_432 = vector.shape_cast %swap3A_431 : vector<16xf32> to vector<16xf32>
    %swap3A_433 = vector.shape_cast %select_n3A_429 : vector<16xf32> to vector<16xf32>
    tpu.vector_store %arg11[%swap3A_430], %swap3A_433 {strides = array<i32>} : memref<128xf32, #tpu.memory_space<vmem>>, vector<16xf32>,
    %get3A_434 = arith.constant 112 : index
    %get3A_435 = tpu.vector_load %arg6[%get3A_434] {strides = array<i32>} : memref<10000xi32, #tpu.memory_space<vmem>>, vector<16xi32>,
    %get3A_436 = vector.shape_cast %get3A_435 : vector<16xi32> to vector<16xi32>
    %get3A_437 = arith.constant 112 : index
    %get3A_438 = tpu.vector_load %arg7[%get3A_437] {strides = array<i32>} : memref<10000xi32, #tpu.memory_space<vmem>>, vector<16xi32>,
    %get3A_439 = vector.shape_cast %get3A_438 : vector<16xi32> to vector<16xi32>
    %eq3A_440 = arith.cmpi eq, %get3A_436, %get3A_439 : vector<16xi32>
    %jit3A_441 = arith.constant 10000 : i32
    %broadcast_in_dim3A_442 = vector.broadcast %jit3A_441 : i32 to vector<16xi32>
    %select_n3A_443 = arith.select %eq3A_440, %broadcast_in_dim3A_442, %get3A_439 : vector<16xi1>, vector<16xi32>
    %swap3A_444 = arith.constant 112 : index
    %swap3A_445 = tpu.vector_load %arg8[%swap3A_444] {strides = array<i32>} : memref<10000xi32, #tpu.memory_space<vmem>>, vector<16xi32>,
    %swap3A_446 = vector.shape_cast %swap3A_445 : vector<16xi32> to vector<16xi32>
    %swap3A_447 = vector.shape_cast %select_n3A_443 : vector<16xi32> to vector<16xi32>
    tpu.vector_store %arg8[%swap3A_444], %swap3A_447 {strides = array<i32>} : memref<10000xi32, #tpu.memory_space<vmem>>, vector<16xi32>,
    %swap3A_448 = arith.constant 112 : index
    %swap3A_449 = tpu.vector_load %arg9[%swap3A_448] {strides = array<i32>} : memref<128xi32, #tpu.memory_space<vmem>>, vector<16xi32>,
    %swap3A_450 = vector.shape_cast %swap3A_449 : vector<16xi32> to vector<16xi32>
    %swap3A_451 = vector.shape_cast %get3A_436 : vector<16xi32> to vector<16xi32>
    tpu.vector_store %arg9[%swap3A_448], %swap3A_451 {strides = array<i32>} : memref<128xi32, #tpu.memory_space<vmem>>, vector<16xi32>,
    %jit3A_452 = arith.constant 0.000000e+00 : f32
    %jit3A_453 = arith.constant 1.000000e+00 : f32
    %broadcast_in_dim3A_454 = vector.broadcast %jit3A_452 : f32 to vector<16xf32>
    %broadcast_in_dim3A_455 = vector.broadcast %jit3A_453 : f32 to vector<16xf32>
    %select_n3A_456 = arith.select %eq3A_440, %broadcast_in_dim3A_454, %broadcast_in_dim3A_455 : vector<16xi1>, vector<16xf32>
    %swap3A_457 = arith.constant 112 : index
    %swap3A_458 = tpu.vector_load %arg11[%swap3A_457] {strides = array<i32>} : memref<128xf32, #tpu.memory_space<vmem>>, vector<16xf32>,
    %swap3A_459 = vector.shape_cast %swap3A_458 : vector<16xf32> to vector<16xf32>
    %swap3A_460 = vector.shape_cast %select_n3A_456 : vector<16xf32> to vector<16xf32>
    tpu.vector_store %arg11[%swap3A_457], %swap3A_460 {strides = array<i32>} : memref<128xf32, #tpu.memory_space<vmem>>, vector<16xf32>,
    %dma_start3A_461 = arith.constant 0 : i32
    %dma_start3A_462 = tpu.memref_slice %arg16[%dma_start3A_461] : memref<10240xf32, #tpu.memory_space<vmem_shared>> -> memref<10240xf32, #tpu.memory_space<vmem_shared>>
    tpu.enqueue_indirect_dma source(%arg11 : memref<128xf32, #tpu.memory_space<vmem>>) target(%dma_start3A_462 : memref<10240xf32, #tpu.memory_space<vmem_shared>>) offsets(%arg9 : memref<128xi32, #tpu.memory_space<vmem>>) semaphore(%arg17 : memref<!tpu.dma_semaphore, #tpu.memory_space<semaphore_mem>>) {add = true}
    %get3A_463 = arith.constant 128 : index
    %get3A_464 = tpu.vector_load %arg6[%get3A_463] {strides = array<i32>} : memref<10000xi32, #tpu.memory_space<vmem>>, vector<16xi32>,
    %get3A_465 = vector.shape_cast %get3A_464 : vector<16xi32> to vector<16xi32>
    %get3A_466 = arith.constant 128 : index
    %get3A_467 = tpu.vector_load %arg7[%get3A_466] {strides = array<i32>} : memref<10000xi32, #tpu.memory_space<vmem>>, vector<16xi32>,
    %get3A_468 = vector.shape_cast %get3A_467 : vector<16xi32> to vector<16xi32>
    %eq3A_469 = arith.cmpi eq, %get3A_465, %get3A_468 : vector<16xi32>
    %jit3A_470 = arith.constant 10000 : i32
    %broadcast_in_dim3A_471 = vector.broadcast %jit3A_470 : i32 to vector<16xi32>
    %select_n3A_472 = arith.select %eq3A_469, %broadcast_in_dim3A_471, %get3A_468 : vector<16xi1>, vector<16xi32>
    %swap3A_473 = arith.constant 128 : index
    %swap3A_474 = tpu.vector_load %arg8[%swap3A_473] {strides = array<i32>} : memref<10000xi32, #tpu.memory_space<vmem>>, vector<16xi32>,
    %swap3A_475 = vector.shape_cast %swap3A_474 : vector<16xi32> to vector<16xi32>
    %swap3A_476 = vector.shape_cast %select_n3A_472 : vector<16xi32> to vector<16xi32>
    tpu.vector_store %arg8[%swap3A_473], %swap3A_476 {strides = array<i32>} : memref<10000xi32, #tpu.memory_space<vmem>>, vector<16xi32>,
    %swap3A_477 = arith.constant 0 : index
    %swap3A_478 = tpu.vector_load %arg10[%swap3A_477] {strides = array<i32>} : memref<128xi32, #tpu.memory_space<vmem>>, vector<16xi32>,
    %swap3A_479 = vector.shape_cast %swap3A_478 : vector<16xi32> to vector<16xi32>
    %swap3A_480 = vector.shape_cast %get3A_465 : vector<16xi32> to vector<16xi32>
    tpu.vector_store %arg10[%swap3A_477], %swap3A_480 {strides = array<i32>} : memref<128xi32, #tpu.memory_space<vmem>>, vector<16xi32>,
    %jit3A_481 = arith.constant 0.000000e+00 : f32
    %jit3A_482 = arith.constant 1.000000e+00 : f32
    %broadcast_in_dim3A_483 = vector.broadcast %jit3A_481 : f32 to vector<16xf32>
    %broadcast_in_dim3A_484 = vector.broadcast %jit3A_482 : f32 to vector<16xf32>
    %select_n3A_485 = arith.select %eq3A_469, %broadcast_in_dim3A_483, %broadcast_in_dim3A_484 : vector<16xi1>, vector<16xf32>
    %swap3A_486 = arith.constant 0 : index
    %swap3A_487 = tpu.vector_load %arg12[%swap3A_486] {strides = array<i32>} : memref<128xf32, #tpu.memory_space<vmem>>, vector<16xf32>,
    %swap3A_488 = vector.shape_cast %swap3A_487 : vector<16xf32> to vector<16xf32>
    %swap3A_489 = vector.shape_cast %select_n3A_485 : vector<16xf32> to vector<16xf32>
    tpu.vector_store %arg12[%swap3A_486], %swap3A_489 {strides = array<i32>} : memref<128xf32, #tpu.memory_space<vmem>>, vector<16xf32>,
    %get3A_490 = arith.constant 144 : index
    %get3A_491 = tpu.vector_load %arg6[%get3A_490] {strides = array<i32>} : memref<10000xi32, #tpu.memory_space<vmem>>, vector<16xi32>,
    %get3A_492 = vector.shape_cast %get3A_491 : vector<16xi32> to vector<16xi32>
    %get3A_493 = arith.constant 144 : index
    %get3A_494 = tpu.vector_load %arg7[%get3A_493] {strides = array<i32>} : memref<10000xi32, #tpu.memory_space<vmem>>, vector<16xi32>,
    %get3A_495 = vector.shape_cast %get3A_494 : vector<16xi32> to vector<16xi32>
    %eq3A_496 = arith.cmpi eq, %get3A_492, %get3A_495 : vector<16xi32>
    %jit3A_497 = arith.constant 10000 : i32
    %broadcast_in_dim3A_498 = vector.broadcast %jit3A_497 : i32 to vector<16xi32>
    %select_n3A_499 = arith.select %eq3A_496, %broadcast_in_dim3A_498, %get3A_495 : vector<16xi1>, vector<16xi32>
    %swap3A_500 = arith.constant 144 : index
    %swap3A_501 = tpu.vector_load %arg8[%swap3A_500] {strides = array<i32>} : memref<10000xi32, #tpu.memory_space<vmem>>, vector<16xi32>,
    %swap3A_502 = vector.shape_cast %swap3A_501 : vector<16xi32> to vector<16xi32>
    %swap3A_503 = vector.shape_cast %select_n3A_499 : vector<16xi32> to vector<16xi32>
    tpu.vector_store %arg8[%swap3A_500], %swap3A_503 {strides = array<i32>} : memref<10000xi32, #tpu.memory_space<vmem>>, vector<16xi32>,
    %swap3A_504 = arith.constant 16 : index
    %swap3A_505 = tpu.vector_load %arg10[%swap3A_504] {strides = array<i32>} : memref<128xi32, #tpu.memory_space<vmem>>, vector<16xi32>,
    %swap3A_506 = vector.shape_cast %swap3A_505 : vector<16xi32> to vector<16xi32>
    %swap3A_507 = vector.shape_cast %get3A_492 : vector<16xi32> to vector<16xi32>
    tpu.vector_store %arg10[%swap3A_504], %swap3A_507 {strides = array<i32>} : memref<128xi32, #tpu.memory_space<vmem>>, vector<16xi32>,
    %jit3A_508 = arith.constant 0.000000e+00 : f32
    %jit3A_509 = arith.constant 1.000000e+00 : f32
    %broadcast_in_dim3A_510 = vector.broadcast %jit3A_508 : f32 to vector<16xf32>
    %broadcast_in_dim3A_511 = vector.broadcast %jit3A_509 : f32 to vector<16xf32>
    %select_n3A_512 = arith.select %eq3A_496, %broadcast_in_dim3A_510, %broadcast_in_dim3A_511 : vector<16xi1>, vector<16xf32>
    %swap3A_513 = arith.constant 16 : index
    %swap3A_514 = tpu.vector_load %arg12[%swap3A_513] {strides = array<i32>} : memref<128xf32, #tpu.memory_space<vmem>>, vector<16xf32>,
    %swap3A_515 = vector.shape_cast %swap3A_514 : vector<16xf32> to vector<16xf32>
    %swap3A_516 = vector.shape_cast %select_n3A_512 : vector<16xf32> to vector<16xf32>
    tpu.vector_store %arg12[%swap3A_513], %swap3A_516 {strides = array<i32>} : memref<128xf32, #tpu.memory_space<vmem>>, vector<16xf32>,
    %get3A_517 = arith.constant 160 : index
    %get3A_518 = tpu.vector_load %arg6[%get3A_517] {strides = array<i32>} : memref<10000xi32, #tpu.memory_space<vmem>>, vector<16xi32>,
    %get3A_519 = vector.shape_cast %get3A_518 : vector<16xi32> to vector<16xi32>
    %get3A_520 = arith.constant 160 : index
    %get3A_521 = tpu.vector_load %arg7[%get3A_520] {strides = array<i32>} : memref<10000xi32, #tpu.memory_space<vmem>>, vector<16xi32>,
    %get3A_522 = vector.shape_cast %get3A_521 : vector<16xi32> to vector<16xi32>
    %eq3A_523 = arith.cmpi eq, %get3A_519, %get3A_522 : vector<16xi32>
    %jit3A_524 = arith.constant 10000 : i32
    %broadcast_in_dim3A_525 = vector.broadcast %jit3A_524 : i32 to vector<16xi32>
    %select_n3A_526 = arith.select %eq3A_523, %broadcast_in_dim3A_525, %get3A_522 : vector<16xi1>, vector<16xi32>
    %swap3A_527 = arith.constant 160 : index
    %swap3A_528 = tpu.vector_load %arg8[%swap3A_527] {strides = array<i32>} : memref<10000xi32, #tpu.memory_space<vmem>>, vector<16xi32>,
    %swap3A_529 = vector.shape_cast %swap3A_528 : vector<16xi32> to vector<16xi32>
    %swap3A_530 = vector.shape_cast %select_n3A_526 : vector<16xi32> to vector<16xi32>
    tpu.vector_store %arg8[%swap3A_527], %swap3A_530 {strides = array<i32>} : memref<10000xi32, #tpu.memory_space<vmem>>, vector<16xi32>,
    %swap3A_531 = arith.constant 32 : index
    %swap3A_532 = tpu.vector_load %arg10[%swap3A_531] {strides = array<i32>} : memref<128xi32, #tpu.memory_space<vmem>>, vector<16xi32>,
    %swap3A_533 = vector.shape_cast %swap3A_532 : vector<16xi32> to vector<16xi32>
    %swap3A_534 = vector.shape_cast %get3A_519 : vector<16xi32> to vector<16xi32>
    tpu.vector_store %arg10[%swap3A_531], %swap3A_534 {strides = array<i32>} : memref<128xi32, #tpu.memory_space<vmem>>, vector<16xi32>,
    %jit3A_535 = arith.constant 0.000000e+00 : f32
    %jit3A_536 = arith.constant 1.000000e+00 : f32
    %broadcast_in_dim3A_537 = vector.broadcast %jit3A_535 : f32 to vector<16xf32>
    %broadcast_in_dim3A_538 = vector.broadcast %jit3A_536 : f32 to vector<16xf32>
    %select_n3A_539 = arith.select %eq3A_523, %broadcast_in_dim3A_537, %broadcast_in_dim3A_538 : vector<16xi1>, vector<16xf32>
    %swap3A_540 = arith.constant 32 : index
    %swap3A_541 = tpu.vector_load %arg12[%swap3A_540] {strides = array<i32>} : memref<128xf32, #tpu.memory_space<vmem>>, vector<16xf32>,
    %swap3A_542 = vector.shape_cast %swap3A_541 : vector<16xf32> to vector<16xf32>
    %swap3A_543 = vector.shape_cast %select_n3A_539 : vector<16xf32> to vector<16xf32>
    tpu.vector_store %arg12[%swap3A_540], %swap3A_543 {strides = array<i32>} : memref<128xf32, #tpu.memory_space<vmem>>, vector<16xf32>,
    %get3A_544 = arith.constant 176 : index
    %get3A_545 = tpu.vector_load %arg6[%get3A_544] {strides = array<i32>} : memref<10000xi32, #tpu.memory_space<vmem>>, vector<16xi32>,
    %get3A_546 = vector.shape_cast %get3A_545 : vector<16xi32> to vector<16xi32>
    %get3A_547 = arith.constant 176 : index
    %get3A_548 = tpu.vector_load %arg7[%get3A_547] {strides = array<i32>} : memref<10000xi32, #tpu.memory_space<vmem>>, vector<16xi32>,
    %get3A_549 = vector.shape_cast %get3A_548 : vector<16xi32> to vector<16xi32>
    %eq3A_550 = arith.cmpi eq, %get3A_546, %get3A_549 : vector<16xi32>
    %jit3A_551 = arith.constant 10000 : i32
    %broadcast_in_dim3A_552 = vector.broadcast %jit3A_551 : i32 to vector<16xi32>
    %select_n3A_553 = arith.select %eq3A_550, %broadcast_in_dim3A_552, %get3A_549 : vector<16xi1>, vector<16xi32>
    %swap3A_554 = arith.constant 176 : index
    %swap3A_555 = tpu.vector_load %arg8[%swap3A_554] {strides = array<i32>} : memref<10000xi32, #tpu.memory_space<vmem>>, vector<16xi32>,
    %swap3A_556 = vector.shape_cast %swap3A_555 : vector<16xi32> to vector<16xi32>
    %swap3A_557 = vector.shape_cast %select_n3A_553 : vector<16xi32> to vector<16xi32>
    tpu.vector_store %arg8[%swap3A_554], %swap3A_557 {strides = array<i32>} : memref<10000xi32, #tpu.memory_space<vmem>>, vector<16xi32>,
    %swap3A_558 = arith.constant 48 : index
    %swap3A_559 = tpu.vector_load %arg10[%swap3A_558] {strides = array<i32>} : memref<128xi32, #tpu.memory_space<vmem>>, vector<16xi32>,
    %swap3A_560 = vector.shape_cast %swap3A_559 : vector<16xi32> to vector<16xi32>
    %swap3A_561 = vector.shape_cast %get3A_546 : vector<16xi32> to vector<16xi32>
    tpu.vector_store %arg10[%swap3A_558], %swap3A_561 {strides = array<i32>} : memref<128xi32, #tpu.memory_space<vmem>>, vector<16xi32>,
    %jit3A_562 = arith.constant 0.000000e+00 : f32
    %jit3A_563 = arith.constant 1.000000e+00 : f32
    %broadcast_in_dim3A_564 = vector.broadcast %jit3A_562 : f32 to vector<16xf32>
    %broadcast_in_dim3A_565 = vector.broadcast %jit3A_563 : f32 to vector<16xf32>
    %select_n3A_566 = arith.select %eq3A_550, %broadcast_in_dim3A_564, %broadcast_in_dim3A_565 : vector<16xi1>, vector<16xf32>
    %swap3A_567 = arith.constant 48 : index
    %swap3A_568 = tpu.vector_load %arg12[%swap3A_567] {strides = array<i32>} : memref<128xf32, #tpu.memory_space<vmem>>, vector<16xf32>,
    %swap3A_569 = vector.shape_cast %swap3A_568 : vector<16xf32> to vector<16xf32>
    %swap3A_570 = vector.shape_cast %select_n3A_566 : vector<16xf32> to vector<16xf32>
    tpu.vector_store %arg12[%swap3A_567], %swap3A_570 {strides = array<i32>} : memref<128xf32, #tpu.memory_space<vmem>>, vector<16xf32>,
    %get3A_571 = arith.constant 192 : index
    %get3A_572 = tpu.vector_load %arg6[%get3A_571] {strides = array<i32>} : memref<10000xi32, #tpu.memory_space<vmem>>, vector<16xi32>,
    %get3A_573 = vector.shape_cast %get3A_572 : vector<16xi32> to vector<16xi32>
    %get3A_574 = arith.constant 192 : index
    %get3A_575 = tpu.vector_load %arg7[%get3A_574] {strides = array<i32>} : memref<10000xi32, #tpu.memory_space<vmem>>, vector<16xi32>,
    %get3A_576 = vector.shape_cast %get3A_575 : vector<16xi32> to vector<16xi32>
    %eq3A_577 = arith.cmpi eq, %get3A_573, %get3A_576 : vector<16xi32>
    %jit3A_578 = arith.constant 10000 : i32
    %broadcast_in_dim3A_579 = vector.broadcast %jit3A_578 : i32 to vector<16xi32>
    %select_n3A_580 = arith.select %eq3A_577, %broadcast_in_dim3A_579, %get3A_576 : vector<16xi1>, vector<16xi32>
    %swap3A_581 = arith.constant 192 : index
    %swap3A_582 = tpu.vector_load %arg8[%swap3A_581] {strides = array<i32>} : memref<10000xi32, #tpu.memory_space<vmem>>, vector<16xi32>,
    %swap3A_583 = vector.shape_cast %swap3A_582 : vector<16xi32> to vector<16xi32>
    %swap3A_584 = vector.shape_cast %select_n3A_580 : vector<16xi32> to vector<16xi32>
    tpu.vector_store %arg8[%swap3A_581], %swap3A_584 {strides = array<i32>} : memref<10000xi32, #tpu.memory_space<vmem>>, vector<16xi32>,
    %swap3A_585 = arith.constant 64 : index
    %swap3A_586 = tpu.vector_load %arg10[%swap3A_585] {strides = array<i32>} : memref<128xi32, #tpu.memory_space<vmem>>, vector<16xi32>,
    %swap3A_587 = vector.shape_cast %swap3A_586 : vector<16xi32> to vector<16xi32>
    %swap3A_588 = vector.shape_cast %get3A_573 : vector<16xi32> to vector<16xi32>
    tpu.vector_store %arg10[%swap3A_585], %swap3A_588 {strides = array<i32>} : memref<128xi32, #tpu.memory_space<vmem>>, vector<16xi32>,
    %jit3A_589 = arith.constant 0.000000e+00 : f32
    %jit3A_590 = arith.constant 1.000000e+00 : f32
    %broadcast_in_dim3A_591 = vector.broadcast %jit3A_589 : f32 to vector<16xf32>
    %broadcast_in_dim3A_592 = vector.broadcast %jit3A_590 : f32 to vector<16xf32>
    %select_n3A_593 = arith.select %eq3A_577, %broadcast_in_dim3A_591, %broadcast_in_dim3A_592 : vector<16xi1>, vector<16xf32>
    %swap3A_594 = arith.constant 64 : index
    %swap3A_595 = tpu.vector_load %arg12[%swap3A_594] {strides = array<i32>} : memref<128xf32, #tpu.memory_space<vmem>>, vector<16xf32>,
    %swap3A_596 = vector.shape_cast %swap3A_595 : vector<16xf32> to vector<16xf32>
    %swap3A_597 = vector.shape_cast %select_n3A_593 : vector<16xf32> to vector<16xf32>
    tpu.vector_store %arg12[%swap3A_594], %swap3A_597 {strides = array<i32>} : memref<128xf32, #tpu.memory_space<vmem>>, vector<16xf32>,
    %get3A_598 = arith.constant 208 : index
    %get3A_599 = tpu.vector_load %arg6[%get3A_598] {strides = array<i32>} : memref<10000xi32, #tpu.memory_space<vmem>>, vector<16xi32>,
    %get3A_600 = vector.shape_cast %get3A_599 : vector<16xi32> to vector<16xi32>
    %get3A_601 = arith.constant 208 : index
    %get3A_602 = tpu.vector_load %arg7[%get3A_601] {strides = array<i32>} : memref<10000xi32, #tpu.memory_space<vmem>>, vector<16xi32>,
    %get3A_603 = vector.shape_cast %get3A_602 : vector<16xi32> to vector<16xi32>
    %eq3A_604 = arith.cmpi eq, %get3A_600, %get3A_603 : vector<16xi32>
    %jit3A_605 = arith.constant 10000 : i32
    %broadcast_in_dim3A_606 = vector.broadcast %jit3A_605 : i32 to vector<16xi32>
    %select_n3A_607 = arith.select %eq3A_604, %broadcast_in_dim3A_606, %get3A_603 : vector<16xi1>, vector<16xi32>
    %swap3A_608 = arith.constant 208 : index
    %swap3A_609 = tpu.vector_load %arg8[%swap3A_608] {strides = array<i32>} : memref<10000xi32, #tpu.memory_space<vmem>>, vector<16xi32>,
    %swap3A_610 = vector.shape_cast %swap3A_609 : vector<16xi32> to vector<16xi32>
    %swap3A_611 = vector.shape_cast %select_n3A_607 : vector<16xi32> to vector<16xi32>
    tpu.vector_store %arg8[%swap3A_608], %swap3A_611 {strides = array<i32>} : memref<10000xi32, #tpu.memory_space<vmem>>, vector<16xi32>,
    %swap3A_612 = arith.constant 80 : index
    %swap3A_613 = tpu.vector_load %arg10[%swap3A_612] {strides = array<i32>} : memref<128xi32, #tpu.memory_space<vmem>>, vector<16xi32>,
    %swap3A_614 = vector.shape_cast %swap3A_613 : vector<16xi32> to vector<16xi32>
    %swap3A_615 = vector.shape_cast %get3A_600 : vector<16xi32> to vector<16xi32>
    tpu.vector_store %arg10[%swap3A_612], %swap3A_615 {strides = array<i32>} : memref<128xi32, #tpu.memory_space<vmem>>, vector<16xi32>,
    %jit3A_616 = arith.constant 0.000000e+00 : f32
    %jit3A_617 = arith.constant 1.000000e+00 : f32
    %broadcast_in_dim3A_618 = vector.broadcast %jit3A_616 : f32 to vector<16xf32>
    %broadcast_in_dim3A_619 = vector.broadcast %jit3A_617 : f32 to vector<16xf32>
    %select_n3A_620 = arith.select %eq3A_604, %broadcast_in_dim3A_618, %broadcast_in_dim3A_619 : vector<16xi1>, vector<16xf32>
    %swap3A_621 = arith.constant 80 : index
    %swap3A_622 = tpu.vector_load %arg12[%swap3A_621] {strides = array<i32>} : memref<128xf32, #tpu.memory_space<vmem>>, vector<16xf32>,
    %swap3A_623 = vector.shape_cast %swap3A_622 : vector<16xf32> to vector<16xf32>
    %swap3A_624 = vector.shape_cast %select_n3A_620 : vector<16xf32> to vector<16xf32>
    tpu.vector_store %arg12[%swap3A_621], %swap3A_624 {strides = array<i32>} : memref<128xf32, #tpu.memory_space<vmem>>, vector<16xf32>,
    %get3A_625 = arith.constant 224 : index
    %get3A_626 = tpu.vector_load %arg6[%get3A_625] {strides = array<i32>} : memref<10000xi32, #tpu.memory_space<vmem>>, vector<16xi32>,
    %get3A_627 = vector.shape_cast %get3A_626 : vector<16xi32> to vector<16xi32>
    %get3A_628 = arith.constant 224 : index
    %get3A_629 = tpu.vector_load %arg7[%get3A_628] {strides = array<i32>} : memref<10000xi32, #tpu.memory_space<vmem>>, vector<16xi32>,
    %get3A_630 = vector.shape_cast %get3A_629 : vector<16xi32> to vector<16xi32>
    %eq3A_631 = arith.cmpi eq, %get3A_627, %get3A_630 : vector<16xi32>
    %jit3A_632 = arith.constant 10000 : i32
    %broadcast_in_dim3A_633 = vector.broadcast %jit3A_632 : i32 to vector<16xi32>
    %select_n3A_634 = arith.select %eq3A_631, %broadcast_in_dim3A_633, %get3A_630 : vector<16xi1>, vector<16xi32>
    %swap3A_635 = arith.constant 224 : index
    %swap3A_636 = tpu.vector_load %arg8[%swap3A_635] {strides = array<i32>} : memref<10000xi32, #tpu.memory_space<vmem>>, vector<16xi32>,
    %swap3A_637 = vector.shape_cast %swap3A_636 : vector<16xi32> to vector<16xi32>
    %swap3A_638 = vector.shape_cast %select_n3A_634 : vector<16xi32> to vector<16xi32>
    tpu.vector_store %arg8[%swap3A_635], %swap3A_638 {strides = array<i32>} : memref<10000xi32, #tpu.memory_space<vmem>>, vector<16xi32>,
    %swap3A_639 = arith.constant 96 : index
    %swap3A_640 = tpu.vector_load %arg10[%swap3A_639] {strides = array<i32>} : memref<128xi32, #tpu.memory_space<vmem>>, vector<16xi32>,
    %swap3A_641 = vector.shape_cast %swap3A_640 : vector<16xi32> to vector<16xi32>
    %swap3A_642 = vector.shape_cast %get3A_627 : vector<16xi32> to vector<16xi32>
    tpu.vector_store %arg10[%swap3A_639], %swap3A_642 {strides = array<i32>} : memref<128xi32, #tpu.memory_space<vmem>>, vector<16xi32>,
    %jit3A_643 = arith.constant 0.000000e+00 : f32
    %jit3A_644 = arith.constant 1.000000e+00 : f32
    %broadcast_in_dim3A_645 = vector.broadcast %jit3A_643 : f32 to vector<16xf32>
    %broadcast_in_dim3A_646 = vector.broadcast %jit3A_644 : f32 to vector<16xf32>
    %select_n3A_647 = arith.select %eq3A_631, %broadcast_in_dim3A_645, %broadcast_in_dim3A_646 : vector<16xi1>, vector<16xf32>
    %swap3A_648 = arith.constant 96 : index
    %swap3A_649 = tpu.vector_load %arg12[%swap3A_648] {strides = array<i32>} : memref<128xf32, #tpu.memory_space<vmem>>, vector<16xf32>,
    %swap3A_650 = vector.shape_cast %swap3A_649 : vector<16xf32> to vector<16xf32>
    %swap3A_651 = vector.shape_cast %select_n3A_647 : vector<16xf32> to vector<16xf32>
    tpu.vector_store %arg12[%swap3A_648], %swap3A_651 {strides = array<i32>} : memref<128xf32, #tpu.memory_space<vmem>>, vector<16xf32>,
    %get3A_652 = arith.constant 240 : index
    %get3A_653 = tpu.vector_load %arg6[%get3A_652] {strides = array<i32>} : memref<10000xi32, #tpu.memory_space<vmem>>, vector<16xi32>,
    %get3A_654 = vector.shape_cast %get3A_653 : vector<16xi32> to vector<16xi32>
    %get3A_655 = arith.constant 240 : index
    %get3A_656 = tpu.vector_load %arg7[%get3A_655] {strides = array<i32>} : memref<10000xi32, #tpu.memory_space<vmem>>, vector<16xi32>,
    %get3A_657 = vector.shape_cast %get3A_656 : vector<16xi32> to vector<16xi32>
    %eq3A_658 = arith.cmpi eq, %get3A_654, %get3A_657 : vector<16xi32>
    %jit3A_659 = arith.constant 10000 : i32
    %broadcast_in_dim3A_660 = vector.broadcast %jit3A_659 : i32 to vector<16xi32>
    %select_n3A_661 = arith.select %eq3A_658, %broadcast_in_dim3A_660, %get3A_657 : vector<16xi1>, vector<16xi32>
    %swap3A_662 = arith.constant 240 : index
    %swap3A_663 = tpu.vector_load %arg8[%swap3A_662] {strides = array<i32>} : memref<10000xi32, #tpu.memory_space<vmem>>, vector<16xi32>,
    %swap3A_664 = vector.shape_cast %swap3A_663 : vector<16xi32> to vector<16xi32>
    %swap3A_665 = vector.shape_cast %select_n3A_661 : vector<16xi32> to vector<16xi32>
    tpu.vector_store %arg8[%swap3A_662], %swap3A_665 {strides = array<i32>} : memref<10000xi32, #tpu.memory_space<vmem>>, vector<16xi32>,
    %swap3A_666 = arith.constant 112 : index
    %swap3A_667 = tpu.vector_load %arg10[%swap3A_666] {strides = array<i32>} : memref<128xi32, #tpu.memory_space<vmem>>, vector<16xi32>,
    %swap3A_668 = vector.shape_cast %swap3A_667 : vector<16xi32> to vector<16xi32>
    %swap3A_669 = vector.shape_cast %get3A_654 : vector<16xi32> to vector<16xi32>
    tpu.vector_store %arg10[%swap3A_666], %swap3A_669 {strides = array<i32>} : memref<128xi32, #tpu.memory_space<vmem>>, vector<16xi32>,
    %jit3A_670 = arith.constant 0.000000e+00 : f32
    %jit3A_671 = arith.constant 1.000000e+00 : f32
    %broadcast_in_dim3A_672 = vector.broadcast %jit3A_670 : f32 to vector<16xf32>
    %broadcast_in_dim3A_673 = vector.broadcast %jit3A_671 : f32 to vector<16xf32>
    %select_n3A_674 = arith.select %eq3A_658, %broadcast_in_dim3A_672, %broadcast_in_dim3A_673 : vector<16xi1>, vector<16xf32>
    %swap3A_675 = arith.constant 112 : index
    %swap3A_676 = tpu.vector_load %arg12[%swap3A_675] {strides = array<i32>} : memref<128xf32, #tpu.memory_space<vmem>>, vector<16xf32>,
    %swap3A_677 = vector.shape_cast %swap3A_676 : vector<16xf32> to vector<16xf32>
    %swap3A_678 = vector.shape_cast %select_n3A_674 : vector<16xf32> to vector<16xf32>
    tpu.vector_store %arg12[%swap3A_675], %swap3A_678 {strides = array<i32>} : memref<128xf32, #tpu.memory_space<vmem>>, vector<16xf32>,
    %dma_start3A_679 = arith.constant 0 : i32
    %dma_start3A_680 = tpu.memref_slice %arg16[%dma_start3A_679] : memref<10240xf32, #tpu.memory_space<vmem_shared>> -> memref<10240xf32, #tpu.memory_space<vmem_shared>>
    tpu.enqueue_indirect_dma source(%arg12 : memref<128xf32, #tpu.memory_space<vmem>>) target(%dma_start3A_680 : memref<10240xf32, #tpu.memory_space<vmem_shared>>) offsets(%arg10 : memref<128xi32, #tpu.memory_space<vmem>>) semaphore(%arg18 : memref<!tpu.dma_semaphore, #tpu.memory_space<semaphore_mem>>) {add = true}
    %scan3A = arith.constant 0 : i32
    %scan3A_681 = arith.constant 0 : i32
    %scan3A_682 = arith.constant 38 : i32
    %scan3A_683 = arith.addi %scan3A_681, %scan3A_682 : i32
    %scan3A_684 = arith.constant 1 : i32
    scf.for %scan3A_725 = %scan3A_681 to %scan3A_683 step %scan3A_684  : i32 {
      %mul3A_726 = arith.constant 2 : i32
      %mul3A_727 = arith.muli %mul3A_726, %scan3A_725 : i32
      %add3A_728 = arith.constant 2 : i32
      %add3A_729 = arith.addi %mul3A_727, %add3A_728 : i32
      %add3A_730 = arith.constant 0 : i32
      %add3A_731 = arith.addi %add3A_729, %add3A_730 : i32
      %dma_wait3A_732 = arith.constant 0 : i32
      %dma_wait3A_733 = tpu.memref_slice %arg16[%dma_wait3A_732] : memref<10240xf32, #tpu.memory_space<vmem_shared>> -> memref<10240xf32, #tpu.memory_space<vmem_shared>>
      tpu.wait_indirect_dma semaphore(%arg17 : memref<!tpu.dma_semaphore, #tpu.memory_space<semaphore_mem>>) src(%arg11 : memref<128xf32, #tpu.memory_space<vmem>>) dst(%dma_wait3A_733 : memref<10240xf32, #tpu.memory_space<vmem_shared>>)
      %mul3A_734 = arith.constant 128 : i32
      %mul3A_735 = arith.muli %add3A_731, %mul3A_734 : i32
      %add3A_736 = arith.constant 0 : i32
      %add3A_737 = arith.addi %mul3A_735, %add3A_736 : i32
      %get3A_738 = arith.index_cast %add3A_737 : i32 to index
      %get3A_739 = tpu.vector_load %arg6[%get3A_738] {strides = array<i32>} : memref<10000xi32, #tpu.memory_space<vmem>>, vector<16xi32>,
      %get3A_740 = vector.shape_cast %get3A_739 : vector<16xi32> to vector<16xi32>
      %get3A_741 = arith.index_cast %add3A_737 : i32 to index
      %get3A_742 = tpu.vector_load %arg7[%get3A_741] {strides = array<i32>} : memref<10000xi32, #tpu.memory_space<vmem>>, vector<16xi32>,
      %get3A_743 = vector.shape_cast %get3A_742 : vector<16xi32> to vector<16xi32>
      %eq3A_744 = arith.cmpi eq, %get3A_740, %get3A_743 : vector<16xi32>
      %jit3A_745 = arith.constant 10000 : i32
      %broadcast_in_dim3A_746 = vector.broadcast %jit3A_745 : i32 to vector<16xi32>
      %select_n3A_747 = arith.select %eq3A_744, %broadcast_in_dim3A_746, %get3A_743 : vector<16xi1>, vector<16xi32>
      %swap3A_748 = arith.index_cast %add3A_737 : i32 to index
      %swap3A_749 = tpu.vector_load %arg8[%swap3A_748] {strides = array<i32>} : memref<10000xi32, #tpu.memory_space<vmem>>, vector<16xi32>,
      %swap3A_750 = vector.shape_cast %swap3A_749 : vector<16xi32> to vector<16xi32>
      %swap3A_751 = vector.shape_cast %select_n3A_747 : vector<16xi32> to vector<16xi32>
      tpu.vector_store %arg8[%swap3A_748], %swap3A_751 {strides = array<i32>} : memref<10000xi32, #tpu.memory_space<vmem>>, vector<16xi32>,
      %swap3A_752 = arith.constant 0 : index
      %swap3A_753 = tpu.vector_load %arg9[%swap3A_752] {strides = array<i32>} : memref<128xi32, #tpu.memory_space<vmem>>, vector<16xi32>,
      %swap3A_754 = vector.shape_cast %swap3A_753 : vector<16xi32> to vector<16xi32>
      %swap3A_755 = vector.shape_cast %get3A_740 : vector<16xi32> to vector<16xi32>
      tpu.vector_store %arg9[%swap3A_752], %swap3A_755 {strides = array<i32>} : memref<128xi32, #tpu.memory_space<vmem>>, vector<16xi32>,
      %jit3A_756 = arith.constant 0.000000e+00 : f32
      %jit3A_757 = arith.constant 1.000000e+00 : f32
      %broadcast_in_dim3A_758 = vector.broadcast %jit3A_756 : f32 to vector<16xf32>
      %broadcast_in_dim3A_759 = vector.broadcast %jit3A_757 : f32 to vector<16xf32>
      %select_n3A_760 = arith.select %eq3A_744, %broadcast_in_dim3A_758, %broadcast_in_dim3A_759 : vector<16xi1>, vector<16xf32>
      %swap3A_761 = arith.constant 0 : index
      %swap3A_762 = tpu.vector_load %arg11[%swap3A_761] {strides = array<i32>} : memref<128xf32, #tpu.memory_space<vmem>>, vector<16xf32>,
      %swap3A_763 = vector.shape_cast %swap3A_762 : vector<16xf32> to vector<16xf32>
      %swap3A_764 = vector.shape_cast %select_n3A_760 : vector<16xf32> to vector<16xf32>
      tpu.vector_store %arg11[%swap3A_761], %swap3A_764 {strides = array<i32>} : memref<128xf32, #tpu.memory_space<vmem>>, vector<16xf32>,
      %add3A_765 = arith.constant 16 : i32
      %add3A_766 = arith.addi %mul3A_735, %add3A_765 : i32
      %get3A_767 = arith.index_cast %add3A_766 : i32 to index
      %get3A_768 = tpu.vector_load %arg6[%get3A_767] {strides = array<i32>} : memref<10000xi32, #tpu.memory_space<vmem>>, vector<16xi32>,
      %get3A_769 = vector.shape_cast %get3A_768 : vector<16xi32> to vector<16xi32>
      %get3A_770 = arith.index_cast %add3A_766 : i32 to index
      %get3A_771 = tpu.vector_load %arg7[%get3A_770] {strides = array<i32>} : memref<10000xi32, #tpu.memory_space<vmem>>, vector<16xi32>,
      %get3A_772 = vector.shape_cast %get3A_771 : vector<16xi32> to vector<16xi32>
      %eq3A_773 = arith.cmpi eq, %get3A_769, %get3A_772 : vector<16xi32>
      %jit3A_774 = arith.constant 10000 : i32
      %broadcast_in_dim3A_775 = vector.broadcast %jit3A_774 : i32 to vector<16xi32>
      %select_n3A_776 = arith.select %eq3A_773, %broadcast_in_dim3A_775, %get3A_772 : vector<16xi1>, vector<16xi32>
      %swap3A_777 = arith.index_cast %add3A_766 : i32 to index
      %swap3A_778 = tpu.vector_load %arg8[%swap3A_777] {strides = array<i32>} : memref<10000xi32, #tpu.memory_space<vmem>>, vector<16xi32>,
      %swap3A_779 = vector.shape_cast %swap3A_778 : vector<16xi32> to vector<16xi32>
      %swap3A_780 = vector.shape_cast %select_n3A_776 : vector<16xi32> to vector<16xi32>
      tpu.vector_store %arg8[%swap3A_777], %swap3A_780 {strides = array<i32>} : memref<10000xi32, #tpu.memory_space<vmem>>, vector<16xi32>,
      %swap3A_781 = arith.constant 16 : index
      %swap3A_782 = tpu.vector_load %arg9[%swap3A_781] {strides = array<i32>} : memref<128xi32, #tpu.memory_space<vmem>>, vector<16xi32>,
      %swap3A_783 = vector.shape_cast %swap3A_782 : vector<16xi32> to vector<16xi32>
      %swap3A_784 = vector.shape_cast %get3A_769 : vector<16xi32> to vector<16xi32>
      tpu.vector_store %arg9[%swap3A_781], %swap3A_784 {strides = array<i32>} : memref<128xi32, #tpu.memory_space<vmem>>, vector<16xi32>,
      %jit3A_785 = arith.constant 0.000000e+00 : f32
      %jit3A_786 = arith.constant 1.000000e+00 : f32
      %broadcast_in_dim3A_787 = vector.broadcast %jit3A_785 : f32 to vector<16xf32>
      %broadcast_in_dim3A_788 = vector.broadcast %jit3A_786 : f32 to vector<16xf32>
      %select_n3A_789 = arith.select %eq3A_773, %broadcast_in_dim3A_787, %broadcast_in_dim3A_788 : vector<16xi1>, vector<16xf32>
      %swap3A_790 = arith.constant 16 : index
      %swap3A_791 = tpu.vector_load %arg11[%swap3A_790] {strides = array<i32>} : memref<128xf32, #tpu.memory_space<vmem>>, vector<16xf32>,
      %swap3A_792 = vector.shape_cast %swap3A_791 : vector<16xf32> to vector<16xf32>
      %swap3A_793 = vector.shape_cast %select_n3A_789 : vector<16xf32> to vector<16xf32>
      tpu.vector_store %arg11[%swap3A_790], %swap3A_793 {strides = array<i32>} : memref<128xf32, #tpu.memory_space<vmem>>, vector<16xf32>,
      %add3A_794 = arith.constant 32 : i32
      %add3A_795 = arith.addi %mul3A_735, %add3A_794 : i32
      %get3A_796 = arith.index_cast %add3A_795 : i32 to index
      %get3A_797 = tpu.vector_load %arg6[%get3A_796] {strides = array<i32>} : memref<10000xi32, #tpu.memory_space<vmem>>, vector<16xi32>,
      %get3A_798 = vector.shape_cast %get3A_797 : vector<16xi32> to vector<16xi32>
      %get3A_799 = arith.index_cast %add3A_795 : i32 to index
      %get3A_800 = tpu.vector_load %arg7[%get3A_799] {strides = array<i32>} : memref<10000xi32, #tpu.memory_space<vmem>>, vector<16xi32>,
      %get3A_801 = vector.shape_cast %get3A_800 : vector<16xi32> to vector<16xi32>
      %eq3A_802 = arith.cmpi eq, %get3A_798, %get3A_801 : vector<16xi32>
      %jit3A_803 = arith.constant 10000 : i32
      %broadcast_in_dim3A_804 = vector.broadcast %jit3A_803 : i32 to vector<16xi32>
      %select_n3A_805 = arith.select %eq3A_802, %broadcast_in_dim3A_804, %get3A_801 : vector<16xi1>, vector<16xi32>
      %swap3A_806 = arith.index_cast %add3A_795 : i32 to index
      %swap3A_807 = tpu.vector_load %arg8[%swap3A_806] {strides = array<i32>} : memref<10000xi32, #tpu.memory_space<vmem>>, vector<16xi32>,
      %swap3A_808 = vector.shape_cast %swap3A_807 : vector<16xi32> to vector<16xi32>
      %swap3A_809 = vector.shape_cast %select_n3A_805 : vector<16xi32> to vector<16xi32>
      tpu.vector_store %arg8[%swap3A_806], %swap3A_809 {strides = array<i32>} : memref<10000xi32, #tpu.memory_space<vmem>>, vector<16xi32>,
      %swap3A_810 = arith.constant 32 : index
      %swap3A_811 = tpu.vector_load %arg9[%swap3A_810] {strides = array<i32>} : memref<128xi32, #tpu.memory_space<vmem>>, vector<16xi32>,
      %swap3A_812 = vector.shape_cast %swap3A_811 : vector<16xi32> to vector<16xi32>
      %swap3A_813 = vector.shape_cast %get3A_798 : vector<16xi32> to vector<16xi32>
      tpu.vector_store %arg9[%swap3A_810], %swap3A_813 {strides = array<i32>} : memref<128xi32, #tpu.memory_space<vmem>>, vector<16xi32>,
      %jit3A_814 = arith.constant 0.000000e+00 : f32
      %jit3A_815 = arith.constant 1.000000e+00 : f32
      %broadcast_in_dim3A_816 = vector.broadcast %jit3A_814 : f32 to vector<16xf32>
      %broadcast_in_dim3A_817 = vector.broadcast %jit3A_815 : f32 to vector<16xf32>
      %select_n3A_818 = arith.select %eq3A_802, %broadcast_in_dim3A_816, %broadcast_in_dim3A_817 : vector<16xi1>, vector<16xf32>
      %swap3A_819 = arith.constant 32 : index
      %swap3A_820 = tpu.vector_load %arg11[%swap3A_819] {strides = array<i32>} : memref<128xf32, #tpu.memory_space<vmem>>, vector<16xf32>,
      %swap3A_821 = vector.shape_cast %swap3A_820 : vector<16xf32> to vector<16xf32>
      %swap3A_822 = vector.shape_cast %select_n3A_818 : vector<16xf32> to vector<16xf32>
      tpu.vector_store %arg11[%swap3A_819], %swap3A_822 {strides = array<i32>} : memref<128xf32, #tpu.memory_space<vmem>>, vector<16xf32>,
      %add3A_823 = arith.constant 48 : i32
      %add3A_824 = arith.addi %mul3A_735, %add3A_823 : i32
      %get3A_825 = arith.index_cast %add3A_824 : i32 to index
      %get3A_826 = tpu.vector_load %arg6[%get3A_825] {strides = array<i32>} : memref<10000xi32, #tpu.memory_space<vmem>>, vector<16xi32>,
      %get3A_827 = vector.shape_cast %get3A_826 : vector<16xi32> to vector<16xi32>
      %get3A_828 = arith.index_cast %add3A_824 : i32 to index
      %get3A_829 = tpu.vector_load %arg7[%get3A_828] {strides = array<i32>} : memref<10000xi32, #tpu.memory_space<vmem>>, vector<16xi32>,
      %get3A_830 = vector.shape_cast %get3A_829 : vector<16xi32> to vector<16xi32>
      %eq3A_831 = arith.cmpi eq, %get3A_827, %get3A_830 : vector<16xi32>
      %jit3A_832 = arith.constant 10000 : i32
      %broadcast_in_dim3A_833 = vector.broadcast %jit3A_832 : i32 to vector<16xi32>
      %select_n3A_834 = arith.select %eq3A_831, %broadcast_in_dim3A_833, %get3A_830 : vector<16xi1>, vector<16xi32>
      %swap3A_835 = arith.index_cast %add3A_824 : i32 to index
      %swap3A_836 = tpu.vector_load %arg8[%swap3A_835] {strides = array<i32>} : memref<10000xi32, #tpu.memory_space<vmem>>, vector<16xi32>,
      %swap3A_837 = vector.shape_cast %swap3A_836 : vector<16xi32> to vector<16xi32>
      %swap3A_838 = vector.shape_cast %select_n3A_834 : vector<16xi32> to vector<16xi32>
      tpu.vector_store %arg8[%swap3A_835], %swap3A_838 {strides = array<i32>} : memref<10000xi32, #tpu.memory_space<vmem>>, vector<16xi32>,
      %swap3A_839 = arith.constant 48 : index
      %swap3A_840 = tpu.vector_load %arg9[%swap3A_839] {strides = array<i32>} : memref<128xi32, #tpu.memory_space<vmem>>, vector<16xi32>,
      %swap3A_841 = vector.shape_cast %swap3A_840 : vector<16xi32> to vector<16xi32>
      %swap3A_842 = vector.shape_cast %get3A_827 : vector<16xi32> to vector<16xi32>
      tpu.vector_store %arg9[%swap3A_839], %swap3A_842 {strides = array<i32>} : memref<128xi32, #tpu.memory_space<vmem>>, vector<16xi32>,
      %jit3A_843 = arith.constant 0.000000e+00 : f32
      %jit3A_844 = arith.constant 1.000000e+00 : f32
      %broadcast_in_dim3A_845 = vector.broadcast %jit3A_843 : f32 to vector<16xf32>
      %broadcast_in_dim3A_846 = vector.broadcast %jit3A_844 : f32 to vector<16xf32>
      %select_n3A_847 = arith.select %eq3A_831, %broadcast_in_dim3A_845, %broadcast_in_dim3A_846 : vector<16xi1>, vector<16xf32>
      %swap3A_848 = arith.constant 48 : index
      %swap3A_849 = tpu.vector_load %arg11[%swap3A_848] {strides = array<i32>} : memref<128xf32, #tpu.memory_space<vmem>>, vector<16xf32>,
      %swap3A_850 = vector.shape_cast %swap3A_849 : vector<16xf32> to vector<16xf32>
      %swap3A_851 = vector.shape_cast %select_n3A_847 : vector<16xf32> to vector<16xf32>
      tpu.vector_store %arg11[%swap3A_848], %swap3A_851 {strides = array<i32>} : memref<128xf32, #tpu.memory_space<vmem>>, vector<16xf32>,
      %add3A_852 = arith.constant 64 : i32
      %add3A_853 = arith.addi %mul3A_735, %add3A_852 : i32
      %get3A_854 = arith.index_cast %add3A_853 : i32 to index
      %get3A_855 = tpu.vector_load %arg6[%get3A_854] {strides = array<i32>} : memref<10000xi32, #tpu.memory_space<vmem>>, vector<16xi32>,
      %get3A_856 = vector.shape_cast %get3A_855 : vector<16xi32> to vector<16xi32>
      %get3A_857 = arith.index_cast %add3A_853 : i32 to index
      %get3A_858 = tpu.vector_load %arg7[%get3A_857] {strides = array<i32>} : memref<10000xi32, #tpu.memory_space<vmem>>, vector<16xi32>,
      %get3A_859 = vector.shape_cast %get3A_858 : vector<16xi32> to vector<16xi32>
      %eq3A_860 = arith.cmpi eq, %get3A_856, %get3A_859 : vector<16xi32>
      %jit3A_861 = arith.constant 10000 : i32
      %broadcast_in_dim3A_862 = vector.broadcast %jit3A_861 : i32 to vector<16xi32>
      %select_n3A_863 = arith.select %eq3A_860, %broadcast_in_dim3A_862, %get3A_859 : vector<16xi1>, vector<16xi32>
      %swap3A_864 = arith.index_cast %add3A_853 : i32 to index
      %swap3A_865 = tpu.vector_load %arg8[%swap3A_864] {strides = array<i32>} : memref<10000xi32, #tpu.memory_space<vmem>>, vector<16xi32>,
      %swap3A_866 = vector.shape_cast %swap3A_865 : vector<16xi32> to vector<16xi32>
      %swap3A_867 = vector.shape_cast %select_n3A_863 : vector<16xi32> to vector<16xi32>
      tpu.vector_store %arg8[%swap3A_864], %swap3A_867 {strides = array<i32>} : memref<10000xi32, #tpu.memory_space<vmem>>, vector<16xi32>,
      %swap3A_868 = arith.constant 64 : index
      %swap3A_869 = tpu.vector_load %arg9[%swap3A_868] {strides = array<i32>} : memref<128xi32, #tpu.memory_space<vmem>>, vector<16xi32>,
      %swap3A_870 = vector.shape_cast %swap3A_869 : vector<16xi32> to vector<16xi32>
      %swap3A_871 = vector.shape_cast %get3A_856 : vector<16xi32> to vector<16xi32>
      tpu.vector_store %arg9[%swap3A_868], %swap3A_871 {strides = array<i32>} : memref<128xi32, #tpu.memory_space<vmem>>, vector<16xi32>,
      %jit3A_872 = arith.constant 0.000000e+00 : f32
      %jit3A_873 = arith.constant 1.000000e+00 : f32
      %broadcast_in_dim3A_874 = vector.broadcast %jit3A_872 : f32 to vector<16xf32>
      %broadcast_in_dim3A_875 = vector.broadcast %jit3A_873 : f32 to vector<16xf32>
      %select_n3A_876 = arith.select %eq3A_860, %broadcast_in_dim3A_874, %broadcast_in_dim3A_875 : vector<16xi1>, vector<16xf32>
      %swap3A_877 = arith.constant 64 : index
      %swap3A_878 = tpu.vector_load %arg11[%swap3A_877] {strides = array<i32>} : memref<128xf32, #tpu.memory_space<vmem>>, vector<16xf32>,
      %swap3A_879 = vector.shape_cast %swap3A_878 : vector<16xf32> to vector<16xf32>
      %swap3A_880 = vector.shape_cast %select_n3A_876 : vector<16xf32> to vector<16xf32>
      tpu.vector_store %arg11[%swap3A_877], %swap3A_880 {strides = array<i32>} : memref<128xf32, #tpu.memory_space<vmem>>, vector<16xf32>,
      %add3A_881 = arith.constant 80 : i32
      %add3A_882 = arith.addi %mul3A_735, %add3A_881 : i32
      %get3A_883 = arith.index_cast %add3A_882 : i32 to index
      %get3A_884 = tpu.vector_load %arg6[%get3A_883] {strides = array<i32>} : memref<10000xi32, #tpu.memory_space<vmem>>, vector<16xi32>,
      %get3A_885 = vector.shape_cast %get3A_884 : vector<16xi32> to vector<16xi32>
      %get3A_886 = arith.index_cast %add3A_882 : i32 to index
      %get3A_887 = tpu.vector_load %arg7[%get3A_886] {strides = array<i32>} : memref<10000xi32, #tpu.memory_space<vmem>>, vector<16xi32>,
      %get3A_888 = vector.shape_cast %get3A_887 : vector<16xi32> to vector<16xi32>
      %eq3A_889 = arith.cmpi eq, %get3A_885, %get3A_888 : vector<16xi32>
      %jit3A_890 = arith.constant 10000 : i32
      %broadcast_in_dim3A_891 = vector.broadcast %jit3A_890 : i32 to vector<16xi32>
      %select_n3A_892 = arith.select %eq3A_889, %broadcast_in_dim3A_891, %get3A_888 : vector<16xi1>, vector<16xi32>
      %swap3A_893 = arith.index_cast %add3A_882 : i32 to index
      %swap3A_894 = tpu.vector_load %arg8[%swap3A_893] {strides = array<i32>} : memref<10000xi32, #tpu.memory_space<vmem>>, vector<16xi32>,
      %swap3A_895 = vector.shape_cast %swap3A_894 : vector<16xi32> to vector<16xi32>
      %swap3A_896 = vector.shape_cast %select_n3A_892 : vector<16xi32> to vector<16xi32>
      tpu.vector_store %arg8[%swap3A_893], %swap3A_896 {strides = array<i32>} : memref<10000xi32, #tpu.memory_space<vmem>>, vector<16xi32>,
      %swap3A_897 = arith.constant 80 : index
      %swap3A_898 = tpu.vector_load %arg9[%swap3A_897] {strides = array<i32>} : memref<128xi32, #tpu.memory_space<vmem>>, vector<16xi32>,
      %swap3A_899 = vector.shape_cast %swap3A_898 : vector<16xi32> to vector<16xi32>
      %swap3A_900 = vector.shape_cast %get3A_885 : vector<16xi32> to vector<16xi32>
      tpu.vector_store %arg9[%swap3A_897], %swap3A_900 {strides = array<i32>} : memref<128xi32, #tpu.memory_space<vmem>>, vector<16xi32>,
      %jit3A_901 = arith.constant 0.000000e+00 : f32
      %jit3A_902 = arith.constant 1.000000e+00 : f32
      %broadcast_in_dim3A_903 = vector.broadcast %jit3A_901 : f32 to vector<16xf32>
      %broadcast_in_dim3A_904 = vector.broadcast %jit3A_902 : f32 to vector<16xf32>
      %select_n3A_905 = arith.select %eq3A_889, %broadcast_in_dim3A_903, %broadcast_in_dim3A_904 : vector<16xi1>, vector<16xf32>
      %swap3A_906 = arith.constant 80 : index
      %swap3A_907 = tpu.vector_load %arg11[%swap3A_906] {strides = array<i32>} : memref<128xf32, #tpu.memory_space<vmem>>, vector<16xf32>,
      %swap3A_908 = vector.shape_cast %swap3A_907 : vector<16xf32> to vector<16xf32>
      %swap3A_909 = vector.shape_cast %select_n3A_905 : vector<16xf32> to vector<16xf32>
      tpu.vector_store %arg11[%swap3A_906], %swap3A_909 {strides = array<i32>} : memref<128xf32, #tpu.memory_space<vmem>>, vector<16xf32>,
      %add3A_910 = arith.constant 96 : i32
      %add3A_911 = arith.addi %mul3A_735, %add3A_910 : i32
      %get3A_912 = arith.index_cast %add3A_911 : i32 to index
      %get3A_913 = tpu.vector_load %arg6[%get3A_912] {strides = array<i32>} : memref<10000xi32, #tpu.memory_space<vmem>>, vector<16xi32>,
      %get3A_914 = vector.shape_cast %get3A_913 : vector<16xi32> to vector<16xi32>
      %get3A_915 = arith.index_cast %add3A_911 : i32 to index
      %get3A_916 = tpu.vector_load %arg7[%get3A_915] {strides = array<i32>} : memref<10000xi32, #tpu.memory_space<vmem>>, vector<16xi32>,
      %get3A_917 = vector.shape_cast %get3A_916 : vector<16xi32> to vector<16xi32>
      %eq3A_918 = arith.cmpi eq, %get3A_914, %get3A_917 : vector<16xi32>
      %jit3A_919 = arith.constant 10000 : i32
      %broadcast_in_dim3A_920 = vector.broadcast %jit3A_919 : i32 to vector<16xi32>
      %select_n3A_921 = arith.select %eq3A_918, %broadcast_in_dim3A_920, %get3A_917 : vector<16xi1>, vector<16xi32>
      %swap3A_922 = arith.index_cast %add3A_911 : i32 to index
      %swap3A_923 = tpu.vector_load %arg8[%swap3A_922] {strides = array<i32>} : memref<10000xi32, #tpu.memory_space<vmem>>, vector<16xi32>,
      %swap3A_924 = vector.shape_cast %swap3A_923 : vector<16xi32> to vector<16xi32>
      %swap3A_925 = vector.shape_cast %select_n3A_921 : vector<16xi32> to vector<16xi32>
      tpu.vector_store %arg8[%swap3A_922], %swap3A_925 {strides = array<i32>} : memref<10000xi32, #tpu.memory_space<vmem>>, vector<16xi32>,
      %swap3A_926 = arith.constant 96 : index
      %swap3A_927 = tpu.vector_load %arg9[%swap3A_926] {strides = array<i32>} : memref<128xi32, #tpu.memory_space<vmem>>, vector<16xi32>,
      %swap3A_928 = vector.shape_cast %swap3A_927 : vector<16xi32> to vector<16xi32>
      %swap3A_929 = vector.shape_cast %get3A_914 : vector<16xi32> to vector<16xi32>
      tpu.vector_store %arg9[%swap3A_926], %swap3A_929 {strides = array<i32>} : memref<128xi32, #tpu.memory_space<vmem>>, vector<16xi32>,
      %jit3A_930 = arith.constant 0.000000e+00 : f32
      %jit3A_931 = arith.constant 1.000000e+00 : f32
      %broadcast_in_dim3A_932 = vector.broadcast %jit3A_930 : f32 to vector<16xf32>
      %broadcast_in_dim3A_933 = vector.broadcast %jit3A_931 : f32 to vector<16xf32>
      %select_n3A_934 = arith.select %eq3A_918, %broadcast_in_dim3A_932, %broadcast_in_dim3A_933 : vector<16xi1>, vector<16xf32>
      %swap3A_935 = arith.constant 96 : index
      %swap3A_936 = tpu.vector_load %arg11[%swap3A_935] {strides = array<i32>} : memref<128xf32, #tpu.memory_space<vmem>>, vector<16xf32>,
      %swap3A_937 = vector.shape_cast %swap3A_936 : vector<16xf32> to vector<16xf32>
      %swap3A_938 = vector.shape_cast %select_n3A_934 : vector<16xf32> to vector<16xf32>
      tpu.vector_store %arg11[%swap3A_935], %swap3A_938 {strides = array<i32>} : memref<128xf32, #tpu.memory_space<vmem>>, vector<16xf32>,
      %add3A_939 = arith.constant 112 : i32
      %add3A_940 = arith.addi %mul3A_735, %add3A_939 : i32
      %get3A_941 = arith.index_cast %add3A_940 : i32 to index
      %get3A_942 = tpu.vector_load %arg6[%get3A_941] {strides = array<i32>} : memref<10000xi32, #tpu.memory_space<vmem>>, vector<16xi32>,
      %get3A_943 = vector.shape_cast %get3A_942 : vector<16xi32> to vector<16xi32>
      %get3A_944 = arith.index_cast %add3A_940 : i32 to index
      %get3A_945 = tpu.vector_load %arg7[%get3A_944] {strides = array<i32>} : memref<10000xi32, #tpu.memory_space<vmem>>, vector<16xi32>,
      %get3A_946 = vector.shape_cast %get3A_945 : vector<16xi32> to vector<16xi32>
      %eq3A_947 = arith.cmpi eq, %get3A_943, %get3A_946 : vector<16xi32>
      %jit3A_948 = arith.constant 10000 : i32
      %broadcast_in_dim3A_949 = vector.broadcast %jit3A_948 : i32 to vector<16xi32>
      %select_n3A_950 = arith.select %eq3A_947, %broadcast_in_dim3A_949, %get3A_946 : vector<16xi1>, vector<16xi32>
      %swap3A_951 = arith.index_cast %add3A_940 : i32 to index
      %swap3A_952 = tpu.vector_load %arg8[%swap3A_951] {strides = array<i32>} : memref<10000xi32, #tpu.memory_space<vmem>>, vector<16xi32>,
      %swap3A_953 = vector.shape_cast %swap3A_952 : vector<16xi32> to vector<16xi32>
      %swap3A_954 = vector.shape_cast %select_n3A_950 : vector<16xi32> to vector<16xi32>
      tpu.vector_store %arg8[%swap3A_951], %swap3A_954 {strides = array<i32>} : memref<10000xi32, #tpu.memory_space<vmem>>, vector<16xi32>,
      %swap3A_955 = arith.constant 112 : index
      %swap3A_956 = tpu.vector_load %arg9[%swap3A_955] {strides = array<i32>} : memref<128xi32, #tpu.memory_space<vmem>>, vector<16xi32>,
      %swap3A_957 = vector.shape_cast %swap3A_956 : vector<16xi32> to vector<16xi32>
      %swap3A_958 = vector.shape_cast %get3A_943 : vector<16xi32> to vector<16xi32>
      tpu.vector_store %arg9[%swap3A_955], %swap3A_958 {strides = array<i32>} : memref<128xi32, #tpu.memory_space<vmem>>, vector<16xi32>,
      %jit3A_959 = arith.constant 0.000000e+00 : f32
      %jit3A_960 = arith.constant 1.000000e+00 : f32
      %broadcast_in_dim3A_961 = vector.broadcast %jit3A_959 : f32 to vector<16xf32>
      %broadcast_in_dim3A_962 = vector.broadcast %jit3A_960 : f32 to vector<16xf32>
      %select_n3A_963 = arith.select %eq3A_947, %broadcast_in_dim3A_961, %broadcast_in_dim3A_962 : vector<16xi1>, vector<16xf32>
      %swap3A_964 = arith.constant 112 : index
      %swap3A_965 = tpu.vector_load %arg11[%swap3A_964] {strides = array<i32>} : memref<128xf32, #tpu.memory_space<vmem>>, vector<16xf32>,
      %swap3A_966 = vector.shape_cast %swap3A_965 : vector<16xf32> to vector<16xf32>
      %swap3A_967 = vector.shape_cast %select_n3A_963 : vector<16xf32> to vector<16xf32>
      tpu.vector_store %arg11[%swap3A_964], %swap3A_967 {strides = array<i32>} : memref<128xf32, #tpu.memory_space<vmem>>, vector<16xf32>,
      %dma_start3A_968 = arith.constant 0 : i32
      %dma_start3A_969 = tpu.memref_slice %arg16[%dma_start3A_968] : memref<10240xf32, #tpu.memory_space<vmem_shared>> -> memref<10240xf32, #tpu.memory_space<vmem_shared>>
      tpu.enqueue_indirect_dma source(%arg11 : memref<128xf32, #tpu.memory_space<vmem>>) target(%dma_start3A_969 : memref<10240xf32, #tpu.memory_space<vmem_shared>>) offsets(%arg9 : memref<128xi32, #tpu.memory_space<vmem>>) semaphore(%arg17 : memref<!tpu.dma_semaphore, #tpu.memory_space<semaphore_mem>>) {add = true}
      %mul3A_970 = arith.constant 2 : i32
      %mul3A_971 = arith.muli %mul3A_970, %scan3A_725 : i32
      %add3A_972 = arith.constant 2 : i32
      %add3A_973 = arith.addi %mul3A_971, %add3A_972 : i32
      %add3A_974 = arith.constant 1 : i32
      %add3A_975 = arith.addi %add3A_973, %add3A_974 : i32
      %dma_wait3A_976 = arith.constant 0 : i32
      %dma_wait3A_977 = tpu.memref_slice %arg16[%dma_wait3A_976] : memref<10240xf32, #tpu.memory_space<vmem_shared>> -> memref<10240xf32, #tpu.memory_space<vmem_shared>>
      tpu.wait_indirect_dma semaphore(%arg18 : memref<!tpu.dma_semaphore, #tpu.memory_space<semaphore_mem>>) src(%arg12 : memref<128xf32, #tpu.memory_space<vmem>>) dst(%dma_wait3A_977 : memref<10240xf32, #tpu.memory_space<vmem_shared>>)
      %mul3A_978 = arith.constant 128 : i32
      %mul3A_979 = arith.muli %add3A_975, %mul3A_978 : i32
      %add3A_980 = arith.constant 0 : i32
      %add3A_981 = arith.addi %mul3A_979, %add3A_980 : i32
      %get3A_982 = arith.index_cast %add3A_981 : i32 to index
      %get3A_983 = tpu.vector_load %arg6[%get3A_982] {strides = array<i32>} : memref<10000xi32, #tpu.memory_space<vmem>>, vector<16xi32>,
      %get3A_984 = vector.shape_cast %get3A_983 : vector<16xi32> to vector<16xi32>
      %get3A_985 = arith.index_cast %add3A_981 : i32 to index
      %get3A_986 = tpu.vector_load %arg7[%get3A_985] {strides = array<i32>} : memref<10000xi32, #tpu.memory_space<vmem>>, vector<16xi32>,
      %get3A_987 = vector.shape_cast %get3A_986 : vector<16xi32> to vector<16xi32>
      %eq3A_988 = arith.cmpi eq, %get3A_984, %get3A_987 : vector<16xi32>
      %jit3A_989 = arith.constant 10000 : i32
      %broadcast_in_dim3A_990 = vector.broadcast %jit3A_989 : i32 to vector<16xi32>
      %select_n3A_991 = arith.select %eq3A_988, %broadcast_in_dim3A_990, %get3A_987 : vector<16xi1>, vector<16xi32>
      %swap3A_992 = arith.index_cast %add3A_981 : i32 to index
      %swap3A_993 = tpu.vector_load %arg8[%swap3A_992] {strides = array<i32>} : memref<10000xi32, #tpu.memory_space<vmem>>, vector<16xi32>,
      %swap3A_994 = vector.shape_cast %swap3A_993 : vector<16xi32> to vector<16xi32>
      %swap3A_995 = vector.shape_cast %select_n3A_991 : vector<16xi32> to vector<16xi32>
      tpu.vector_store %arg8[%swap3A_992], %swap3A_995 {strides = array<i32>} : memref<10000xi32, #tpu.memory_space<vmem>>, vector<16xi32>,
      %swap3A_996 = arith.constant 0 : index
      %swap3A_997 = tpu.vector_load %arg10[%swap3A_996] {strides = array<i32>} : memref<128xi32, #tpu.memory_space<vmem>>, vector<16xi32>,
      %swap3A_998 = vector.shape_cast %swap3A_997 : vector<16xi32> to vector<16xi32>
      %swap3A_999 = vector.shape_cast %get3A_984 : vector<16xi32> to vector<16xi32>
      tpu.vector_store %arg10[%swap3A_996], %swap3A_999 {strides = array<i32>} : memref<128xi32, #tpu.memory_space<vmem>>, vector<16xi32>,
      %jit3A_1000 = arith.constant 0.000000e+00 : f32
      %jit3A_1001 = arith.constant 1.000000e+00 : f32
      %broadcast_in_dim3A_1002 = vector.broadcast %jit3A_1000 : f32 to vector<16xf32>
      %broadcast_in_dim3A_1003 = vector.broadcast %jit3A_1001 : f32 to vector<16xf32>
      %select_n3A_1004 = arith.select %eq3A_988, %broadcast_in_dim3A_1002, %broadcast_in_dim3A_1003 : vector<16xi1>, vector<16xf32>
      %swap3A_1005 = arith.constant 0 : index
      %swap3A_1006 = tpu.vector_load %arg12[%swap3A_1005] {strides = array<i32>} : memref<128xf32, #tpu.memory_space<vmem>>, vector<16xf32>,
      %swap3A_1007 = vector.shape_cast %swap3A_1006 : vector<16xf32> to vector<16xf32>
      %swap3A_1008 = vector.shape_cast %select_n3A_1004 : vector<16xf32> to vector<16xf32>
      tpu.vector_store %arg12[%swap3A_1005], %swap3A_1008 {strides = array<i32>} : memref<128xf32, #tpu.memory_space<vmem>>, vector<16xf32>,
      %add3A_1009 = arith.constant 16 : i32
      %add3A_1010 = arith.addi %mul3A_979, %add3A_1009 : i32
      %get3A_1011 = arith.index_cast %add3A_1010 : i32 to index
      %get3A_1012 = tpu.vector_load %arg6[%get3A_1011] {strides = array<i32>} : memref<10000xi32, #tpu.memory_space<vmem>>, vector<16xi32>,
      %get3A_1013 = vector.shape_cast %get3A_1012 : vector<16xi32> to vector<16xi32>
      %get3A_1014 = arith.index_cast %add3A_1010 : i32 to index
      %get3A_1015 = tpu.vector_load %arg7[%get3A_1014] {strides = array<i32>} : memref<10000xi32, #tpu.memory_space<vmem>>, vector<16xi32>,
      %get3A_1016 = vector.shape_cast %get3A_1015 : vector<16xi32> to vector<16xi32>
      %eq3A_1017 = arith.cmpi eq, %get3A_1013, %get3A_1016 : vector<16xi32>
      %jit3A_1018 = arith.constant 10000 : i32
      %broadcast_in_dim3A_1019 = vector.broadcast %jit3A_1018 : i32 to vector<16xi32>
      %select_n3A_1020 = arith.select %eq3A_1017, %broadcast_in_dim3A_1019, %get3A_1016 : vector<16xi1>, vector<16xi32>
      %swap3A_1021 = arith.index_cast %add3A_1010 : i32 to index
      %swap3A_1022 = tpu.vector_load %arg8[%swap3A_1021] {strides = array<i32>} : memref<10000xi32, #tpu.memory_space<vmem>>, vector<16xi32>,
      %swap3A_1023 = vector.shape_cast %swap3A_1022 : vector<16xi32> to vector<16xi32>
      %swap3A_1024 = vector.shape_cast %select_n3A_1020 : vector<16xi32> to vector<16xi32>
      tpu.vector_store %arg8[%swap3A_1021], %swap3A_1024 {strides = array<i32>} : memref<10000xi32, #tpu.memory_space<vmem>>, vector<16xi32>,
      %swap3A_1025 = arith.constant 16 : index
      %swap3A_1026 = tpu.vector_load %arg10[%swap3A_1025] {strides = array<i32>} : memref<128xi32, #tpu.memory_space<vmem>>, vector<16xi32>,
      %swap3A_1027 = vector.shape_cast %swap3A_1026 : vector<16xi32> to vector<16xi32>
      %swap3A_1028 = vector.shape_cast %get3A_1013 : vector<16xi32> to vector<16xi32>
      tpu.vector_store %arg10[%swap3A_1025], %swap3A_1028 {strides = array<i32>} : memref<128xi32, #tpu.memory_space<vmem>>, vector<16xi32>,
      %jit3A_1029 = arith.constant 0.000000e+00 : f32
      %jit3A_1030 = arith.constant 1.000000e+00 : f32
      %broadcast_in_dim3A_1031 = vector.broadcast %jit3A_1029 : f32 to vector<16xf32>
      %broadcast_in_dim3A_1032 = vector.broadcast %jit3A_1030 : f32 to vector<16xf32>
      %select_n3A_1033 = arith.select %eq3A_1017, %broadcast_in_dim3A_1031, %broadcast_in_dim3A_1032 : vector<16xi1>, vector<16xf32>
      %swap3A_1034 = arith.constant 16 : index
      %swap3A_1035 = tpu.vector_load %arg12[%swap3A_1034] {strides = array<i32>} : memref<128xf32, #tpu.memory_space<vmem>>, vector<16xf32>,
      %swap3A_1036 = vector.shape_cast %swap3A_1035 : vector<16xf32> to vector<16xf32>
      %swap3A_1037 = vector.shape_cast %select_n3A_1033 : vector<16xf32> to vector<16xf32>
      tpu.vector_store %arg12[%swap3A_1034], %swap3A_1037 {strides = array<i32>} : memref<128xf32, #tpu.memory_space<vmem>>, vector<16xf32>,
      %add3A_1038 = arith.constant 32 : i32
      %add3A_1039 = arith.addi %mul3A_979, %add3A_1038 : i32
      %get3A_1040 = arith.index_cast %add3A_1039 : i32 to index
      %get3A_1041 = tpu.vector_load %arg6[%get3A_1040] {strides = array<i32>} : memref<10000xi32, #tpu.memory_space<vmem>>, vector<16xi32>,
      %get3A_1042 = vector.shape_cast %get3A_1041 : vector<16xi32> to vector<16xi32>
      %get3A_1043 = arith.index_cast %add3A_1039 : i32 to index
      %get3A_1044 = tpu.vector_load %arg7[%get3A_1043] {strides = array<i32>} : memref<10000xi32, #tpu.memory_space<vmem>>, vector<16xi32>,
      %get3A_1045 = vector.shape_cast %get3A_1044 : vector<16xi32> to vector<16xi32>
      %eq3A_1046 = arith.cmpi eq, %get3A_1042, %get3A_1045 : vector<16xi32>
      %jit3A_1047 = arith.constant 10000 : i32
      %broadcast_in_dim3A_1048 = vector.broadcast %jit3A_1047 : i32 to vector<16xi32>
      %select_n3A_1049 = arith.select %eq3A_1046, %broadcast_in_dim3A_1048, %get3A_1045 : vector<16xi1>, vector<16xi32>
      %swap3A_1050 = arith.index_cast %add3A_1039 : i32 to index
      %swap3A_1051 = tpu.vector_load %arg8[%swap3A_1050] {strides = array<i32>} : memref<10000xi32, #tpu.memory_space<vmem>>, vector<16xi32>,
      %swap3A_1052 = vector.shape_cast %swap3A_1051 : vector<16xi32> to vector<16xi32>
      %swap3A_1053 = vector.shape_cast %select_n3A_1049 : vector<16xi32> to vector<16xi32>
      tpu.vector_store %arg8[%swap3A_1050], %swap3A_1053 {strides = array<i32>} : memref<10000xi32, #tpu.memory_space<vmem>>, vector<16xi32>,
      %swap3A_1054 = arith.constant 32 : index
      %swap3A_1055 = tpu.vector_load %arg10[%swap3A_1054] {strides = array<i32>} : memref<128xi32, #tpu.memory_space<vmem>>, vector<16xi32>,
      %swap3A_1056 = vector.shape_cast %swap3A_1055 : vector<16xi32> to vector<16xi32>
      %swap3A_1057 = vector.shape_cast %get3A_1042 : vector<16xi32> to vector<16xi32>
      tpu.vector_store %arg10[%swap3A_1054], %swap3A_1057 {strides = array<i32>} : memref<128xi32, #tpu.memory_space<vmem>>, vector<16xi32>,
      %jit3A_1058 = arith.constant 0.000000e+00 : f32
      %jit3A_1059 = arith.constant 1.000000e+00 : f32
      %broadcast_in_dim3A_1060 = vector.broadcast %jit3A_1058 : f32 to vector<16xf32>
      %broadcast_in_dim3A_1061 = vector.broadcast %jit3A_1059 : f32 to vector<16xf32>
      %select_n3A_1062 = arith.select %eq3A_1046, %broadcast_in_dim3A_1060, %broadcast_in_dim3A_1061 : vector<16xi1>, vector<16xf32>
      %swap3A_1063 = arith.constant 32 : index
      %swap3A_1064 = tpu.vector_load %arg12[%swap3A_1063] {strides = array<i32>} : memref<128xf32, #tpu.memory_space<vmem>>, vector<16xf32>,
      %swap3A_1065 = vector.shape_cast %swap3A_1064 : vector<16xf32> to vector<16xf32>
      %swap3A_1066 = vector.shape_cast %select_n3A_1062 : vector<16xf32> to vector<16xf32>
      tpu.vector_store %arg12[%swap3A_1063], %swap3A_1066 {strides = array<i32>} : memref<128xf32, #tpu.memory_space<vmem>>, vector<16xf32>,
      %add3A_1067 = arith.constant 48 : i32
      %add3A_1068 = arith.addi %mul3A_979, %add3A_1067 : i32
      %get3A_1069 = arith.index_cast %add3A_1068 : i32 to index
      %get3A_1070 = tpu.vector_load %arg6[%get3A_1069] {strides = array<i32>} : memref<10000xi32, #tpu.memory_space<vmem>>, vector<16xi32>,
      %get3A_1071 = vector.shape_cast %get3A_1070 : vector<16xi32> to vector<16xi32>
      %get3A_1072 = arith.index_cast %add3A_1068 : i32 to index
      %get3A_1073 = tpu.vector_load %arg7[%get3A_1072] {strides = array<i32>} : memref<10000xi32, #tpu.memory_space<vmem>>, vector<16xi32>,
      %get3A_1074 = vector.shape_cast %get3A_1073 : vector<16xi32> to vector<16xi32>
      %eq3A_1075 = arith.cmpi eq, %get3A_1071, %get3A_1074 : vector<16xi32>
      %jit3A_1076 = arith.constant 10000 : i32
      %broadcast_in_dim3A_1077 = vector.broadcast %jit3A_1076 : i32 to vector<16xi32>
      %select_n3A_1078 = arith.select %eq3A_1075, %broadcast_in_dim3A_1077, %get3A_1074 : vector<16xi1>, vector<16xi32>
      %swap3A_1079 = arith.index_cast %add3A_1068 : i32 to index
      %swap3A_1080 = tpu.vector_load %arg8[%swap3A_1079] {strides = array<i32>} : memref<10000xi32, #tpu.memory_space<vmem>>, vector<16xi32>,
      %swap3A_1081 = vector.shape_cast %swap3A_1080 : vector<16xi32> to vector<16xi32>
      %swap3A_1082 = vector.shape_cast %select_n3A_1078 : vector<16xi32> to vector<16xi32>
      tpu.vector_store %arg8[%swap3A_1079], %swap3A_1082 {strides = array<i32>} : memref<10000xi32, #tpu.memory_space<vmem>>, vector<16xi32>,
      %swap3A_1083 = arith.constant 48 : index
      %swap3A_1084 = tpu.vector_load %arg10[%swap3A_1083] {strides = array<i32>} : memref<128xi32, #tpu.memory_space<vmem>>, vector<16xi32>,
      %swap3A_1085 = vector.shape_cast %swap3A_1084 : vector<16xi32> to vector<16xi32>
      %swap3A_1086 = vector.shape_cast %get3A_1071 : vector<16xi32> to vector<16xi32>
      tpu.vector_store %arg10[%swap3A_1083], %swap3A_1086 {strides = array<i32>} : memref<128xi32, #tpu.memory_space<vmem>>, vector<16xi32>,
      %jit3A_1087 = arith.constant 0.000000e+00 : f32
      %jit3A_1088 = arith.constant 1.000000e+00 : f32
      %broadcast_in_dim3A_1089 = vector.broadcast %jit3A_1087 : f32 to vector<16xf32>
      %broadcast_in_dim3A_1090 = vector.broadcast %jit3A_1088 : f32 to vector<16xf32>
      %select_n3A_1091 = arith.select %eq3A_1075, %broadcast_in_dim3A_1089, %broadcast_in_dim3A_1090 : vector<16xi1>, vector<16xf32>
      %swap3A_1092 = arith.constant 48 : index
      %swap3A_1093 = tpu.vector_load %arg12[%swap3A_1092] {strides = array<i32>} : memref<128xf32, #tpu.memory_space<vmem>>, vector<16xf32>,
      %swap3A_1094 = vector.shape_cast %swap3A_1093 : vector<16xf32> to vector<16xf32>
      %swap3A_1095 = vector.shape_cast %select_n3A_1091 : vector<16xf32> to vector<16xf32>
      tpu.vector_store %arg12[%swap3A_1092], %swap3A_1095 {strides = array<i32>} : memref<128xf32, #tpu.memory_space<vmem>>, vector<16xf32>,
      %add3A_1096 = arith.constant 64 : i32
      %add3A_1097 = arith.addi %mul3A_979, %add3A_1096 : i32
      %get3A_1098 = arith.index_cast %add3A_1097 : i32 to index
      %get3A_1099 = tpu.vector_load %arg6[%get3A_1098] {strides = array<i32>} : memref<10000xi32, #tpu.memory_space<vmem>>, vector<16xi32>,
      %get3A_1100 = vector.shape_cast %get3A_1099 : vector<16xi32> to vector<16xi32>
      %get3A_1101 = arith.index_cast %add3A_1097 : i32 to index
      %get3A_1102 = tpu.vector_load %arg7[%get3A_1101] {strides = array<i32>} : memref<10000xi32, #tpu.memory_space<vmem>>, vector<16xi32>,
      %get3A_1103 = vector.shape_cast %get3A_1102 : vector<16xi32> to vector<16xi32>
      %eq3A_1104 = arith.cmpi eq, %get3A_1100, %get3A_1103 : vector<16xi32>
      %jit3A_1105 = arith.constant 10000 : i32
      %broadcast_in_dim3A_1106 = vector.broadcast %jit3A_1105 : i32 to vector<16xi32>
      %select_n3A_1107 = arith.select %eq3A_1104, %broadcast_in_dim3A_1106, %get3A_1103 : vector<16xi1>, vector<16xi32>
      %swap3A_1108 = arith.index_cast %add3A_1097 : i32 to index
      %swap3A_1109 = tpu.vector_load %arg8[%swap3A_1108] {strides = array<i32>} : memref<10000xi32, #tpu.memory_space<vmem>>, vector<16xi32>,
      %swap3A_1110 = vector.shape_cast %swap3A_1109 : vector<16xi32> to vector<16xi32>
      %swap3A_1111 = vector.shape_cast %select_n3A_1107 : vector<16xi32> to vector<16xi32>
      tpu.vector_store %arg8[%swap3A_1108], %swap3A_1111 {strides = array<i32>} : memref<10000xi32, #tpu.memory_space<vmem>>, vector<16xi32>,
      %swap3A_1112 = arith.constant 64 : index
      %swap3A_1113 = tpu.vector_load %arg10[%swap3A_1112] {strides = array<i32>} : memref<128xi32, #tpu.memory_space<vmem>>, vector<16xi32>,
      %swap3A_1114 = vector.shape_cast %swap3A_1113 : vector<16xi32> to vector<16xi32>
      %swap3A_1115 = vector.shape_cast %get3A_1100 : vector<16xi32> to vector<16xi32>
      tpu.vector_store %arg10[%swap3A_1112], %swap3A_1115 {strides = array<i32>} : memref<128xi32, #tpu.memory_space<vmem>>, vector<16xi32>,
      %jit3A_1116 = arith.constant 0.000000e+00 : f32
      %jit3A_1117 = arith.constant 1.000000e+00 : f32
      %broadcast_in_dim3A_1118 = vector.broadcast %jit3A_1116 : f32 to vector<16xf32>
      %broadcast_in_dim3A_1119 = vector.broadcast %jit3A_1117 : f32 to vector<16xf32>
      %select_n3A_1120 = arith.select %eq3A_1104, %broadcast_in_dim3A_1118, %broadcast_in_dim3A_1119 : vector<16xi1>, vector<16xf32>
      %swap3A_1121 = arith.constant 64 : index
      %swap3A_1122 = tpu.vector_load %arg12[%swap3A_1121] {strides = array<i32>} : memref<128xf32, #tpu.memory_space<vmem>>, vector<16xf32>,
      %swap3A_1123 = vector.shape_cast %swap3A_1122 : vector<16xf32> to vector<16xf32>
      %swap3A_1124 = vector.shape_cast %select_n3A_1120 : vector<16xf32> to vector<16xf32>
      tpu.vector_store %arg12[%swap3A_1121], %swap3A_1124 {strides = array<i32>} : memref<128xf32, #tpu.memory_space<vmem>>, vector<16xf32>,
      %add3A_1125 = arith.constant 80 : i32
      %add3A_1126 = arith.addi %mul3A_979, %add3A_1125 : i32
      %get3A_1127 = arith.index_cast %add3A_1126 : i32 to index
      %get3A_1128 = tpu.vector_load %arg6[%get3A_1127] {strides = array<i32>} : memref<10000xi32, #tpu.memory_space<vmem>>, vector<16xi32>,
      %get3A_1129 = vector.shape_cast %get3A_1128 : vector<16xi32> to vector<16xi32>
      %get3A_1130 = arith.index_cast %add3A_1126 : i32 to index
      %get3A_1131 = tpu.vector_load %arg7[%get3A_1130] {strides = array<i32>} : memref<10000xi32, #tpu.memory_space<vmem>>, vector<16xi32>,
      %get3A_1132 = vector.shape_cast %get3A_1131 : vector<16xi32> to vector<16xi32>
      %eq3A_1133 = arith.cmpi eq, %get3A_1129, %get3A_1132 : vector<16xi32>
      %jit3A_1134 = arith.constant 10000 : i32
      %broadcast_in_dim3A_1135 = vector.broadcast %jit3A_1134 : i32 to vector<16xi32>
      %select_n3A_1136 = arith.select %eq3A_1133, %broadcast_in_dim3A_1135, %get3A_1132 : vector<16xi1>, vector<16xi32>
      %swap3A_1137 = arith.index_cast %add3A_1126 : i32 to index
      %swap3A_1138 = tpu.vector_load %arg8[%swap3A_1137] {strides = array<i32>} : memref<10000xi32, #tpu.memory_space<vmem>>, vector<16xi32>,
      %swap3A_1139 = vector.shape_cast %swap3A_1138 : vector<16xi32> to vector<16xi32>
      %swap3A_1140 = vector.shape_cast %select_n3A_1136 : vector<16xi32> to vector<16xi32>
      tpu.vector_store %arg8[%swap3A_1137], %swap3A_1140 {strides = array<i32>} : memref<10000xi32, #tpu.memory_space<vmem>>, vector<16xi32>,
      %swap3A_1141 = arith.constant 80 : index
      %swap3A_1142 = tpu.vector_load %arg10[%swap3A_1141] {strides = array<i32>} : memref<128xi32, #tpu.memory_space<vmem>>, vector<16xi32>,
      %swap3A_1143 = vector.shape_cast %swap3A_1142 : vector<16xi32> to vector<16xi32>
      %swap3A_1144 = vector.shape_cast %get3A_1129 : vector<16xi32> to vector<16xi32>
      tpu.vector_store %arg10[%swap3A_1141], %swap3A_1144 {strides = array<i32>} : memref<128xi32, #tpu.memory_space<vmem>>, vector<16xi32>,
      %jit3A_1145 = arith.constant 0.000000e+00 : f32
      %jit3A_1146 = arith.constant 1.000000e+00 : f32
      %broadcast_in_dim3A_1147 = vector.broadcast %jit3A_1145 : f32 to vector<16xf32>
      %broadcast_in_dim3A_1148 = vector.broadcast %jit3A_1146 : f32 to vector<16xf32>
      %select_n3A_1149 = arith.select %eq3A_1133, %broadcast_in_dim3A_1147, %broadcast_in_dim3A_1148 : vector<16xi1>, vector<16xf32>
      %swap3A_1150 = arith.constant 80 : index
      %swap3A_1151 = tpu.vector_load %arg12[%swap3A_1150] {strides = array<i32>} : memref<128xf32, #tpu.memory_space<vmem>>, vector<16xf32>,
      %swap3A_1152 = vector.shape_cast %swap3A_1151 : vector<16xf32> to vector<16xf32>
      %swap3A_1153 = vector.shape_cast %select_n3A_1149 : vector<16xf32> to vector<16xf32>
      tpu.vector_store %arg12[%swap3A_1150], %swap3A_1153 {strides = array<i32>} : memref<128xf32, #tpu.memory_space<vmem>>, vector<16xf32>,
      %add3A_1154 = arith.constant 96 : i32
      %add3A_1155 = arith.addi %mul3A_979, %add3A_1154 : i32
      %get3A_1156 = arith.index_cast %add3A_1155 : i32 to index
      %get3A_1157 = tpu.vector_load %arg6[%get3A_1156] {strides = array<i32>} : memref<10000xi32, #tpu.memory_space<vmem>>, vector<16xi32>,
      %get3A_1158 = vector.shape_cast %get3A_1157 : vector<16xi32> to vector<16xi32>
      %get3A_1159 = arith.index_cast %add3A_1155 : i32 to index
      %get3A_1160 = tpu.vector_load %arg7[%get3A_1159] {strides = array<i32>} : memref<10000xi32, #tpu.memory_space<vmem>>, vector<16xi32>,
      %get3A_1161 = vector.shape_cast %get3A_1160 : vector<16xi32> to vector<16xi32>
      %eq3A_1162 = arith.cmpi eq, %get3A_1158, %get3A_1161 : vector<16xi32>
      %jit3A_1163 = arith.constant 10000 : i32
      %broadcast_in_dim3A_1164 = vector.broadcast %jit3A_1163 : i32 to vector<16xi32>
      %select_n3A_1165 = arith.select %eq3A_1162, %broadcast_in_dim3A_1164, %get3A_1161 : vector<16xi1>, vector<16xi32>
      %swap3A_1166 = arith.index_cast %add3A_1155 : i32 to index
      %swap3A_1167 = tpu.vector_load %arg8[%swap3A_1166] {strides = array<i32>} : memref<10000xi32, #tpu.memory_space<vmem>>, vector<16xi32>,
      %swap3A_1168 = vector.shape_cast %swap3A_1167 : vector<16xi32> to vector<16xi32>
      %swap3A_1169 = vector.shape_cast %select_n3A_1165 : vector<16xi32> to vector<16xi32>
      tpu.vector_store %arg8[%swap3A_1166], %swap3A_1169 {strides = array<i32>} : memref<10000xi32, #tpu.memory_space<vmem>>, vector<16xi32>,
      %swap3A_1170 = arith.constant 96 : index
      %swap3A_1171 = tpu.vector_load %arg10[%swap3A_1170] {strides = array<i32>} : memref<128xi32, #tpu.memory_space<vmem>>, vector<16xi32>,
      %swap3A_1172 = vector.shape_cast %swap3A_1171 : vector<16xi32> to vector<16xi32>
      %swap3A_1173 = vector.shape_cast %get3A_1158 : vector<16xi32> to vector<16xi32>
      tpu.vector_store %arg10[%swap3A_1170], %swap3A_1173 {strides = array<i32>} : memref<128xi32, #tpu.memory_space<vmem>>, vector<16xi32>,
      %jit3A_1174 = arith.constant 0.000000e+00 : f32
      %jit3A_1175 = arith.constant 1.000000e+00 : f32
      %broadcast_in_dim3A_1176 = vector.broadcast %jit3A_1174 : f32 to vector<16xf32>
      %broadcast_in_dim3A_1177 = vector.broadcast %jit3A_1175 : f32 to vector<16xf32>
      %select_n3A_1178 = arith.select %eq3A_1162, %broadcast_in_dim3A_1176, %broadcast_in_dim3A_1177 : vector<16xi1>, vector<16xf32>
      %swap3A_1179 = arith.constant 96 : index
      %swap3A_1180 = tpu.vector_load %arg12[%swap3A_1179] {strides = array<i32>} : memref<128xf32, #tpu.memory_space<vmem>>, vector<16xf32>,
      %swap3A_1181 = vector.shape_cast %swap3A_1180 : vector<16xf32> to vector<16xf32>
      %swap3A_1182 = vector.shape_cast %select_n3A_1178 : vector<16xf32> to vector<16xf32>
      tpu.vector_store %arg12[%swap3A_1179], %swap3A_1182 {strides = array<i32>} : memref<128xf32, #tpu.memory_space<vmem>>, vector<16xf32>,
      %add3A_1183 = arith.constant 112 : i32
      %add3A_1184 = arith.addi %mul3A_979, %add3A_1183 : i32
      %get3A_1185 = arith.index_cast %add3A_1184 : i32 to index
      %get3A_1186 = tpu.vector_load %arg6[%get3A_1185] {strides = array<i32>} : memref<10000xi32, #tpu.memory_space<vmem>>, vector<16xi32>,
      %get3A_1187 = vector.shape_cast %get3A_1186 : vector<16xi32> to vector<16xi32>
      %get3A_1188 = arith.index_cast %add3A_1184 : i32 to index
      %get3A_1189 = tpu.vector_load %arg7[%get3A_1188] {strides = array<i32>} : memref<10000xi32, #tpu.memory_space<vmem>>, vector<16xi32>,
      %get3A_1190 = vector.shape_cast %get3A_1189 : vector<16xi32> to vector<16xi32>
      %eq3A_1191 = arith.cmpi eq, %get3A_1187, %get3A_1190 : vector<16xi32>
      %jit3A_1192 = arith.constant 10000 : i32
      %broadcast_in_dim3A_1193 = vector.broadcast %jit3A_1192 : i32 to vector<16xi32>
      %select_n3A_1194 = arith.select %eq3A_1191, %broadcast_in_dim3A_1193, %get3A_1190 : vector<16xi1>, vector<16xi32>
      %swap3A_1195 = arith.index_cast %add3A_1184 : i32 to index
      %swap3A_1196 = tpu.vector_load %arg8[%swap3A_1195] {strides = array<i32>} : memref<10000xi32, #tpu.memory_space<vmem>>, vector<16xi32>,
      %swap3A_1197 = vector.shape_cast %swap3A_1196 : vector<16xi32> to vector<16xi32>
      %swap3A_1198 = vector.shape_cast %select_n3A_1194 : vector<16xi32> to vector<16xi32>
      tpu.vector_store %arg8[%swap3A_1195], %swap3A_1198 {strides = array<i32>} : memref<10000xi32, #tpu.memory_space<vmem>>, vector<16xi32>,
      %swap3A_1199 = arith.constant 112 : index
      %swap3A_1200 = tpu.vector_load %arg10[%swap3A_1199] {strides = array<i32>} : memref<128xi32, #tpu.memory_space<vmem>>, vector<16xi32>,
      %swap3A_1201 = vector.shape_cast %swap3A_1200 : vector<16xi32> to vector<16xi32>
      %swap3A_1202 = vector.shape_cast %get3A_1187 : vector<16xi32> to vector<16xi32>
      tpu.vector_store %arg10[%swap3A_1199], %swap3A_1202 {strides = array<i32>} : memref<128xi32, #tpu.memory_space<vmem>>, vector<16xi32>,
      %jit3A_1203 = arith.constant 0.000000e+00 : f32
      %jit3A_1204 = arith.constant 1.000000e+00 : f32
      %broadcast_in_dim3A_1205 = vector.broadcast %jit3A_1203 : f32 to vector<16xf32>
      %broadcast_in_dim3A_1206 = vector.broadcast %jit3A_1204 : f32 to vector<16xf32>
      %select_n3A_1207 = arith.select %eq3A_1191, %broadcast_in_dim3A_1205, %broadcast_in_dim3A_1206 : vector<16xi1>, vector<16xf32>
      %swap3A_1208 = arith.constant 112 : index
      %swap3A_1209 = tpu.vector_load %arg12[%swap3A_1208] {strides = array<i32>} : memref<128xf32, #tpu.memory_space<vmem>>, vector<16xf32>,
      %swap3A_1210 = vector.shape_cast %swap3A_1209 : vector<16xf32> to vector<16xf32>
      %swap3A_1211 = vector.shape_cast %select_n3A_1207 : vector<16xf32> to vector<16xf32>
      tpu.vector_store %arg12[%swap3A_1208], %swap3A_1211 {strides = array<i32>} : memref<128xf32, #tpu.memory_space<vmem>>, vector<16xf32>,
      %dma_start3A_1212 = arith.constant 0 : i32
      %dma_start3A_1213 = tpu.memref_slice %arg16[%dma_start3A_1212] : memref<10240xf32, #tpu.memory_space<vmem_shared>> -> memref<10240xf32, #tpu.memory_space<vmem_shared>>
      tpu.enqueue_indirect_dma source(%arg12 : memref<128xf32, #tpu.memory_space<vmem>>) target(%dma_start3A_1213 : memref<10240xf32, #tpu.memory_space<vmem_shared>>) offsets(%arg10 : memref<128xi32, #tpu.memory_space<vmem>>) semaphore(%arg18 : memref<!tpu.dma_semaphore, #tpu.memory_space<semaphore_mem>>) {add = true}
    }
    %scan3A_685 = arith.constant 38 : i32
    %dma_wait3A_686 = arith.constant 0 : i32
    %dma_wait3A_687 = tpu.memref_slice %arg16[%dma_wait3A_686] : memref<10240xf32, #tpu.memory_space<vmem_shared>> -> memref<10240xf32, #tpu.memory_space<vmem_shared>>
    tpu.wait_indirect_dma semaphore(%arg17 : memref<!tpu.dma_semaphore, #tpu.memory_space<semaphore_mem>>) src(%arg11 : memref<128xf32, #tpu.memory_space<vmem>>) dst(%dma_wait3A_687 : memref<10240xf32, #tpu.memory_space<vmem_shared>>)
    %dma_wait3A_688 = arith.constant 0 : i32
    %dma_wait3A_689 = tpu.memref_slice %arg16[%dma_wait3A_688] : memref<10240xf32, #tpu.memory_space<vmem_shared>> -> memref<10240xf32, #tpu.memory_space<vmem_shared>>
    tpu.wait_indirect_dma semaphore(%arg18 : memref<!tpu.dma_semaphore, #tpu.memory_space<semaphore_mem>>) src(%arg12 : memref<128xf32, #tpu.memory_space<vmem>>) dst(%dma_wait3A_689 : memref<10240xf32, #tpu.memory_space<vmem_shared>>)
    %get3A_690 = arith.constant 9984 : index
    %get3A_691 = tpu.vector_load %arg6[%get3A_690] {strides = array<i32>} : memref<10000xi32, #tpu.memory_space<vmem>>, vector<16xi32>,
    %get3A_692 = vector.shape_cast %get3A_691 : vector<16xi32> to vector<16xi32>
    %get3A_693 = arith.constant 9984 : index
    %get3A_694 = tpu.vector_load %arg7[%get3A_693] {strides = array<i32>} : memref<10000xi32, #tpu.memory_space<vmem>>, vector<16xi32>,
    %get3A_695 = vector.shape_cast %get3A_694 : vector<16xi32> to vector<16xi32>
    %eq3A_696 = arith.cmpi eq, %get3A_692, %get3A_695 : vector<16xi32>
    %jit3A_697 = arith.constant 10000 : i32
    %broadcast_in_dim3A_698 = vector.broadcast %jit3A_697 : i32 to vector<16xi32>
    %select_n3A_699 = arith.select %eq3A_696, %broadcast_in_dim3A_698, %get3A_695 : vector<16xi1>, vector<16xi32>
    %swap3A_700 = arith.constant 9984 : index
    %swap3A_701 = tpu.vector_load %arg8[%swap3A_700] {strides = array<i32>} : memref<10000xi32, #tpu.memory_space<vmem>>, vector<16xi32>,
    %swap3A_702 = vector.shape_cast %swap3A_701 : vector<16xi32> to vector<16xi32>
    %swap3A_703 = vector.shape_cast %select_n3A_699 : vector<16xi32> to vector<16xi32>
    tpu.vector_store %arg8[%swap3A_700], %swap3A_703 {strides = array<i32>} : memref<10000xi32, #tpu.memory_space<vmem>>, vector<16xi32>,
    %swap3A_704 = arith.constant 0 : index
    %swap3A_705 = tpu.vector_load %arg13[%swap3A_704] {strides = array<i32>} : memref<16xi32, #tpu.memory_space<vmem>>, vector<16xi32>,
    %swap3A_706 = vector.shape_cast %swap3A_705 : vector<16xi32> to vector<16xi32>
    %swap3A_707 = vector.shape_cast %get3A_692 : vector<16xi32> to vector<16xi32>
    tpu.vector_store %arg13[%swap3A_704], %swap3A_707 {strides = array<i32>} : memref<16xi32, #tpu.memory_space<vmem>>, vector<16xi32>,
    %jit3A_708 = arith.constant 0.000000e+00 : f32
    %jit3A_709 = arith.constant 1.000000e+00 : f32
    %broadcast_in_dim3A_710 = vector.broadcast %jit3A_708 : f32 to vector<16xf32>
    %broadcast_in_dim3A_711 = vector.broadcast %jit3A_709 : f32 to vector<16xf32>
    %select_n3A_712 = arith.select %eq3A_696, %broadcast_in_dim3A_710, %broadcast_in_dim3A_711 : vector<16xi1>, vector<16xf32>
    %swap3A_713 = arith.constant 0 : index
    %swap3A_714 = tpu.vector_load %arg14[%swap3A_713] {strides = array<i32>} : memref<16xf32, #tpu.memory_space<vmem>>, vector<16xf32>,
    %swap3A_715 = vector.shape_cast %swap3A_714 : vector<16xf32> to vector<16xf32>
    %swap3A_716 = vector.shape_cast %select_n3A_712 : vector<16xf32> to vector<16xf32>
    tpu.vector_store %arg14[%swap3A_713], %swap3A_716 {strides = array<i32>} : memref<16xf32, #tpu.memory_space<vmem>>, vector<16xf32>,
    "tpu.region"() ({
      %run_scoped3A = tpu.sem_alloc : memref<!tpu.dma_semaphore, #tpu.memory_space<semaphore_mem>>
      %dma_start3A_725 = arith.constant 0 : i32
      %dma_start3A_726 = tpu.memref_slice %arg16[%dma_start3A_725] : memref<10240xf32, #tpu.memory_space<vmem_shared>> -> memref<10240xf32, #tpu.memory_space<vmem_shared>>
      tpu.enqueue_indirect_dma source(%arg14 : memref<16xf32, #tpu.memory_space<vmem>>) target(%dma_start3A_726 : memref<10240xf32, #tpu.memory_space<vmem_shared>>) offsets(%arg13 : memref<16xi32, #tpu.memory_space<vmem>>) semaphore(%run_scoped3A : memref<!tpu.dma_semaphore, #tpu.memory_space<semaphore_mem>>) {add = true}
      %dma_wait3A_727 = arith.constant 0 : i32
      %dma_wait3A_728 = tpu.memref_slice %arg16[%dma_wait3A_727] : memref<10240xf32, #tpu.memory_space<vmem_shared>> -> memref<10240xf32, #tpu.memory_space<vmem_shared>>
      tpu.wait_indirect_dma semaphore(%run_scoped3A : memref<!tpu.dma_semaphore, #tpu.memory_space<semaphore_mem>>) src(%arg14 : memref<16xf32, #tpu.memory_space<vmem>>) dst(%dma_wait3A_728 : memref<10240xf32, #tpu.memory_space<vmem_shared>>)
      tpu.yield
    }) : () -> ()
    "tpu.region"() ({
      %run_scoped3A = tpu.sem_alloc : memref<!tpu.dma_semaphore, #tpu.memory_space<semaphore_mem>>
      %dma_start3A_725 = tpu.memref_slice %arg5[%mul3A_2] : memref<320000xi32, #tpu.memory_space<hbm>> -> memref<10000xi32, #tpu.memory_space<hbm>>
      %dma_start3A_726 = tpu.memref_slice %arg5[%mul3A_2] : memref<320000xi32, #tpu.memory_space<hbm>> -> memref<10000xi32, #tpu.memory_space<hbm>>
      tpu.enqueue_dma source(%arg8 : memref<10000xi32, #tpu.memory_space<vmem>>) target(%dma_start3A_726 : memref<10000xi32, #tpu.memory_space<hbm>>) target_semaphore(%run_scoped3A : memref<!tpu.dma_semaphore, #tpu.memory_space<semaphore_mem>>)
      %dma_wait3A_727 = tpu.memref_slice %arg5[%mul3A_2] : memref<320000xi32, #tpu.memory_space<hbm>> -> memref<10000xi32, #tpu.memory_space<hbm>>
      %dma_wait3A_728 = tpu.memref_slice %arg5[%mul3A_2] : memref<320000xi32, #tpu.memory_space<hbm>> -> memref<10000xi32, #tpu.memory_space<hbm>>
      tpu.wait_dma2 semaphore(%run_scoped3A : memref<!tpu.dma_semaphore, #tpu.memory_space<semaphore_mem>>) src(%arg8 : memref<10000xi32, #tpu.memory_space<vmem>>) dst(%dma_wait3A_728 : memref<10000xi32, #tpu.memory_space<hbm>>)
      tpu.yield
    }) : () -> ()
    %barrier3A_717 = arith.constant 0 : index
    tpu.barrier barrier_id(%barrier3A_717)
    %mul3A_718 = arith.constant 640 : i32
    %mul3A_719 = arith.muli %arg1, %mul3A_718 : i32
    %mul3A_720 = arith.constant 10240 : i32
    %mul3A_721 = arith.muli %arg0, %mul3A_720 : i32
    %mul3A_722 = arith.constant 640 : i32
    %mul3A_723 = arith.muli %arg1, %mul3A_722 : i32
    %add3A_724 = arith.addi %mul3A_721, %mul3A_723 : i32
    "tpu.region"() ({
      %run_scoped3A = tpu.sem_alloc : memref<!tpu.dma_semaphore, #tpu.memory_space<semaphore_mem>>
      %dma_start3A_725 = tpu.memref_slice %arg4[%add3A_724] : memref<20480xf32, #tpu.memory_space<hbm>> -> memref<640xf32, #tpu.memory_space<hbm>>
      %dma_start3A_726 = tpu.memref_slice %arg16[%mul3A_719] : memref<10240xf32, #tpu.memory_space<vmem_shared>> -> memref<640xf32, #tpu.memory_space<vmem_shared>>
      tpu.enqueue_dma source(%dma_start3A_726 : memref<640xf32, #tpu.memory_space<vmem_shared>>) target(%dma_start3A_725 : memref<640xf32, #tpu.memory_space<hbm>>) target_semaphore(%run_scoped3A : memref<!tpu.dma_semaphore, #tpu.memory_space<semaphore_mem>>)
      %dma_wait3A_727 = tpu.memref_slice %arg4[%add3A_724] : memref<20480xf32, #tpu.memory_space<hbm>> -> memref<640xf32, #tpu.memory_space<hbm>>
      %dma_wait3A_728 = tpu.memref_slice %arg16[%mul3A_719] : memref<10240xf32, #tpu.memory_space<vmem_shared>> -> memref<640xf32, #tpu.memory_space<vmem_shared>>
      tpu.wait_dma2 semaphore(%run_scoped3A : memref<!tpu.dma_semaphore, #tpu.memory_space<semaphore_mem>>) src(%dma_wait3A_728 : memref<640xf32, #tpu.memory_space<vmem_shared>>) dst(%dma_wait3A_727 : memref<640xf32, #tpu.memory_space<hbm>>)
      tpu.yield
    }) : () -> ()
    return
  }
}

#map = affine_map<(d0, d1) -> (0, 0)>
#map1 = affine_map<(d0, d1) -> (0)>
module attributes {stable_mosaic.version = 14 : i64} {
  func.func @_spmv(%arg0: i32, %arg1: i32, %arg2: memref<10000x128xf32, #tpu.memory_space<hbm>>, %arg3: memref<320000xi32, #tpu.memory_space<hbm>>, %arg4: memref<320000xi32, #tpu.memory_space<hbm>>, %arg5: memref<20480x128xf32, #tpu.memory_space<hbm>>, %arg6: memref<10000xi32, #tpu.memory_space<vmem>>, %arg7: memref<96xi32, #tpu.memory_space<vmem>>, %arg8: memref<96xi32, #tpu.memory_space<vmem>>, %arg9: memref<96xi32, #tpu.memory_space<vmem>>, %arg10: memref<96x128xf32, #tpu.memory_space<vmem>>, %arg11: memref<96x128xf32, #tpu.memory_space<vmem>>, %arg12: memref<96x128xf32, #tpu.memory_space<vmem>>, %arg13: memref<16xi32, #tpu.memory_space<vmem>>, %arg14: memref<4x128xf32, #tpu.memory_space<vmem>>, %arg15: memref<10240x128xf32, #tpu.memory_space<vmem_shared>>, %arg16: memref<!tpu.dma_semaphore, #tpu.memory_space<semaphore_mem>>, %arg17: memref<!tpu.dma_semaphore, #tpu.memory_space<semaphore_mem>>, %arg18: memref<!tpu.dma_semaphore, #tpu.memory_space<semaphore_mem>>, %arg19: memref<!tpu.dma_semaphore, #tpu.memory_space<semaphore_mem>>, %arg20: memref<!tpu.dma_semaphore, #tpu.memory_space<semaphore_mem>>, %arg21: memref<!tpu.dma_semaphore, #tpu.memory_space<semaphore_mem>>, %arg22: memref<!tpu.dma_semaphore, #tpu.memory_space<semaphore_mem>>, %arg23: memref<!tpu.dma_semaphore, #tpu.memory_space<semaphore_mem>>, %arg24: memref<!tpu.dma_semaphore, #tpu.memory_space<semaphore_mem>>) attributes {dimension_semantics = [#tpu.dimension_semantics<core_parallel>, #tpu.dimension_semantics<subcore_parallel>], iteration_bounds = array<i64: 2, 16>, scalar_prefetch = 0 : i64, scratch_operands = 19 : i64, tpu.core_type = #tpu.core_type<sc_vector_subcore>, window_params = [{transform_indices = #map}, {transform_indices = #map1}, {transform_indices = #map1}, {transform_indices = #map}]} {
    %mul3A = arith.constant 2 : i32
    %mul3A_0 = arith.muli %arg1, %mul3A : i32
    %add3A = arith.addi %mul3A_0, %arg0 : i32
    %mul3A_1 = arith.constant 10000 : i32
    %mul3A_2 = arith.muli %add3A, %mul3A_1 : i32
    %broadcast_in_dim3A = arith.constant 0.000000e+00 : f32
    %broadcast_in_dim3A_3 = vector.broadcast %broadcast_in_dim3A : f32 to vector<16xf32>
    %swap3A = arith.constant 0 : i32
    %swap3A_4 = arith.index_cast %swap3A : i32 to index
    %swap3A_5 = arith.constant 0 : index
    %swap3A_6 = tpu.vector_load %arg14[%swap3A_4, %swap3A_5] {strides = array<i32>} : memref<4x128xf32, #tpu.memory_space<vmem>>, vector<1x16xf32>,
    %swap3A_7 = vector.shape_cast %swap3A_6 : vector<1x16xf32> to vector<16xf32>
    %swap3A_8 = vector.shape_cast %broadcast_in_dim3A_3 : vector<16xf32> to vector<1x16xf32>
    tpu.vector_store %arg14[%swap3A_4, %swap3A_5], %swap3A_8 {strides = array<i32>} : memref<4x128xf32, #tpu.memory_space<vmem>>, vector<1x16xf32>,
    %broadcast_in_dim3A_9 = arith.constant 0.000000e+00 : f32
    %broadcast_in_dim3A_10 = vector.broadcast %broadcast_in_dim3A_9 : f32 to vector<16xf32>
    %swap3A_11 = arith.constant 0 : i32
    %swap3A_12 = arith.index_cast %swap3A_11 : i32 to index
    %swap3A_13 = arith.constant 16 : index
    %swap3A_14 = tpu.vector_load %arg14[%swap3A_12, %swap3A_13] {strides = array<i32>} : memref<4x128xf32, #tpu.memory_space<vmem>>, vector<1x16xf32>,
    %swap3A_15 = vector.shape_cast %swap3A_14 : vector<1x16xf32> to vector<16xf32>
    %swap3A_16 = vector.shape_cast %broadcast_in_dim3A_10 : vector<16xf32> to vector<1x16xf32>
    tpu.vector_store %arg14[%swap3A_12, %swap3A_13], %swap3A_16 {strides = array<i32>} : memref<4x128xf32, #tpu.memory_space<vmem>>, vector<1x16xf32>,
    %broadcast_in_dim3A_17 = arith.constant 0.000000e+00 : f32
    %broadcast_in_dim3A_18 = vector.broadcast %broadcast_in_dim3A_17 : f32 to vector<16xf32>
    %swap3A_19 = arith.constant 0 : i32
    %swap3A_20 = arith.index_cast %swap3A_19 : i32 to index
    %swap3A_21 = arith.constant 32 : index
    %swap3A_22 = tpu.vector_load %arg14[%swap3A_20, %swap3A_21] {strides = array<i32>} : memref<4x128xf32, #tpu.memory_space<vmem>>, vector<1x16xf32>,
    %swap3A_23 = vector.shape_cast %swap3A_22 : vector<1x16xf32> to vector<16xf32>
    %swap3A_24 = vector.shape_cast %broadcast_in_dim3A_18 : vector<16xf32> to vector<1x16xf32>
    tpu.vector_store %arg14[%swap3A_20, %swap3A_21], %swap3A_24 {strides = array<i32>} : memref<4x128xf32, #tpu.memory_space<vmem>>, vector<1x16xf32>,
    %broadcast_in_dim3A_25 = arith.constant 0.000000e+00 : f32
    %broadcast_in_dim3A_26 = vector.broadcast %broadcast_in_dim3A_25 : f32 to vector<16xf32>
    %swap3A_27 = arith.constant 0 : i32
    %swap3A_28 = arith.index_cast %swap3A_27 : i32 to index
    %swap3A_29 = arith.constant 48 : index
    %swap3A_30 = tpu.vector_load %arg14[%swap3A_28, %swap3A_29] {strides = array<i32>} : memref<4x128xf32, #tpu.memory_space<vmem>>, vector<1x16xf32>,
    %swap3A_31 = vector.shape_cast %swap3A_30 : vector<1x16xf32> to vector<16xf32>
    %swap3A_32 = vector.shape_cast %broadcast_in_dim3A_26 : vector<16xf32> to vector<1x16xf32>
    tpu.vector_store %arg14[%swap3A_28, %swap3A_29], %swap3A_32 {strides = array<i32>} : memref<4x128xf32, #tpu.memory_space<vmem>>, vector<1x16xf32>,
    %broadcast_in_dim3A_33 = arith.constant 0.000000e+00 : f32
    %broadcast_in_dim3A_34 = vector.broadcast %broadcast_in_dim3A_33 : f32 to vector<16xf32>
    %swap3A_35 = arith.constant 0 : i32
    %swap3A_36 = arith.index_cast %swap3A_35 : i32 to index
    %swap3A_37 = arith.constant 64 : index
    %swap3A_38 = tpu.vector_load %arg14[%swap3A_36, %swap3A_37] {strides = array<i32>} : memref<4x128xf32, #tpu.memory_space<vmem>>, vector<1x16xf32>,
    %swap3A_39 = vector.shape_cast %swap3A_38 : vector<1x16xf32> to vector<16xf32>
    %swap3A_40 = vector.shape_cast %broadcast_in_dim3A_34 : vector<16xf32> to vector<1x16xf32>
    tpu.vector_store %arg14[%swap3A_36, %swap3A_37], %swap3A_40 {strides = array<i32>} : memref<4x128xf32, #tpu.memory_space<vmem>>, vector<1x16xf32>,
    %broadcast_in_dim3A_41 = arith.constant 0.000000e+00 : f32
    %broadcast_in_dim3A_42 = vector.broadcast %broadcast_in_dim3A_41 : f32 to vector<16xf32>
    %swap3A_43 = arith.constant 0 : i32
    %swap3A_44 = arith.index_cast %swap3A_43 : i32 to index
    %swap3A_45 = arith.constant 80 : index
    %swap3A_46 = tpu.vector_load %arg14[%swap3A_44, %swap3A_45] {strides = array<i32>} : memref<4x128xf32, #tpu.memory_space<vmem>>, vector<1x16xf32>,
    %swap3A_47 = vector.shape_cast %swap3A_46 : vector<1x16xf32> to vector<16xf32>
    %swap3A_48 = vector.shape_cast %broadcast_in_dim3A_42 : vector<16xf32> to vector<1x16xf32>
    tpu.vector_store %arg14[%swap3A_44, %swap3A_45], %swap3A_48 {strides = array<i32>} : memref<4x128xf32, #tpu.memory_space<vmem>>, vector<1x16xf32>,
    %broadcast_in_dim3A_49 = arith.constant 0.000000e+00 : f32
    %broadcast_in_dim3A_50 = vector.broadcast %broadcast_in_dim3A_49 : f32 to vector<16xf32>
    %swap3A_51 = arith.constant 0 : i32
    %swap3A_52 = arith.index_cast %swap3A_51 : i32 to index
    %swap3A_53 = arith.constant 96 : index
    %swap3A_54 = tpu.vector_load %arg14[%swap3A_52, %swap3A_53] {strides = array<i32>} : memref<4x128xf32, #tpu.memory_space<vmem>>, vector<1x16xf32>,
    %swap3A_55 = vector.shape_cast %swap3A_54 : vector<1x16xf32> to vector<16xf32>
    %swap3A_56 = vector.shape_cast %broadcast_in_dim3A_50 : vector<16xf32> to vector<1x16xf32>
    tpu.vector_store %arg14[%swap3A_52, %swap3A_53], %swap3A_56 {strides = array<i32>} : memref<4x128xf32, #tpu.memory_space<vmem>>, vector<1x16xf32>,
    %broadcast_in_dim3A_57 = arith.constant 0.000000e+00 : f32
    %broadcast_in_dim3A_58 = vector.broadcast %broadcast_in_dim3A_57 : f32 to vector<16xf32>
    %swap3A_59 = arith.constant 0 : i32
    %swap3A_60 = arith.index_cast %swap3A_59 : i32 to index
    %swap3A_61 = arith.constant 112 : index
    %swap3A_62 = tpu.vector_load %arg14[%swap3A_60, %swap3A_61] {strides = array<i32>} : memref<4x128xf32, #tpu.memory_space<vmem>>, vector<1x16xf32>,
    %swap3A_63 = vector.shape_cast %swap3A_62 : vector<1x16xf32> to vector<16xf32>
    %swap3A_64 = vector.shape_cast %broadcast_in_dim3A_58 : vector<16xf32> to vector<1x16xf32>
    tpu.vector_store %arg14[%swap3A_60, %swap3A_61], %swap3A_64 {strides = array<i32>} : memref<4x128xf32, #tpu.memory_space<vmem>>, vector<1x16xf32>,
    %broadcast_in_dim3A_65 = arith.constant 0.000000e+00 : f32
    %broadcast_in_dim3A_66 = vector.broadcast %broadcast_in_dim3A_65 : f32 to vector<16xf32>
    %swap3A_67 = arith.constant 1 : i32
    %swap3A_68 = arith.index_cast %swap3A_67 : i32 to index
    %swap3A_69 = arith.constant 0 : index
    %swap3A_70 = tpu.vector_load %arg14[%swap3A_68, %swap3A_69] {strides = array<i32>} : memref<4x128xf32, #tpu.memory_space<vmem>>, vector<1x16xf32>,
    %swap3A_71 = vector.shape_cast %swap3A_70 : vector<1x16xf32> to vector<16xf32>
    %swap3A_72 = vector.shape_cast %broadcast_in_dim3A_66 : vector<16xf32> to vector<1x16xf32>
    tpu.vector_store %arg14[%swap3A_68, %swap3A_69], %swap3A_72 {strides = array<i32>} : memref<4x128xf32, #tpu.memory_space<vmem>>, vector<1x16xf32>,
    %broadcast_in_dim3A_73 = arith.constant 0.000000e+00 : f32
    %broadcast_in_dim3A_74 = vector.broadcast %broadcast_in_dim3A_73 : f32 to vector<16xf32>
    %swap3A_75 = arith.constant 1 : i32
    %swap3A_76 = arith.index_cast %swap3A_75 : i32 to index
    %swap3A_77 = arith.constant 16 : index
    %swap3A_78 = tpu.vector_load %arg14[%swap3A_76, %swap3A_77] {strides = array<i32>} : memref<4x128xf32, #tpu.memory_space<vmem>>, vector<1x16xf32>,
    %swap3A_79 = vector.shape_cast %swap3A_78 : vector<1x16xf32> to vector<16xf32>
    %swap3A_80 = vector.shape_cast %broadcast_in_dim3A_74 : vector<16xf32> to vector<1x16xf32>
    tpu.vector_store %arg14[%swap3A_76, %swap3A_77], %swap3A_80 {strides = array<i32>} : memref<4x128xf32, #tpu.memory_space<vmem>>, vector<1x16xf32>,
    %broadcast_in_dim3A_81 = arith.constant 0.000000e+00 : f32
    %broadcast_in_dim3A_82 = vector.broadcast %broadcast_in_dim3A_81 : f32 to vector<16xf32>
    %swap3A_83 = arith.constant 1 : i32
    %swap3A_84 = arith.index_cast %swap3A_83 : i32 to index
    %swap3A_85 = arith.constant 32 : index
    %swap3A_86 = tpu.vector_load %arg14[%swap3A_84, %swap3A_85] {strides = array<i32>} : memref<4x128xf32, #tpu.memory_space<vmem>>, vector<1x16xf32>,
    %swap3A_87 = vector.shape_cast %swap3A_86 : vector<1x16xf32> to vector<16xf32>
    %swap3A_88 = vector.shape_cast %broadcast_in_dim3A_82 : vector<16xf32> to vector<1x16xf32>
    tpu.vector_store %arg14[%swap3A_84, %swap3A_85], %swap3A_88 {strides = array<i32>} : memref<4x128xf32, #tpu.memory_space<vmem>>, vector<1x16xf32>,
    %broadcast_in_dim3A_89 = arith.constant 0.000000e+00 : f32
    %broadcast_in_dim3A_90 = vector.broadcast %broadcast_in_dim3A_89 : f32 to vector<16xf32>
    %swap3A_91 = arith.constant 1 : i32
    %swap3A_92 = arith.index_cast %swap3A_91 : i32 to index
    %swap3A_93 = arith.constant 48 : index
    %swap3A_94 = tpu.vector_load %arg14[%swap3A_92, %swap3A_93] {strides = array<i32>} : memref<4x128xf32, #tpu.memory_space<vmem>>, vector<1x16xf32>,
    %swap3A_95 = vector.shape_cast %swap3A_94 : vector<1x16xf32> to vector<16xf32>
    %swap3A_96 = vector.shape_cast %broadcast_in_dim3A_90 : vector<16xf32> to vector<1x16xf32>
    tpu.vector_store %arg14[%swap3A_92, %swap3A_93], %swap3A_96 {strides = array<i32>} : memref<4x128xf32, #tpu.memory_space<vmem>>, vector<1x16xf32>,
    %broadcast_in_dim3A_97 = arith.constant 0.000000e+00 : f32
    %broadcast_in_dim3A_98 = vector.broadcast %broadcast_in_dim3A_97 : f32 to vector<16xf32>
    %swap3A_99 = arith.constant 1 : i32
    %swap3A_100 = arith.index_cast %swap3A_99 : i32 to index
    %swap3A_101 = arith.constant 64 : index
    %swap3A_102 = tpu.vector_load %arg14[%swap3A_100, %swap3A_101] {strides = array<i32>} : memref<4x128xf32, #tpu.memory_space<vmem>>, vector<1x16xf32>,
    %swap3A_103 = vector.shape_cast %swap3A_102 : vector<1x16xf32> to vector<16xf32>
    %swap3A_104 = vector.shape_cast %broadcast_in_dim3A_98 : vector<16xf32> to vector<1x16xf32>
    tpu.vector_store %arg14[%swap3A_100, %swap3A_101], %swap3A_104 {strides = array<i32>} : memref<4x128xf32, #tpu.memory_space<vmem>>, vector<1x16xf32>,
    %broadcast_in_dim3A_105 = arith.constant 0.000000e+00 : f32
    %broadcast_in_dim3A_106 = vector.broadcast %broadcast_in_dim3A_105 : f32 to vector<16xf32>
    %swap3A_107 = arith.constant 1 : i32
    %swap3A_108 = arith.index_cast %swap3A_107 : i32 to index
    %swap3A_109 = arith.constant 80 : index
    %swap3A_110 = tpu.vector_load %arg14[%swap3A_108, %swap3A_109] {strides = array<i32>} : memref<4x128xf32, #tpu.memory_space<vmem>>, vector<1x16xf32>,
    %swap3A_111 = vector.shape_cast %swap3A_110 : vector<1x16xf32> to vector<16xf32>
    %swap3A_112 = vector.shape_cast %broadcast_in_dim3A_106 : vector<16xf32> to vector<1x16xf32>
    tpu.vector_store %arg14[%swap3A_108, %swap3A_109], %swap3A_112 {strides = array<i32>} : memref<4x128xf32, #tpu.memory_space<vmem>>, vector<1x16xf32>,
    %broadcast_in_dim3A_113 = arith.constant 0.000000e+00 : f32
    %broadcast_in_dim3A_114 = vector.broadcast %broadcast_in_dim3A_113 : f32 to vector<16xf32>
    %swap3A_115 = arith.constant 1 : i32
    %swap3A_116 = arith.index_cast %swap3A_115 : i32 to index
    %swap3A_117 = arith.constant 96 : index
    %swap3A_118 = tpu.vector_load %arg14[%swap3A_116, %swap3A_117] {strides = array<i32>} : memref<4x128xf32, #tpu.memory_space<vmem>>, vector<1x16xf32>,
    %swap3A_119 = vector.shape_cast %swap3A_118 : vector<1x16xf32> to vector<16xf32>
    %swap3A_120 = vector.shape_cast %broadcast_in_dim3A_114 : vector<16xf32> to vector<1x16xf32>
    tpu.vector_store %arg14[%swap3A_116, %swap3A_117], %swap3A_120 {strides = array<i32>} : memref<4x128xf32, #tpu.memory_space<vmem>>, vector<1x16xf32>,
    %broadcast_in_dim3A_121 = arith.constant 0.000000e+00 : f32
    %broadcast_in_dim3A_122 = vector.broadcast %broadcast_in_dim3A_121 : f32 to vector<16xf32>
    %swap3A_123 = arith.constant 1 : i32
    %swap3A_124 = arith.index_cast %swap3A_123 : i32 to index
    %swap3A_125 = arith.constant 112 : index
    %swap3A_126 = tpu.vector_load %arg14[%swap3A_124, %swap3A_125] {strides = array<i32>} : memref<4x128xf32, #tpu.memory_space<vmem>>, vector<1x16xf32>,
    %swap3A_127 = vector.shape_cast %swap3A_126 : vector<1x16xf32> to vector<16xf32>
    %swap3A_128 = vector.shape_cast %broadcast_in_dim3A_122 : vector<16xf32> to vector<1x16xf32>
    tpu.vector_store %arg14[%swap3A_124, %swap3A_125], %swap3A_128 {strides = array<i32>} : memref<4x128xf32, #tpu.memory_space<vmem>>, vector<1x16xf32>,
    %broadcast_in_dim3A_129 = arith.constant 0.000000e+00 : f32
    %broadcast_in_dim3A_130 = vector.broadcast %broadcast_in_dim3A_129 : f32 to vector<16xf32>
    %swap3A_131 = arith.constant 2 : i32
    %swap3A_132 = arith.index_cast %swap3A_131 : i32 to index
    %swap3A_133 = arith.constant 0 : index
    %swap3A_134 = tpu.vector_load %arg14[%swap3A_132, %swap3A_133] {strides = array<i32>} : memref<4x128xf32, #tpu.memory_space<vmem>>, vector<1x16xf32>,
    %swap3A_135 = vector.shape_cast %swap3A_134 : vector<1x16xf32> to vector<16xf32>
    %swap3A_136 = vector.shape_cast %broadcast_in_dim3A_130 : vector<16xf32> to vector<1x16xf32>
    tpu.vector_store %arg14[%swap3A_132, %swap3A_133], %swap3A_136 {strides = array<i32>} : memref<4x128xf32, #tpu.memory_space<vmem>>, vector<1x16xf32>,
    %broadcast_in_dim3A_137 = arith.constant 0.000000e+00 : f32
    %broadcast_in_dim3A_138 = vector.broadcast %broadcast_in_dim3A_137 : f32 to vector<16xf32>
    %swap3A_139 = arith.constant 2 : i32
    %swap3A_140 = arith.index_cast %swap3A_139 : i32 to index
    %swap3A_141 = arith.constant 16 : index
    %swap3A_142 = tpu.vector_load %arg14[%swap3A_140, %swap3A_141] {strides = array<i32>} : memref<4x128xf32, #tpu.memory_space<vmem>>, vector<1x16xf32>,
    %swap3A_143 = vector.shape_cast %swap3A_142 : vector<1x16xf32> to vector<16xf32>
    %swap3A_144 = vector.shape_cast %broadcast_in_dim3A_138 : vector<16xf32> to vector<1x16xf32>
    tpu.vector_store %arg14[%swap3A_140, %swap3A_141], %swap3A_144 {strides = array<i32>} : memref<4x128xf32, #tpu.memory_space<vmem>>, vector<1x16xf32>,
    %broadcast_in_dim3A_145 = arith.constant 0.000000e+00 : f32
    %broadcast_in_dim3A_146 = vector.broadcast %broadcast_in_dim3A_145 : f32 to vector<16xf32>
    %swap3A_147 = arith.constant 2 : i32
    %swap3A_148 = arith.index_cast %swap3A_147 : i32 to index
    %swap3A_149 = arith.constant 32 : index
    %swap3A_150 = tpu.vector_load %arg14[%swap3A_148, %swap3A_149] {strides = array<i32>} : memref<4x128xf32, #tpu.memory_space<vmem>>, vector<1x16xf32>,
    %swap3A_151 = vector.shape_cast %swap3A_150 : vector<1x16xf32> to vector<16xf32>
    %swap3A_152 = vector.shape_cast %broadcast_in_dim3A_146 : vector<16xf32> to vector<1x16xf32>
    tpu.vector_store %arg14[%swap3A_148, %swap3A_149], %swap3A_152 {strides = array<i32>} : memref<4x128xf32, #tpu.memory_space<vmem>>, vector<1x16xf32>,
    %broadcast_in_dim3A_153 = arith.constant 0.000000e+00 : f32
    %broadcast_in_dim3A_154 = vector.broadcast %broadcast_in_dim3A_153 : f32 to vector<16xf32>
    %swap3A_155 = arith.constant 2 : i32
    %swap3A_156 = arith.index_cast %swap3A_155 : i32 to index
    %swap3A_157 = arith.constant 48 : index
    %swap3A_158 = tpu.vector_load %arg14[%swap3A_156, %swap3A_157] {strides = array<i32>} : memref<4x128xf32, #tpu.memory_space<vmem>>, vector<1x16xf32>,
    %swap3A_159 = vector.shape_cast %swap3A_158 : vector<1x16xf32> to vector<16xf32>
    %swap3A_160 = vector.shape_cast %broadcast_in_dim3A_154 : vector<16xf32> to vector<1x16xf32>
    tpu.vector_store %arg14[%swap3A_156, %swap3A_157], %swap3A_160 {strides = array<i32>} : memref<4x128xf32, #tpu.memory_space<vmem>>, vector<1x16xf32>,
    %broadcast_in_dim3A_161 = arith.constant 0.000000e+00 : f32
    %broadcast_in_dim3A_162 = vector.broadcast %broadcast_in_dim3A_161 : f32 to vector<16xf32>
    %swap3A_163 = arith.constant 2 : i32
    %swap3A_164 = arith.index_cast %swap3A_163 : i32 to index
    %swap3A_165 = arith.constant 64 : index
    %swap3A_166 = tpu.vector_load %arg14[%swap3A_164, %swap3A_165] {strides = array<i32>} : memref<4x128xf32, #tpu.memory_space<vmem>>, vector<1x16xf32>,
    %swap3A_167 = vector.shape_cast %swap3A_166 : vector<1x16xf32> to vector<16xf32>
    %swap3A_168 = vector.shape_cast %broadcast_in_dim3A_162 : vector<16xf32> to vector<1x16xf32>
    tpu.vector_store %arg14[%swap3A_164, %swap3A_165], %swap3A_168 {strides = array<i32>} : memref<4x128xf32, #tpu.memory_space<vmem>>, vector<1x16xf32>,
    %broadcast_in_dim3A_169 = arith.constant 0.000000e+00 : f32
    %broadcast_in_dim3A_170 = vector.broadcast %broadcast_in_dim3A_169 : f32 to vector<16xf32>
    %swap3A_171 = arith.constant 2 : i32
    %swap3A_172 = arith.index_cast %swap3A_171 : i32 to index
    %swap3A_173 = arith.constant 80 : index
    %swap3A_174 = tpu.vector_load %arg14[%swap3A_172, %swap3A_173] {strides = array<i32>} : memref<4x128xf32, #tpu.memory_space<vmem>>, vector<1x16xf32>,
    %swap3A_175 = vector.shape_cast %swap3A_174 : vector<1x16xf32> to vector<16xf32>
    %swap3A_176 = vector.shape_cast %broadcast_in_dim3A_170 : vector<16xf32> to vector<1x16xf32>
    tpu.vector_store %arg14[%swap3A_172, %swap3A_173], %swap3A_176 {strides = array<i32>} : memref<4x128xf32, #tpu.memory_space<vmem>>, vector<1x16xf32>,
    %broadcast_in_dim3A_177 = arith.constant 0.000000e+00 : f32
    %broadcast_in_dim3A_178 = vector.broadcast %broadcast_in_dim3A_177 : f32 to vector<16xf32>
    %swap3A_179 = arith.constant 2 : i32
    %swap3A_180 = arith.index_cast %swap3A_179 : i32 to index
    %swap3A_181 = arith.constant 96 : index
    %swap3A_182 = tpu.vector_load %arg14[%swap3A_180, %swap3A_181] {strides = array<i32>} : memref<4x128xf32, #tpu.memory_space<vmem>>, vector<1x16xf32>,
    %swap3A_183 = vector.shape_cast %swap3A_182 : vector<1x16xf32> to vector<16xf32>
    %swap3A_184 = vector.shape_cast %broadcast_in_dim3A_178 : vector<16xf32> to vector<1x16xf32>
    tpu.vector_store %arg14[%swap3A_180, %swap3A_181], %swap3A_184 {strides = array<i32>} : memref<4x128xf32, #tpu.memory_space<vmem>>, vector<1x16xf32>,
    %broadcast_in_dim3A_185 = arith.constant 0.000000e+00 : f32
    %broadcast_in_dim3A_186 = vector.broadcast %broadcast_in_dim3A_185 : f32 to vector<16xf32>
    %swap3A_187 = arith.constant 2 : i32
    %swap3A_188 = arith.index_cast %swap3A_187 : i32 to index
    %swap3A_189 = arith.constant 112 : index
    %swap3A_190 = tpu.vector_load %arg14[%swap3A_188, %swap3A_189] {strides = array<i32>} : memref<4x128xf32, #tpu.memory_space<vmem>>, vector<1x16xf32>,
    %swap3A_191 = vector.shape_cast %swap3A_190 : vector<1x16xf32> to vector<16xf32>
    %swap3A_192 = vector.shape_cast %broadcast_in_dim3A_186 : vector<16xf32> to vector<1x16xf32>
    tpu.vector_store %arg14[%swap3A_188, %swap3A_189], %swap3A_192 {strides = array<i32>} : memref<4x128xf32, #tpu.memory_space<vmem>>, vector<1x16xf32>,
    %broadcast_in_dim3A_193 = arith.constant 0.000000e+00 : f32
    %broadcast_in_dim3A_194 = vector.broadcast %broadcast_in_dim3A_193 : f32 to vector<16xf32>
    %swap3A_195 = arith.constant 3 : i32
    %swap3A_196 = arith.index_cast %swap3A_195 : i32 to index
    %swap3A_197 = arith.constant 0 : index
    %swap3A_198 = tpu.vector_load %arg14[%swap3A_196, %swap3A_197] {strides = array<i32>} : memref<4x128xf32, #tpu.memory_space<vmem>>, vector<1x16xf32>,
    %swap3A_199 = vector.shape_cast %swap3A_198 : vector<1x16xf32> to vector<16xf32>
    %swap3A_200 = vector.shape_cast %broadcast_in_dim3A_194 : vector<16xf32> to vector<1x16xf32>
    tpu.vector_store %arg14[%swap3A_196, %swap3A_197], %swap3A_200 {strides = array<i32>} : memref<4x128xf32, #tpu.memory_space<vmem>>, vector<1x16xf32>,
    %broadcast_in_dim3A_201 = arith.constant 0.000000e+00 : f32
    %broadcast_in_dim3A_202 = vector.broadcast %broadcast_in_dim3A_201 : f32 to vector<16xf32>
    %swap3A_203 = arith.constant 3 : i32
    %swap3A_204 = arith.index_cast %swap3A_203 : i32 to index
    %swap3A_205 = arith.constant 16 : index
    %swap3A_206 = tpu.vector_load %arg14[%swap3A_204, %swap3A_205] {strides = array<i32>} : memref<4x128xf32, #tpu.memory_space<vmem>>, vector<1x16xf32>,
    %swap3A_207 = vector.shape_cast %swap3A_206 : vector<1x16xf32> to vector<16xf32>
    %swap3A_208 = vector.shape_cast %broadcast_in_dim3A_202 : vector<16xf32> to vector<1x16xf32>
    tpu.vector_store %arg14[%swap3A_204, %swap3A_205], %swap3A_208 {strides = array<i32>} : memref<4x128xf32, #tpu.memory_space<vmem>>, vector<1x16xf32>,
    %broadcast_in_dim3A_209 = arith.constant 0.000000e+00 : f32
    %broadcast_in_dim3A_210 = vector.broadcast %broadcast_in_dim3A_209 : f32 to vector<16xf32>
    %swap3A_211 = arith.constant 3 : i32
    %swap3A_212 = arith.index_cast %swap3A_211 : i32 to index
    %swap3A_213 = arith.constant 32 : index
    %swap3A_214 = tpu.vector_load %arg14[%swap3A_212, %swap3A_213] {strides = array<i32>} : memref<4x128xf32, #tpu.memory_space<vmem>>, vector<1x16xf32>,
    %swap3A_215 = vector.shape_cast %swap3A_214 : vector<1x16xf32> to vector<16xf32>
    %swap3A_216 = vector.shape_cast %broadcast_in_dim3A_210 : vector<16xf32> to vector<1x16xf32>
    tpu.vector_store %arg14[%swap3A_212, %swap3A_213], %swap3A_216 {strides = array<i32>} : memref<4x128xf32, #tpu.memory_space<vmem>>, vector<1x16xf32>,
    %broadcast_in_dim3A_217 = arith.constant 0.000000e+00 : f32
    %broadcast_in_dim3A_218 = vector.broadcast %broadcast_in_dim3A_217 : f32 to vector<16xf32>
    %swap3A_219 = arith.constant 3 : i32
    %swap3A_220 = arith.index_cast %swap3A_219 : i32 to index
    %swap3A_221 = arith.constant 48 : index
    %swap3A_222 = tpu.vector_load %arg14[%swap3A_220, %swap3A_221] {strides = array<i32>} : memref<4x128xf32, #tpu.memory_space<vmem>>, vector<1x16xf32>,
    %swap3A_223 = vector.shape_cast %swap3A_222 : vector<1x16xf32> to vector<16xf32>
    %swap3A_224 = vector.shape_cast %broadcast_in_dim3A_218 : vector<16xf32> to vector<1x16xf32>
    tpu.vector_store %arg14[%swap3A_220, %swap3A_221], %swap3A_224 {strides = array<i32>} : memref<4x128xf32, #tpu.memory_space<vmem>>, vector<1x16xf32>,
    %broadcast_in_dim3A_225 = arith.constant 0.000000e+00 : f32
    %broadcast_in_dim3A_226 = vector.broadcast %broadcast_in_dim3A_225 : f32 to vector<16xf32>
    %swap3A_227 = arith.constant 3 : i32
    %swap3A_228 = arith.index_cast %swap3A_227 : i32 to index
    %swap3A_229 = arith.constant 64 : index
    %swap3A_230 = tpu.vector_load %arg14[%swap3A_228, %swap3A_229] {strides = array<i32>} : memref<4x128xf32, #tpu.memory_space<vmem>>, vector<1x16xf32>,
    %swap3A_231 = vector.shape_cast %swap3A_230 : vector<1x16xf32> to vector<16xf32>
    %swap3A_232 = vector.shape_cast %broadcast_in_dim3A_226 : vector<16xf32> to vector<1x16xf32>
    tpu.vector_store %arg14[%swap3A_228, %swap3A_229], %swap3A_232 {strides = array<i32>} : memref<4x128xf32, #tpu.memory_space<vmem>>, vector<1x16xf32>,
    %broadcast_in_dim3A_233 = arith.constant 0.000000e+00 : f32
    %broadcast_in_dim3A_234 = vector.broadcast %broadcast_in_dim3A_233 : f32 to vector<16xf32>
    %swap3A_235 = arith.constant 3 : i32
    %swap3A_236 = arith.index_cast %swap3A_235 : i32 to index
    %swap3A_237 = arith.constant 80 : index
    %swap3A_238 = tpu.vector_load %arg14[%swap3A_236, %swap3A_237] {strides = array<i32>} : memref<4x128xf32, #tpu.memory_space<vmem>>, vector<1x16xf32>,
    %swap3A_239 = vector.shape_cast %swap3A_238 : vector<1x16xf32> to vector<16xf32>
    %swap3A_240 = vector.shape_cast %broadcast_in_dim3A_234 : vector<16xf32> to vector<1x16xf32>
    tpu.vector_store %arg14[%swap3A_236, %swap3A_237], %swap3A_240 {strides = array<i32>} : memref<4x128xf32, #tpu.memory_space<vmem>>, vector<1x16xf32>,
    %broadcast_in_dim3A_241 = arith.constant 0.000000e+00 : f32
    %broadcast_in_dim3A_242 = vector.broadcast %broadcast_in_dim3A_241 : f32 to vector<16xf32>
    %swap3A_243 = arith.constant 3 : i32
    %swap3A_244 = arith.index_cast %swap3A_243 : i32 to index
    %swap3A_245 = arith.constant 96 : index
    %swap3A_246 = tpu.vector_load %arg14[%swap3A_244, %swap3A_245] {strides = array<i32>} : memref<4x128xf32, #tpu.memory_space<vmem>>, vector<1x16xf32>,
    %swap3A_247 = vector.shape_cast %swap3A_246 : vector<1x16xf32> to vector<16xf32>
    %swap3A_248 = vector.shape_cast %broadcast_in_dim3A_242 : vector<16xf32> to vector<1x16xf32>
    tpu.vector_store %arg14[%swap3A_244, %swap3A_245], %swap3A_248 {strides = array<i32>} : memref<4x128xf32, #tpu.memory_space<vmem>>, vector<1x16xf32>,
    %broadcast_in_dim3A_249 = arith.constant 0.000000e+00 : f32
    %broadcast_in_dim3A_250 = vector.broadcast %broadcast_in_dim3A_249 : f32 to vector<16xf32>
    %swap3A_251 = arith.constant 3 : i32
    %swap3A_252 = arith.index_cast %swap3A_251 : i32 to index
    %swap3A_253 = arith.constant 112 : index
    %swap3A_254 = tpu.vector_load %arg14[%swap3A_252, %swap3A_253] {strides = array<i32>} : memref<4x128xf32, #tpu.memory_space<vmem>>, vector<1x16xf32>,
    %swap3A_255 = vector.shape_cast %swap3A_254 : vector<1x16xf32> to vector<16xf32>
    %swap3A_256 = vector.shape_cast %broadcast_in_dim3A_250 : vector<16xf32> to vector<1x16xf32>
    tpu.vector_store %arg14[%swap3A_252, %swap3A_253], %swap3A_256 {strides = array<i32>} : memref<4x128xf32, #tpu.memory_space<vmem>>, vector<1x16xf32>,
    %dma_start3A = tpu.memref_slice %arg3[%mul3A_2] : memref<320000xi32, #tpu.memory_space<hbm>> -> memref<10000xi32, #tpu.memory_space<hbm>>
    %dma_start3A_257 = tpu.memref_slice %arg3[%mul3A_2] : memref<320000xi32, #tpu.memory_space<hbm>> -> memref<10000xi32, #tpu.memory_space<hbm>>
    tpu.enqueue_dma source(%dma_start3A_257 : memref<10000xi32, #tpu.memory_space<hbm>>) target(%arg6 : memref<10000xi32, #tpu.memory_space<vmem>>) target_semaphore(%arg16 : memref<!tpu.dma_semaphore, #tpu.memory_space<semaphore_mem>>)
    %scan3A = arith.constant 0 : i32
    %scan3A_258 = arith.constant 0 : i32
    %scan3A_259 = arith.constant 160 : i32
    %scan3A_260 = arith.addi %scan3A_258, %scan3A_259 : i32
    %scan3A_261 = arith.constant 1 : i32
    scf.for %scan3A_420 = %scan3A_258 to %scan3A_260 step %scan3A_261  : i32 {
      %mul3A_421 = arith.constant 640 : i32
      %mul3A_422 = arith.muli %arg1, %mul3A_421 : i32
      %mul3A_423 = arith.constant 4 : i32
      %mul3A_424 = arith.muli %scan3A_420, %mul3A_423 : i32
      %add3A_425 = arith.addi %mul3A_422, %mul3A_424 : i32
      "tpu.region"() ({
        %run_scoped3A = tpu.sem_alloc : memref<!tpu.dma_semaphore, #tpu.memory_space<semaphore_mem>>
        %dma_start3A_426 = arith.constant 0 : i32
        %dma_start3A_427 = tpu.memref_slice %arg15[%add3A_425, %dma_start3A_426] : memref<10240x128xf32, #tpu.memory_space<vmem_shared>> -> memref<4x128xf32, #tpu.memory_space<vmem_shared>>
        %dma_start3A_428 = arith.constant 0 : i32
        %dma_start3A_429 = tpu.memref_slice %arg15[%add3A_425, %dma_start3A_428] : memref<10240x128xf32, #tpu.memory_space<vmem_shared>> -> memref<4x128xf32, #tpu.memory_space<vmem_shared>>
        tpu.enqueue_dma source(%arg14 : memref<4x128xf32, #tpu.memory_space<vmem>>) target(%dma_start3A_429 : memref<4x128xf32, #tpu.memory_space<vmem_shared>>) target_semaphore(%run_scoped3A : memref<!tpu.dma_semaphore, #tpu.memory_space<semaphore_mem>>)
        %dma_wait3A_430 = arith.constant 0 : i32
        %dma_wait3A_431 = tpu.memref_slice %arg15[%add3A_425, %dma_wait3A_430] : memref<10240x128xf32, #tpu.memory_space<vmem_shared>> -> memref<4x128xf32, #tpu.memory_space<vmem_shared>>
        %dma_wait3A_432 = arith.constant 0 : i32
        %dma_wait3A_433 = tpu.memref_slice %arg15[%add3A_425, %dma_wait3A_432] : memref<10240x128xf32, #tpu.memory_space<vmem_shared>> -> memref<4x128xf32, #tpu.memory_space<vmem_shared>>
        tpu.wait_dma2 semaphore(%run_scoped3A : memref<!tpu.dma_semaphore, #tpu.memory_space<semaphore_mem>>) src(%arg14 : memref<4x128xf32, #tpu.memory_space<vmem>>) dst(%dma_wait3A_433 : memref<4x128xf32, #tpu.memory_space<vmem_shared>>)
        tpu.yield
      }) : () -> ()
    }
    %scan3A_262 = arith.constant 160 : i32
    %dma_wait3A = tpu.memref_slice %arg3[%mul3A_2] : memref<320000xi32, #tpu.memory_space<hbm>> -> memref<10000xi32, #tpu.memory_space<hbm>>
    %dma_wait3A_263 = tpu.memref_slice %arg3[%mul3A_2] : memref<320000xi32, #tpu.memory_space<hbm>> -> memref<10000xi32, #tpu.memory_space<hbm>>
    tpu.wait_dma2 semaphore(%arg16 : memref<!tpu.dma_semaphore, #tpu.memory_space<semaphore_mem>>) src(%dma_wait3A_263 : memref<10000xi32, #tpu.memory_space<hbm>>) dst(%arg6 : memref<10000xi32, #tpu.memory_space<vmem>>)
    %barrier3A = arith.constant 0 : index
    tpu.barrier barrier_id(%barrier3A)
    %add3A_264 = arith.constant 0 : i32
    %add3A_265 = arith.addi %mul3A_2, %add3A_264 : i32
    %dma_start3A_266 = tpu.memref_slice %arg4[%add3A_265] : memref<320000xi32, #tpu.memory_space<hbm>> -> memref<96xi32, #tpu.memory_space<hbm>>
    %dma_start3A_267 = tpu.memref_slice %arg4[%add3A_265] : memref<320000xi32, #tpu.memory_space<hbm>> -> memref<96xi32, #tpu.memory_space<hbm>>
    tpu.enqueue_dma source(%dma_start3A_267 : memref<96xi32, #tpu.memory_space<hbm>>) target(%arg7 : memref<96xi32, #tpu.memory_space<vmem>>) target_semaphore(%arg19 : memref<!tpu.dma_semaphore, #tpu.memory_space<semaphore_mem>>)
    %dma_start3A_268 = arith.constant 0 : i32
    %dma_start3A_269 = tpu.memref_slice %arg6[%dma_start3A_268] : memref<10000xi32, #tpu.memory_space<vmem>> -> memref<96xi32, #tpu.memory_space<vmem>>
    %dma_start3A_270 = arith.constant 0 : i32
    %dma_start3A_271 = arith.constant 0 : i32
    %dma_start3A_272 = tpu.memref_slice %arg2[%dma_start3A_270, %dma_start3A_271] : memref<10000x128xf32, #tpu.memory_space<hbm>> -> memref<10000x128xf32, #tpu.memory_space<hbm>>
    tpu.enqueue_indirect_dma source(%dma_start3A_272 : memref<10000x128xf32, #tpu.memory_space<hbm>>) target(%arg10 : memref<96x128xf32, #tpu.memory_space<vmem>>) offsets(%dma_start3A_269 : memref<96xi32, #tpu.memory_space<vmem>>) semaphore(%arg16 : memref<!tpu.dma_semaphore, #tpu.memory_space<semaphore_mem>>)
    %add3A_273 = arith.constant 96 : i32
    %add3A_274 = arith.addi %mul3A_2, %add3A_273 : i32
    %dma_start3A_275 = tpu.memref_slice %arg4[%add3A_274] : memref<320000xi32, #tpu.memory_space<hbm>> -> memref<96xi32, #tpu.memory_space<hbm>>
    %dma_start3A_276 = tpu.memref_slice %arg4[%add3A_274] : memref<320000xi32, #tpu.memory_space<hbm>> -> memref<96xi32, #tpu.memory_space<hbm>>
    tpu.enqueue_dma source(%dma_start3A_276 : memref<96xi32, #tpu.memory_space<hbm>>) target(%arg8 : memref<96xi32, #tpu.memory_space<vmem>>) target_semaphore(%arg20 : memref<!tpu.dma_semaphore, #tpu.memory_space<semaphore_mem>>)
    %dma_start3A_277 = arith.constant 96 : i32
    %dma_start3A_278 = tpu.memref_slice %arg6[%dma_start3A_277] : memref<10000xi32, #tpu.memory_space<vmem>> -> memref<96xi32, #tpu.memory_space<vmem>>
    %dma_start3A_279 = arith.constant 0 : i32
    %dma_start3A_280 = arith.constant 0 : i32
    %dma_start3A_281 = tpu.memref_slice %arg2[%dma_start3A_279, %dma_start3A_280] : memref<10000x128xf32, #tpu.memory_space<hbm>> -> memref<10000x128xf32, #tpu.memory_space<hbm>>
    tpu.enqueue_indirect_dma source(%dma_start3A_281 : memref<10000x128xf32, #tpu.memory_space<hbm>>) target(%arg11 : memref<96x128xf32, #tpu.memory_space<vmem>>) offsets(%dma_start3A_278 : memref<96xi32, #tpu.memory_space<vmem>>) semaphore(%arg17 : memref<!tpu.dma_semaphore, #tpu.memory_space<semaphore_mem>>)
    %add3A_282 = arith.constant 192 : i32
    %add3A_283 = arith.addi %mul3A_2, %add3A_282 : i32
    %dma_start3A_284 = tpu.memref_slice %arg4[%add3A_283] : memref<320000xi32, #tpu.memory_space<hbm>> -> memref<96xi32, #tpu.memory_space<hbm>>
    %dma_start3A_285 = tpu.memref_slice %arg4[%add3A_283] : memref<320000xi32, #tpu.memory_space<hbm>> -> memref<96xi32, #tpu.memory_space<hbm>>
    tpu.enqueue_dma source(%dma_start3A_285 : memref<96xi32, #tpu.memory_space<hbm>>) target(%arg9 : memref<96xi32, #tpu.memory_space<vmem>>) target_semaphore(%arg21 : memref<!tpu.dma_semaphore, #tpu.memory_space<semaphore_mem>>)
    %dma_start3A_286 = arith.constant 192 : i32
    %dma_start3A_287 = tpu.memref_slice %arg6[%dma_start3A_286] : memref<10000xi32, #tpu.memory_space<vmem>> -> memref<96xi32, #tpu.memory_space<vmem>>
    %dma_start3A_288 = arith.constant 0 : i32
    %dma_start3A_289 = arith.constant 0 : i32
    %dma_start3A_290 = tpu.memref_slice %arg2[%dma_start3A_288, %dma_start3A_289] : memref<10000x128xf32, #tpu.memory_space<hbm>> -> memref<10000x128xf32, #tpu.memory_space<hbm>>
    tpu.enqueue_indirect_dma source(%dma_start3A_290 : memref<10000x128xf32, #tpu.memory_space<hbm>>) target(%arg12 : memref<96x128xf32, #tpu.memory_space<vmem>>) offsets(%dma_start3A_287 : memref<96xi32, #tpu.memory_space<vmem>>) semaphore(%arg18 : memref<!tpu.dma_semaphore, #tpu.memory_space<semaphore_mem>>)
    %add3A_291 = arith.constant 0 : i32
    %add3A_292 = arith.addi %mul3A_2, %add3A_291 : i32
    %dma_wait3A_293 = tpu.memref_slice %arg4[%add3A_292] : memref<320000xi32, #tpu.memory_space<hbm>> -> memref<96xi32, #tpu.memory_space<hbm>>
    %dma_wait3A_294 = tpu.memref_slice %arg4[%add3A_292] : memref<320000xi32, #tpu.memory_space<hbm>> -> memref<96xi32, #tpu.memory_space<hbm>>
    tpu.wait_dma2 semaphore(%arg19 : memref<!tpu.dma_semaphore, #tpu.memory_space<semaphore_mem>>) src(%dma_wait3A_294 : memref<96xi32, #tpu.memory_space<hbm>>) dst(%arg7 : memref<96xi32, #tpu.memory_space<vmem>>)
    %dma_wait3A_295 = arith.constant 0 : i32
    %dma_wait3A_296 = tpu.memref_slice %arg6[%dma_wait3A_295] : memref<10000xi32, #tpu.memory_space<vmem>> -> memref<96xi32, #tpu.memory_space<vmem>>
    %dma_wait3A_297 = arith.constant 0 : i32
    %dma_wait3A_298 = arith.constant 0 : i32
    %dma_wait3A_299 = tpu.memref_slice %arg2[%dma_wait3A_297, %dma_wait3A_298] : memref<10000x128xf32, #tpu.memory_space<hbm>> -> memref<10000x128xf32, #tpu.memory_space<hbm>>
    tpu.wait_indirect_dma semaphore(%arg16 : memref<!tpu.dma_semaphore, #tpu.memory_space<semaphore_mem>>) src(%dma_wait3A_299 : memref<10000x128xf32, #tpu.memory_space<hbm>>) dst(%arg10 : memref<96x128xf32, #tpu.memory_space<vmem>>)
    %dma_start3A_300 = arith.constant 0 : i32
    %dma_start3A_301 = arith.constant 0 : i32
    %dma_start3A_302 = tpu.memref_slice %arg15[%dma_start3A_300, %dma_start3A_301] : memref<10240x128xf32, #tpu.memory_space<vmem_shared>> -> memref<10240x128xf32, #tpu.memory_space<vmem_shared>>
    tpu.enqueue_indirect_dma source(%arg10 : memref<96x128xf32, #tpu.memory_space<vmem>>) target(%dma_start3A_302 : memref<10240x128xf32, #tpu.memory_space<vmem_shared>>) offsets(%arg7 : memref<96xi32, #tpu.memory_space<vmem>>) semaphore(%arg22 : memref<!tpu.dma_semaphore, #tpu.memory_space<semaphore_mem>>) {add = true}
    %dma_wait3A_303 = arith.constant 0 : i32
    %dma_wait3A_304 = arith.constant 0 : i32
    %dma_wait3A_305 = tpu.memref_slice %arg15[%dma_wait3A_303, %dma_wait3A_304] : memref<10240x128xf32, #tpu.memory_space<vmem_shared>> -> memref<10240x128xf32, #tpu.memory_space<vmem_shared>>
    tpu.wait_indirect_dma semaphore(%arg22 : memref<!tpu.dma_semaphore, #tpu.memory_space<semaphore_mem>>) src(%arg10 : memref<96x128xf32, #tpu.memory_space<vmem>>) dst(%dma_wait3A_305 : memref<10240x128xf32, #tpu.memory_space<vmem_shared>>)
    %add3A_306 = arith.constant 288 : i32
    %add3A_307 = arith.addi %mul3A_2, %add3A_306 : i32
    %dma_start3A_308 = tpu.memref_slice %arg4[%add3A_307] : memref<320000xi32, #tpu.memory_space<hbm>> -> memref<96xi32, #tpu.memory_space<hbm>>
    %dma_start3A_309 = tpu.memref_slice %arg4[%add3A_307] : memref<320000xi32, #tpu.memory_space<hbm>> -> memref<96xi32, #tpu.memory_space<hbm>>
    tpu.enqueue_dma source(%dma_start3A_309 : memref<96xi32, #tpu.memory_space<hbm>>) target(%arg7 : memref<96xi32, #tpu.memory_space<vmem>>) target_semaphore(%arg19 : memref<!tpu.dma_semaphore, #tpu.memory_space<semaphore_mem>>)
    %dma_start3A_310 = arith.constant 288 : i32
    %dma_start3A_311 = tpu.memref_slice %arg6[%dma_start3A_310] : memref<10000xi32, #tpu.memory_space<vmem>> -> memref<96xi32, #tpu.memory_space<vmem>>
    %dma_start3A_312 = arith.constant 0 : i32
    %dma_start3A_313 = arith.constant 0 : i32
    %dma_start3A_314 = tpu.memref_slice %arg2[%dma_start3A_312, %dma_start3A_313] : memref<10000x128xf32, #tpu.memory_space<hbm>> -> memref<10000x128xf32, #tpu.memory_space<hbm>>
    tpu.enqueue_indirect_dma source(%dma_start3A_314 : memref<10000x128xf32, #tpu.memory_space<hbm>>) target(%arg10 : memref<96x128xf32, #tpu.memory_space<vmem>>) offsets(%dma_start3A_311 : memref<96xi32, #tpu.memory_space<vmem>>) semaphore(%arg16 : memref<!tpu.dma_semaphore, #tpu.memory_space<semaphore_mem>>)
    %add3A_315 = arith.constant 96 : i32
    %add3A_316 = arith.addi %mul3A_2, %add3A_315 : i32
    %dma_wait3A_317 = tpu.memref_slice %arg4[%add3A_316] : memref<320000xi32, #tpu.memory_space<hbm>> -> memref<96xi32, #tpu.memory_space<hbm>>
    %dma_wait3A_318 = tpu.memref_slice %arg4[%add3A_316] : memref<320000xi32, #tpu.memory_space<hbm>> -> memref<96xi32, #tpu.memory_space<hbm>>
    tpu.wait_dma2 semaphore(%arg20 : memref<!tpu.dma_semaphore, #tpu.memory_space<semaphore_mem>>) src(%dma_wait3A_318 : memref<96xi32, #tpu.memory_space<hbm>>) dst(%arg8 : memref<96xi32, #tpu.memory_space<vmem>>)
    %dma_wait3A_319 = arith.constant 96 : i32
    %dma_wait3A_320 = tpu.memref_slice %arg6[%dma_wait3A_319] : memref<10000xi32, #tpu.memory_space<vmem>> -> memref<96xi32, #tpu.memory_space<vmem>>
    %dma_wait3A_321 = arith.constant 0 : i32
    %dma_wait3A_322 = arith.constant 0 : i32
    %dma_wait3A_323 = tpu.memref_slice %arg2[%dma_wait3A_321, %dma_wait3A_322] : memref<10000x128xf32, #tpu.memory_space<hbm>> -> memref<10000x128xf32, #tpu.memory_space<hbm>>
    tpu.wait_indirect_dma semaphore(%arg17 : memref<!tpu.dma_semaphore, #tpu.memory_space<semaphore_mem>>) src(%dma_wait3A_323 : memref<10000x128xf32, #tpu.memory_space<hbm>>) dst(%arg11 : memref<96x128xf32, #tpu.memory_space<vmem>>)
    %dma_start3A_324 = arith.constant 0 : i32
    %dma_start3A_325 = arith.constant 0 : i32
    %dma_start3A_326 = tpu.memref_slice %arg15[%dma_start3A_324, %dma_start3A_325] : memref<10240x128xf32, #tpu.memory_space<vmem_shared>> -> memref<10240x128xf32, #tpu.memory_space<vmem_shared>>
    tpu.enqueue_indirect_dma source(%arg11 : memref<96x128xf32, #tpu.memory_space<vmem>>) target(%dma_start3A_326 : memref<10240x128xf32, #tpu.memory_space<vmem_shared>>) offsets(%arg8 : memref<96xi32, #tpu.memory_space<vmem>>) semaphore(%arg23 : memref<!tpu.dma_semaphore, #tpu.memory_space<semaphore_mem>>) {add = true}
    %dma_wait3A_327 = arith.constant 0 : i32
    %dma_wait3A_328 = arith.constant 0 : i32
    %dma_wait3A_329 = tpu.memref_slice %arg15[%dma_wait3A_327, %dma_wait3A_328] : memref<10240x128xf32, #tpu.memory_space<vmem_shared>> -> memref<10240x128xf32, #tpu.memory_space<vmem_shared>>
    tpu.wait_indirect_dma semaphore(%arg23 : memref<!tpu.dma_semaphore, #tpu.memory_space<semaphore_mem>>) src(%arg11 : memref<96x128xf32, #tpu.memory_space<vmem>>) dst(%dma_wait3A_329 : memref<10240x128xf32, #tpu.memory_space<vmem_shared>>)
    %add3A_330 = arith.constant 384 : i32
    %add3A_331 = arith.addi %mul3A_2, %add3A_330 : i32
    %dma_start3A_332 = tpu.memref_slice %arg4[%add3A_331] : memref<320000xi32, #tpu.memory_space<hbm>> -> memref<96xi32, #tpu.memory_space<hbm>>
    %dma_start3A_333 = tpu.memref_slice %arg4[%add3A_331] : memref<320000xi32, #tpu.memory_space<hbm>> -> memref<96xi32, #tpu.memory_space<hbm>>
    tpu.enqueue_dma source(%dma_start3A_333 : memref<96xi32, #tpu.memory_space<hbm>>) target(%arg8 : memref<96xi32, #tpu.memory_space<vmem>>) target_semaphore(%arg20 : memref<!tpu.dma_semaphore, #tpu.memory_space<semaphore_mem>>)
    %dma_start3A_334 = arith.constant 384 : i32
    %dma_start3A_335 = tpu.memref_slice %arg6[%dma_start3A_334] : memref<10000xi32, #tpu.memory_space<vmem>> -> memref<96xi32, #tpu.memory_space<vmem>>
    %dma_start3A_336 = arith.constant 0 : i32
    %dma_start3A_337 = arith.constant 0 : i32
    %dma_start3A_338 = tpu.memref_slice %arg2[%dma_start3A_336, %dma_start3A_337] : memref<10000x128xf32, #tpu.memory_space<hbm>> -> memref<10000x128xf32, #tpu.memory_space<hbm>>
    tpu.enqueue_indirect_dma source(%dma_start3A_338 : memref<10000x128xf32, #tpu.memory_space<hbm>>) target(%arg11 : memref<96x128xf32, #tpu.memory_space<vmem>>) offsets(%dma_start3A_335 : memref<96xi32, #tpu.memory_space<vmem>>) semaphore(%arg17 : memref<!tpu.dma_semaphore, #tpu.memory_space<semaphore_mem>>)
    %add3A_339 = arith.constant 192 : i32
    %add3A_340 = arith.addi %mul3A_2, %add3A_339 : i32
    %dma_wait3A_341 = tpu.memref_slice %arg4[%add3A_340] : memref<320000xi32, #tpu.memory_space<hbm>> -> memref<96xi32, #tpu.memory_space<hbm>>
    %dma_wait3A_342 = tpu.memref_slice %arg4[%add3A_340] : memref<320000xi32, #tpu.memory_space<hbm>> -> memref<96xi32, #tpu.memory_space<hbm>>
    tpu.wait_dma2 semaphore(%arg21 : memref<!tpu.dma_semaphore, #tpu.memory_space<semaphore_mem>>) src(%dma_wait3A_342 : memref<96xi32, #tpu.memory_space<hbm>>) dst(%arg9 : memref<96xi32, #tpu.memory_space<vmem>>)
    %dma_wait3A_343 = arith.constant 192 : i32
    %dma_wait3A_344 = tpu.memref_slice %arg6[%dma_wait3A_343] : memref<10000xi32, #tpu.memory_space<vmem>> -> memref<96xi32, #tpu.memory_space<vmem>>
    %dma_wait3A_345 = arith.constant 0 : i32
    %dma_wait3A_346 = arith.constant 0 : i32
    %dma_wait3A_347 = tpu.memref_slice %arg2[%dma_wait3A_345, %dma_wait3A_346] : memref<10000x128xf32, #tpu.memory_space<hbm>> -> memref<10000x128xf32, #tpu.memory_space<hbm>>
    tpu.wait_indirect_dma semaphore(%arg18 : memref<!tpu.dma_semaphore, #tpu.memory_space<semaphore_mem>>) src(%dma_wait3A_347 : memref<10000x128xf32, #tpu.memory_space<hbm>>) dst(%arg12 : memref<96x128xf32, #tpu.memory_space<vmem>>)
    %dma_start3A_348 = arith.constant 0 : i32
    %dma_start3A_349 = arith.constant 0 : i32
    %dma_start3A_350 = tpu.memref_slice %arg15[%dma_start3A_348, %dma_start3A_349] : memref<10240x128xf32, #tpu.memory_space<vmem_shared>> -> memref<10240x128xf32, #tpu.memory_space<vmem_shared>>
    tpu.enqueue_indirect_dma source(%arg12 : memref<96x128xf32, #tpu.memory_space<vmem>>) target(%dma_start3A_350 : memref<10240x128xf32, #tpu.memory_space<vmem_shared>>) offsets(%arg9 : memref<96xi32, #tpu.memory_space<vmem>>) semaphore(%arg24 : memref<!tpu.dma_semaphore, #tpu.memory_space<semaphore_mem>>) {add = true}
    %scan3A_351 = arith.constant 0 : i32
    %scan3A_352 = arith.constant 1 : i32
    %scan3A_353 = arith.constant 33 : i32
    %scan3A_354 = arith.addi %scan3A_352, %scan3A_353 : i32
    %scan3A_355 = arith.constant 1 : i32
    scf.for %scan3A_420 = %scan3A_352 to %scan3A_354 step %scan3A_355  : i32 {
      %mul3A_421 = arith.constant 3 : i32
      %mul3A_422 = arith.muli %mul3A_421, %scan3A_420 : i32
      %add3A_423 = arith.constant 0 : i32
      %add3A_424 = arith.addi %mul3A_422, %add3A_423 : i32
      %dma_wait3A_425 = arith.constant 0 : i32
      %dma_wait3A_426 = arith.constant 0 : i32
      %dma_wait3A_427 = tpu.memref_slice %arg15[%dma_wait3A_425, %dma_wait3A_426] : memref<10240x128xf32, #tpu.memory_space<vmem_shared>> -> memref<10240x128xf32, #tpu.memory_space<vmem_shared>>
      tpu.wait_indirect_dma semaphore(%arg24 : memref<!tpu.dma_semaphore, #tpu.memory_space<semaphore_mem>>) src(%arg12 : memref<96x128xf32, #tpu.memory_space<vmem>>) dst(%dma_wait3A_427 : memref<10240x128xf32, #tpu.memory_space<vmem_shared>>)
      %add3A_428 = arith.constant 2 : i32
      %add3A_429 = arith.addi %add3A_424, %add3A_428 : i32
      %mul3A_430 = arith.constant 96 : i32
      %mul3A_431 = arith.muli %add3A_429, %mul3A_430 : i32
      %add3A_432 = arith.addi %mul3A_2, %mul3A_431 : i32
      %dma_start3A_433 = tpu.memref_slice %arg4[%add3A_432] : memref<320000xi32, #tpu.memory_space<hbm>> -> memref<96xi32, #tpu.memory_space<hbm>>
      %dma_start3A_434 = tpu.memref_slice %arg4[%add3A_432] : memref<320000xi32, #tpu.memory_space<hbm>> -> memref<96xi32, #tpu.memory_space<hbm>>
      tpu.enqueue_dma source(%dma_start3A_434 : memref<96xi32, #tpu.memory_space<hbm>>) target(%arg9 : memref<96xi32, #tpu.memory_space<vmem>>) target_semaphore(%arg21 : memref<!tpu.dma_semaphore, #tpu.memory_space<semaphore_mem>>)
      %dma_start3A_435 = tpu.memref_slice %arg6[%mul3A_431] : memref<10000xi32, #tpu.memory_space<vmem>> -> memref<96xi32, #tpu.memory_space<vmem>>
      %dma_start3A_436 = arith.constant 0 : i32
      %dma_start3A_437 = arith.constant 0 : i32
      %dma_start3A_438 = tpu.memref_slice %arg2[%dma_start3A_436, %dma_start3A_437] : memref<10000x128xf32, #tpu.memory_space<hbm>> -> memref<10000x128xf32, #tpu.memory_space<hbm>>
      tpu.enqueue_indirect_dma source(%dma_start3A_438 : memref<10000x128xf32, #tpu.memory_space<hbm>>) target(%arg12 : memref<96x128xf32, #tpu.memory_space<vmem>>) offsets(%dma_start3A_435 : memref<96xi32, #tpu.memory_space<vmem>>) semaphore(%arg18 : memref<!tpu.dma_semaphore, #tpu.memory_space<semaphore_mem>>)
      %mul3A_439 = arith.constant 96 : i32
      %mul3A_440 = arith.muli %add3A_424, %mul3A_439 : i32
      %add3A_441 = arith.addi %mul3A_2, %mul3A_440 : i32
      %dma_wait3A_442 = tpu.memref_slice %arg4[%add3A_441] : memref<320000xi32, #tpu.memory_space<hbm>> -> memref<96xi32, #tpu.memory_space<hbm>>
      %dma_wait3A_443 = tpu.memref_slice %arg4[%add3A_441] : memref<320000xi32, #tpu.memory_space<hbm>> -> memref<96xi32, #tpu.memory_space<hbm>>
      tpu.wait_dma2 semaphore(%arg19 : memref<!tpu.dma_semaphore, #tpu.memory_space<semaphore_mem>>) src(%dma_wait3A_443 : memref<96xi32, #tpu.memory_space<hbm>>) dst(%arg7 : memref<96xi32, #tpu.memory_space<vmem>>)
      %dma_wait3A_444 = tpu.memref_slice %arg6[%mul3A_440] : memref<10000xi32, #tpu.memory_space<vmem>> -> memref<96xi32, #tpu.memory_space<vmem>>
      %dma_wait3A_445 = arith.constant 0 : i32
      %dma_wait3A_446 = arith.constant 0 : i32
      %dma_wait3A_447 = tpu.memref_slice %arg2[%dma_wait3A_445, %dma_wait3A_446] : memref<10000x128xf32, #tpu.memory_space<hbm>> -> memref<10000x128xf32, #tpu.memory_space<hbm>>
      tpu.wait_indirect_dma semaphore(%arg16 : memref<!tpu.dma_semaphore, #tpu.memory_space<semaphore_mem>>) src(%dma_wait3A_447 : memref<10000x128xf32, #tpu.memory_space<hbm>>) dst(%arg10 : memref<96x128xf32, #tpu.memory_space<vmem>>)
      %dma_start3A_448 = arith.constant 0 : i32
      %dma_start3A_449 = arith.constant 0 : i32
      %dma_start3A_450 = tpu.memref_slice %arg15[%dma_start3A_448, %dma_start3A_449] : memref<10240x128xf32, #tpu.memory_space<vmem_shared>> -> memref<10240x128xf32, #tpu.memory_space<vmem_shared>>
      tpu.enqueue_indirect_dma source(%arg10 : memref<96x128xf32, #tpu.memory_space<vmem>>) target(%dma_start3A_450 : memref<10240x128xf32, #tpu.memory_space<vmem_shared>>) offsets(%arg7 : memref<96xi32, #tpu.memory_space<vmem>>) semaphore(%arg22 : memref<!tpu.dma_semaphore, #tpu.memory_space<semaphore_mem>>) {add = true}
      %mul3A_451 = arith.constant 3 : i32
      %mul3A_452 = arith.muli %mul3A_451, %scan3A_420 : i32
      %add3A_453 = arith.constant 1 : i32
      %add3A_454 = arith.addi %mul3A_452, %add3A_453 : i32
      %dma_wait3A_455 = arith.constant 0 : i32
      %dma_wait3A_456 = arith.constant 0 : i32
      %dma_wait3A_457 = tpu.memref_slice %arg15[%dma_wait3A_455, %dma_wait3A_456] : memref<10240x128xf32, #tpu.memory_space<vmem_shared>> -> memref<10240x128xf32, #tpu.memory_space<vmem_shared>>
      tpu.wait_indirect_dma semaphore(%arg22 : memref<!tpu.dma_semaphore, #tpu.memory_space<semaphore_mem>>) src(%arg10 : memref<96x128xf32, #tpu.memory_space<vmem>>) dst(%dma_wait3A_457 : memref<10240x128xf32, #tpu.memory_space<vmem_shared>>)
      %add3A_458 = arith.constant 2 : i32
      %add3A_459 = arith.addi %add3A_454, %add3A_458 : i32
      %mul3A_460 = arith.constant 96 : i32
      %mul3A_461 = arith.muli %add3A_459, %mul3A_460 : i32
      %add3A_462 = arith.addi %mul3A_2, %mul3A_461 : i32
      %dma_start3A_463 = tpu.memref_slice %arg4[%add3A_462] : memref<320000xi32, #tpu.memory_space<hbm>> -> memref<96xi32, #tpu.memory_space<hbm>>
      %dma_start3A_464 = tpu.memref_slice %arg4[%add3A_462] : memref<320000xi32, #tpu.memory_space<hbm>> -> memref<96xi32, #tpu.memory_space<hbm>>
      tpu.enqueue_dma source(%dma_start3A_464 : memref<96xi32, #tpu.memory_space<hbm>>) target(%arg7 : memref<96xi32, #tpu.memory_space<vmem>>) target_semaphore(%arg19 : memref<!tpu.dma_semaphore, #tpu.memory_space<semaphore_mem>>)
      %dma_start3A_465 = tpu.memref_slice %arg6[%mul3A_461] : memref<10000xi32, #tpu.memory_space<vmem>> -> memref<96xi32, #tpu.memory_space<vmem>>
      %dma_start3A_466 = arith.constant 0 : i32
      %dma_start3A_467 = arith.constant 0 : i32
      %dma_start3A_468 = tpu.memref_slice %arg2[%dma_start3A_466, %dma_start3A_467] : memref<10000x128xf32, #tpu.memory_space<hbm>> -> memref<10000x128xf32, #tpu.memory_space<hbm>>
      tpu.enqueue_indirect_dma source(%dma_start3A_468 : memref<10000x128xf32, #tpu.memory_space<hbm>>) target(%arg10 : memref<96x128xf32, #tpu.memory_space<vmem>>) offsets(%dma_start3A_465 : memref<96xi32, #tpu.memory_space<vmem>>) semaphore(%arg16 : memref<!tpu.dma_semaphore, #tpu.memory_space<semaphore_mem>>)
      %mul3A_469 = arith.constant 96 : i32
      %mul3A_470 = arith.muli %add3A_454, %mul3A_469 : i32
      %add3A_471 = arith.addi %mul3A_2, %mul3A_470 : i32
      %dma_wait3A_472 = tpu.memref_slice %arg4[%add3A_471] : memref<320000xi32, #tpu.memory_space<hbm>> -> memref<96xi32, #tpu.memory_space<hbm>>
      %dma_wait3A_473 = tpu.memref_slice %arg4[%add3A_471] : memref<320000xi32, #tpu.memory_space<hbm>> -> memref<96xi32, #tpu.memory_space<hbm>>
      tpu.wait_dma2 semaphore(%arg20 : memref<!tpu.dma_semaphore, #tpu.memory_space<semaphore_mem>>) src(%dma_wait3A_473 : memref<96xi32, #tpu.memory_space<hbm>>) dst(%arg8 : memref<96xi32, #tpu.memory_space<vmem>>)
      %dma_wait3A_474 = tpu.memref_slice %arg6[%mul3A_470] : memref<10000xi32, #tpu.memory_space<vmem>> -> memref<96xi32, #tpu.memory_space<vmem>>
      %dma_wait3A_475 = arith.constant 0 : i32
      %dma_wait3A_476 = arith.constant 0 : i32
      %dma_wait3A_477 = tpu.memref_slice %arg2[%dma_wait3A_475, %dma_wait3A_476] : memref<10000x128xf32, #tpu.memory_space<hbm>> -> memref<10000x128xf32, #tpu.memory_space<hbm>>
      tpu.wait_indirect_dma semaphore(%arg17 : memref<!tpu.dma_semaphore, #tpu.memory_space<semaphore_mem>>) src(%dma_wait3A_477 : memref<10000x128xf32, #tpu.memory_space<hbm>>) dst(%arg11 : memref<96x128xf32, #tpu.memory_space<vmem>>)
      %dma_start3A_478 = arith.constant 0 : i32
      %dma_start3A_479 = arith.constant 0 : i32
      %dma_start3A_480 = tpu.memref_slice %arg15[%dma_start3A_478, %dma_start3A_479] : memref<10240x128xf32, #tpu.memory_space<vmem_shared>> -> memref<10240x128xf32, #tpu.memory_space<vmem_shared>>
      tpu.enqueue_indirect_dma source(%arg11 : memref<96x128xf32, #tpu.memory_space<vmem>>) target(%dma_start3A_480 : memref<10240x128xf32, #tpu.memory_space<vmem_shared>>) offsets(%arg8 : memref<96xi32, #tpu.memory_space<vmem>>) semaphore(%arg23 : memref<!tpu.dma_semaphore, #tpu.memory_space<semaphore_mem>>) {add = true}
      %mul3A_481 = arith.constant 3 : i32
      %mul3A_482 = arith.muli %mul3A_481, %scan3A_420 : i32
      %add3A_483 = arith.constant 2 : i32
      %add3A_484 = arith.addi %mul3A_482, %add3A_483 : i32
      %dma_wait3A_485 = arith.constant 0 : i32
      %dma_wait3A_486 = arith.constant 0 : i32
      %dma_wait3A_487 = tpu.memref_slice %arg15[%dma_wait3A_485, %dma_wait3A_486] : memref<10240x128xf32, #tpu.memory_space<vmem_shared>> -> memref<10240x128xf32, #tpu.memory_space<vmem_shared>>
      tpu.wait_indirect_dma semaphore(%arg23 : memref<!tpu.dma_semaphore, #tpu.memory_space<semaphore_mem>>) src(%arg11 : memref<96x128xf32, #tpu.memory_space<vmem>>) dst(%dma_wait3A_487 : memref<10240x128xf32, #tpu.memory_space<vmem_shared>>)
      %add3A_488 = arith.constant 2 : i32
      %add3A_489 = arith.addi %add3A_484, %add3A_488 : i32
      %mul3A_490 = arith.constant 96 : i32
      %mul3A_491 = arith.muli %add3A_489, %mul3A_490 : i32
      %add3A_492 = arith.addi %mul3A_2, %mul3A_491 : i32
      %dma_start3A_493 = tpu.memref_slice %arg4[%add3A_492] : memref<320000xi32, #tpu.memory_space<hbm>> -> memref<96xi32, #tpu.memory_space<hbm>>
      %dma_start3A_494 = tpu.memref_slice %arg4[%add3A_492] : memref<320000xi32, #tpu.memory_space<hbm>> -> memref<96xi32, #tpu.memory_space<hbm>>
      tpu.enqueue_dma source(%dma_start3A_494 : memref<96xi32, #tpu.memory_space<hbm>>) target(%arg8 : memref<96xi32, #tpu.memory_space<vmem>>) target_semaphore(%arg20 : memref<!tpu.dma_semaphore, #tpu.memory_space<semaphore_mem>>)
      %dma_start3A_495 = tpu.memref_slice %arg6[%mul3A_491] : memref<10000xi32, #tpu.memory_space<vmem>> -> memref<96xi32, #tpu.memory_space<vmem>>
      %dma_start3A_496 = arith.constant 0 : i32
      %dma_start3A_497 = arith.constant 0 : i32
      %dma_start3A_498 = tpu.memref_slice %arg2[%dma_start3A_496, %dma_start3A_497] : memref<10000x128xf32, #tpu.memory_space<hbm>> -> memref<10000x128xf32, #tpu.memory_space<hbm>>
      tpu.enqueue_indirect_dma source(%dma_start3A_498 : memref<10000x128xf32, #tpu.memory_space<hbm>>) target(%arg11 : memref<96x128xf32, #tpu.memory_space<vmem>>) offsets(%dma_start3A_495 : memref<96xi32, #tpu.memory_space<vmem>>) semaphore(%arg17 : memref<!tpu.dma_semaphore, #tpu.memory_space<semaphore_mem>>)
      %mul3A_499 = arith.constant 96 : i32
      %mul3A_500 = arith.muli %add3A_484, %mul3A_499 : i32
      %add3A_501 = arith.addi %mul3A_2, %mul3A_500 : i32
      %dma_wait3A_502 = tpu.memref_slice %arg4[%add3A_501] : memref<320000xi32, #tpu.memory_space<hbm>> -> memref<96xi32, #tpu.memory_space<hbm>>
      %dma_wait3A_503 = tpu.memref_slice %arg4[%add3A_501] : memref<320000xi32, #tpu.memory_space<hbm>> -> memref<96xi32, #tpu.memory_space<hbm>>
      tpu.wait_dma2 semaphore(%arg21 : memref<!tpu.dma_semaphore, #tpu.memory_space<semaphore_mem>>) src(%dma_wait3A_503 : memref<96xi32, #tpu.memory_space<hbm>>) dst(%arg9 : memref<96xi32, #tpu.memory_space<vmem>>)
      %dma_wait3A_504 = tpu.memref_slice %arg6[%mul3A_500] : memref<10000xi32, #tpu.memory_space<vmem>> -> memref<96xi32, #tpu.memory_space<vmem>>
      %dma_wait3A_505 = arith.constant 0 : i32
      %dma_wait3A_506 = arith.constant 0 : i32
      %dma_wait3A_507 = tpu.memref_slice %arg2[%dma_wait3A_505, %dma_wait3A_506] : memref<10000x128xf32, #tpu.memory_space<hbm>> -> memref<10000x128xf32, #tpu.memory_space<hbm>>
      tpu.wait_indirect_dma semaphore(%arg18 : memref<!tpu.dma_semaphore, #tpu.memory_space<semaphore_mem>>) src(%dma_wait3A_507 : memref<10000x128xf32, #tpu.memory_space<hbm>>) dst(%arg12 : memref<96x128xf32, #tpu.memory_space<vmem>>)
      %dma_start3A_508 = arith.constant 0 : i32
      %dma_start3A_509 = arith.constant 0 : i32
      %dma_start3A_510 = tpu.memref_slice %arg15[%dma_start3A_508, %dma_start3A_509] : memref<10240x128xf32, #tpu.memory_space<vmem_shared>> -> memref<10240x128xf32, #tpu.memory_space<vmem_shared>>
      tpu.enqueue_indirect_dma source(%arg12 : memref<96x128xf32, #tpu.memory_space<vmem>>) target(%dma_start3A_510 : memref<10240x128xf32, #tpu.memory_space<vmem_shared>>) offsets(%arg9 : memref<96xi32, #tpu.memory_space<vmem>>) semaphore(%arg24 : memref<!tpu.dma_semaphore, #tpu.memory_space<semaphore_mem>>) {add = true}
    }
    %scan3A_356 = arith.constant 33 : i32
    %dma_wait3A_357 = arith.constant 0 : i32
    %dma_wait3A_358 = arith.constant 0 : i32
    %dma_wait3A_359 = tpu.memref_slice %arg15[%dma_wait3A_357, %dma_wait3A_358] : memref<10240x128xf32, #tpu.memory_space<vmem_shared>> -> memref<10240x128xf32, #tpu.memory_space<vmem_shared>>
    tpu.wait_indirect_dma semaphore(%arg24 : memref<!tpu.dma_semaphore, #tpu.memory_space<semaphore_mem>>) src(%arg12 : memref<96x128xf32, #tpu.memory_space<vmem>>) dst(%dma_wait3A_359 : memref<10240x128xf32, #tpu.memory_space<vmem_shared>>)
    %add3A_360 = arith.constant 9792 : i32
    %add3A_361 = arith.addi %mul3A_2, %add3A_360 : i32
    %dma_wait3A_362 = tpu.memref_slice %arg4[%add3A_361] : memref<320000xi32, #tpu.memory_space<hbm>> -> memref<96xi32, #tpu.memory_space<hbm>>
    %dma_wait3A_363 = tpu.memref_slice %arg4[%add3A_361] : memref<320000xi32, #tpu.memory_space<hbm>> -> memref<96xi32, #tpu.memory_space<hbm>>
    tpu.wait_dma2 semaphore(%arg19 : memref<!tpu.dma_semaphore, #tpu.memory_space<semaphore_mem>>) src(%dma_wait3A_363 : memref<96xi32, #tpu.memory_space<hbm>>) dst(%arg7 : memref<96xi32, #tpu.memory_space<vmem>>)
    %dma_wait3A_364 = arith.constant 9792 : i32
    %dma_wait3A_365 = tpu.memref_slice %arg6[%dma_wait3A_364] : memref<10000xi32, #tpu.memory_space<vmem>> -> memref<96xi32, #tpu.memory_space<vmem>>
    %dma_wait3A_366 = arith.constant 0 : i32
    %dma_wait3A_367 = arith.constant 0 : i32
    %dma_wait3A_368 = tpu.memref_slice %arg2[%dma_wait3A_366, %dma_wait3A_367] : memref<10000x128xf32, #tpu.memory_space<hbm>> -> memref<10000x128xf32, #tpu.memory_space<hbm>>
    tpu.wait_indirect_dma semaphore(%arg16 : memref<!tpu.dma_semaphore, #tpu.memory_space<semaphore_mem>>) src(%dma_wait3A_368 : memref<10000x128xf32, #tpu.memory_space<hbm>>) dst(%arg10 : memref<96x128xf32, #tpu.memory_space<vmem>>)
    %dma_start3A_369 = arith.constant 0 : i32
    %dma_start3A_370 = arith.constant 0 : i32
    %dma_start3A_371 = tpu.memref_slice %arg15[%dma_start3A_369, %dma_start3A_370] : memref<10240x128xf32, #tpu.memory_space<vmem_shared>> -> memref<10240x128xf32, #tpu.memory_space<vmem_shared>>
    tpu.enqueue_indirect_dma source(%arg10 : memref<96x128xf32, #tpu.memory_space<vmem>>) target(%dma_start3A_371 : memref<10240x128xf32, #tpu.memory_space<vmem_shared>>) offsets(%arg7 : memref<96xi32, #tpu.memory_space<vmem>>) semaphore(%arg22 : memref<!tpu.dma_semaphore, #tpu.memory_space<semaphore_mem>>) {add = true}
    %dma_wait3A_372 = arith.constant 0 : i32
    %dma_wait3A_373 = arith.constant 0 : i32
    %dma_wait3A_374 = tpu.memref_slice %arg15[%dma_wait3A_372, %dma_wait3A_373] : memref<10240x128xf32, #tpu.memory_space<vmem_shared>> -> memref<10240x128xf32, #tpu.memory_space<vmem_shared>>
    tpu.wait_indirect_dma semaphore(%arg22 : memref<!tpu.dma_semaphore, #tpu.memory_space<semaphore_mem>>) src(%arg10 : memref<96x128xf32, #tpu.memory_space<vmem>>) dst(%dma_wait3A_374 : memref<10240x128xf32, #tpu.memory_space<vmem_shared>>)
    %add3A_375 = arith.constant 9888 : i32
    %add3A_376 = arith.addi %mul3A_2, %add3A_375 : i32
    %dma_wait3A_377 = tpu.memref_slice %arg4[%add3A_376] : memref<320000xi32, #tpu.memory_space<hbm>> -> memref<96xi32, #tpu.memory_space<hbm>>
    %dma_wait3A_378 = tpu.memref_slice %arg4[%add3A_376] : memref<320000xi32, #tpu.memory_space<hbm>> -> memref<96xi32, #tpu.memory_space<hbm>>
    tpu.wait_dma2 semaphore(%arg20 : memref<!tpu.dma_semaphore, #tpu.memory_space<semaphore_mem>>) src(%dma_wait3A_378 : memref<96xi32, #tpu.memory_space<hbm>>) dst(%arg8 : memref<96xi32, #tpu.memory_space<vmem>>)
    %dma_wait3A_379 = arith.constant 9888 : i32
    %dma_wait3A_380 = tpu.memref_slice %arg6[%dma_wait3A_379] : memref<10000xi32, #tpu.memory_space<vmem>> -> memref<96xi32, #tpu.memory_space<vmem>>
    %dma_wait3A_381 = arith.constant 0 : i32
    %dma_wait3A_382 = arith.constant 0 : i32
    %dma_wait3A_383 = tpu.memref_slice %arg2[%dma_wait3A_381, %dma_wait3A_382] : memref<10000x128xf32, #tpu.memory_space<hbm>> -> memref<10000x128xf32, #tpu.memory_space<hbm>>
    tpu.wait_indirect_dma semaphore(%arg17 : memref<!tpu.dma_semaphore, #tpu.memory_space<semaphore_mem>>) src(%dma_wait3A_383 : memref<10000x128xf32, #tpu.memory_space<hbm>>) dst(%arg11 : memref<96x128xf32, #tpu.memory_space<vmem>>)
    %dma_start3A_384 = arith.constant 0 : i32
    %dma_start3A_385 = arith.constant 0 : i32
    %dma_start3A_386 = tpu.memref_slice %arg15[%dma_start3A_384, %dma_start3A_385] : memref<10240x128xf32, #tpu.memory_space<vmem_shared>> -> memref<10240x128xf32, #tpu.memory_space<vmem_shared>>
    tpu.enqueue_indirect_dma source(%arg11 : memref<96x128xf32, #tpu.memory_space<vmem>>) target(%dma_start3A_386 : memref<10240x128xf32, #tpu.memory_space<vmem_shared>>) offsets(%arg8 : memref<96xi32, #tpu.memory_space<vmem>>) semaphore(%arg23 : memref<!tpu.dma_semaphore, #tpu.memory_space<semaphore_mem>>) {add = true}
    %dma_wait3A_387 = arith.constant 0 : i32
    %dma_wait3A_388 = arith.constant 0 : i32
    %dma_wait3A_389 = tpu.memref_slice %arg15[%dma_wait3A_387, %dma_wait3A_388] : memref<10240x128xf32, #tpu.memory_space<vmem_shared>> -> memref<10240x128xf32, #tpu.memory_space<vmem_shared>>
    tpu.wait_indirect_dma semaphore(%arg23 : memref<!tpu.dma_semaphore, #tpu.memory_space<semaphore_mem>>) src(%arg11 : memref<96x128xf32, #tpu.memory_space<vmem>>) dst(%dma_wait3A_389 : memref<10240x128xf32, #tpu.memory_space<vmem_shared>>)
    %add3A_390 = arith.constant 9984 : i32
    %add3A_391 = arith.addi %mul3A_2, %add3A_390 : i32
    %dma_start3A_392 = tpu.memref_slice %arg4[%add3A_391] : memref<320000xi32, #tpu.memory_space<hbm>> -> memref<16xi32, #tpu.memory_space<hbm>>
    %dma_start3A_393 = tpu.memref_slice %arg4[%add3A_391] : memref<320000xi32, #tpu.memory_space<hbm>> -> memref<16xi32, #tpu.memory_space<hbm>>
    tpu.enqueue_dma source(%dma_start3A_393 : memref<16xi32, #tpu.memory_space<hbm>>) target(%arg13 : memref<16xi32, #tpu.memory_space<vmem>>) target_semaphore(%arg19 : memref<!tpu.dma_semaphore, #tpu.memory_space<semaphore_mem>>)
    %dma_wait3A_394 = tpu.memref_slice %arg4[%add3A_391] : memref<320000xi32, #tpu.memory_space<hbm>> -> memref<16xi32, #tpu.memory_space<hbm>>
    %dma_wait3A_395 = tpu.memref_slice %arg4[%add3A_391] : memref<320000xi32, #tpu.memory_space<hbm>> -> memref<16xi32, #tpu.memory_space<hbm>>
    tpu.wait_dma2 semaphore(%arg19 : memref<!tpu.dma_semaphore, #tpu.memory_space<semaphore_mem>>) src(%dma_wait3A_395 : memref<16xi32, #tpu.memory_space<hbm>>) dst(%arg13 : memref<16xi32, #tpu.memory_space<vmem>>)
    %dma_start3A_396 = arith.constant 0 : i32
    %dma_start3A_397 = arith.constant 0 : i32
    %dma_start3A_398 = tpu.memref_slice %arg10[%dma_start3A_396, %dma_start3A_397] : memref<96x128xf32, #tpu.memory_space<vmem>> -> memref<16x128xf32, #tpu.memory_space<vmem>>
    %dma_start3A_399 = arith.constant 9984 : i32
    %dma_start3A_400 = tpu.memref_slice %arg6[%dma_start3A_399] : memref<10000xi32, #tpu.memory_space<vmem>> -> memref<16xi32, #tpu.memory_space<vmem>>
    %dma_start3A_401 = arith.constant 0 : i32
    %dma_start3A_402 = arith.constant 0 : i32
    %dma_start3A_403 = tpu.memref_slice %arg2[%dma_start3A_401, %dma_start3A_402] : memref<10000x128xf32, #tpu.memory_space<hbm>> -> memref<10000x128xf32, #tpu.memory_space<hbm>>
    tpu.enqueue_indirect_dma source(%dma_start3A_403 : memref<10000x128xf32, #tpu.memory_space<hbm>>) target(%dma_start3A_398 : memref<16x128xf32, #tpu.memory_space<vmem>>) offsets(%dma_start3A_400 : memref<16xi32, #tpu.memory_space<vmem>>) semaphore(%arg16 : memref<!tpu.dma_semaphore, #tpu.memory_space<semaphore_mem>>)
    %dma_wait3A_404 = arith.constant 0 : i32
    %dma_wait3A_405 = arith.constant 0 : i32
    %dma_wait3A_406 = tpu.memref_slice %arg10[%dma_wait3A_404, %dma_wait3A_405] : memref<96x128xf32, #tpu.memory_space<vmem>> -> memref<16x128xf32, #tpu.memory_space<vmem>>
    %dma_wait3A_407 = arith.constant 9984 : i32
    %dma_wait3A_408 = tpu.memref_slice %arg6[%dma_wait3A_407] : memref<10000xi32, #tpu.memory_space<vmem>> -> memref<16xi32, #tpu.memory_space<vmem>>
    %dma_wait3A_409 = arith.constant 0 : i32
    %dma_wait3A_410 = arith.constant 0 : i32
    %dma_wait3A_411 = tpu.memref_slice %arg2[%dma_wait3A_409, %dma_wait3A_410] : memref<10000x128xf32, #tpu.memory_space<hbm>> -> memref<10000x128xf32, #tpu.memory_space<hbm>>
    tpu.wait_indirect_dma semaphore(%arg16 : memref<!tpu.dma_semaphore, #tpu.memory_space<semaphore_mem>>) src(%dma_wait3A_411 : memref<10000x128xf32, #tpu.memory_space<hbm>>) dst(%dma_wait3A_406 : memref<16x128xf32, #tpu.memory_space<vmem>>)
    "tpu.region"() ({
      %run_scoped3A = tpu.sem_alloc : memref<!tpu.dma_semaphore, #tpu.memory_space<semaphore_mem>>
      %dma_start3A_420 = arith.constant 0 : i32
      %dma_start3A_421 = arith.constant 0 : i32
      %dma_start3A_422 = tpu.memref_slice %arg10[%dma_start3A_420, %dma_start3A_421] : memref<96x128xf32, #tpu.memory_space<vmem>> -> memref<16x128xf32, #tpu.memory_space<vmem>>
      %dma_start3A_423 = arith.constant 0 : i32
      %dma_start3A_424 = arith.constant 0 : i32
      %dma_start3A_425 = tpu.memref_slice %arg15[%dma_start3A_423, %dma_start3A_424] : memref<10240x128xf32, #tpu.memory_space<vmem_shared>> -> memref<10240x128xf32, #tpu.memory_space<vmem_shared>>
      tpu.enqueue_indirect_dma source(%dma_start3A_422 : memref<16x128xf32, #tpu.memory_space<vmem>>) target(%dma_start3A_425 : memref<10240x128xf32, #tpu.memory_space<vmem_shared>>) offsets(%arg13 : memref<16xi32, #tpu.memory_space<vmem>>) semaphore(%run_scoped3A : memref<!tpu.dma_semaphore, #tpu.memory_space<semaphore_mem>>) {add = true}
      %dma_wait3A_426 = arith.constant 0 : i32
      %dma_wait3A_427 = arith.constant 0 : i32
      %dma_wait3A_428 = tpu.memref_slice %arg10[%dma_wait3A_426, %dma_wait3A_427] : memref<96x128xf32, #tpu.memory_space<vmem>> -> memref<16x128xf32, #tpu.memory_space<vmem>>
      %dma_wait3A_429 = arith.constant 0 : i32
      %dma_wait3A_430 = arith.constant 0 : i32
      %dma_wait3A_431 = tpu.memref_slice %arg15[%dma_wait3A_429, %dma_wait3A_430] : memref<10240x128xf32, #tpu.memory_space<vmem_shared>> -> memref<10240x128xf32, #tpu.memory_space<vmem_shared>>
      tpu.wait_indirect_dma semaphore(%run_scoped3A : memref<!tpu.dma_semaphore, #tpu.memory_space<semaphore_mem>>) src(%dma_wait3A_428 : memref<16x128xf32, #tpu.memory_space<vmem>>) dst(%dma_wait3A_431 : memref<10240x128xf32, #tpu.memory_space<vmem_shared>>)
      tpu.yield
    }) : () -> ()
    %barrier3A_412 = arith.constant 0 : index
    tpu.barrier barrier_id(%barrier3A_412)
    %mul3A_413 = arith.constant 640 : i32
    %mul3A_414 = arith.muli %arg1, %mul3A_413 : i32
    %mul3A_415 = arith.constant 10240 : i32
    %mul3A_416 = arith.muli %arg0, %mul3A_415 : i32
    %mul3A_417 = arith.constant 640 : i32
    %mul3A_418 = arith.muli %arg1, %mul3A_417 : i32
    %add3A_419 = arith.addi %mul3A_416, %mul3A_418 : i32
    "tpu.region"() ({
      %run_scoped3A = tpu.sem_alloc : memref<!tpu.dma_semaphore, #tpu.memory_space<semaphore_mem>>
      %dma_start3A_420 = arith.constant 0 : i32
      %dma_start3A_421 = tpu.memref_slice %arg5[%add3A_419, %dma_start3A_420] : memref<20480x128xf32, #tpu.memory_space<hbm>> -> memref<640x128xf32, #tpu.memory_space<hbm>>
      %dma_start3A_422 = arith.constant 0 : i32
      %dma_start3A_423 = tpu.memref_slice %arg15[%mul3A_414, %dma_start3A_422] : memref<10240x128xf32, #tpu.memory_space<vmem_shared>> -> memref<640x128xf32, #tpu.memory_space<vmem_shared>>
      tpu.enqueue_dma source(%dma_start3A_423 : memref<640x128xf32, #tpu.memory_space<vmem_shared>>) target(%dma_start3A_421 : memref<640x128xf32, #tpu.memory_space<hbm>>) target_semaphore(%run_scoped3A : memref<!tpu.dma_semaphore, #tpu.memory_space<semaphore_mem>>)
      %dma_wait3A_424 = arith.constant 0 : i32
      %dma_wait3A_425 = tpu.memref_slice %arg5[%add3A_419, %dma_wait3A_424] : memref<20480x128xf32, #tpu.memory_space<hbm>> -> memref<640x128xf32, #tpu.memory_space<hbm>>
      %dma_wait3A_426 = arith.constant 0 : i32
      %dma_wait3A_427 = tpu.memref_slice %arg15[%mul3A_414, %dma_wait3A_426] : memref<10240x128xf32, #tpu.memory_space<vmem_shared>> -> memref<640x128xf32, #tpu.memory_space<vmem_shared>>
      tpu.wait_dma2 semaphore(%run_scoped3A : memref<!tpu.dma_semaphore, #tpu.memory_space<semaphore_mem>>) src(%dma_wait3A_427 : memref<640x128xf32, #tpu.memory_space<vmem_shared>>) dst(%dma_wait3A_425 : memref<640x128xf32, #tpu.memory_space<hbm>>)
      tpu.yield
    }) : () -> ()
    return
  }
}

#map = affine_map<(d0, d1) -> (0, 0)>
#map1 = affine_map<(d0, d1) -> (0)>
module attributes {stable_mosaic.version = 14 : i64} {
  func.func @_spmv(%arg0: i32, %arg1: i32, %arg2: memref<10000x128xf32, #tpu.memory_space<hbm>>, %arg3: memref<320000xi32, #tpu.memory_space<hbm>>, %arg4: memref<320000xi32, #tpu.memory_space<hbm>>, %arg5: memref<20480x128xf32, #tpu.memory_space<hbm>>, %arg6: memref<10000xi32, #tpu.memory_space<vmem>>, %arg7: memref<96xi32, #tpu.memory_space<vmem>>, %arg8: memref<96xi32, #tpu.memory_space<vmem>>, %arg9: memref<96xi32, #tpu.memory_space<vmem>>, %arg10: memref<96x128xf32, #tpu.memory_space<vmem>>, %arg11: memref<96x128xf32, #tpu.memory_space<vmem>>, %arg12: memref<96x128xf32, #tpu.memory_space<vmem>>, %arg13: memref<16xi32, #tpu.memory_space<vmem>>, %arg14: memref<4x128xf32, #tpu.memory_space<vmem>>, %arg15: memref<10240x128xf32, #tpu.memory_space<vmem_shared>>, %arg16: memref<!tpu.dma_semaphore, #tpu.memory_space<semaphore_mem>>, %arg17: memref<!tpu.dma_semaphore, #tpu.memory_space<semaphore_mem>>, %arg18: memref<!tpu.dma_semaphore, #tpu.memory_space<semaphore_mem>>, %arg19: memref<!tpu.dma_semaphore, #tpu.memory_space<semaphore_mem>>, %arg20: memref<!tpu.dma_semaphore, #tpu.memory_space<semaphore_mem>>, %arg21: memref<!tpu.dma_semaphore, #tpu.memory_space<semaphore_mem>>, %arg22: memref<!tpu.dma_semaphore, #tpu.memory_space<semaphore_mem>>, %arg23: memref<!tpu.dma_semaphore, #tpu.memory_space<semaphore_mem>>, %arg24: memref<!tpu.dma_semaphore, #tpu.memory_space<semaphore_mem>>) attributes {dimension_semantics = [#tpu.dimension_semantics<core_parallel>, #tpu.dimension_semantics<subcore_parallel>], iteration_bounds = array<i64: 2, 16>, scalar_prefetch = 0 : i64, scratch_operands = 19 : i64, tpu.core_type = #tpu.core_type<sc_vector_subcore>, window_params = [{transform_indices = #map}, {transform_indices = #map1}, {transform_indices = #map1}, {transform_indices = #map}]} {
    %mul3A = arith.constant 2 : i32
    %mul3A_0 = arith.muli %arg1, %mul3A : i32
    %add3A = arith.addi %mul3A_0, %arg0 : i32
    %mul3A_1 = arith.constant 10000 : i32
    %mul3A_2 = arith.muli %add3A, %mul3A_1 : i32
    %broadcast_in_dim3A = arith.constant 0.000000e+00 : f32
    %broadcast_in_dim3A_3 = vector.broadcast %broadcast_in_dim3A : f32 to vector<16xf32>
    %swap3A = arith.constant 0 : i32
    %swap3A_4 = arith.index_cast %swap3A : i32 to index
    %swap3A_5 = arith.constant 0 : index
    %swap3A_6 = tpu.vector_load %arg14[%swap3A_4, %swap3A_5] {strides = array<i32>} : memref<4x128xf32, #tpu.memory_space<vmem>>, vector<1x16xf32>,
    %swap3A_7 = vector.shape_cast %swap3A_6 : vector<1x16xf32> to vector<16xf32>
    %swap3A_8 = vector.shape_cast %broadcast_in_dim3A_3 : vector<16xf32> to vector<1x16xf32>
    tpu.vector_store %arg14[%swap3A_4, %swap3A_5], %swap3A_8 {strides = array<i32>} : memref<4x128xf32, #tpu.memory_space<vmem>>, vector<1x16xf32>,
    %broadcast_in_dim3A_9 = arith.constant 0.000000e+00 : f32
    %broadcast_in_dim3A_10 = vector.broadcast %broadcast_in_dim3A_9 : f32 to vector<16xf32>
    %swap3A_11 = arith.constant 0 : i32
    %swap3A_12 = arith.index_cast %swap3A_11 : i32 to index
    %swap3A_13 = arith.constant 16 : index
    %swap3A_14 = tpu.vector_load %arg14[%swap3A_12, %swap3A_13] {strides = array<i32>} : memref<4x128xf32, #tpu.memory_space<vmem>>, vector<1x16xf32>,
    %swap3A_15 = vector.shape_cast %swap3A_14 : vector<1x16xf32> to vector<16xf32>
    %swap3A_16 = vector.shape_cast %broadcast_in_dim3A_10 : vector<16xf32> to vector<1x16xf32>
    tpu.vector_store %arg14[%swap3A_12, %swap3A_13], %swap3A_16 {strides = array<i32>} : memref<4x128xf32, #tpu.memory_space<vmem>>, vector<1x16xf32>,
    %broadcast_in_dim3A_17 = arith.constant 0.000000e+00 : f32
    %broadcast_in_dim3A_18 = vector.broadcast %broadcast_in_dim3A_17 : f32 to vector<16xf32>
    %swap3A_19 = arith.constant 0 : i32
    %swap3A_20 = arith.index_cast %swap3A_19 : i32 to index
    %swap3A_21 = arith.constant 32 : index
    %swap3A_22 = tpu.vector_load %arg14[%swap3A_20, %swap3A_21] {strides = array<i32>} : memref<4x128xf32, #tpu.memory_space<vmem>>, vector<1x16xf32>,
    %swap3A_23 = vector.shape_cast %swap3A_22 : vector<1x16xf32> to vector<16xf32>
    %swap3A_24 = vector.shape_cast %broadcast_in_dim3A_18 : vector<16xf32> to vector<1x16xf32>
    tpu.vector_store %arg14[%swap3A_20, %swap3A_21], %swap3A_24 {strides = array<i32>} : memref<4x128xf32, #tpu.memory_space<vmem>>, vector<1x16xf32>,
    %broadcast_in_dim3A_25 = arith.constant 0.000000e+00 : f32
    %broadcast_in_dim3A_26 = vector.broadcast %broadcast_in_dim3A_25 : f32 to vector<16xf32>
    %swap3A_27 = arith.constant 0 : i32
    %swap3A_28 = arith.index_cast %swap3A_27 : i32 to index
    %swap3A_29 = arith.constant 48 : index
    %swap3A_30 = tpu.vector_load %arg14[%swap3A_28, %swap3A_29] {strides = array<i32>} : memref<4x128xf32, #tpu.memory_space<vmem>>, vector<1x16xf32>,
    %swap3A_31 = vector.shape_cast %swap3A_30 : vector<1x16xf32> to vector<16xf32>
    %swap3A_32 = vector.shape_cast %broadcast_in_dim3A_26 : vector<16xf32> to vector<1x16xf32>
    tpu.vector_store %arg14[%swap3A_28, %swap3A_29], %swap3A_32 {strides = array<i32>} : memref<4x128xf32, #tpu.memory_space<vmem>>, vector<1x16xf32>,
    %broadcast_in_dim3A_33 = arith.constant 0.000000e+00 : f32
    %broadcast_in_dim3A_34 = vector.broadcast %broadcast_in_dim3A_33 : f32 to vector<16xf32>
    %swap3A_35 = arith.constant 0 : i32
    %swap3A_36 = arith.index_cast %swap3A_35 : i32 to index
    %swap3A_37 = arith.constant 64 : index
    %swap3A_38 = tpu.vector_load %arg14[%swap3A_36, %swap3A_37] {strides = array<i32>} : memref<4x128xf32, #tpu.memory_space<vmem>>, vector<1x16xf32>,
    %swap3A_39 = vector.shape_cast %swap3A_38 : vector<1x16xf32> to vector<16xf32>
    %swap3A_40 = vector.shape_cast %broadcast_in_dim3A_34 : vector<16xf32> to vector<1x16xf32>
    tpu.vector_store %arg14[%swap3A_36, %swap3A_37], %swap3A_40 {strides = array<i32>} : memref<4x128xf32, #tpu.memory_space<vmem>>, vector<1x16xf32>,
    %broadcast_in_dim3A_41 = arith.constant 0.000000e+00 : f32
    %broadcast_in_dim3A_42 = vector.broadcast %broadcast_in_dim3A_41 : f32 to vector<16xf32>
    %swap3A_43 = arith.constant 0 : i32
    %swap3A_44 = arith.index_cast %swap3A_43 : i32 to index
    %swap3A_45 = arith.constant 80 : index
    %swap3A_46 = tpu.vector_load %arg14[%swap3A_44, %swap3A_45] {strides = array<i32>} : memref<4x128xf32, #tpu.memory_space<vmem>>, vector<1x16xf32>,
    %swap3A_47 = vector.shape_cast %swap3A_46 : vector<1x16xf32> to vector<16xf32>
    %swap3A_48 = vector.shape_cast %broadcast_in_dim3A_42 : vector<16xf32> to vector<1x16xf32>
    tpu.vector_store %arg14[%swap3A_44, %swap3A_45], %swap3A_48 {strides = array<i32>} : memref<4x128xf32, #tpu.memory_space<vmem>>, vector<1x16xf32>,
    %broadcast_in_dim3A_49 = arith.constant 0.000000e+00 : f32
    %broadcast_in_dim3A_50 = vector.broadcast %broadcast_in_dim3A_49 : f32 to vector<16xf32>
    %swap3A_51 = arith.constant 0 : i32
    %swap3A_52 = arith.index_cast %swap3A_51 : i32 to index
    %swap3A_53 = arith.constant 96 : index
    %swap3A_54 = tpu.vector_load %arg14[%swap3A_52, %swap3A_53] {strides = array<i32>} : memref<4x128xf32, #tpu.memory_space<vmem>>, vector<1x16xf32>,
    %swap3A_55 = vector.shape_cast %swap3A_54 : vector<1x16xf32> to vector<16xf32>
    %swap3A_56 = vector.shape_cast %broadcast_in_dim3A_50 : vector<16xf32> to vector<1x16xf32>
    tpu.vector_store %arg14[%swap3A_52, %swap3A_53], %swap3A_56 {strides = array<i32>} : memref<4x128xf32, #tpu.memory_space<vmem>>, vector<1x16xf32>,
    %broadcast_in_dim3A_57 = arith.constant 0.000000e+00 : f32
    %broadcast_in_dim3A_58 = vector.broadcast %broadcast_in_dim3A_57 : f32 to vector<16xf32>
    %swap3A_59 = arith.constant 0 : i32
    %swap3A_60 = arith.index_cast %swap3A_59 : i32 to index
    %swap3A_61 = arith.constant 112 : index
    %swap3A_62 = tpu.vector_load %arg14[%swap3A_60, %swap3A_61] {strides = array<i32>} : memref<4x128xf32, #tpu.memory_space<vmem>>, vector<1x16xf32>,
    %swap3A_63 = vector.shape_cast %swap3A_62 : vector<1x16xf32> to vector<16xf32>
    %swap3A_64 = vector.shape_cast %broadcast_in_dim3A_58 : vector<16xf32> to vector<1x16xf32>
    tpu.vector_store %arg14[%swap3A_60, %swap3A_61], %swap3A_64 {strides = array<i32>} : memref<4x128xf32, #tpu.memory_space<vmem>>, vector<1x16xf32>,
    %broadcast_in_dim3A_65 = arith.constant 0.000000e+00 : f32
    %broadcast_in_dim3A_66 = vector.broadcast %broadcast_in_dim3A_65 : f32 to vector<16xf32>
    %swap3A_67 = arith.constant 1 : i32
    %swap3A_68 = arith.index_cast %swap3A_67 : i32 to index
    %swap3A_69 = arith.constant 0 : index
    %swap3A_70 = tpu.vector_load %arg14[%swap3A_68, %swap3A_69] {strides = array<i32>} : memref<4x128xf32, #tpu.memory_space<vmem>>, vector<1x16xf32>,
    %swap3A_71 = vector.shape_cast %swap3A_70 : vector<1x16xf32> to vector<16xf32>
    %swap3A_72 = vector.shape_cast %broadcast_in_dim3A_66 : vector<16xf32> to vector<1x16xf32>
    tpu.vector_store %arg14[%swap3A_68, %swap3A_69], %swap3A_72 {strides = array<i32>} : memref<4x128xf32, #tpu.memory_space<vmem>>, vector<1x16xf32>,
    %broadcast_in_dim3A_73 = arith.constant 0.000000e+00 : f32
    %broadcast_in_dim3A_74 = vector.broadcast %broadcast_in_dim3A_73 : f32 to vector<16xf32>
    %swap3A_75 = arith.constant 1 : i32
    %swap3A_76 = arith.index_cast %swap3A_75 : i32 to index
    %swap3A_77 = arith.constant 16 : index
    %swap3A_78 = tpu.vector_load %arg14[%swap3A_76, %swap3A_77] {strides = array<i32>} : memref<4x128xf32, #tpu.memory_space<vmem>>, vector<1x16xf32>,
    %swap3A_79 = vector.shape_cast %swap3A_78 : vector<1x16xf32> to vector<16xf32>
    %swap3A_80 = vector.shape_cast %broadcast_in_dim3A_74 : vector<16xf32> to vector<1x16xf32>
    tpu.vector_store %arg14[%swap3A_76, %swap3A_77], %swap3A_80 {strides = array<i32>} : memref<4x128xf32, #tpu.memory_space<vmem>>, vector<1x16xf32>,
    %broadcast_in_dim3A_81 = arith.constant 0.000000e+00 : f32
    %broadcast_in_dim3A_82 = vector.broadcast %broadcast_in_dim3A_81 : f32 to vector<16xf32>
    %swap3A_83 = arith.constant 1 : i32
    %swap3A_84 = arith.index_cast %swap3A_83 : i32 to index
    %swap3A_85 = arith.constant 32 : index
    %swap3A_86 = tpu.vector_load %arg14[%swap3A_84, %swap3A_85] {strides = array<i32>} : memref<4x128xf32, #tpu.memory_space<vmem>>, vector<1x16xf32>,
    %swap3A_87 = vector.shape_cast %swap3A_86 : vector<1x16xf32> to vector<16xf32>
    %swap3A_88 = vector.shape_cast %broadcast_in_dim3A_82 : vector<16xf32> to vector<1x16xf32>
    tpu.vector_store %arg14[%swap3A_84, %swap3A_85], %swap3A_88 {strides = array<i32>} : memref<4x128xf32, #tpu.memory_space<vmem>>, vector<1x16xf32>,
    %broadcast_in_dim3A_89 = arith.constant 0.000000e+00 : f32
    %broadcast_in_dim3A_90 = vector.broadcast %broadcast_in_dim3A_89 : f32 to vector<16xf32>
    %swap3A_91 = arith.constant 1 : i32
    %swap3A_92 = arith.index_cast %swap3A_91 : i32 to index
    %swap3A_93 = arith.constant 48 : index
    %swap3A_94 = tpu.vector_load %arg14[%swap3A_92, %swap3A_93] {strides = array<i32>} : memref<4x128xf32, #tpu.memory_space<vmem>>, vector<1x16xf32>,
    %swap3A_95 = vector.shape_cast %swap3A_94 : vector<1x16xf32> to vector<16xf32>
    %swap3A_96 = vector.shape_cast %broadcast_in_dim3A_90 : vector<16xf32> to vector<1x16xf32>
    tpu.vector_store %arg14[%swap3A_92, %swap3A_93], %swap3A_96 {strides = array<i32>} : memref<4x128xf32, #tpu.memory_space<vmem>>, vector<1x16xf32>,
    %broadcast_in_dim3A_97 = arith.constant 0.000000e+00 : f32
    %broadcast_in_dim3A_98 = vector.broadcast %broadcast_in_dim3A_97 : f32 to vector<16xf32>
    %swap3A_99 = arith.constant 1 : i32
    %swap3A_100 = arith.index_cast %swap3A_99 : i32 to index
    %swap3A_101 = arith.constant 64 : index
    %swap3A_102 = tpu.vector_load %arg14[%swap3A_100, %swap3A_101] {strides = array<i32>} : memref<4x128xf32, #tpu.memory_space<vmem>>, vector<1x16xf32>,
    %swap3A_103 = vector.shape_cast %swap3A_102 : vector<1x16xf32> to vector<16xf32>
    %swap3A_104 = vector.shape_cast %broadcast_in_dim3A_98 : vector<16xf32> to vector<1x16xf32>
    tpu.vector_store %arg14[%swap3A_100, %swap3A_101], %swap3A_104 {strides = array<i32>} : memref<4x128xf32, #tpu.memory_space<vmem>>, vector<1x16xf32>,
    %broadcast_in_dim3A_105 = arith.constant 0.000000e+00 : f32
    %broadcast_in_dim3A_106 = vector.broadcast %broadcast_in_dim3A_105 : f32 to vector<16xf32>
    %swap3A_107 = arith.constant 1 : i32
    %swap3A_108 = arith.index_cast %swap3A_107 : i32 to index
    %swap3A_109 = arith.constant 80 : index
    %swap3A_110 = tpu.vector_load %arg14[%swap3A_108, %swap3A_109] {strides = array<i32>} : memref<4x128xf32, #tpu.memory_space<vmem>>, vector<1x16xf32>,
    %swap3A_111 = vector.shape_cast %swap3A_110 : vector<1x16xf32> to vector<16xf32>
    %swap3A_112 = vector.shape_cast %broadcast_in_dim3A_106 : vector<16xf32> to vector<1x16xf32>
    tpu.vector_store %arg14[%swap3A_108, %swap3A_109], %swap3A_112 {strides = array<i32>} : memref<4x128xf32, #tpu.memory_space<vmem>>, vector<1x16xf32>,
    %broadcast_in_dim3A_113 = arith.constant 0.000000e+00 : f32
    %broadcast_in_dim3A_114 = vector.broadcast %broadcast_in_dim3A_113 : f32 to vector<16xf32>
    %swap3A_115 = arith.constant 1 : i32
    %swap3A_116 = arith.index_cast %swap3A_115 : i32 to index
    %swap3A_117 = arith.constant 96 : index
    %swap3A_118 = tpu.vector_load %arg14[%swap3A_116, %swap3A_117] {strides = array<i32>} : memref<4x128xf32, #tpu.memory_space<vmem>>, vector<1x16xf32>,
    %swap3A_119 = vector.shape_cast %swap3A_118 : vector<1x16xf32> to vector<16xf32>
    %swap3A_120 = vector.shape_cast %broadcast_in_dim3A_114 : vector<16xf32> to vector<1x16xf32>
    tpu.vector_store %arg14[%swap3A_116, %swap3A_117], %swap3A_120 {strides = array<i32>} : memref<4x128xf32, #tpu.memory_space<vmem>>, vector<1x16xf32>,
    %broadcast_in_dim3A_121 = arith.constant 0.000000e+00 : f32
    %broadcast_in_dim3A_122 = vector.broadcast %broadcast_in_dim3A_121 : f32 to vector<16xf32>
    %swap3A_123 = arith.constant 1 : i32
    %swap3A_124 = arith.index_cast %swap3A_123 : i32 to index
    %swap3A_125 = arith.constant 112 : index
    %swap3A_126 = tpu.vector_load %arg14[%swap3A_124, %swap3A_125] {strides = array<i32>} : memref<4x128xf32, #tpu.memory_space<vmem>>, vector<1x16xf32>,
    %swap3A_127 = vector.shape_cast %swap3A_126 : vector<1x16xf32> to vector<16xf32>
    %swap3A_128 = vector.shape_cast %broadcast_in_dim3A_122 : vector<16xf32> to vector<1x16xf32>
    tpu.vector_store %arg14[%swap3A_124, %swap3A_125], %swap3A_128 {strides = array<i32>} : memref<4x128xf32, #tpu.memory_space<vmem>>, vector<1x16xf32>,
    %broadcast_in_dim3A_129 = arith.constant 0.000000e+00 : f32
    %broadcast_in_dim3A_130 = vector.broadcast %broadcast_in_dim3A_129 : f32 to vector<16xf32>
    %swap3A_131 = arith.constant 2 : i32
    %swap3A_132 = arith.index_cast %swap3A_131 : i32 to index
    %swap3A_133 = arith.constant 0 : index
    %swap3A_134 = tpu.vector_load %arg14[%swap3A_132, %swap3A_133] {strides = array<i32>} : memref<4x128xf32, #tpu.memory_space<vmem>>, vector<1x16xf32>,
    %swap3A_135 = vector.shape_cast %swap3A_134 : vector<1x16xf32> to vector<16xf32>
    %swap3A_136 = vector.shape_cast %broadcast_in_dim3A_130 : vector<16xf32> to vector<1x16xf32>
    tpu.vector_store %arg14[%swap3A_132, %swap3A_133], %swap3A_136 {strides = array<i32>} : memref<4x128xf32, #tpu.memory_space<vmem>>, vector<1x16xf32>,
    %broadcast_in_dim3A_137 = arith.constant 0.000000e+00 : f32
    %broadcast_in_dim3A_138 = vector.broadcast %broadcast_in_dim3A_137 : f32 to vector<16xf32>
    %swap3A_139 = arith.constant 2 : i32
    %swap3A_140 = arith.index_cast %swap3A_139 : i32 to index
    %swap3A_141 = arith.constant 16 : index
    %swap3A_142 = tpu.vector_load %arg14[%swap3A_140, %swap3A_141] {strides = array<i32>} : memref<4x128xf32, #tpu.memory_space<vmem>>, vector<1x16xf32>,
    %swap3A_143 = vector.shape_cast %swap3A_142 : vector<1x16xf32> to vector<16xf32>
    %swap3A_144 = vector.shape_cast %broadcast_in_dim3A_138 : vector<16xf32> to vector<1x16xf32>
    tpu.vector_store %arg14[%swap3A_140, %swap3A_141], %swap3A_144 {strides = array<i32>} : memref<4x128xf32, #tpu.memory_space<vmem>>, vector<1x16xf32>,
    %broadcast_in_dim3A_145 = arith.constant 0.000000e+00 : f32
    %broadcast_in_dim3A_146 = vector.broadcast %broadcast_in_dim3A_145 : f32 to vector<16xf32>
    %swap3A_147 = arith.constant 2 : i32
    %swap3A_148 = arith.index_cast %swap3A_147 : i32 to index
    %swap3A_149 = arith.constant 32 : index
    %swap3A_150 = tpu.vector_load %arg14[%swap3A_148, %swap3A_149] {strides = array<i32>} : memref<4x128xf32, #tpu.memory_space<vmem>>, vector<1x16xf32>,
    %swap3A_151 = vector.shape_cast %swap3A_150 : vector<1x16xf32> to vector<16xf32>
    %swap3A_152 = vector.shape_cast %broadcast_in_dim3A_146 : vector<16xf32> to vector<1x16xf32>
    tpu.vector_store %arg14[%swap3A_148, %swap3A_149], %swap3A_152 {strides = array<i32>} : memref<4x128xf32, #tpu.memory_space<vmem>>, vector<1x16xf32>,
    %broadcast_in_dim3A_153 = arith.constant 0.000000e+00 : f32
    %broadcast_in_dim3A_154 = vector.broadcast %broadcast_in_dim3A_153 : f32 to vector<16xf32>
    %swap3A_155 = arith.constant 2 : i32
    %swap3A_156 = arith.index_cast %swap3A_155 : i32 to index
    %swap3A_157 = arith.constant 48 : index
    %swap3A_158 = tpu.vector_load %arg14[%swap3A_156, %swap3A_157] {strides = array<i32>} : memref<4x128xf32, #tpu.memory_space<vmem>>, vector<1x16xf32>,
    %swap3A_159 = vector.shape_cast %swap3A_158 : vector<1x16xf32> to vector<16xf32>
    %swap3A_160 = vector.shape_cast %broadcast_in_dim3A_154 : vector<16xf32> to vector<1x16xf32>
    tpu.vector_store %arg14[%swap3A_156, %swap3A_157], %swap3A_160 {strides = array<i32>} : memref<4x128xf32, #tpu.memory_space<vmem>>, vector<1x16xf32>,
    %broadcast_in_dim3A_161 = arith.constant 0.000000e+00 : f32
    %broadcast_in_dim3A_162 = vector.broadcast %broadcast_in_dim3A_161 : f32 to vector<16xf32>
    %swap3A_163 = arith.constant 2 : i32
    %swap3A_164 = arith.index_cast %swap3A_163 : i32 to index
    %swap3A_165 = arith.constant 64 : index
    %swap3A_166 = tpu.vector_load %arg14[%swap3A_164, %swap3A_165] {strides = array<i32>} : memref<4x128xf32, #tpu.memory_space<vmem>>, vector<1x16xf32>,
    %swap3A_167 = vector.shape_cast %swap3A_166 : vector<1x16xf32> to vector<16xf32>
    %swap3A_168 = vector.shape_cast %broadcast_in_dim3A_162 : vector<16xf32> to vector<1x16xf32>
    tpu.vector_store %arg14[%swap3A_164, %swap3A_165], %swap3A_168 {strides = array<i32>} : memref<4x128xf32, #tpu.memory_space<vmem>>, vector<1x16xf32>,
    %broadcast_in_dim3A_169 = arith.constant 0.000000e+00 : f32
    %broadcast_in_dim3A_170 = vector.broadcast %broadcast_in_dim3A_169 : f32 to vector<16xf32>
    %swap3A_171 = arith.constant 2 : i32
    %swap3A_172 = arith.index_cast %swap3A_171 : i32 to index
    %swap3A_173 = arith.constant 80 : index
    %swap3A_174 = tpu.vector_load %arg14[%swap3A_172, %swap3A_173] {strides = array<i32>} : memref<4x128xf32, #tpu.memory_space<vmem>>, vector<1x16xf32>,
    %swap3A_175 = vector.shape_cast %swap3A_174 : vector<1x16xf32> to vector<16xf32>
    %swap3A_176 = vector.shape_cast %broadcast_in_dim3A_170 : vector<16xf32> to vector<1x16xf32>
    tpu.vector_store %arg14[%swap3A_172, %swap3A_173], %swap3A_176 {strides = array<i32>} : memref<4x128xf32, #tpu.memory_space<vmem>>, vector<1x16xf32>,
    %broadcast_in_dim3A_177 = arith.constant 0.000000e+00 : f32
    %broadcast_in_dim3A_178 = vector.broadcast %broadcast_in_dim3A_177 : f32 to vector<16xf32>
    %swap3A_179 = arith.constant 2 : i32
    %swap3A_180 = arith.index_cast %swap3A_179 : i32 to index
    %swap3A_181 = arith.constant 96 : index
    %swap3A_182 = tpu.vector_load %arg14[%swap3A_180, %swap3A_181] {strides = array<i32>} : memref<4x128xf32, #tpu.memory_space<vmem>>, vector<1x16xf32>,
    %swap3A_183 = vector.shape_cast %swap3A_182 : vector<1x16xf32> to vector<16xf32>
    %swap3A_184 = vector.shape_cast %broadcast_in_dim3A_178 : vector<16xf32> to vector<1x16xf32>
    tpu.vector_store %arg14[%swap3A_180, %swap3A_181], %swap3A_184 {strides = array<i32>} : memref<4x128xf32, #tpu.memory_space<vmem>>, vector<1x16xf32>,
    %broadcast_in_dim3A_185 = arith.constant 0.000000e+00 : f32
    %broadcast_in_dim3A_186 = vector.broadcast %broadcast_in_dim3A_185 : f32 to vector<16xf32>
    %swap3A_187 = arith.constant 2 : i32
    %swap3A_188 = arith.index_cast %swap3A_187 : i32 to index
    %swap3A_189 = arith.constant 112 : index
    %swap3A_190 = tpu.vector_load %arg14[%swap3A_188, %swap3A_189] {strides = array<i32>} : memref<4x128xf32, #tpu.memory_space<vmem>>, vector<1x16xf32>,
    %swap3A_191 = vector.shape_cast %swap3A_190 : vector<1x16xf32> to vector<16xf32>
    %swap3A_192 = vector.shape_cast %broadcast_in_dim3A_186 : vector<16xf32> to vector<1x16xf32>
    tpu.vector_store %arg14[%swap3A_188, %swap3A_189], %swap3A_192 {strides = array<i32>} : memref<4x128xf32, #tpu.memory_space<vmem>>, vector<1x16xf32>,
    %broadcast_in_dim3A_193 = arith.constant 0.000000e+00 : f32
    %broadcast_in_dim3A_194 = vector.broadcast %broadcast_in_dim3A_193 : f32 to vector<16xf32>
    %swap3A_195 = arith.constant 3 : i32
    %swap3A_196 = arith.index_cast %swap3A_195 : i32 to index
    %swap3A_197 = arith.constant 0 : index
    %swap3A_198 = tpu.vector_load %arg14[%swap3A_196, %swap3A_197] {strides = array<i32>} : memref<4x128xf32, #tpu.memory_space<vmem>>, vector<1x16xf32>,
    %swap3A_199 = vector.shape_cast %swap3A_198 : vector<1x16xf32> to vector<16xf32>
    %swap3A_200 = vector.shape_cast %broadcast_in_dim3A_194 : vector<16xf32> to vector<1x16xf32>
    tpu.vector_store %arg14[%swap3A_196, %swap3A_197], %swap3A_200 {strides = array<i32>} : memref<4x128xf32, #tpu.memory_space<vmem>>, vector<1x16xf32>,
    %broadcast_in_dim3A_201 = arith.constant 0.000000e+00 : f32
    %broadcast_in_dim3A_202 = vector.broadcast %broadcast_in_dim3A_201 : f32 to vector<16xf32>
    %swap3A_203 = arith.constant 3 : i32
    %swap3A_204 = arith.index_cast %swap3A_203 : i32 to index
    %swap3A_205 = arith.constant 16 : index
    %swap3A_206 = tpu.vector_load %arg14[%swap3A_204, %swap3A_205] {strides = array<i32>} : memref<4x128xf32, #tpu.memory_space<vmem>>, vector<1x16xf32>,
    %swap3A_207 = vector.shape_cast %swap3A_206 : vector<1x16xf32> to vector<16xf32>
    %swap3A_208 = vector.shape_cast %broadcast_in_dim3A_202 : vector<16xf32> to vector<1x16xf32>
    tpu.vector_store %arg14[%swap3A_204, %swap3A_205], %swap3A_208 {strides = array<i32>} : memref<4x128xf32, #tpu.memory_space<vmem>>, vector<1x16xf32>,
    %broadcast_in_dim3A_209 = arith.constant 0.000000e+00 : f32
    %broadcast_in_dim3A_210 = vector.broadcast %broadcast_in_dim3A_209 : f32 to vector<16xf32>
    %swap3A_211 = arith.constant 3 : i32
    %swap3A_212 = arith.index_cast %swap3A_211 : i32 to index
    %swap3A_213 = arith.constant 32 : index
    %swap3A_214 = tpu.vector_load %arg14[%swap3A_212, %swap3A_213] {strides = array<i32>} : memref<4x128xf32, #tpu.memory_space<vmem>>, vector<1x16xf32>,
    %swap3A_215 = vector.shape_cast %swap3A_214 : vector<1x16xf32> to vector<16xf32>
    %swap3A_216 = vector.shape_cast %broadcast_in_dim3A_210 : vector<16xf32> to vector<1x16xf32>
    tpu.vector_store %arg14[%swap3A_212, %swap3A_213], %swap3A_216 {strides = array<i32>} : memref<4x128xf32, #tpu.memory_space<vmem>>, vector<1x16xf32>,
    %broadcast_in_dim3A_217 = arith.constant 0.000000e+00 : f32
    %broadcast_in_dim3A_218 = vector.broadcast %broadcast_in_dim3A_217 : f32 to vector<16xf32>
    %swap3A_219 = arith.constant 3 : i32
    %swap3A_220 = arith.index_cast %swap3A_219 : i32 to index
    %swap3A_221 = arith.constant 48 : index
    %swap3A_222 = tpu.vector_load %arg14[%swap3A_220, %swap3A_221] {strides = array<i32>} : memref<4x128xf32, #tpu.memory_space<vmem>>, vector<1x16xf32>,
    %swap3A_223 = vector.shape_cast %swap3A_222 : vector<1x16xf32> to vector<16xf32>
    %swap3A_224 = vector.shape_cast %broadcast_in_dim3A_218 : vector<16xf32> to vector<1x16xf32>
    tpu.vector_store %arg14[%swap3A_220, %swap3A_221], %swap3A_224 {strides = array<i32>} : memref<4x128xf32, #tpu.memory_space<vmem>>, vector<1x16xf32>,
    %broadcast_in_dim3A_225 = arith.constant 0.000000e+00 : f32
    %broadcast_in_dim3A_226 = vector.broadcast %broadcast_in_dim3A_225 : f32 to vector<16xf32>
    %swap3A_227 = arith.constant 3 : i32
    %swap3A_228 = arith.index_cast %swap3A_227 : i32 to index
    %swap3A_229 = arith.constant 64 : index
    %swap3A_230 = tpu.vector_load %arg14[%swap3A_228, %swap3A_229] {strides = array<i32>} : memref<4x128xf32, #tpu.memory_space<vmem>>, vector<1x16xf32>,
    %swap3A_231 = vector.shape_cast %swap3A_230 : vector<1x16xf32> to vector<16xf32>
    %swap3A_232 = vector.shape_cast %broadcast_in_dim3A_226 : vector<16xf32> to vector<1x16xf32>
    tpu.vector_store %arg14[%swap3A_228, %swap3A_229], %swap3A_232 {strides = array<i32>} : memref<4x128xf32, #tpu.memory_space<vmem>>, vector<1x16xf32>,
    %broadcast_in_dim3A_233 = arith.constant 0.000000e+00 : f32
    %broadcast_in_dim3A_234 = vector.broadcast %broadcast_in_dim3A_233 : f32 to vector<16xf32>
    %swap3A_235 = arith.constant 3 : i32
    %swap3A_236 = arith.index_cast %swap3A_235 : i32 to index
    %swap3A_237 = arith.constant 80 : index
    %swap3A_238 = tpu.vector_load %arg14[%swap3A_236, %swap3A_237] {strides = array<i32>} : memref<4x128xf32, #tpu.memory_space<vmem>>, vector<1x16xf32>,
    %swap3A_239 = vector.shape_cast %swap3A_238 : vector<1x16xf32> to vector<16xf32>
    %swap3A_240 = vector.shape_cast %broadcast_in_dim3A_234 : vector<16xf32> to vector<1x16xf32>
    tpu.vector_store %arg14[%swap3A_236, %swap3A_237], %swap3A_240 {strides = array<i32>} : memref<4x128xf32, #tpu.memory_space<vmem>>, vector<1x16xf32>,
    %broadcast_in_dim3A_241 = arith.constant 0.000000e+00 : f32
    %broadcast_in_dim3A_242 = vector.broadcast %broadcast_in_dim3A_241 : f32 to vector<16xf32>
    %swap3A_243 = arith.constant 3 : i32
    %swap3A_244 = arith.index_cast %swap3A_243 : i32 to index
    %swap3A_245 = arith.constant 96 : index
    %swap3A_246 = tpu.vector_load %arg14[%swap3A_244, %swap3A_245] {strides = array<i32>} : memref<4x128xf32, #tpu.memory_space<vmem>>, vector<1x16xf32>,
    %swap3A_247 = vector.shape_cast %swap3A_246 : vector<1x16xf32> to vector<16xf32>
    %swap3A_248 = vector.shape_cast %broadcast_in_dim3A_242 : vector<16xf32> to vector<1x16xf32>
    tpu.vector_store %arg14[%swap3A_244, %swap3A_245], %swap3A_248 {strides = array<i32>} : memref<4x128xf32, #tpu.memory_space<vmem>>, vector<1x16xf32>,
    %broadcast_in_dim3A_249 = arith.constant 0.000000e+00 : f32
    %broadcast_in_dim3A_250 = vector.broadcast %broadcast_in_dim3A_249 : f32 to vector<16xf32>
    %swap3A_251 = arith.constant 3 : i32
    %swap3A_252 = arith.index_cast %swap3A_251 : i32 to index
    %swap3A_253 = arith.constant 112 : index
    %swap3A_254 = tpu.vector_load %arg14[%swap3A_252, %swap3A_253] {strides = array<i32>} : memref<4x128xf32, #tpu.memory_space<vmem>>, vector<1x16xf32>,
    %swap3A_255 = vector.shape_cast %swap3A_254 : vector<1x16xf32> to vector<16xf32>
    %swap3A_256 = vector.shape_cast %broadcast_in_dim3A_250 : vector<16xf32> to vector<1x16xf32>
    tpu.vector_store %arg14[%swap3A_252, %swap3A_253], %swap3A_256 {strides = array<i32>} : memref<4x128xf32, #tpu.memory_space<vmem>>, vector<1x16xf32>,
    %dma_start3A = tpu.memref_slice %arg3[%mul3A_2] : memref<320000xi32, #tpu.memory_space<hbm>> -> memref<10000xi32, #tpu.memory_space<hbm>>
    %dma_start3A_257 = tpu.memref_slice %arg3[%mul3A_2] : memref<320000xi32, #tpu.memory_space<hbm>> -> memref<10000xi32, #tpu.memory_space<hbm>>
    tpu.enqueue_dma source(%dma_start3A_257 : memref<10000xi32, #tpu.memory_space<hbm>>) target(%arg6 : memref<10000xi32, #tpu.memory_space<vmem>>) target_semaphore(%arg16 : memref<!tpu.dma_semaphore, #tpu.memory_space<semaphore_mem>>)
    %scan3A = arith.constant 0 : i32
    %scan3A_258 = arith.constant 0 : i32
    %scan3A_259 = arith.constant 160 : i32
    %scan3A_260 = arith.addi %scan3A_258, %scan3A_259 : i32
    %scan3A_261 = arith.constant 1 : i32
    scf.for %scan3A_420 = %scan3A_258 to %scan3A_260 step %scan3A_261  : i32 {
      %mul3A_421 = arith.constant 640 : i32
      %mul3A_422 = arith.muli %arg1, %mul3A_421 : i32
      %mul3A_423 = arith.constant 4 : i32
      %mul3A_424 = arith.muli %scan3A_420, %mul3A_423 : i32
      %add3A_425 = arith.addi %mul3A_422, %mul3A_424 : i32
      "tpu.region"() ({
        %run_scoped3A = tpu.sem_alloc : memref<!tpu.dma_semaphore, #tpu.memory_space<semaphore_mem>>
        %dma_start3A_426 = arith.constant 0 : i32
        %dma_start3A_427 = tpu.memref_slice %arg15[%add3A_425, %dma_start3A_426] : memref<10240x128xf32, #tpu.memory_space<vmem_shared>> -> memref<4x128xf32, #tpu.memory_space<vmem_shared>>
        %dma_start3A_428 = arith.constant 0 : i32
        %dma_start3A_429 = tpu.memref_slice %arg15[%add3A_425, %dma_start3A_428] : memref<10240x128xf32, #tpu.memory_space<vmem_shared>> -> memref<4x128xf32, #tpu.memory_space<vmem_shared>>
        tpu.enqueue_dma source(%arg14 : memref<4x128xf32, #tpu.memory_space<vmem>>) target(%dma_start3A_429 : memref<4x128xf32, #tpu.memory_space<vmem_shared>>) target_semaphore(%run_scoped3A : memref<!tpu.dma_semaphore, #tpu.memory_space<semaphore_mem>>)
        %dma_wait3A_430 = arith.constant 0 : i32
        %dma_wait3A_431 = tpu.memref_slice %arg15[%add3A_425, %dma_wait3A_430] : memref<10240x128xf32, #tpu.memory_space<vmem_shared>> -> memref<4x128xf32, #tpu.memory_space<vmem_shared>>
        %dma_wait3A_432 = arith.constant 0 : i32
        %dma_wait3A_433 = tpu.memref_slice %arg15[%add3A_425, %dma_wait3A_432] : memref<10240x128xf32, #tpu.memory_space<vmem_shared>> -> memref<4x128xf32, #tpu.memory_space<vmem_shared>>
        tpu.wait_dma2 semaphore(%run_scoped3A : memref<!tpu.dma_semaphore, #tpu.memory_space<semaphore_mem>>) src(%arg14 : memref<4x128xf32, #tpu.memory_space<vmem>>) dst(%dma_wait3A_433 : memref<4x128xf32, #tpu.memory_space<vmem_shared>>)
        tpu.yield
      }) : () -> ()
    }
    %scan3A_262 = arith.constant 160 : i32
    %dma_wait3A = tpu.memref_slice %arg3[%mul3A_2] : memref<320000xi32, #tpu.memory_space<hbm>> -> memref<10000xi32, #tpu.memory_space<hbm>>
    %dma_wait3A_263 = tpu.memref_slice %arg3[%mul3A_2] : memref<320000xi32, #tpu.memory_space<hbm>> -> memref<10000xi32, #tpu.memory_space<hbm>>
    tpu.wait_dma2 semaphore(%arg16 : memref<!tpu.dma_semaphore, #tpu.memory_space<semaphore_mem>>) src(%dma_wait3A_263 : memref<10000xi32, #tpu.memory_space<hbm>>) dst(%arg6 : memref<10000xi32, #tpu.memory_space<vmem>>)
    %barrier3A = arith.constant 0 : index
    tpu.barrier barrier_id(%barrier3A)
    %add3A_264 = arith.constant 0 : i32
    %add3A_265 = arith.addi %mul3A_2, %add3A_264 : i32
    %dma_start3A_266 = tpu.memref_slice %arg4[%add3A_265] : memref<320000xi32, #tpu.memory_space<hbm>> -> memref<96xi32, #tpu.memory_space<hbm>>
    %dma_start3A_267 = tpu.memref_slice %arg4[%add3A_265] : memref<320000xi32, #tpu.memory_space<hbm>> -> memref<96xi32, #tpu.memory_space<hbm>>
    tpu.enqueue_dma source(%dma_start3A_267 : memref<96xi32, #tpu.memory_space<hbm>>) target(%arg7 : memref<96xi32, #tpu.memory_space<vmem>>) target_semaphore(%arg19 : memref<!tpu.dma_semaphore, #tpu.memory_space<semaphore_mem>>)
    %dma_start3A_268 = arith.constant 0 : i32
    %dma_start3A_269 = tpu.memref_slice %arg6[%dma_start3A_268] : memref<10000xi32, #tpu.memory_space<vmem>> -> memref<96xi32, #tpu.memory_space<vmem>>
    %dma_start3A_270 = arith.constant 0 : i32
    %dma_start3A_271 = arith.constant 0 : i32
    %dma_start3A_272 = tpu.memref_slice %arg2[%dma_start3A_270, %dma_start3A_271] : memref<10000x128xf32, #tpu.memory_space<hbm>> -> memref<10000x128xf32, #tpu.memory_space<hbm>>
    tpu.enqueue_indirect_dma source(%dma_start3A_272 : memref<10000x128xf32, #tpu.memory_space<hbm>>) target(%arg10 : memref<96x128xf32, #tpu.memory_space<vmem>>) offsets(%dma_start3A_269 : memref<96xi32, #tpu.memory_space<vmem>>) semaphore(%arg16 : memref<!tpu.dma_semaphore, #tpu.memory_space<semaphore_mem>>)
    %add3A_273 = arith.constant 96 : i32
    %add3A_274 = arith.addi %mul3A_2, %add3A_273 : i32
    %dma_start3A_275 = tpu.memref_slice %arg4[%add3A_274] : memref<320000xi32, #tpu.memory_space<hbm>> -> memref<96xi32, #tpu.memory_space<hbm>>
    %dma_start3A_276 = tpu.memref_slice %arg4[%add3A_274] : memref<320000xi32, #tpu.memory_space<hbm>> -> memref<96xi32, #tpu.memory_space<hbm>>
    tpu.enqueue_dma source(%dma_start3A_276 : memref<96xi32, #tpu.memory_space<hbm>>) target(%arg8 : memref<96xi32, #tpu.memory_space<vmem>>) target_semaphore(%arg20 : memref<!tpu.dma_semaphore, #tpu.memory_space<semaphore_mem>>)
    %dma_start3A_277 = arith.constant 96 : i32
    %dma_start3A_278 = tpu.memref_slice %arg6[%dma_start3A_277] : memref<10000xi32, #tpu.memory_space<vmem>> -> memref<96xi32, #tpu.memory_space<vmem>>
    %dma_start3A_279 = arith.constant 0 : i32
    %dma_start3A_280 = arith.constant 0 : i32
    %dma_start3A_281 = tpu.memref_slice %arg2[%dma_start3A_279, %dma_start3A_280] : memref<10000x128xf32, #tpu.memory_space<hbm>> -> memref<10000x128xf32, #tpu.memory_space<hbm>>
    tpu.enqueue_indirect_dma source(%dma_start3A_281 : memref<10000x128xf32, #tpu.memory_space<hbm>>) target(%arg11 : memref<96x128xf32, #tpu.memory_space<vmem>>) offsets(%dma_start3A_278 : memref<96xi32, #tpu.memory_space<vmem>>) semaphore(%arg17 : memref<!tpu.dma_semaphore, #tpu.memory_space<semaphore_mem>>)
    %add3A_282 = arith.constant 192 : i32
    %add3A_283 = arith.addi %mul3A_2, %add3A_282 : i32
    %dma_start3A_284 = tpu.memref_slice %arg4[%add3A_283] : memref<320000xi32, #tpu.memory_space<hbm>> -> memref<96xi32, #tpu.memory_space<hbm>>
    %dma_start3A_285 = tpu.memref_slice %arg4[%add3A_283] : memref<320000xi32, #tpu.memory_space<hbm>> -> memref<96xi32, #tpu.memory_space<hbm>>
    tpu.enqueue_dma source(%dma_start3A_285 : memref<96xi32, #tpu.memory_space<hbm>>) target(%arg9 : memref<96xi32, #tpu.memory_space<vmem>>) target_semaphore(%arg21 : memref<!tpu.dma_semaphore, #tpu.memory_space<semaphore_mem>>)
    %dma_start3A_286 = arith.constant 192 : i32
    %dma_start3A_287 = tpu.memref_slice %arg6[%dma_start3A_286] : memref<10000xi32, #tpu.memory_space<vmem>> -> memref<96xi32, #tpu.memory_space<vmem>>
    %dma_start3A_288 = arith.constant 0 : i32
    %dma_start3A_289 = arith.constant 0 : i32
    %dma_start3A_290 = tpu.memref_slice %arg2[%dma_start3A_288, %dma_start3A_289] : memref<10000x128xf32, #tpu.memory_space<hbm>> -> memref<10000x128xf32, #tpu.memory_space<hbm>>
    tpu.enqueue_indirect_dma source(%dma_start3A_290 : memref<10000x128xf32, #tpu.memory_space<hbm>>) target(%arg12 : memref<96x128xf32, #tpu.memory_space<vmem>>) offsets(%dma_start3A_287 : memref<96xi32, #tpu.memory_space<vmem>>) semaphore(%arg18 : memref<!tpu.dma_semaphore, #tpu.memory_space<semaphore_mem>>)
    %add3A_291 = arith.constant 0 : i32
    %add3A_292 = arith.addi %mul3A_2, %add3A_291 : i32
    %dma_wait3A_293 = tpu.memref_slice %arg4[%add3A_292] : memref<320000xi32, #tpu.memory_space<hbm>> -> memref<96xi32, #tpu.memory_space<hbm>>
    %dma_wait3A_294 = tpu.memref_slice %arg4[%add3A_292] : memref<320000xi32, #tpu.memory_space<hbm>> -> memref<96xi32, #tpu.memory_space<hbm>>
    tpu.wait_dma2 semaphore(%arg19 : memref<!tpu.dma_semaphore, #tpu.memory_space<semaphore_mem>>) src(%dma_wait3A_294 : memref<96xi32, #tpu.memory_space<hbm>>) dst(%arg7 : memref<96xi32, #tpu.memory_space<vmem>>)
    %dma_wait3A_295 = arith.constant 0 : i32
    %dma_wait3A_296 = tpu.memref_slice %arg6[%dma_wait3A_295] : memref<10000xi32, #tpu.memory_space<vmem>> -> memref<96xi32, #tpu.memory_space<vmem>>
    %dma_wait3A_297 = arith.constant 0 : i32
    %dma_wait3A_298 = arith.constant 0 : i32
    %dma_wait3A_299 = tpu.memref_slice %arg2[%dma_wait3A_297, %dma_wait3A_298] : memref<10000x128xf32, #tpu.memory_space<hbm>> -> memref<10000x128xf32, #tpu.memory_space<hbm>>
    tpu.wait_indirect_dma semaphore(%arg16 : memref<!tpu.dma_semaphore, #tpu.memory_space<semaphore_mem>>) src(%dma_wait3A_299 : memref<10000x128xf32, #tpu.memory_space<hbm>>) dst(%arg10 : memref<96x128xf32, #tpu.memory_space<vmem>>)
    %dma_start3A_300 = arith.constant 0 : i32
    %dma_start3A_301 = arith.constant 0 : i32
    %dma_start3A_302 = tpu.memref_slice %arg15[%dma_start3A_300, %dma_start3A_301] : memref<10240x128xf32, #tpu.memory_space<vmem_shared>> -> memref<10240x128xf32, #tpu.memory_space<vmem_shared>>
    tpu.enqueue_indirect_dma source(%arg10 : memref<96x128xf32, #tpu.memory_space<vmem>>) target(%dma_start3A_302 : memref<10240x128xf32, #tpu.memory_space<vmem_shared>>) offsets(%arg7 : memref<96xi32, #tpu.memory_space<vmem>>) semaphore(%arg22 : memref<!tpu.dma_semaphore, #tpu.memory_space<semaphore_mem>>) {add = true}
    %dma_wait3A_303 = arith.constant 0 : i32
    %dma_wait3A_304 = arith.constant 0 : i32
    %dma_wait3A_305 = tpu.memref_slice %arg15[%dma_wait3A_303, %dma_wait3A_304] : memref<10240x128xf32, #tpu.memory_space<vmem_shared>> -> memref<10240x128xf32, #tpu.memory_space<vmem_shared>>
    tpu.wait_indirect_dma semaphore(%arg22 : memref<!tpu.dma_semaphore, #tpu.memory_space<semaphore_mem>>) src(%arg10 : memref<96x128xf32, #tpu.memory_space<vmem>>) dst(%dma_wait3A_305 : memref<10240x128xf32, #tpu.memory_space<vmem_shared>>)
    %add3A_306 = arith.constant 288 : i32
    %add3A_307 = arith.addi %mul3A_2, %add3A_306 : i32
    %dma_start3A_308 = tpu.memref_slice %arg4[%add3A_307] : memref<320000xi32, #tpu.memory_space<hbm>> -> memref<96xi32, #tpu.memory_space<hbm>>
    %dma_start3A_309 = tpu.memref_slice %arg4[%add3A_307] : memref<320000xi32, #tpu.memory_space<hbm>> -> memref<96xi32, #tpu.memory_space<hbm>>
    tpu.enqueue_dma source(%dma_start3A_309 : memref<96xi32, #tpu.memory_space<hbm>>) target(%arg7 : memref<96xi32, #tpu.memory_space<vmem>>) target_semaphore(%arg19 : memref<!tpu.dma_semaphore, #tpu.memory_space<semaphore_mem>>)
    %dma_start3A_310 = arith.constant 288 : i32
    %dma_start3A_311 = tpu.memref_slice %arg6[%dma_start3A_310] : memref<10000xi32, #tpu.memory_space<vmem>> -> memref<96xi32, #tpu.memory_space<vmem>>
    %dma_start3A_312 = arith.constant 0 : i32
    %dma_start3A_313 = arith.constant 0 : i32
    %dma_start3A_314 = tpu.memref_slice %arg2[%dma_start3A_312, %dma_start3A_313] : memref<10000x128xf32, #tpu.memory_space<hbm>> -> memref<10000x128xf32, #tpu.memory_space<hbm>>
    tpu.enqueue_indirect_dma source(%dma_start3A_314 : memref<10000x128xf32, #tpu.memory_space<hbm>>) target(%arg10 : memref<96x128xf32, #tpu.memory_space<vmem>>) offsets(%dma_start3A_311 : memref<96xi32, #tpu.memory_space<vmem>>) semaphore(%arg16 : memref<!tpu.dma_semaphore, #tpu.memory_space<semaphore_mem>>)
    %add3A_315 = arith.constant 96 : i32
    %add3A_316 = arith.addi %mul3A_2, %add3A_315 : i32
    %dma_wait3A_317 = tpu.memref_slice %arg4[%add3A_316] : memref<320000xi32, #tpu.memory_space<hbm>> -> memref<96xi32, #tpu.memory_space<hbm>>
    %dma_wait3A_318 = tpu.memref_slice %arg4[%add3A_316] : memref<320000xi32, #tpu.memory_space<hbm>> -> memref<96xi32, #tpu.memory_space<hbm>>
    tpu.wait_dma2 semaphore(%arg20 : memref<!tpu.dma_semaphore, #tpu.memory_space<semaphore_mem>>) src(%dma_wait3A_318 : memref<96xi32, #tpu.memory_space<hbm>>) dst(%arg8 : memref<96xi32, #tpu.memory_space<vmem>>)
    %dma_wait3A_319 = arith.constant 96 : i32
    %dma_wait3A_320 = tpu.memref_slice %arg6[%dma_wait3A_319] : memref<10000xi32, #tpu.memory_space<vmem>> -> memref<96xi32, #tpu.memory_space<vmem>>
    %dma_wait3A_321 = arith.constant 0 : i32
    %dma_wait3A_322 = arith.constant 0 : i32
    %dma_wait3A_323 = tpu.memref_slice %arg2[%dma_wait3A_321, %dma_wait3A_322] : memref<10000x128xf32, #tpu.memory_space<hbm>> -> memref<10000x128xf32, #tpu.memory_space<hbm>>
    tpu.wait_indirect_dma semaphore(%arg17 : memref<!tpu.dma_semaphore, #tpu.memory_space<semaphore_mem>>) src(%dma_wait3A_323 : memref<10000x128xf32, #tpu.memory_space<hbm>>) dst(%arg11 : memref<96x128xf32, #tpu.memory_space<vmem>>)
    %dma_start3A_324 = arith.constant 0 : i32
    %dma_start3A_325 = arith.constant 0 : i32
    %dma_start3A_326 = tpu.memref_slice %arg15[%dma_start3A_324, %dma_start3A_325] : memref<10240x128xf32, #tpu.memory_space<vmem_shared>> -> memref<10240x128xf32, #tpu.memory_space<vmem_shared>>
    tpu.enqueue_indirect_dma source(%arg11 : memref<96x128xf32, #tpu.memory_space<vmem>>) target(%dma_start3A_326 : memref<10240x128xf32, #tpu.memory_space<vmem_shared>>) offsets(%arg8 : memref<96xi32, #tpu.memory_space<vmem>>) semaphore(%arg23 : memref<!tpu.dma_semaphore, #tpu.memory_space<semaphore_mem>>) {add = true}
    %dma_wait3A_327 = arith.constant 0 : i32
    %dma_wait3A_328 = arith.constant 0 : i32
    %dma_wait3A_329 = tpu.memref_slice %arg15[%dma_wait3A_327, %dma_wait3A_328] : memref<10240x128xf32, #tpu.memory_space<vmem_shared>> -> memref<10240x128xf32, #tpu.memory_space<vmem_shared>>
    tpu.wait_indirect_dma semaphore(%arg23 : memref<!tpu.dma_semaphore, #tpu.memory_space<semaphore_mem>>) src(%arg11 : memref<96x128xf32, #tpu.memory_space<vmem>>) dst(%dma_wait3A_329 : memref<10240x128xf32, #tpu.memory_space<vmem_shared>>)
    %add3A_330 = arith.constant 384 : i32
    %add3A_331 = arith.addi %mul3A_2, %add3A_330 : i32
    %dma_start3A_332 = tpu.memref_slice %arg4[%add3A_331] : memref<320000xi32, #tpu.memory_space<hbm>> -> memref<96xi32, #tpu.memory_space<hbm>>
    %dma_start3A_333 = tpu.memref_slice %arg4[%add3A_331] : memref<320000xi32, #tpu.memory_space<hbm>> -> memref<96xi32, #tpu.memory_space<hbm>>
    tpu.enqueue_dma source(%dma_start3A_333 : memref<96xi32, #tpu.memory_space<hbm>>) target(%arg8 : memref<96xi32, #tpu.memory_space<vmem>>) target_semaphore(%arg20 : memref<!tpu.dma_semaphore, #tpu.memory_space<semaphore_mem>>)
    %dma_start3A_334 = arith.constant 384 : i32
    %dma_start3A_335 = tpu.memref_slice %arg6[%dma_start3A_334] : memref<10000xi32, #tpu.memory_space<vmem>> -> memref<96xi32, #tpu.memory_space<vmem>>
    %dma_start3A_336 = arith.constant 0 : i32
    %dma_start3A_337 = arith.constant 0 : i32
    %dma_start3A_338 = tpu.memref_slice %arg2[%dma_start3A_336, %dma_start3A_337] : memref<10000x128xf32, #tpu.memory_space<hbm>> -> memref<10000x128xf32, #tpu.memory_space<hbm>>
    tpu.enqueue_indirect_dma source(%dma_start3A_338 : memref<10000x128xf32, #tpu.memory_space<hbm>>) target(%arg11 : memref<96x128xf32, #tpu.memory_space<vmem>>) offsets(%dma_start3A_335 : memref<96xi32, #tpu.memory_space<vmem>>) semaphore(%arg17 : memref<!tpu.dma_semaphore, #tpu.memory_space<semaphore_mem>>)
    %add3A_339 = arith.constant 192 : i32
    %add3A_340 = arith.addi %mul3A_2, %add3A_339 : i32
    %dma_wait3A_341 = tpu.memref_slice %arg4[%add3A_340] : memref<320000xi32, #tpu.memory_space<hbm>> -> memref<96xi32, #tpu.memory_space<hbm>>
    %dma_wait3A_342 = tpu.memref_slice %arg4[%add3A_340] : memref<320000xi32, #tpu.memory_space<hbm>> -> memref<96xi32, #tpu.memory_space<hbm>>
    tpu.wait_dma2 semaphore(%arg21 : memref<!tpu.dma_semaphore, #tpu.memory_space<semaphore_mem>>) src(%dma_wait3A_342 : memref<96xi32, #tpu.memory_space<hbm>>) dst(%arg9 : memref<96xi32, #tpu.memory_space<vmem>>)
    %dma_wait3A_343 = arith.constant 192 : i32
    %dma_wait3A_344 = tpu.memref_slice %arg6[%dma_wait3A_343] : memref<10000xi32, #tpu.memory_space<vmem>> -> memref<96xi32, #tpu.memory_space<vmem>>
    %dma_wait3A_345 = arith.constant 0 : i32
    %dma_wait3A_346 = arith.constant 0 : i32
    %dma_wait3A_347 = tpu.memref_slice %arg2[%dma_wait3A_345, %dma_wait3A_346] : memref<10000x128xf32, #tpu.memory_space<hbm>> -> memref<10000x128xf32, #tpu.memory_space<hbm>>
    tpu.wait_indirect_dma semaphore(%arg18 : memref<!tpu.dma_semaphore, #tpu.memory_space<semaphore_mem>>) src(%dma_wait3A_347 : memref<10000x128xf32, #tpu.memory_space<hbm>>) dst(%arg12 : memref<96x128xf32, #tpu.memory_space<vmem>>)
    %dma_start3A_348 = arith.constant 0 : i32
    %dma_start3A_349 = arith.constant 0 : i32
    %dma_start3A_350 = tpu.memref_slice %arg15[%dma_start3A_348, %dma_start3A_349] : memref<10240x128xf32, #tpu.memory_space<vmem_shared>> -> memref<10240x128xf32, #tpu.memory_space<vmem_shared>>
    tpu.enqueue_indirect_dma source(%arg12 : memref<96x128xf32, #tpu.memory_space<vmem>>) target(%dma_start3A_350 : memref<10240x128xf32, #tpu.memory_space<vmem_shared>>) offsets(%arg9 : memref<96xi32, #tpu.memory_space<vmem>>) semaphore(%arg24 : memref<!tpu.dma_semaphore, #tpu.memory_space<semaphore_mem>>) {add = true}
    %scan3A_351 = arith.constant 0 : i32
    %scan3A_352 = arith.constant 1 : i32
    %scan3A_353 = arith.constant 33 : i32
    %scan3A_354 = arith.addi %scan3A_352, %scan3A_353 : i32
    %scan3A_355 = arith.constant 1 : i32
    scf.for %scan3A_420 = %scan3A_352 to %scan3A_354 step %scan3A_355  : i32 {
      %mul3A_421 = arith.constant 3 : i32
      %mul3A_422 = arith.muli %mul3A_421, %scan3A_420 : i32
      %add3A_423 = arith.constant 0 : i32
      %add3A_424 = arith.addi %mul3A_422, %add3A_423 : i32
      %dma_wait3A_425 = arith.constant 0 : i32
      %dma_wait3A_426 = arith.constant 0 : i32
      %dma_wait3A_427 = tpu.memref_slice %arg15[%dma_wait3A_425, %dma_wait3A_426] : memref<10240x128xf32, #tpu.memory_space<vmem_shared>> -> memref<10240x128xf32, #tpu.memory_space<vmem_shared>>
      tpu.wait_indirect_dma semaphore(%arg24 : memref<!tpu.dma_semaphore, #tpu.memory_space<semaphore_mem>>) src(%arg12 : memref<96x128xf32, #tpu.memory_space<vmem>>) dst(%dma_wait3A_427 : memref<10240x128xf32, #tpu.memory_space<vmem_shared>>)
      %add3A_428 = arith.constant 2 : i32
      %add3A_429 = arith.addi %add3A_424, %add3A_428 : i32
      %mul3A_430 = arith.constant 96 : i32
      %mul3A_431 = arith.muli %add3A_429, %mul3A_430 : i32
      %add3A_432 = arith.addi %mul3A_2, %mul3A_431 : i32
      %dma_start3A_433 = tpu.memref_slice %arg4[%add3A_432] : memref<320000xi32, #tpu.memory_space<hbm>> -> memref<96xi32, #tpu.memory_space<hbm>>
      %dma_start3A_434 = tpu.memref_slice %arg4[%add3A_432] : memref<320000xi32, #tpu.memory_space<hbm>> -> memref<96xi32, #tpu.memory_space<hbm>>
      tpu.enqueue_dma source(%dma_start3A_434 : memref<96xi32, #tpu.memory_space<hbm>>) target(%arg9 : memref<96xi32, #tpu.memory_space<vmem>>) target_semaphore(%arg21 : memref<!tpu.dma_semaphore, #tpu.memory_space<semaphore_mem>>)
      %dma_start3A_435 = tpu.memref_slice %arg6[%mul3A_431] : memref<10000xi32, #tpu.memory_space<vmem>> -> memref<96xi32, #tpu.memory_space<vmem>>
      %dma_start3A_436 = arith.constant 0 : i32
      %dma_start3A_437 = arith.constant 0 : i32
      %dma_start3A_438 = tpu.memref_slice %arg2[%dma_start3A_436, %dma_start3A_437] : memref<10000x128xf32, #tpu.memory_space<hbm>> -> memref<10000x128xf32, #tpu.memory_space<hbm>>
      tpu.enqueue_indirect_dma source(%dma_start3A_438 : memref<10000x128xf32, #tpu.memory_space<hbm>>) target(%arg12 : memref<96x128xf32, #tpu.memory_space<vmem>>) offsets(%dma_start3A_435 : memref<96xi32, #tpu.memory_space<vmem>>) semaphore(%arg18 : memref<!tpu.dma_semaphore, #tpu.memory_space<semaphore_mem>>)
      %mul3A_439 = arith.constant 96 : i32
      %mul3A_440 = arith.muli %add3A_424, %mul3A_439 : i32
      %add3A_441 = arith.addi %mul3A_2, %mul3A_440 : i32
      %dma_wait3A_442 = tpu.memref_slice %arg4[%add3A_441] : memref<320000xi32, #tpu.memory_space<hbm>> -> memref<96xi32, #tpu.memory_space<hbm>>
      %dma_wait3A_443 = tpu.memref_slice %arg4[%add3A_441] : memref<320000xi32, #tpu.memory_space<hbm>> -> memref<96xi32, #tpu.memory_space<hbm>>
      tpu.wait_dma2 semaphore(%arg19 : memref<!tpu.dma_semaphore, #tpu.memory_space<semaphore_mem>>) src(%dma_wait3A_443 : memref<96xi32, #tpu.memory_space<hbm>>) dst(%arg7 : memref<96xi32, #tpu.memory_space<vmem>>)
      %dma_wait3A_444 = tpu.memref_slice %arg6[%mul3A_440] : memref<10000xi32, #tpu.memory_space<vmem>> -> memref<96xi32, #tpu.memory_space<vmem>>
      %dma_wait3A_445 = arith.constant 0 : i32
      %dma_wait3A_446 = arith.constant 0 : i32
      %dma_wait3A_447 = tpu.memref_slice %arg2[%dma_wait3A_445, %dma_wait3A_446] : memref<10000x128xf32, #tpu.memory_space<hbm>> -> memref<10000x128xf32, #tpu.memory_space<hbm>>
      tpu.wait_indirect_dma semaphore(%arg16 : memref<!tpu.dma_semaphore, #tpu.memory_space<semaphore_mem>>) src(%dma_wait3A_447 : memref<10000x128xf32, #tpu.memory_space<hbm>>) dst(%arg10 : memref<96x128xf32, #tpu.memory_space<vmem>>)
      %dma_start3A_448 = arith.constant 0 : i32
      %dma_start3A_449 = arith.constant 0 : i32
      %dma_start3A_450 = tpu.memref_slice %arg15[%dma_start3A_448, %dma_start3A_449] : memref<10240x128xf32, #tpu.memory_space<vmem_shared>> -> memref<10240x128xf32, #tpu.memory_space<vmem_shared>>
      tpu.enqueue_indirect_dma source(%arg10 : memref<96x128xf32, #tpu.memory_space<vmem>>) target(%dma_start3A_450 : memref<10240x128xf32, #tpu.memory_space<vmem_shared>>) offsets(%arg7 : memref<96xi32, #tpu.memory_space<vmem>>) semaphore(%arg22 : memref<!tpu.dma_semaphore, #tpu.memory_space<semaphore_mem>>) {add = true}
      %mul3A_451 = arith.constant 3 : i32
      %mul3A_452 = arith.muli %mul3A_451, %scan3A_420 : i32
      %add3A_453 = arith.constant 1 : i32
      %add3A_454 = arith.addi %mul3A_452, %add3A_453 : i32
      %dma_wait3A_455 = arith.constant 0 : i32
      %dma_wait3A_456 = arith.constant 0 : i32
      %dma_wait3A_457 = tpu.memref_slice %arg15[%dma_wait3A_455, %dma_wait3A_456] : memref<10240x128xf32, #tpu.memory_space<vmem_shared>> -> memref<10240x128xf32, #tpu.memory_space<vmem_shared>>
      tpu.wait_indirect_dma semaphore(%arg22 : memref<!tpu.dma_semaphore, #tpu.memory_space<semaphore_mem>>) src(%arg10 : memref<96x128xf32, #tpu.memory_space<vmem>>) dst(%dma_wait3A_457 : memref<10240x128xf32, #tpu.memory_space<vmem_shared>>)
      %add3A_458 = arith.constant 2 : i32
      %add3A_459 = arith.addi %add3A_454, %add3A_458 : i32
      %mul3A_460 = arith.constant 96 : i32
      %mul3A_461 = arith.muli %add3A_459, %mul3A_460 : i32
      %add3A_462 = arith.addi %mul3A_2, %mul3A_461 : i32
      %dma_start3A_463 = tpu.memref_slice %arg4[%add3A_462] : memref<320000xi32, #tpu.memory_space<hbm>> -> memref<96xi32, #tpu.memory_space<hbm>>
      %dma_start3A_464 = tpu.memref_slice %arg4[%add3A_462] : memref<320000xi32, #tpu.memory_space<hbm>> -> memref<96xi32, #tpu.memory_space<hbm>>
      tpu.enqueue_dma source(%dma_start3A_464 : memref<96xi32, #tpu.memory_space<hbm>>) target(%arg7 : memref<96xi32, #tpu.memory_space<vmem>>) target_semaphore(%arg19 : memref<!tpu.dma_semaphore, #tpu.memory_space<semaphore_mem>>)
      %dma_start3A_465 = tpu.memref_slice %arg6[%mul3A_461] : memref<10000xi32, #tpu.memory_space<vmem>> -> memref<96xi32, #tpu.memory_space<vmem>>
      %dma_start3A_466 = arith.constant 0 : i32
      %dma_start3A_467 = arith.constant 0 : i32
      %dma_start3A_468 = tpu.memref_slice %arg2[%dma_start3A_466, %dma_start3A_467] : memref<10000x128xf32, #tpu.memory_space<hbm>> -> memref<10000x128xf32, #tpu.memory_space<hbm>>
      tpu.enqueue_indirect_dma source(%dma_start3A_468 : memref<10000x128xf32, #tpu.memory_space<hbm>>) target(%arg10 : memref<96x128xf32, #tpu.memory_space<vmem>>) offsets(%dma_start3A_465 : memref<96xi32, #tpu.memory_space<vmem>>) semaphore(%arg16 : memref<!tpu.dma_semaphore, #tpu.memory_space<semaphore_mem>>)
      %mul3A_469 = arith.constant 96 : i32
      %mul3A_470 = arith.muli %add3A_454, %mul3A_469 : i32
      %add3A_471 = arith.addi %mul3A_2, %mul3A_470 : i32
      %dma_wait3A_472 = tpu.memref_slice %arg4[%add3A_471] : memref<320000xi32, #tpu.memory_space<hbm>> -> memref<96xi32, #tpu.memory_space<hbm>>
      %dma_wait3A_473 = tpu.memref_slice %arg4[%add3A_471] : memref<320000xi32, #tpu.memory_space<hbm>> -> memref<96xi32, #tpu.memory_space<hbm>>
      tpu.wait_dma2 semaphore(%arg20 : memref<!tpu.dma_semaphore, #tpu.memory_space<semaphore_mem>>) src(%dma_wait3A_473 : memref<96xi32, #tpu.memory_space<hbm>>) dst(%arg8 : memref<96xi32, #tpu.memory_space<vmem>>)
      %dma_wait3A_474 = tpu.memref_slice %arg6[%mul3A_470] : memref<10000xi32, #tpu.memory_space<vmem>> -> memref<96xi32, #tpu.memory_space<vmem>>
      %dma_wait3A_475 = arith.constant 0 : i32
      %dma_wait3A_476 = arith.constant 0 : i32
      %dma_wait3A_477 = tpu.memref_slice %arg2[%dma_wait3A_475, %dma_wait3A_476] : memref<10000x128xf32, #tpu.memory_space<hbm>> -> memref<10000x128xf32, #tpu.memory_space<hbm>>
      tpu.wait_indirect_dma semaphore(%arg17 : memref<!tpu.dma_semaphore, #tpu.memory_space<semaphore_mem>>) src(%dma_wait3A_477 : memref<10000x128xf32, #tpu.memory_space<hbm>>) dst(%arg11 : memref<96x128xf32, #tpu.memory_space<vmem>>)
      %dma_start3A_478 = arith.constant 0 : i32
      %dma_start3A_479 = arith.constant 0 : i32
      %dma_start3A_480 = tpu.memref_slice %arg15[%dma_start3A_478, %dma_start3A_479] : memref<10240x128xf32, #tpu.memory_space<vmem_shared>> -> memref<10240x128xf32, #tpu.memory_space<vmem_shared>>
      tpu.enqueue_indirect_dma source(%arg11 : memref<96x128xf32, #tpu.memory_space<vmem>>) target(%dma_start3A_480 : memref<10240x128xf32, #tpu.memory_space<vmem_shared>>) offsets(%arg8 : memref<96xi32, #tpu.memory_space<vmem>>) semaphore(%arg23 : memref<!tpu.dma_semaphore, #tpu.memory_space<semaphore_mem>>) {add = true}
      %mul3A_481 = arith.constant 3 : i32
      %mul3A_482 = arith.muli %mul3A_481, %scan3A_420 : i32
      %add3A_483 = arith.constant 2 : i32
      %add3A_484 = arith.addi %mul3A_482, %add3A_483 : i32
      %dma_wait3A_485 = arith.constant 0 : i32
      %dma_wait3A_486 = arith.constant 0 : i32
      %dma_wait3A_487 = tpu.memref_slice %arg15[%dma_wait3A_485, %dma_wait3A_486] : memref<10240x128xf32, #tpu.memory_space<vmem_shared>> -> memref<10240x128xf32, #tpu.memory_space<vmem_shared>>
      tpu.wait_indirect_dma semaphore(%arg23 : memref<!tpu.dma_semaphore, #tpu.memory_space<semaphore_mem>>) src(%arg11 : memref<96x128xf32, #tpu.memory_space<vmem>>) dst(%dma_wait3A_487 : memref<10240x128xf32, #tpu.memory_space<vmem_shared>>)
      %add3A_488 = arith.constant 2 : i32
      %add3A_489 = arith.addi %add3A_484, %add3A_488 : i32
      %mul3A_490 = arith.constant 96 : i32
      %mul3A_491 = arith.muli %add3A_489, %mul3A_490 : i32
      %add3A_492 = arith.addi %mul3A_2, %mul3A_491 : i32
      %dma_start3A_493 = tpu.memref_slice %arg4[%add3A_492] : memref<320000xi32, #tpu.memory_space<hbm>> -> memref<96xi32, #tpu.memory_space<hbm>>
      %dma_start3A_494 = tpu.memref_slice %arg4[%add3A_492] : memref<320000xi32, #tpu.memory_space<hbm>> -> memref<96xi32, #tpu.memory_space<hbm>>
      tpu.enqueue_dma source(%dma_start3A_494 : memref<96xi32, #tpu.memory_space<hbm>>) target(%arg8 : memref<96xi32, #tpu.memory_space<vmem>>) target_semaphore(%arg20 : memref<!tpu.dma_semaphore, #tpu.memory_space<semaphore_mem>>)
      %dma_start3A_495 = tpu.memref_slice %arg6[%mul3A_491] : memref<10000xi32, #tpu.memory_space<vmem>> -> memref<96xi32, #tpu.memory_space<vmem>>
      %dma_start3A_496 = arith.constant 0 : i32
      %dma_start3A_497 = arith.constant 0 : i32
      %dma_start3A_498 = tpu.memref_slice %arg2[%dma_start3A_496, %dma_start3A_497] : memref<10000x128xf32, #tpu.memory_space<hbm>> -> memref<10000x128xf32, #tpu.memory_space<hbm>>
      tpu.enqueue_indirect_dma source(%dma_start3A_498 : memref<10000x128xf32, #tpu.memory_space<hbm>>) target(%arg11 : memref<96x128xf32, #tpu.memory_space<vmem>>) offsets(%dma_start3A_495 : memref<96xi32, #tpu.memory_space<vmem>>) semaphore(%arg17 : memref<!tpu.dma_semaphore, #tpu.memory_space<semaphore_mem>>)
      %mul3A_499 = arith.constant 96 : i32
      %mul3A_500 = arith.muli %add3A_484, %mul3A_499 : i32
      %add3A_501 = arith.addi %mul3A_2, %mul3A_500 : i32
      %dma_wait3A_502 = tpu.memref_slice %arg4[%add3A_501] : memref<320000xi32, #tpu.memory_space<hbm>> -> memref<96xi32, #tpu.memory_space<hbm>>
      %dma_wait3A_503 = tpu.memref_slice %arg4[%add3A_501] : memref<320000xi32, #tpu.memory_space<hbm>> -> memref<96xi32, #tpu.memory_space<hbm>>
      tpu.wait_dma2 semaphore(%arg21 : memref<!tpu.dma_semaphore, #tpu.memory_space<semaphore_mem>>) src(%dma_wait3A_503 : memref<96xi32, #tpu.memory_space<hbm>>) dst(%arg9 : memref<96xi32, #tpu.memory_space<vmem>>)
      %dma_wait3A_504 = tpu.memref_slice %arg6[%mul3A_500] : memref<10000xi32, #tpu.memory_space<vmem>> -> memref<96xi32, #tpu.memory_space<vmem>>
      %dma_wait3A_505 = arith.constant 0 : i32
      %dma_wait3A_506 = arith.constant 0 : i32
      %dma_wait3A_507 = tpu.memref_slice %arg2[%dma_wait3A_505, %dma_wait3A_506] : memref<10000x128xf32, #tpu.memory_space<hbm>> -> memref<10000x128xf32, #tpu.memory_space<hbm>>
      tpu.wait_indirect_dma semaphore(%arg18 : memref<!tpu.dma_semaphore, #tpu.memory_space<semaphore_mem>>) src(%dma_wait3A_507 : memref<10000x128xf32, #tpu.memory_space<hbm>>) dst(%arg12 : memref<96x128xf32, #tpu.memory_space<vmem>>)
      %dma_start3A_508 = arith.constant 0 : i32
      %dma_start3A_509 = arith.constant 0 : i32
      %dma_start3A_510 = tpu.memref_slice %arg15[%dma_start3A_508, %dma_start3A_509] : memref<10240x128xf32, #tpu.memory_space<vmem_shared>> -> memref<10240x128xf32, #tpu.memory_space<vmem_shared>>
      tpu.enqueue_indirect_dma source(%arg12 : memref<96x128xf32, #tpu.memory_space<vmem>>) target(%dma_start3A_510 : memref<10240x128xf32, #tpu.memory_space<vmem_shared>>) offsets(%arg9 : memref<96xi32, #tpu.memory_space<vmem>>) semaphore(%arg24 : memref<!tpu.dma_semaphore, #tpu.memory_space<semaphore_mem>>) {add = true}
    }
    %scan3A_356 = arith.constant 33 : i32
    %dma_wait3A_357 = arith.constant 0 : i32
    %dma_wait3A_358 = arith.constant 0 : i32
    %dma_wait3A_359 = tpu.memref_slice %arg15[%dma_wait3A_357, %dma_wait3A_358] : memref<10240x128xf32, #tpu.memory_space<vmem_shared>> -> memref<10240x128xf32, #tpu.memory_space<vmem_shared>>
    tpu.wait_indirect_dma semaphore(%arg24 : memref<!tpu.dma_semaphore, #tpu.memory_space<semaphore_mem>>) src(%arg12 : memref<96x128xf32, #tpu.memory_space<vmem>>) dst(%dma_wait3A_359 : memref<10240x128xf32, #tpu.memory_space<vmem_shared>>)
    %add3A_360 = arith.constant 9792 : i32
    %add3A_361 = arith.addi %mul3A_2, %add3A_360 : i32
    %dma_wait3A_362 = tpu.memref_slice %arg4[%add3A_361] : memref<320000xi32, #tpu.memory_space<hbm>> -> memref<96xi32, #tpu.memory_space<hbm>>
    %dma_wait3A_363 = tpu.memref_slice %arg4[%add3A_361] : memref<320000xi32, #tpu.memory_space<hbm>> -> memref<96xi32, #tpu.memory_space<hbm>>
    tpu.wait_dma2 semaphore(%arg19 : memref<!tpu.dma_semaphore, #tpu.memory_space<semaphore_mem>>) src(%dma_wait3A_363 : memref<96xi32, #tpu.memory_space<hbm>>) dst(%arg7 : memref<96xi32, #tpu.memory_space<vmem>>)
    %dma_wait3A_364 = arith.constant 9792 : i32
    %dma_wait3A_365 = tpu.memref_slice %arg6[%dma_wait3A_364] : memref<10000xi32, #tpu.memory_space<vmem>> -> memref<96xi32, #tpu.memory_space<vmem>>
    %dma_wait3A_366 = arith.constant 0 : i32
    %dma_wait3A_367 = arith.constant 0 : i32
    %dma_wait3A_368 = tpu.memref_slice %arg2[%dma_wait3A_366, %dma_wait3A_367] : memref<10000x128xf32, #tpu.memory_space<hbm>> -> memref<10000x128xf32, #tpu.memory_space<hbm>>
    tpu.wait_indirect_dma semaphore(%arg16 : memref<!tpu.dma_semaphore, #tpu.memory_space<semaphore_mem>>) src(%dma_wait3A_368 : memref<10000x128xf32, #tpu.memory_space<hbm>>) dst(%arg10 : memref<96x128xf32, #tpu.memory_space<vmem>>)
    %dma_start3A_369 = arith.constant 0 : i32
    %dma_start3A_370 = arith.constant 0 : i32
    %dma_start3A_371 = tpu.memref_slice %arg15[%dma_start3A_369, %dma_start3A_370] : memref<10240x128xf32, #tpu.memory_space<vmem_shared>> -> memref<10240x128xf32, #tpu.memory_space<vmem_shared>>
    tpu.enqueue_indirect_dma source(%arg10 : memref<96x128xf32, #tpu.memory_space<vmem>>) target(%dma_start3A_371 : memref<10240x128xf32, #tpu.memory_space<vmem_shared>>) offsets(%arg7 : memref<96xi32, #tpu.memory_space<vmem>>) semaphore(%arg22 : memref<!tpu.dma_semaphore, #tpu.memory_space<semaphore_mem>>) {add = true}
    %dma_wait3A_372 = arith.constant 0 : i32
    %dma_wait3A_373 = arith.constant 0 : i32
    %dma_wait3A_374 = tpu.memref_slice %arg15[%dma_wait3A_372, %dma_wait3A_373] : memref<10240x128xf32, #tpu.memory_space<vmem_shared>> -> memref<10240x128xf32, #tpu.memory_space<vmem_shared>>
    tpu.wait_indirect_dma semaphore(%arg22 : memref<!tpu.dma_semaphore, #tpu.memory_space<semaphore_mem>>) src(%arg10 : memref<96x128xf32, #tpu.memory_space<vmem>>) dst(%dma_wait3A_374 : memref<10240x128xf32, #tpu.memory_space<vmem_shared>>)
    %add3A_375 = arith.constant 9888 : i32
    %add3A_376 = arith.addi %mul3A_2, %add3A_375 : i32
    %dma_wait3A_377 = tpu.memref_slice %arg4[%add3A_376] : memref<320000xi32, #tpu.memory_space<hbm>> -> memref<96xi32, #tpu.memory_space<hbm>>
    %dma_wait3A_378 = tpu.memref_slice %arg4[%add3A_376] : memref<320000xi32, #tpu.memory_space<hbm>> -> memref<96xi32, #tpu.memory_space<hbm>>
    tpu.wait_dma2 semaphore(%arg20 : memref<!tpu.dma_semaphore, #tpu.memory_space<semaphore_mem>>) src(%dma_wait3A_378 : memref<96xi32, #tpu.memory_space<hbm>>) dst(%arg8 : memref<96xi32, #tpu.memory_space<vmem>>)
    %dma_wait3A_379 = arith.constant 9888 : i32
    %dma_wait3A_380 = tpu.memref_slice %arg6[%dma_wait3A_379] : memref<10000xi32, #tpu.memory_space<vmem>> -> memref<96xi32, #tpu.memory_space<vmem>>
    %dma_wait3A_381 = arith.constant 0 : i32
    %dma_wait3A_382 = arith.constant 0 : i32
    %dma_wait3A_383 = tpu.memref_slice %arg2[%dma_wait3A_381, %dma_wait3A_382] : memref<10000x128xf32, #tpu.memory_space<hbm>> -> memref<10000x128xf32, #tpu.memory_space<hbm>>
    tpu.wait_indirect_dma semaphore(%arg17 : memref<!tpu.dma_semaphore, #tpu.memory_space<semaphore_mem>>) src(%dma_wait3A_383 : memref<10000x128xf32, #tpu.memory_space<hbm>>) dst(%arg11 : memref<96x128xf32, #tpu.memory_space<vmem>>)
    %dma_start3A_384 = arith.constant 0 : i32
    %dma_start3A_385 = arith.constant 0 : i32
    %dma_start3A_386 = tpu.memref_slice %arg15[%dma_start3A_384, %dma_start3A_385] : memref<10240x128xf32, #tpu.memory_space<vmem_shared>> -> memref<10240x128xf32, #tpu.memory_space<vmem_shared>>
    tpu.enqueue_indirect_dma source(%arg11 : memref<96x128xf32, #tpu.memory_space<vmem>>) target(%dma_start3A_386 : memref<10240x128xf32, #tpu.memory_space<vmem_shared>>) offsets(%arg8 : memref<96xi32, #tpu.memory_space<vmem>>) semaphore(%arg23 : memref<!tpu.dma_semaphore, #tpu.memory_space<semaphore_mem>>) {add = true}
    %dma_wait3A_387 = arith.constant 0 : i32
    %dma_wait3A_388 = arith.constant 0 : i32
    %dma_wait3A_389 = tpu.memref_slice %arg15[%dma_wait3A_387, %dma_wait3A_388] : memref<10240x128xf32, #tpu.memory_space<vmem_shared>> -> memref<10240x128xf32, #tpu.memory_space<vmem_shared>>
    tpu.wait_indirect_dma semaphore(%arg23 : memref<!tpu.dma_semaphore, #tpu.memory_space<semaphore_mem>>) src(%arg11 : memref<96x128xf32, #tpu.memory_space<vmem>>) dst(%dma_wait3A_389 : memref<10240x128xf32, #tpu.memory_space<vmem_shared>>)
    %add3A_390 = arith.constant 9984 : i32
    %add3A_391 = arith.addi %mul3A_2, %add3A_390 : i32
    %dma_start3A_392 = tpu.memref_slice %arg4[%add3A_391] : memref<320000xi32, #tpu.memory_space<hbm>> -> memref<16xi32, #tpu.memory_space<hbm>>
    %dma_start3A_393 = tpu.memref_slice %arg4[%add3A_391] : memref<320000xi32, #tpu.memory_space<hbm>> -> memref<16xi32, #tpu.memory_space<hbm>>
    tpu.enqueue_dma source(%dma_start3A_393 : memref<16xi32, #tpu.memory_space<hbm>>) target(%arg13 : memref<16xi32, #tpu.memory_space<vmem>>) target_semaphore(%arg19 : memref<!tpu.dma_semaphore, #tpu.memory_space<semaphore_mem>>)
    %dma_wait3A_394 = tpu.memref_slice %arg4[%add3A_391] : memref<320000xi32, #tpu.memory_space<hbm>> -> memref<16xi32, #tpu.memory_space<hbm>>
    %dma_wait3A_395 = tpu.memref_slice %arg4[%add3A_391] : memref<320000xi32, #tpu.memory_space<hbm>> -> memref<16xi32, #tpu.memory_space<hbm>>
    tpu.wait_dma2 semaphore(%arg19 : memref<!tpu.dma_semaphore, #tpu.memory_space<semaphore_mem>>) src(%dma_wait3A_395 : memref<16xi32, #tpu.memory_space<hbm>>) dst(%arg13 : memref<16xi32, #tpu.memory_space<vmem>>)
    %dma_start3A_396 = arith.constant 0 : i32
    %dma_start3A_397 = arith.constant 0 : i32
    %dma_start3A_398 = tpu.memref_slice %arg10[%dma_start3A_396, %dma_start3A_397] : memref<96x128xf32, #tpu.memory_space<vmem>> -> memref<16x128xf32, #tpu.memory_space<vmem>>
    %dma_start3A_399 = arith.constant 9984 : i32
    %dma_start3A_400 = tpu.memref_slice %arg6[%dma_start3A_399] : memref<10000xi32, #tpu.memory_space<vmem>> -> memref<16xi32, #tpu.memory_space<vmem>>
    %dma_start3A_401 = arith.constant 0 : i32
    %dma_start3A_402 = arith.constant 0 : i32
    %dma_start3A_403 = tpu.memref_slice %arg2[%dma_start3A_401, %dma_start3A_402] : memref<10000x128xf32, #tpu.memory_space<hbm>> -> memref<10000x128xf32, #tpu.memory_space<hbm>>
    tpu.enqueue_indirect_dma source(%dma_start3A_403 : memref<10000x128xf32, #tpu.memory_space<hbm>>) target(%dma_start3A_398 : memref<16x128xf32, #tpu.memory_space<vmem>>) offsets(%dma_start3A_400 : memref<16xi32, #tpu.memory_space<vmem>>) semaphore(%arg16 : memref<!tpu.dma_semaphore, #tpu.memory_space<semaphore_mem>>)
    %dma_wait3A_404 = arith.constant 0 : i32
    %dma_wait3A_405 = arith.constant 0 : i32
    %dma_wait3A_406 = tpu.memref_slice %arg10[%dma_wait3A_404, %dma_wait3A_405] : memref<96x128xf32, #tpu.memory_space<vmem>> -> memref<16x128xf32, #tpu.memory_space<vmem>>
    %dma_wait3A_407 = arith.constant 9984 : i32
    %dma_wait3A_408 = tpu.memref_slice %arg6[%dma_wait3A_407] : memref<10000xi32, #tpu.memory_space<vmem>> -> memref<16xi32, #tpu.memory_space<vmem>>
    %dma_wait3A_409 = arith.constant 0 : i32
    %dma_wait3A_410 = arith.constant 0 : i32
    %dma_wait3A_411 = tpu.memref_slice %arg2[%dma_wait3A_409, %dma_wait3A_410] : memref<10000x128xf32, #tpu.memory_space<hbm>> -> memref<10000x128xf32, #tpu.memory_space<hbm>>
    tpu.wait_indirect_dma semaphore(%arg16 : memref<!tpu.dma_semaphore, #tpu.memory_space<semaphore_mem>>) src(%dma_wait3A_411 : memref<10000x128xf32, #tpu.memory_space<hbm>>) dst(%dma_wait3A_406 : memref<16x128xf32, #tpu.memory_space<vmem>>)
    "tpu.region"() ({
      %run_scoped3A = tpu.sem_alloc : memref<!tpu.dma_semaphore, #tpu.memory_space<semaphore_mem>>
      %dma_start3A_420 = arith.constant 0 : i32
      %dma_start3A_421 = arith.constant 0 : i32
      %dma_start3A_422 = tpu.memref_slice %arg10[%dma_start3A_420, %dma_start3A_421] : memref<96x128xf32, #tpu.memory_space<vmem>> -> memref<16x128xf32, #tpu.memory_space<vmem>>
      %dma_start3A_423 = arith.constant 0 : i32
      %dma_start3A_424 = arith.constant 0 : i32
      %dma_start3A_425 = tpu.memref_slice %arg15[%dma_start3A_423, %dma_start3A_424] : memref<10240x128xf32, #tpu.memory_space<vmem_shared>> -> memref<10240x128xf32, #tpu.memory_space<vmem_shared>>
      tpu.enqueue_indirect_dma source(%dma_start3A_422 : memref<16x128xf32, #tpu.memory_space<vmem>>) target(%dma_start3A_425 : memref<10240x128xf32, #tpu.memory_space<vmem_shared>>) offsets(%arg13 : memref<16xi32, #tpu.memory_space<vmem>>) semaphore(%run_scoped3A : memref<!tpu.dma_semaphore, #tpu.memory_space<semaphore_mem>>) {add = true}
      %dma_wait3A_426 = arith.constant 0 : i32
      %dma_wait3A_427 = arith.constant 0 : i32
      %dma_wait3A_428 = tpu.memref_slice %arg10[%dma_wait3A_426, %dma_wait3A_427] : memref<96x128xf32, #tpu.memory_space<vmem>> -> memref<16x128xf32, #tpu.memory_space<vmem>>
      %dma_wait3A_429 = arith.constant 0 : i32
      %dma_wait3A_430 = arith.constant 0 : i32
      %dma_wait3A_431 = tpu.memref_slice %arg15[%dma_wait3A_429, %dma_wait3A_430] : memref<10240x128xf32, #tpu.memory_space<vmem_shared>> -> memref<10240x128xf32, #tpu.memory_space<vmem_shared>>
      tpu.wait_indirect_dma semaphore(%run_scoped3A : memref<!tpu.dma_semaphore, #tpu.memory_space<semaphore_mem>>) src(%dma_wait3A_428 : memref<16x128xf32, #tpu.memory_space<vmem>>) dst(%dma_wait3A_431 : memref<10240x128xf32, #tpu.memory_space<vmem_shared>>)
      tpu.yield
    }) : () -> ()
    %barrier3A_412 = arith.constant 0 : index
    tpu.barrier barrier_id(%barrier3A_412)
    %mul3A_413 = arith.constant 640 : i32
    %mul3A_414 = arith.muli %arg1, %mul3A_413 : i32
    %mul3A_415 = arith.constant 10240 : i32
    %mul3A_416 = arith.muli %arg0, %mul3A_415 : i32
    %mul3A_417 = arith.constant 640 : i32
    %mul3A_418 = arith.muli %arg1, %mul3A_417 : i32
    %add3A_419 = arith.addi %mul3A_416, %mul3A_418 : i32
    "tpu.region"() ({
      %run_scoped3A = tpu.sem_alloc : memref<!tpu.dma_semaphore, #tpu.memory_space<semaphore_mem>>
      %dma_start3A_420 = arith.constant 0 : i32
      %dma_start3A_421 = tpu.memref_slice %arg5[%add3A_419, %dma_start3A_420] : memref<20480x128xf32, #tpu.memory_space<hbm>> -> memref<640x128xf32, #tpu.memory_space<hbm>>
      %dma_start3A_422 = arith.constant 0 : i32
      %dma_start3A_423 = tpu.memref_slice %arg15[%mul3A_414, %dma_start3A_422] : memref<10240x128xf32, #tpu.memory_space<vmem_shared>> -> memref<640x128xf32, #tpu.memory_space<vmem_shared>>
      tpu.enqueue_dma source(%dma_start3A_423 : memref<640x128xf32, #tpu.memory_space<vmem_shared>>) target(%dma_start3A_421 : memref<640x128xf32, #tpu.memory_space<hbm>>) target_semaphore(%run_scoped3A : memref<!tpu.dma_semaphore, #tpu.memory_space<semaphore_mem>>)
      %dma_wait3A_424 = arith.constant 0 : i32
      %dma_wait3A_425 = tpu.memref_slice %arg5[%add3A_419, %dma_wait3A_424] : memref<20480x128xf32, #tpu.memory_space<hbm>> -> memref<640x128xf32, #tpu.memory_space<hbm>>
      %dma_wait3A_426 = arith.constant 0 : i32
      %dma_wait3A_427 = tpu.memref_slice %arg15[%mul3A_414, %dma_wait3A_426] : memref<10240x128xf32, #tpu.memory_space<vmem_shared>> -> memref<640x128xf32, #tpu.memory_space<vmem_shared>>
      tpu.wait_dma2 semaphore(%run_scoped3A : memref<!tpu.dma_semaphore, #tpu.memory_space<semaphore_mem>>) src(%dma_wait3A_427 : memref<640x128xf32, #tpu.memory_space<vmem_shared>>) dst(%dma_wait3A_425 : memref<640x128xf32, #tpu.memory_space<hbm>>)
      tpu.yield
    }) : () -> ()
    return
  }
}

module attributes {stable_mosaic.version = 14 : i64} {
  func.func @_prescale_body(%arg0: i32, %arg1: memref<1000x2xf32, #tpu.memory_space<vmem>>, %arg2: memref<1000x128xf32, #tpu.memory_space<vmem>>, %arg3: memref<1000x1xf32, #tpu.memory_space<vmem>>, %arg4: memref<1000x128xf32, #tpu.memory_space<vmem>>) attributes {dimension_semantics = [#tpu.dimension_semantics<arbitrary>], iteration_bounds = array<i64: 10>, scalar_prefetch = 0 : i64, scratch_operands = 0 : i64, tpu.core_type = #tpu.core_type<tc>, window_params = [{transform_indices = @transform_0, window_bounds = array<i64: 1000, 2>}, {transform_indices = @transform_1, window_bounds = array<i64: 1000, 128>}, {transform_indices = @transform_2, window_bounds = array<i64: 1000, 1>}, {transform_indices = @transform_3, window_bounds = array<i64: 1000, 128>}]} {
    %get3A = arith.constant 0 : index
    %get3A_0 = arith.constant 0 : index
    %get3A_1 = vector.load %arg1[%get3A, %get3A_0] : memref<1000x2xf32, #tpu.memory_space<vmem>>, vector<1000x2xf32>
    %slice3A = vector.extract_strided_slice %get3A_1 {offsets = [0, 0], sizes = [1000, 1], strides = [1, 1]} : vector<1000x2xf32> to vector<1000x1xf32>
    %slice3A_2 = vector.extract_strided_slice %get3A_1 {offsets = [0, 1], sizes = [1000, 1], strides = [1, 1]} : vector<1000x2xf32> to vector<1000x1xf32>
    %add3A = arith.addf %slice3A, %slice3A_2 : vector<1000x1xf32>
    %gt3A = arith.constant 0.000000e+00 : f32
    %gt3A_3 = vector.broadcast %gt3A : f32 to vector<1000x1xf32>
    %gt3A_4 = arith.cmpf ogt, %add3A, %gt3A_3 : vector<1000x1xf32>
    %rsqrt3A = math.rsqrt %add3A : vector<1000x1xf32>
    %jit3A = arith.constant 0.000000e+00 : f32
    %broadcast_in_dim3A = vector.broadcast %jit3A : f32 to vector<1000x1xf32>
    %select_n3A = arith.select %gt3A_4, %rsqrt3A, %broadcast_in_dim3A : vector<1000x1xi1>, vector<1000x1xf32>
    %swap3A = arith.constant 0 : index
    %swap3A_5 = arith.constant 0 : index
    %swap3A_6 = vector.load %arg3[%swap3A, %swap3A_5] : memref<1000x1xf32, #tpu.memory_space<vmem>>, vector<1000x1xf32>
    tpu.vector_store %arg3[%swap3A, %swap3A_5], %select_n3A {strides = array<i32>} : memref<1000x1xf32, #tpu.memory_space<vmem>>, vector<1000x1xf32>,
    %get3A_7 = arith.constant 0 : index
    %get3A_8 = arith.constant 0 : index
    %get3A_9 = vector.load %arg2[%get3A_7, %get3A_8] : memref<1000x128xf32, #tpu.memory_space<vmem>>, vector<1000x128xf32>
    %mul3A = vector.broadcast %select_n3A : vector<1000x1xf32> to vector<1000x128xf32>
    %mul3A_10 = arith.mulf %get3A_9, %mul3A : vector<1000x128xf32>
    %swap3A_11 = arith.constant 0 : index
    %swap3A_12 = arith.constant 0 : index
    %swap3A_13 = vector.load %arg4[%swap3A_11, %swap3A_12] : memref<1000x128xf32, #tpu.memory_space<vmem>>, vector<1000x128xf32>
    tpu.vector_store %arg4[%swap3A_11, %swap3A_12], %mul3A_10 {strides = array<i32>} : memref<1000x128xf32, #tpu.memory_space<vmem>>, vector<1000x128xf32>,
    return
  }
  func.func @transform_0(%arg0: i32) -> (i32, i32) {
    %c0_i32 = arith.constant 0 : i32
    %c0_i32_0 = arith.constant 0 : i32
    return %arg0, %c0_i32 : i32, i32
  }
  func.func @transform_1(%arg0: i32) -> (i32, i32) {
    %c0_i32 = arith.constant 0 : i32
    %c0_i32_0 = arith.constant 0 : i32
    return %arg0, %c0_i32 : i32, i32
  }
  func.func @transform_2(%arg0: i32) -> (i32, i32) {
    %c0_i32 = arith.constant 0 : i32
    %c0_i32_0 = arith.constant 0 : i32
    return %arg0, %c0_i32 : i32, i32
  }
  func.func @transform_3(%arg0: i32) -> (i32, i32) {
    %c0_i32 = arith.constant 0 : i32
    %c0_i32_0 = arith.constant 0 : i32
    return %arg0, %c0_i32 : i32, i32
  }
}

module attributes {stable_mosaic.version = 14 : i64} {
  func.func @_mid_body(%arg0: i32, %arg1: memref<1000x1xf32, #tpu.memory_space<vmem>>, %arg2: memref<1000x128xf32, #tpu.memory_space<vmem>>, %arg3: memref<1000x128xf32, #tpu.memory_space<vmem>>, %arg4: memref<1000x128xf32, #tpu.memory_space<vmem>>) attributes {dimension_semantics = [#tpu.dimension_semantics<arbitrary>], iteration_bounds = array<i64: 10>, scalar_prefetch = 0 : i64, scratch_operands = 0 : i64, tpu.core_type = #tpu.core_type<tc>, window_params = [{transform_indices = @transform_0, window_bounds = array<i64: 1000, 1>}, {transform_indices = @transform_1, window_bounds = array<i64: 1000, 128>}, {transform_indices = @transform_2, window_bounds = array<i64: 1000, 128>}, {transform_indices = @transform_3, window_bounds = array<i64: 1000, 128>}]} {
    %get3A = arith.constant 0 : index
    %get3A_0 = arith.constant 0 : index
    %get3A_1 = vector.load %arg1[%get3A, %get3A_0] : memref<1000x1xf32, #tpu.memory_space<vmem>>, vector<1000x1xf32>
    %mul3A = arith.mulf %get3A_1, %get3A_1 : vector<1000x1xf32>
    %neg3A = arith.constant 0.000000e+00 : f32
    %neg3A_2 = vector.broadcast %neg3A : f32 to vector<1000x1xf32>
    %neg3A_3 = arith.subf %neg3A_2, %mul3A : vector<1000x1xf32>
    %get3A_4 = arith.constant 0 : index
    %get3A_5 = arith.constant 0 : index
    %get3A_6 = vector.load %arg2[%get3A_4, %get3A_5] : memref<1000x128xf32, #tpu.memory_space<vmem>>, vector<1000x128xf32>
    %get3A_7 = arith.constant 0 : index
    %get3A_8 = arith.constant 0 : index
    %get3A_9 = vector.load %arg3[%get3A_7, %get3A_8] : memref<1000x128xf32, #tpu.memory_space<vmem>>, vector<1000x128xf32>
    %add3A = arith.addf %get3A_6, %get3A_9 : vector<1000x128xf32>
    %mul3A_10 = vector.broadcast %neg3A_3 : vector<1000x1xf32> to vector<1000x128xf32>
    %mul3A_11 = arith.mulf %mul3A_10, %add3A : vector<1000x128xf32>
    %swap3A = arith.constant 0 : index
    %swap3A_12 = arith.constant 0 : index
    %swap3A_13 = vector.load %arg4[%swap3A, %swap3A_12] : memref<1000x128xf32, #tpu.memory_space<vmem>>, vector<1000x128xf32>
    tpu.vector_store %arg4[%swap3A, %swap3A_12], %mul3A_11 {strides = array<i32>} : memref<1000x128xf32, #tpu.memory_space<vmem>>, vector<1000x128xf32>,
    return
  }
  func.func @transform_0(%arg0: i32) -> (i32, i32) {
    %c0_i32 = arith.constant 0 : i32
    %c0_i32_0 = arith.constant 0 : i32
    return %arg0, %c0_i32 : i32, i32
  }
  func.func @transform_1(%arg0: i32) -> (i32, i32) {
    %c0_i32 = arith.constant 0 : i32
    %c0_i32_0 = arith.constant 0 : i32
    return %arg0, %c0_i32 : i32, i32
  }
  func.func @transform_2(%arg0: i32) -> (i32, i32) {
    %c0_i32 = arith.constant 0 : i32
    %c0_i32_0 = arith.constant 0 : i32
    return %arg0, %c0_i32 : i32, i32
  }
  func.func @transform_3(%arg0: i32) -> (i32, i32) {
    %c0_i32 = arith.constant 0 : i32
    %c0_i32_0 = arith.constant 0 : i32
    return %arg0, %c0_i32 : i32, i32
  }
}

module attributes {stable_mosaic.version = 14 : i64} {
  func.func @_midb_body(%arg0: i32, %arg1: memref<1000x128xf32, #tpu.memory_space<vmem>>, %arg2: memref<1000x1xf32, #tpu.memory_space<vmem>>, %arg3: memref<1000x128xf32, #tpu.memory_space<vmem>>, %arg4: memref<1000x128xf32, #tpu.memory_space<vmem>>, %arg5: memref<3x128x128xf32, #tpu.memory_space<vmem>>, %arg6: memref<1x128xf32, #tpu.memory_space<vmem>>, %arg7: memref<1000x128xf32, #tpu.memory_space<vmem>>) attributes {dimension_semantics = [#tpu.dimension_semantics<arbitrary>], iteration_bounds = array<i64: 10>, scalar_prefetch = 0 : i64, scratch_operands = 0 : i64, tpu.core_type = #tpu.core_type<tc>, window_params = [{transform_indices = @transform_0, window_bounds = array<i64: 1000, 128>}, {transform_indices = @transform_1, window_bounds = array<i64: 1000, 1>}, {transform_indices = @transform_2, window_bounds = array<i64: 1000, 128>}, {transform_indices = @transform_3, window_bounds = array<i64: 1000, 128>}, {pipeline_mode = #tpu.pipeline_mode<synchronous>, transform_indices = @transform_4, window_bounds = array<i64: 3, 128, 128>}, {pipeline_mode = #tpu.pipeline_mode<synchronous>, transform_indices = @transform_5, window_bounds = array<i64: 1, 128>}, {transform_indices = @transform_6, window_bounds = array<i64: 1000, 128>}]} {
    %get3A = arith.constant 0 : index
    %get3A_0 = arith.constant 0 : index
    %get3A_1 = vector.load %arg2[%get3A, %get3A_0] : memref<1000x1xf32, #tpu.memory_space<vmem>>, vector<1000x1xf32>
    %neg3A = arith.constant 0.000000e+00 : f32
    %neg3A_2 = vector.broadcast %neg3A : f32 to vector<1000x1xf32>
    %neg3A_3 = arith.subf %neg3A_2, %get3A_1 : vector<1000x1xf32>
    %get3A_4 = arith.constant 0 : index
    %get3A_5 = arith.constant 0 : index
    %get3A_6 = vector.load %arg3[%get3A_4, %get3A_5] : memref<1000x128xf32, #tpu.memory_space<vmem>>, vector<1000x128xf32>
    %get3A_7 = arith.constant 0 : index
    %get3A_8 = arith.constant 0 : index
    %get3A_9 = vector.load %arg4[%get3A_7, %get3A_8] : memref<1000x128xf32, #tpu.memory_space<vmem>>, vector<1000x128xf32>
    %add3A = arith.addf %get3A_6, %get3A_9 : vector<1000x128xf32>
    %mul3A = vector.broadcast %neg3A_3 : vector<1000x1xf32> to vector<1000x128xf32>
    %mul3A_10 = arith.mulf %mul3A, %add3A : vector<1000x128xf32>
    %get3A_11 = arith.constant 0 : index
    %get3A_12 = arith.constant 0 : index
    %get3A_13 = vector.load %arg1[%get3A_11, %get3A_12] : memref<1000x128xf32, #tpu.memory_space<vmem>>, vector<1000x128xf32>
    %get3A_14 = arith.constant 0 : index
    %get3A_15 = arith.constant 0 : index
    %get3A_16 = arith.constant 0 : index
    %get3A_17 = vector.load %arg5[%get3A_14, %get3A_15, %get3A_16] : memref<3x128x128xf32, #tpu.memory_space<vmem>>, vector<1x128x128xf32>
    %get3A_18 = vector.shape_cast %get3A_17 : vector<1x128x128xf32> to vector<128x128xf32>
    %dot_general3A = arith.constant dense<0.000000e+00> : vector<1000x128xf32>
    %dot_general3A_19 = tpu.matmul %get3A_13, %get3A_18, %dot_general3A {dimension_numbers = #tpu.dot_dimension_numbers<[1], [0], [0], [1], [0, 0, 1, 1], [], []>, transpose_lhs_hint = false} : vector<1000x128xf32>, vector<128x128xf32>, vector<1000x128xf32> -> vector<1000x128xf32>
    %get3A_20 = arith.constant 1 : index
    %get3A_21 = arith.constant 0 : index
    %get3A_22 = arith.constant 0 : index
    %get3A_23 = vector.load %arg5[%get3A_20, %get3A_21, %get3A_22] : memref<3x128x128xf32, #tpu.memory_space<vmem>>, vector<1x128x128xf32>
    %get3A_24 = vector.shape_cast %get3A_23 : vector<1x128x128xf32> to vector<128x128xf32>
    %dot_general3A_25 = arith.constant dense<0.000000e+00> : vector<1000x128xf32>
    %dot_general3A_26 = tpu.matmul %mul3A_10, %get3A_24, %dot_general3A_25 {dimension_numbers = #tpu.dot_dimension_numbers<[1], [0], [0], [1], [0, 0, 1, 1], [], []>, transpose_lhs_hint = false} : vector<1000x128xf32>, vector<128x128xf32>, vector<1000x128xf32> -> vector<1000x128xf32>
    %add3A_27 = arith.addf %dot_general3A_19, %dot_general3A_26 : vector<1000x128xf32>
    %get3A_28 = arith.constant 0 : index
    %get3A_29 = arith.constant 0 : index
    %get3A_30 = vector.load %arg6[%get3A_28, %get3A_29] : memref<1x128xf32, #tpu.memory_space<vmem>>, vector<1x128xf32>
    %add3A_31 = vector.broadcast %get3A_30 : vector<1x128xf32> to vector<1000x128xf32>
    %add3A_32 = arith.addf %add3A_27, %add3A_31 : vector<1000x128xf32>
    %swap3A = arith.constant 0 : index
    %swap3A_33 = arith.constant 0 : index
    %swap3A_34 = vector.load %arg7[%swap3A, %swap3A_33] : memref<1000x128xf32, #tpu.memory_space<vmem>>, vector<1000x128xf32>
    tpu.vector_store %arg7[%swap3A, %swap3A_33], %add3A_32 {strides = array<i32>} : memref<1000x128xf32, #tpu.memory_space<vmem>>, vector<1000x128xf32>,
    return
  }
  func.func @transform_0(%arg0: i32) -> (i32, i32) {
    %c0_i32 = arith.constant 0 : i32
    %c0_i32_0 = arith.constant 0 : i32
    return %arg0, %c0_i32 : i32, i32
  }
  func.func @transform_1(%arg0: i32) -> (i32, i32) {
    %c0_i32 = arith.constant 0 : i32
    %c0_i32_0 = arith.constant 0 : i32
    return %arg0, %c0_i32 : i32, i32
  }
  func.func @transform_2(%arg0: i32) -> (i32, i32) {
    %c0_i32 = arith.constant 0 : i32
    %c0_i32_0 = arith.constant 0 : i32
    return %arg0, %c0_i32 : i32, i32
  }
  func.func @transform_3(%arg0: i32) -> (i32, i32) {
    %c0_i32 = arith.constant 0 : i32
    %c0_i32_0 = arith.constant 0 : i32
    return %arg0, %c0_i32 : i32, i32
  }
  func.func @transform_4(%arg0: i32) -> (i32, i32, i32) {
    %c0_i32 = arith.constant 0 : i32
    %c0_i32_0 = arith.constant 0 : i32
    %c0_i32_1 = arith.constant 0 : i32
    %c0_i32_2 = arith.constant 0 : i32
    return %c0_i32, %c0_i32_0, %c0_i32_1 : i32, i32, i32
  }
  func.func @transform_5(%arg0: i32) -> (i32, i32) {
    %c0_i32 = arith.constant 0 : i32
    %c0_i32_0 = arith.constant 0 : i32
    %c0_i32_1 = arith.constant 0 : i32
    return %c0_i32, %c0_i32_0 : i32, i32
  }
  func.func @transform_6(%arg0: i32) -> (i32, i32) {
    %c0_i32 = arith.constant 0 : i32
    %c0_i32_0 = arith.constant 0 : i32
    return %arg0, %c0_i32 : i32, i32
  }
}

module attributes {stable_mosaic.version = 14 : i64} {
  func.func @_mmn_body(%arg0: i32, %arg1: i32, %arg2: memref<1000x128xf32, #tpu.memory_space<vmem>>, %arg3: memref<1000x128xf32, #tpu.memory_space<vmem>>, %arg4: memref<1000x1xf32, #tpu.memory_space<vmem>>, %arg5: memref<1000x128xf32, #tpu.memory_space<vmem>>, %arg6: memref<1000x128xf32, #tpu.memory_space<vmem>>, %arg7: memref<3x128x128xf32, #tpu.memory_space<vmem>>, %arg8: memref<1x128xf32, #tpu.memory_space<vmem>>, %arg9: memref<1x128xf32, #tpu.memory_space<vmem>>, %arg10: memref<1000x128xf32, #tpu.memory_space<vmem>>, %arg11: memref<2x128xf32, #tpu.memory_space<vmem>>, %arg12: memref<10000x128xf32, #tpu.memory_space<vmem>>) attributes {dimension_semantics = [#tpu.dimension_semantics<arbitrary>, #tpu.dimension_semantics<arbitrary>], iteration_bounds = array<i64: 2, 10>, scalar_prefetch = 0 : i64, scratch_operands = 2 : i64, tpu.core_type = #tpu.core_type<tc>, window_params = [{transform_indices = @transform_0, window_bounds = array<i64: 1000, 128>}, {transform_indices = @transform_1, window_bounds = array<i64: 1000, 128>}, {transform_indices = @transform_2, window_bounds = array<i64: 1000, 1>}, {transform_indices = @transform_3, window_bounds = array<i64: 1000, 128>}, {transform_indices = @transform_4, window_bounds = array<i64: 1000, 128>}, {pipeline_mode = #tpu.pipeline_mode<synchronous>, transform_indices = @transform_5, window_bounds = array<i64: 3, 128, 128>}, {pipeline_mode = #tpu.pipeline_mode<synchronous>, transform_indices = @transform_6, window_bounds = array<i64: 1, 128>}, {pipeline_mode = #tpu.pipeline_mode<synchronous>, transform_indices = @transform_7, window_bounds = array<i64: 1, 128>}, {transform_indices = @transform_8, window_bounds = array<i64: 1000, 128>}]} {
    %eq3A = arith.constant 0 : i32
    %eq3A_0 = arith.cmpi eq, %arg0, %eq3A : i32
    %convert_element_type3A = arith.extui %eq3A_0 : i1 to i32
    %cond3A = arith.constant 0 : i32
    %cond3A_1 = arith.cmpi ne, %convert_element_type3A, %cond3A : i32
    scf.if %cond3A_1 {
      %get3A = arith.constant 0 : index
      %get3A_7 = arith.constant 0 : index
      %get3A_8 = vector.load %arg4[%get3A, %get3A_7] : memref<1000x1xf32, #tpu.memory_space<vmem>>, vector<1000x1xf32>
      %mul3A = arith.constant -2.000000e+00 : f32
      %mul3A_9 = vector.broadcast %mul3A : f32 to vector<1000x1xf32>
      %mul3A_10 = arith.mulf %mul3A_9, %get3A_8 : vector<1000x1xf32>
      %get3A_11 = arith.constant 0 : index
      %get3A_12 = arith.constant 0 : index
      %get3A_13 = vector.load %arg5[%get3A_11, %get3A_12] : memref<1000x128xf32, #tpu.memory_space<vmem>>, vector<1000x128xf32>
      %get3A_14 = arith.constant 0 : index
      %get3A_15 = arith.constant 0 : index
      %get3A_16 = vector.load %arg6[%get3A_14, %get3A_15] : memref<1000x128xf32, #tpu.memory_space<vmem>>, vector<1000x128xf32>
      %add3A = arith.addf %get3A_13, %get3A_16 : vector<1000x128xf32>
      %mul3A_17 = vector.broadcast %mul3A_10 : vector<1000x1xf32> to vector<1000x128xf32>
      %mul3A_18 = arith.mulf %mul3A_17, %add3A : vector<1000x128xf32>
      %get3A_19 = arith.constant 0 : index
      %get3A_20 = arith.constant 0 : index
      %get3A_21 = vector.load %arg3[%get3A_19, %get3A_20] : memref<1000x128xf32, #tpu.memory_space<vmem>>, vector<1000x128xf32>
      %sub3A = arith.subf %mul3A_18, %get3A_21 : vector<1000x128xf32>
      %get3A_22 = arith.constant 0 : index
      %get3A_23 = arith.constant 0 : index
      %get3A_24 = vector.load %arg2[%get3A_22, %get3A_23] : memref<1000x128xf32, #tpu.memory_space<vmem>>, vector<1000x128xf32>
      %get3A_25 = arith.constant 2 : index
      %get3A_26 = arith.constant 0 : index
      %get3A_27 = arith.constant 0 : index
      %get3A_28 = vector.load %arg7[%get3A_25, %get3A_26, %get3A_27] : memref<3x128x128xf32, #tpu.memory_space<vmem>>, vector<1x128x128xf32>
      %get3A_29 = vector.shape_cast %get3A_28 : vector<1x128x128xf32> to vector<128x128xf32>
      %dot_general3A = arith.constant dense<0.000000e+00> : vector<1000x128xf32>
      %dot_general3A_30 = tpu.matmul %sub3A, %get3A_29, %dot_general3A {dimension_numbers = #tpu.dot_dimension_numbers<[1], [0], [0], [1], [0, 0, 1, 1], [], []>, transpose_lhs_hint = false} : vector<1000x128xf32>, vector<128x128xf32>, vector<1000x128xf32> -> vector<1000x128xf32>
      %add3A_31 = arith.addf %get3A_24, %dot_general3A_30 : vector<1000x128xf32>
      %mul3A_32 = arith.constant 1000 : i32
      %mul3A_33 = arith.muli %arg1, %mul3A_32 : i32
      %swap3A = arith.index_cast %mul3A_33 : i32 to index
      %swap3A_34 = arith.constant 0 : index
      %swap3A_35 = vector.load %arg12[%swap3A, %swap3A_34] : memref<10000x128xf32, #tpu.memory_space<vmem>>, vector<1000x128xf32>
      tpu.vector_store %arg12[%swap3A, %swap3A_34], %add3A_31 {strides = array<i32>} : memref<10000x128xf32, #tpu.memory_space<vmem>>, vector<1000x128xf32>,
      %eq3A_36 = arith.constant 0 : i32
      %eq3A_37 = arith.cmpi eq, %arg1, %eq3A_36 : i32
      %convert_element_type3A_38 = arith.extui %eq3A_37 : i1 to i32
      %cond3A_39 = arith.constant 0 : i32
      %cond3A_40 = arith.cmpi ne, %convert_element_type3A_38, %cond3A_39 : i32
      scf.if %cond3A_40 {
        %broadcast_in_dim3A_60 = arith.constant 0.000000e+00 : f32
        %broadcast_in_dim3A_61 = vector.broadcast %broadcast_in_dim3A_60 : f32 to vector<2x128xf32>
        %swap3A_62 = arith.constant 0 : index
        %swap3A_63 = arith.constant 0 : index
        %swap3A_64 = vector.load %arg11[%swap3A_62, %swap3A_63] : memref<2x128xf32, #tpu.memory_space<vmem>>, vector<2x128xf32>
        tpu.vector_store %arg11[%swap3A_62, %swap3A_63], %broadcast_in_dim3A_61 {strides = array<i32>} : memref<2x128xf32, #tpu.memory_space<vmem>>, vector<2x128xf32>,
      } else {
      }
      %get3A_41 = arith.constant 0 : index
      %get3A_42 = arith.constant 0 : index
      %get3A_43 = vector.load %arg11[%get3A_41, %get3A_42] : memref<2x128xf32, #tpu.memory_space<vmem>>, vector<1x128xf32>
      %reduce_sum3A = arith.constant dense<0.000000e+00> : vector<128xf32>
      %reduce_sum3A_44 = vector.multi_reduction <add>, %add3A_31, %reduce_sum3A [0] : vector<1000x128xf32> to vector<128xf32>
      %broadcast_in_dim3A = vector.shape_cast %reduce_sum3A_44 : vector<128xf32> to vector<1x128xf32>
      %add3A_45 = arith.addf %get3A_43, %broadcast_in_dim3A : vector<1x128xf32>
      %swap3A_46 = arith.constant 0 : index
      %swap3A_47 = arith.constant 0 : index
      %swap3A_48 = vector.load %arg11[%swap3A_46, %swap3A_47] : memref<2x128xf32, #tpu.memory_space<vmem>>, vector<1x128xf32>
      tpu.vector_store %arg11[%swap3A_46, %swap3A_47], %add3A_45 {strides = array<i32>} : memref<2x128xf32, #tpu.memory_space<vmem>>, vector<1x128xf32>,
      %get3A_49 = arith.constant 1 : index
      %get3A_50 = arith.constant 0 : index
      %get3A_51 = vector.load %arg11[%get3A_49, %get3A_50] : memref<2x128xf32, #tpu.memory_space<vmem>>, vector<1x128xf32>
      %mul3A_52 = arith.mulf %add3A_31, %add3A_31 : vector<1000x128xf32>
      %reduce_sum3A_53 = arith.constant dense<0.000000e+00> : vector<128xf32>
      %reduce_sum3A_54 = vector.multi_reduction <add>, %mul3A_52, %reduce_sum3A_53 [0] : vector<1000x128xf32> to vector<128xf32>
      %broadcast_in_dim3A_55 = vector.shape_cast %reduce_sum3A_54 : vector<128xf32> to vector<1x128xf32>
      %add3A_56 = arith.addf %get3A_51, %broadcast_in_dim3A_55 : vector<1x128xf32>
      %swap3A_57 = arith.constant 1 : index
      %swap3A_58 = arith.constant 0 : index
      %swap3A_59 = vector.load %arg11[%swap3A_57, %swap3A_58] : memref<2x128xf32, #tpu.memory_space<vmem>>, vector<1x128xf32>
      tpu.vector_store %arg11[%swap3A_57, %swap3A_58], %add3A_56 {strides = array<i32>} : memref<2x128xf32, #tpu.memory_space<vmem>>, vector<1x128xf32>,
    } else {
    }
    %eq3A_2 = arith.constant 1 : i32
    %eq3A_3 = arith.cmpi eq, %arg0, %eq3A_2 : i32
    %convert_element_type3A_4 = arith.extui %eq3A_3 : i1 to i32
    %cond3A_5 = arith.constant 0 : i32
    %cond3A_6 = arith.cmpi ne, %convert_element_type3A_4, %cond3A_5 : i32
    scf.if %cond3A_6 {
      %get3A = arith.constant 0 : index
      %get3A_7 = arith.constant 0 : index
      %get3A_8 = vector.load %arg11[%get3A, %get3A_7] : memref<2x128xf32, #tpu.memory_space<vmem>>, vector<2x128xf32>
      %slice3A = vector.extract_strided_slice %get3A_8 {offsets = [0, 0], sizes = [1, 128], strides = [1, 1]} : vector<2x128xf32> to vector<1x128xf32>
      %mul3A = arith.constant 9.99999974E-5 : f32
      %mul3A_9 = vector.broadcast %mul3A : f32 to vector<1x128xf32>
      %mul3A_10 = arith.mulf %slice3A, %mul3A_9 : vector<1x128xf32>
      %slice3A_11 = vector.extract_strided_slice %get3A_8 {offsets = [1, 0], sizes = [1, 128], strides = [1, 1]} : vector<2x128xf32> to vector<1x128xf32>
      %mul3A_12 = arith.constant 9.99999974E-5 : f32
      %mul3A_13 = vector.broadcast %mul3A_12 : f32 to vector<1x128xf32>
      %mul3A_14 = arith.mulf %slice3A_11, %mul3A_13 : vector<1x128xf32>
      %mul3A_15 = arith.mulf %mul3A_10, %mul3A_10 : vector<1x128xf32>
      %sub3A = arith.subf %mul3A_14, %mul3A_15 : vector<1x128xf32>
      %add3A = arith.constant 9.99999974E-6 : f32
      %add3A_16 = vector.broadcast %add3A : f32 to vector<1x128xf32>
      %add3A_17 = arith.addf %sub3A, %add3A_16 : vector<1x128xf32>
      %rsqrt3A = math.rsqrt %add3A_17 : vector<1x128xf32>
      %get3A_18 = arith.constant 0 : index
      %get3A_19 = arith.constant 0 : index
      %get3A_20 = vector.load %arg8[%get3A_18, %get3A_19] : memref<1x128xf32, #tpu.memory_space<vmem>>, vector<1x128xf32>
      %mul3A_21 = arith.mulf %rsqrt3A, %get3A_20 : vector<1x128xf32>
      %mul3A_22 = arith.constant 1000 : i32
      %mul3A_23 = arith.muli %arg1, %mul3A_22 : i32
      %get3A_24 = arith.index_cast %mul3A_23 : i32 to index
      %get3A_25 = arith.constant 0 : index
      %get3A_26 = vector.load %arg12[%get3A_24, %get3A_25] : memref<10000x128xf32, #tpu.memory_space<vmem>>, vector<1000x128xf32>
      %sub3A_27 = vector.broadcast %mul3A_10 : vector<1x128xf32> to vector<1000x128xf32>
      %sub3A_28 = arith.subf %get3A_26, %sub3A_27 : vector<1000x128xf32>
      %mul3A_29 = vector.broadcast %mul3A_21 : vector<1x128xf32> to vector<1000x128xf32>
      %mul3A_30 = arith.mulf %sub3A_28, %mul3A_29 : vector<1000x128xf32>
      %get3A_31 = arith.constant 0 : index
      %get3A_32 = arith.constant 0 : index
      %get3A_33 = vector.load %arg9[%get3A_31, %get3A_32] : memref<1x128xf32, #tpu.memory_space<vmem>>, vector<1x128xf32>
      %add3A_34 = vector.broadcast %get3A_33 : vector<1x128xf32> to vector<1000x128xf32>
      %add3A_35 = arith.addf %mul3A_30, %add3A_34 : vector<1000x128xf32>
      %ge3A = arith.constant 0.000000e+00 : f32
      %ge3A_36 = vector.broadcast %ge3A : f32 to vector<1000x128xf32>
      %ge3A_37 = arith.cmpf oge, %add3A_35, %ge3A_36 : vector<1000x128xf32>
      %mul3A_38 = arith.constant 0.00999999977 : f32
      %mul3A_39 = vector.broadcast %mul3A_38 : f32 to vector<1000x128xf32>
      %mul3A_40 = arith.mulf %mul3A_39, %add3A_35 : vector<1000x128xf32>
      %select_n3A = arith.select %ge3A_37, %add3A_35, %mul3A_40 : vector<1000x128xi1>, vector<1000x128xf32>
      %swap3A = arith.constant 0 : index
      %swap3A_41 = arith.constant 0 : index
      %swap3A_42 = vector.load %arg10[%swap3A, %swap3A_41] : memref<1000x128xf32, #tpu.memory_space<vmem>>, vector<1000x128xf32>
      tpu.vector_store %arg10[%swap3A, %swap3A_41], %select_n3A {strides = array<i32>} : memref<1000x128xf32, #tpu.memory_space<vmem>>, vector<1000x128xf32>,
    } else {
    }
    return
  }
  func.func @transform_0(%arg0: i32, %arg1: i32) -> (i32, i32) {
    %sub3A = arith.constant 1 : i32
    %sub3A_0 = arith.subi %sub3A, %arg0 : i32
    %mul3A = arith.muli %arg1, %sub3A_0 : i32
    %c0_i32 = arith.constant 0 : i32
    %c0_i32_1 = arith.constant 0 : i32
    return %mul3A, %c0_i32 : i32, i32
  }
  func.func @transform_1(%arg0: i32, %arg1: i32) -> (i32, i32) {
    %sub3A = arith.constant 1 : i32
    %sub3A_0 = arith.subi %sub3A, %arg0 : i32
    %mul3A = arith.muli %arg1, %sub3A_0 : i32
    %c0_i32 = arith.constant 0 : i32
    %c0_i32_1 = arith.constant 0 : i32
    return %mul3A, %c0_i32 : i32, i32
  }
  func.func @transform_2(%arg0: i32, %arg1: i32) -> (i32, i32) {
    %sub3A = arith.constant 1 : i32
    %sub3A_0 = arith.subi %sub3A, %arg0 : i32
    %mul3A = arith.muli %arg1, %sub3A_0 : i32
    %c0_i32 = arith.constant 0 : i32
    %c0_i32_1 = arith.constant 0 : i32
    return %mul3A, %c0_i32 : i32, i32
  }
  func.func @transform_3(%arg0: i32, %arg1: i32) -> (i32, i32) {
    %sub3A = arith.constant 1 : i32
    %sub3A_0 = arith.subi %sub3A, %arg0 : i32
    %mul3A = arith.muli %arg1, %sub3A_0 : i32
    %c0_i32 = arith.constant 0 : i32
    %c0_i32_1 = arith.constant 0 : i32
    return %mul3A, %c0_i32 : i32, i32
  }
  func.func @transform_4(%arg0: i32, %arg1: i32) -> (i32, i32) {
    %sub3A = arith.constant 1 : i32
    %sub3A_0 = arith.subi %sub3A, %arg0 : i32
    %mul3A = arith.muli %arg1, %sub3A_0 : i32
    %c0_i32 = arith.constant 0 : i32
    %c0_i32_1 = arith.constant 0 : i32
    return %mul3A, %c0_i32 : i32, i32
  }
  func.func @transform_5(%arg0: i32, %arg1: i32) -> (i32, i32, i32) {
    %c0_i32 = arith.constant 0 : i32
    %c0_i32_0 = arith.constant 0 : i32
    %c0_i32_1 = arith.constant 0 : i32
    %c0_i32_2 = arith.constant 0 : i32
    return %c0_i32, %c0_i32_0, %c0_i32_1 : i32, i32, i32
  }
  func.func @transform_6(%arg0: i32, %arg1: i32) -> (i32, i32) {
    %c0_i32 = arith.constant 0 : i32
    %c0_i32_0 = arith.constant 0 : i32
    %c0_i32_1 = arith.constant 0 : i32
    return %c0_i32, %c0_i32_0 : i32, i32
  }
  func.func @transform_7(%arg0: i32, %arg1: i32) -> (i32, i32) {
    %c0_i32 = arith.constant 0 : i32
    %c0_i32_0 = arith.constant 0 : i32
    %c0_i32_1 = arith.constant 0 : i32
    return %c0_i32, %c0_i32_0 : i32, i32
  }
  func.func @transform_8(%arg0: i32, %arg1: i32) -> (i32, i32) {
    %mul3A = arith.muli %arg1, %arg0 : i32
    %c0_i32 = arith.constant 0 : i32
    %c0_i32_0 = arith.constant 0 : i32
    return %mul3A, %c0_i32 : i32, i32
  }
}

</mosaic_0001>

<sc_bundles>
// kernel: kernel.12.cloned.1.call-start
scs
__scs_entry_jumppad:
0x0: {  	(pc) =	sbr.rel $0x88, $3  }
0x1: {  	(tag) =	ssettag $0x0;
	lr =	simm.s32 $0x1  }
0x2: {  	[smem:$0x3F9B] =	sst lr;
	_ =	strace $0xD0000000  }
0x3: {  	_ = 	snop  }
0x4: {  	_ = 	snop  }
0x5: {  	_ = 	snop  }
0x6: {  	_ = 	snop  }
0x7: {  	_ = 	snop  }
__scs_overlays_trampoline_lowered:
0x8: {  	[smem:$0x3FAA] =	sst s0  }
0x9: {  	[smem:$0x3FAB] =	sst s1  }
0xa: {  	[smem:$0x3FAC] =	sst s2  }
0xb: {  	[smem:$0x3FAD] =	sst s3  }
0xc: {  	[smem:$0x3FAE] =	sst s4  }
0xd: {  	[smem:$0x3FAF] =	sst s5  }
0xe: {  	[smem:$0x3FB0] =	sst s6  }
0xf: {  	[smem:$0x3FB1] =	sst s7  }
0x10: {  	[smem:$0x3FB2] =	sst s8  }
0x11: {  	[smem:$0x3FB3] =	sst s9;
	s0 =	simm.s32 @!p0 $0x0  }
0x12: {  	s1 =	sld [smem:$0x3F99];
	s0 =	simm.s32 @p0 $0x1  }
0x13: {  	[smem:$0x3FB4] =	sst s0;
	s0 =	simm.s32 @!p1 $0x0  }
0x14: {  	s2 =	sld [smem:$0x3F98];
	s0 =	simm.s32 @p1 $0x1  }
0x15: {  	[smem:$0x3FB5] =	sst s0;
	s0 =	simm.s32 @!p2 $0x0  }
0x16: {  	s3 =	sld [smem:$0x3FDB];
	s0 =	simm.s32 @p2 $0x1  }
0x17: {  	s4 =	simm.s32 $0x1BF5;
	[smem:$0x3FB7] =	sst s0  }
0x18: {  	s0 =	sld [smem:$0x3F9A];
	_ =	swait.ge [sflag:s4], $0x0  }
0x19: {  	s7 =	sld [smem:$0x3F9B]  }
0x1a: {  	s8 =	sadd.s32 $0xFFFFE003, lr  }
0x1b: {  	s9 =	sadd.s32 $0xFFFFFEF7, lr;
	s5 =	simm.s32 $0xFFFFFFFF;
	p2 =	slt.u32 s8, $0xFFFFF086  }
0x1c: {  	p1 =	slt.u32 s9, $0xF7A;
	s5 =	simm.s32 @!p2 $0x0  }
0x1d: {  	s5 =	simm.s32 @p1 $0x1;
	p0 =	seq.s32 s7, s2  }
0x1e: {  	s7 =	smul.u32 @!p0 $0xF7A, s2;
	p2 =	seq.s32 @!p0 s5, $0x0  }
0x1f: {  	s9 =	smul.u32 $0xF7A, s1;
	s8 =	simm.s32 @!p0 $0x1BF5;
	p2 =	por !p2, p0  }
0x20: {  	[sflag:s8] =	ssyncset.s32 @!p0 $0xFFFFF086;
	s6 =	sadd.s32 @!p0 s3, s7;
	s7 =	simm.s32 @!p0 $0x108  }
0x21: {  	s3 =	sadd.s32 s3, s9;
	s6 =	sadd.s32 @!p0 $0x88, s6;
	s7 =	simm.s32 @p2 $0x1082  }
0x22: {  	[simem:s7], [sflag:s8] =	dma.local @!p0 [hbm:s6], $0xF7A  }
0x23: {  	s9 =	sor.u32 $0xD0000000, s2;
	s6 =	simm.s32 $0x108;
	_ =	swait.ge @!p0 [sflag:s8], $0x0  }
0x24: {  	s3 =	sadd.s32 $0x88, s3;
	s6 =	simm.s32 @!p1 $0x1082;
	[sflag:s4] =	ssyncset.s32 $0xFFFFF086  }
0x25: {  	[simem:s6], [sflag:s4] =	dma.local [hbm:s3], $0xF7A  }
0x26: {  	[smem:$0x3F9B] =	sst s1;
	(tag) =	ssettag s2;
	_ =	strace s9  }
0x27: {  	s1 =	sld [smem:$0x3FAB]  }
0x28: {  	s2 =	sld [smem:$0x3FAC]  }
0x29: {  	s4 =	sld [smem:$0x3FAE]  }
0x2a: {  	p0 =	seq.s32 s5, $0x0;
	s5 =	sld [smem:$0x3FAF]  }
0x2b: {  	s6 =	sld [smem:$0x3FB0]  }
0x2c: {  	s7 =	sld [smem:$0x3FB1]  }
0x2d: {  	s3 =	simm.s32 $0x108;
	s8 =	sld [smem:$0x3FB2]  }
0x2e: {  	s3 =	simm.s32 @!p0 $0x1082;
	s9 =	sld [smem:$0x3FB3]  }
0x2f: {  	lr =	sadd.s32 s0, s3;
	s0 =	sld [smem:$0x3FAA]  }
0x30: {  	s3 =	sld [smem:$0x3FAD]  }
0x31: {  	[smem:$0x3FB6] =	sst s10  }
0x32: {  	s10 =	sld [smem:$0x3FB4];
	_ =	sdelay $0x3  }
0x33: {  	p0 =	seq.s32 s10, $0x1;
	s10 =	sld [smem:$0x3FB6];
	_ =	sdelay $0x3  }
0x34: {  	[smem:$0x3FB6] =	sst s10  }
0x35: {  	s10 =	sld [smem:$0x3FB5];
	_ =	sdelay $0x3  }
0x36: {  	p1 =	seq.s32 s10, $0x1;
	s10 =	sld [smem:$0x3FB6];
	_ =	sdelay $0x3  }
0x37: {  	[smem:$0x3FB6] =	sst s10  }
0x38: {  	s10 =	sld [smem:$0x3FB7]  }
0x39: {  	_ = 	snop;
	(pc) =	sbr.ind lr, $3  }
0x3a: {  	_ = 	snop  }
0x3b: {  	_ = 	snop  }
0x3c: {  	p2 =	seq.s32 s10, $0x1;
	s10 =	sld [smem:$0x3FB6]  }
0x3d: {  	_ =	shalt  }
0x3e: {  	_ =	shalt  }
0x3f: {  	_ =	shalt  }
0x40: {  	_ =	shalt  }
0x41: {  	_ =	shalt  }
0x42: {  	_ =	shalt  }
0x43: {  	_ =	shalt  }
0x44: {  	_ =	shalt  }
0x45: {  	_ =	shalt  }
0x46: {  	_ =	shalt  }
0x47: {  	_ =	shalt  }
0x48: {  	_ =	shalt  }
0x49: {  	_ =	shalt  }
0x4a: {  	_ =	shalt  }
0x4b: {  	_ =	shalt  }
0x4c: {  	_ =	shalt  }
0x4d: {  	_ =	shalt  }
0x4e: {  	_ =	shalt  }
0x4f: {  	_ =	shalt  }
0x50: {  	_ =	shalt  }
0x51: {  	_ =	shalt  }
0x52: {  	_ =	shalt  }
0x53: {  	_ =	shalt  }
0x54: {  	_ =	shalt  }
0x55: {  	_ =	shalt  }
0x56: {  	_ =	shalt  }
0x57: {  	_ =	shalt  }
0x58: {  	_ =	shalt  }
0x59: {  	_ =	shalt  }
0x5a: {  	_ =	shalt  }
0x5b: {  	_ =	shalt  }
0x5c: {  	_ =	shalt  }
0x5d: {  	_ =	shalt  }
0x5e: {  	_ =	shalt  }
0x5f: {  	_ =	shalt  }
0x60: {  	_ =	shalt  }
0x61: {  	_ =	shalt  }
0x62: {  	_ =	shalt  }
0x63: {  	_ =	shalt  }
0x64: {  	_ =	shalt  }
0x65: {  	_ =	shalt  }
0x66: {  	_ =	shalt  }
0x67: {  	_ =	shalt  }
0x68: {  	_ =	shalt  }
0x69: {  	_ =	shalt  }
0x6a: {  	_ =	shalt  }
0x6b: {  	_ =	shalt  }
0x6c: {  	_ =	shalt  }
0x6d: {  	_ =	shalt  }
0x6e: {  	_ =	shalt  }
0x6f: {  	_ =	shalt  }
0x70: {  	_ =	shalt  }
0x71: {  	_ =	shalt  }
0x72: {  	_ =	shalt  }
0x73: {  	_ =	shalt  }
0x74: {  	_ =	shalt  }
0x75: {  	_ =	shalt  }
0x76: {  	_ =	shalt  }
0x77: {  	_ =	shalt  }
0x78: {  	_ =	shalt  }
0x79: {  	_ =	shalt  }
0x7a: {  	_ =	shalt  }
0x7b: {  	_ =	shalt  }
0x7c: {  	_ =	shalt  }
0x7d: {  	_ =	shalt  }
0x7e: {  	_ =	shalt  }
0x7f: {  	_ =	shalt  }
0x80: {  	_ =	shalt  }
0x81: {  	_ =	shalt  }
0x82: {  	_ =	shalt  }
0x83: {  	_ =	shalt  }
0x84: {  	_ =	shalt  }
0x85: {  	_ =	shalt  }
0x86: {  	_ =	shalt  }
0x87: {  	_ =	shalt  }
.Lfunc_end0:
.L_simem_size_0:
called_computation.1_lowered:
.L_overlay_start_0:
0x88: {  	s2 =	sld [smem:$0x3FD9]  }
0x89: {  	s3 =	sld [smem:$0x3FFE];
	_ =	sdelay $0x1  }
0x8a: {  	s1 =	srdreg.scid  }
0x8b: {  	s0 =	sand.u32 $0x1, s1  }
0x8c: {  	s17 =	sshll.u32 s0, $0xA;
	s2 =	sadd.s32 s3, s2  }
0x8d: {  	s2 =	sadd.s32 s2, s17  }
0x8e: {  	[smem:$0x3FC2] =	sst s2  }
0x8f: {  	_ = 	snop  }
0x90: {  	s2 =	sld [smem:$0x3FD0];
	(tm) =	ssettm $0x1  }
0x91: {  	s18 =	sld [smem:$0x3FFB];
	_ =	sdelay $0x3  }
0x92: {  	_ =	strace s18  }
0x93: {  	s3 =	sld [smem:$0x3FFC];
	_ =	sdelay $0x3  }
0x94: {  	_ =	strace s3  }
0x95: {  	s3 =	sld [smem:$0x3FFD];
	_ =	sdelay $0x3  }
0x96: {  	_ =	strace s3  }
0x97: {  	_ =	strace $0x8FFFFFFF  }
0x98: {  	s19 =	sld [smem:$0x3FDB];
	_ =	sdelay $0x1  }
0x99: {  	s4 =	simm.s32 $_scs_section_size  }
0x9a: {  	s5 =	simm.s32 $_size__tile_overlayer_lowered;
	s6 =	simm.s32 $_tile_overlayer_lowered  }
0x9b: {  	s22 =	simm.s32 $0x1BFF;
	s21 =	sshll.u32 s6, $0x1;
	s3 =	sadd.s32 s4, s19  }
0x9c: {  	s7 =	simm.s32 $0x0;
	s20 =	sshll.u32 s5, $0x1;
	s5 =	sadd.s32 s21, s3  }
0x9d: {  	[timem:s7], [sflag:s22] =	dma.local [hbm:s5], s20  }
0x9e: {  	_ =	swait.ge [sflag:s22], s20  }
0x9f: {  	s4 =	ssub.s32 $0x0, s20;
	[sflag:s22] =	ssyncset.done $0x0  }
0xa0: {  	[sflag:s22] =	ssyncadd.s32 s4;
	_ =	sdelay $0x1  }
0xa1: {  	s23 =	simm.s32 $0x1B8B  }
0xa2: {  	_ =	swait.ge [sflag:s23], $0x1  }
0xa3: {  	[sflag:s23] =	ssyncset.done $0x0  }
0xa4: {  	s25 =	simm.s32 $0x1B8E;
	s24 =	sld [smem:$0x3FFE];
	[sflag:s23] =	ssyncadd.s32 $0xFFFFFFFF  }
0xa5: {  	s26 =	simm.s32 $execute0_lowered;
	[smem:$0x3FD2] =	sst s25  }
0xa6: {  	s5 =	sshll.u32 s26, $0x1;
	_ =	strace $0x80000049;
	[dreg:$0x1] =	wrdreg $0xFFFFFFFF  }
0xa7: {  	s28 =	simm.s32 $_size_execute0_lowered;
	s3 =	sadd.s32 s3, s5;
	[dreg:$0x0] =	wrdreg $0x0  }
0xa8: {  	s5 =	sshll.u32 s28, $0x1;
	[dreg:$0x2] =	wrdreg s3  }
0xa9: {  	[dreg:$0x3] =	wrdreg s5  }
0xaa: {  	[dreg:$0x4] =	wrdreg $0xC0  }
0xab: {  	_ =	task [dreg:s7], $0x5FFFF  }
0xac: {  	[dreg:$0x1] =	wrdreg $0xFFFFFFFF  }
0xad: {  	[dreg:$0x0] =	wrdreg $0x60  }
0xae: {  	[dreg:$0x2] =	wrdreg s2  }
0xaf: {  	[dreg:$0x3] =	wrdreg s24  }
0xb0: {  	[dreg:$0x4] =	wrdreg $0xBB800  }
0xb1: {  	[dreg:$0x5] =	wrdreg $0x9  }
0xb2: {  	_ =	task.clear_ibuf [dreg:s7], $0x6FFFF;
	_ =	strace $0x90000049  }
0xb3: {  	s29 =	simm.s32 $0x9;
	_ =	strace $0x8000004B  }
0xb4: {  	_ =	swait.ge [sflag:s29], $0x1  }
0xb5: {  	[sflag:s29] =	ssyncadd.s32 $0xFFFFFFFF  }
0xb6: {  	_ =	strace $0x9000004B  }
0xb7: {  	_ =	sfence  }
0xb8: {  	s30 =	sld [smem:$0x0];
	_ =	sdelay $0x2  }
0xb9: {  	s31 =	sshll.u32 s1, $0xD;
	s1 =	sshrl.u32 s1, $0x2  }
0xba: {  	s3 =	sand.u32 $0x4000, s31;
	s1 =	sadd.s32 s1, s30  }
0xbb: {  	s0 =	sor.u32 s3, s0;
	s1 =	sshll.u32 s1, $0x11  }
0xbc: {  	s0 =	sor.u32 s1, s0  }
0xbd: {  	s0 =	sadd.s32 $0x8F2B, s0  }
0xbe: {  	[sflag:s0] =	ssyncadd.remote.s32 $0x1  }
0xbf: {  	_ =	sfence.sel $0xFFFF  }
0xc0: {  	[dreg:$0x0] =	wrdreg $0xFFFFFFFF;
	(pc) =	sbr.abs _section_cstart, $3  }
0xc1: {  	[dreg:$0x1] =	wrdreg $0xFFFFFFFF  }
0xc2: {  	_ =	task.clear_ibuf [dreg:s7], $0x2FFFF;
	_ =	strace $0x9FFFFFFF  }
0xc3: {  	(tm) =	ssettm $0x7FFFFFFF  }
tec
execute0_lowered:
.L_overlay_start_1:
0x0: {  	(tag) =	ssettag $0x1  }
0x1: {  	s0 =	srdreg.scid;
	s1 =	rddreg [dreg:$0x0]  }
0x2: {  	s12 =	stileid.u32;
	s5 =	rddreg [dreg:$0x1]  }
0x3: {  	s3 =	rddreg [dreg:$0x2];
	s4 =	simm.s32 $0x0;
	s29 =	simm.s32 $0x8900  }
0x4: {  	s30 =	simm.s32 $0x4;
	s31 =	simm.s32 $0x7;
	s7 =	smul.u32 $0x2800, s12  }
0x5: {  	s28 =	simm.s32 $0x2;
	s0 =	sand.u32 $0x1, s0;
	s10 =	smul.u32 $0x50000, s12  }
0x6: {  	s2 =	sshll.u32 s12, $0x1;
	[smem:$0x7FF] =	sst s4;
	s17 =	smul.u32 $0x4E20, s12  }
0x7: {  	s11 =	sadd.s32 $0xCC00, s5;
	s12 =	simm.s32 $0x0;
	s6 =	smul.u32 $0x28000, s0  }
0x8: {  	s2 =	sor.u32 s0, s2;
	s9 =	ssub.s32 $0x2, s0;
	s0 =	smul.u32 $0x2710, s0  }
0x9: {  	_ =	strace $0x8000004A;
	s2 =	smul.u32 $0x2710, s2;
	s14 =	sshrl.u32 s9, $0x1  }
0xa: {  	s16 =	sshrl.u32 s10, $0x2;
	s6 =	sadd.s32 s7, s6;
	s9 =	ssub.s32 s9, s14  }
0xb: {  	s0 =	sadd.s32 s0, s17;
	s2 =	sshrl.u32 s2, $0x3;
	s23 =	smax.u32 s9, $0x1  }
0xc: {  	s24 =	sadd.s32 $0x2A0, s0;
	s25 =	sadd.s32 $0x240, s0;
	s0 =	sadd.s32 $0x1E0, s0  }
0xd: {  	s9 =	simm.s32 $0x9;
	s8 =	sadd.s32 s2, s5;
	s5 =	sadd.s32 s6, s5  }
0xe: {  	s6 =	sadd.s32 s16, s3;
	s7 =	sadd.s32 s11, s2;
	[dreg:$0xb] =	wrdreg s23  }
0xf: {  	s26 =	sshrl.u32 s25, $0x3;
	s0 =	sshrl.u32 s0, $0x3;
	s15 =	sadd.s32 $0x2400, s8  }
0x10: {  	s23 =	simm.s32 $0x2900;
	s2 =	sadd.s32 $0xC, s7;
	[dreg:$0x4] =	wrdreg s15  }
0x11: {  	s25 =	simm.s32 $0x5900;
	s18 =	sadd.s32 $0x18, s7;
	[dreg:$0x5] =	wrdreg s2  }
0x12: {  	s19 =	sadd.s32 $0x24, s7;
	s20 =	sadd.s32 $0x30, s7;
	[dreg:$0x6] =	wrdreg s18  }
0x13: {  	s21 =	sadd.s32 $0x4E0, s7;
	s22 =	sadd.s32 $0x16A00, s5;
	[dreg:$0x7] =	wrdreg s19  }
0x14: {  	s16 =	sadd.s32 s26, s11;
	s17 =	sadd.s32 s0, s11;
	[dreg:$0x8] =	wrdreg s20  }
0x15: {  	s26 =	simm.s32 $0x2880;
	s0 =	simm.s32 $0x5;
	[dreg:$0x9] =	wrdreg s21  }
0x16: {  	s5 =	simm.s32 $0x6;
	s8 =	simm.s32 $0x3;
	[dreg:$0xa] =	wrdreg s22  }
0x17: {  	s2 =	sshrl.u32 s24, $0x3;
	s18 =	simm.s32 $0xB980;
	s19 =	simm.s32 $0xA  }
0x18: {  	s20 =	simm.s32 $0x1;
	s21 =	simm.s32 $0x2780;
	s22 =	simm.s32 $0x60  }
0x19: {  	v0 =	vimm.f32 $0.0e+00;
	s24 =	simm.s32 $0x2800;
	s15 =	sadd.s32 s2, s11;
	s2 =	simm.s32 $0x8  }
.LBB2_1:
0x1a: {  	[tilespmem:$0xB980] =	vst v0  }
0x1b: {  	[tilespmem:$0xB990] =	vst v0  }
0x1c: {  	[tilespmem:$0xB9A0] =	vst v0  }
0x1d: {  	[tilespmem:$0xB9B0] =	vst v0  }
0x1e: {  	[tilespmem:$0xB9C0] =	vst v0  }
0x1f: {  	[tilespmem:$0xB9D0] =	vst v0  }
0x20: {  	[tilespmem:$0xB9E0] =	vst v0  }
0x21: {  	[tilespmem:$0xB9F0] =	vst v0  }
0x22: {  	[tilespmem:$0xBA00] =	vst v0  }
0x23: {  	[tilespmem:$0xBA10] =	vst v0  }
0x24: {  	[tilespmem:$0xBA20] =	vst v0  }
0x25: {  	[tilespmem:$0xBA30] =	vst v0  }
0x26: {  	[tilespmem:$0xBA40] =	vst v0  }
0x27: {  	[tilespmem:$0xBA50] =	vst v0  }
0x28: {  	[tilespmem:$0xBA60] =	vst v0  }
0x29: {  	[tilespmem:$0xBA70] =	vst v0  }
0x2a: {  	[tilespmem:$0xBA80] =	vst v0  }
0x2b: {  	[tilespmem:$0xBA90] =	vst v0  }
0x2c: {  	[tilespmem:$0xBAA0] =	vst v0  }
0x2d: {  	[tilespmem:$0xBAB0] =	vst v0  }
0x2e: {  	[tilespmem:$0xBAC0] =	vst v0  }
0x2f: {  	[tilespmem:$0xBAD0] =	vst v0  }
0x30: {  	[tilespmem:$0xBAE0] =	vst v0  }
0x31: {  	[tilespmem:$0xBAF0] =	vst v0  }
0x32: {  	[tilespmem:$0xBB00] =	vst v0  }
0x33: {  	[tilespmem:$0xBB10] =	vst v0  }
0x34: {  	[tilespmem:$0xBB20] =	vst v0  }
0x35: {  	[tilespmem:$0xBB30] =	vst v0  }
0x36: {  	[tilespmem:$0xBB40] =	vst v0  }
0x37: {  	[tilespmem:$0xBB50] =	vst v0  }
0x38: {  	[tilespmem:$0xBB60] =	vst v0  }
0x39: {  	[tilespmem:$0xBB70] =	vst v0;
	s10 =	rddreg [dreg:$0x4]  }
0x3a: {  	[tilespmem:s4], [sflag:$0x1] =	stream.linear.gather [hbm4b:s10+s4], $0x2710, $0x38;
	[tilespmem:$0x1FB80] =	vst v63  }
0x3b: {  	s14 =	sadd.s32 $0x0, s6  }
0x3c: {  	[spmem:s14] =	stream.linear.scatter [tilespmem:s18], [sflag:$0xA], $0x200, $0x38;
	[tilespmem:$0x1FB80] =	vst v63  }
0x3d: {  	s10 =	simm.s32 $0x800;
	_ =	swait.ge [sflag:s19], $0x200  }
.LBB2_2:
0x3e: {  	s13 =	sshra.s32 s10, $0x2;
	[sflag:s19] =	ssyncset.done $0x0;
	p0 =	sne.s32 s10, $0x4F800  }
.Ltmp0:
0x3f: {  	s13 =	sadd.s32 s13, s6;
	[sflag:s19] =	ssyncadd.s32 $0xFFFFFE00;
	(pc) =	sbr.rel @p0 .LBB2_2-.Ltmp0, $3  }
0x40: {  	[spmem:s13] =	stream.linear.scatter [tilespmem:s18], [sflag:$0xA], $0x200, $0x38;
	[tilespmem:$0x1FB80] =	vst v63  }
0x41: {  	s10 =	sadd.s32 $0x800, s10;
	_ =	sdelay $0x1  }
0x42: {  	_ =	swait.ge [sflag:s19], $0x200  }
0x43: {  	[sflag:s19] =	ssyncset.done $0x0  }
0x44: {  	[sflag:s19] =	ssyncadd.s32 $0xFFFFFE00  }
0x45: {  	_ =	swait.ge [sflag:s20], $0x2710  }
0x46: {  	[sflag:s20] =	ssyncset.done $0x0  }
0x47: {  	[sflag:s20] =	ssyncadd.s32 $0xFFFFD8F0  }
0x48: {  	s10 =	simm.s32 $0x0;
	[bflag:$0x0] =	sbarrier.arrive $0xFFFF  }
0x49: {  	[tilespmem:s21], [sflag:$0x4] =	stream.linear.gather [hbm4b:s7+s10], $0x60, $0x38;
	[tilespmem:$0x1FB80] =	vst v63  }
0x4a: {  	_ = 	snop  }
0x4b: {  	[tilespmem:s23], [sflag:$0x1] =	stream.indirect.gather [hbm4b:s1+s22], $0x80, s10, s22, $0xb8;
	[tilespmem:$0x1FB80] =	vst v63  }
0x4c: {  	s11 =	rddreg [dreg:$0x5]  }
0x4d: {  	[tilespmem:s24], [sflag:$0x5] =	stream.linear.gather [hbm4b:s11+s10], $0x60, $0x38;
	[tilespmem:$0x1FB80] =	vst v63  }
0x4e: {  	_ = 	snop  }
0x4f: {  	[tilespmem:s25], [sflag:$0x2] =	stream.indirect.gather [hbm4b:s1+s22], $0x80, s22, s22, $0xb8;
	[tilespmem:$0x1FB80] =	vst v63  }
0x50: {  	s13 =	rddreg [dreg:$0x6]  }
0x51: {  	[tilespmem:s26], [sflag:$0x6] =	stream.linear.gather [hbm4b:s13+s10], $0x60, $0x38;
	[tilespmem:$0x1FB80] =	vst v63  }
0x52: {  	s14 =	simm.s32 $0xC0  }
0x53: {  	[tilespmem:s29], [sflag:$0x3] =	stream.indirect.gather [hbm4b:s1+s22], $0x80, s14, s22, $0xb8;
	[tilespmem:$0x1FB80] =	vst v63  }
0x54: {  	_ =	swait.ge [sflag:s30], $0x60  }
0x55: {  	[sflag:s30] =	ssyncset.done $0x0  }
0x56: {  	[sflag:s30] =	ssyncadd.s32 $0xFFFFFFA0  }
0x57: {  	_ =	swait.ge [sflag:s20], $0x3000  }
0x58: {  	[sflag:s20] =	ssyncset.done $0x0  }
0x59: {  	[sflag:s20] =	ssyncadd.s32 $0xFFFFD000  }
0x5a: {  	[spmem:s3] =	stream.indirect.scatter.add.f32 [tilespmem:s23], [sflag:$0x7], $0x80, s21, s22, $0xb8;
	[tilespmem:$0x1FB80] =	vst v63  }
0x5b: {  	_ =	swait.ge [sflag:s31], $0x3000  }
0x5c: {  	[sflag:s31] =	ssyncset.done $0x0  }
0x5d: {  	s13 =	rddreg [dreg:$0x7];
	[sflag:s31] =	ssyncadd.s32 $0xFFFFD000  }
0x5e: {  	[tilespmem:s21], [sflag:$0x4] =	stream.linear.gather [hbm4b:s13+s10], $0x60, $0x38;
	[tilespmem:$0x1FB80] =	vst v63  }
0x5f: {  	s14 =	simm.s32 $0x120  }
0x60: {  	[tilespmem:s23], [sflag:$0x1] =	stream.indirect.gather [hbm4b:s1+s22], $0x80, s14, s22, $0xb8;
	[tilespmem:$0x1FB80] =	vst v63  }
0x61: {  	_ =	swait.ge [sflag:s0], $0x60  }
0x62: {  	[sflag:s0] =	ssyncset.done $0x0  }
0x63: {  	[sflag:s0] =	ssyncadd.s32 $0xFFFFFFA0  }
0x64: {  	_ =	swait.ge [sflag:s28], $0x3000  }
0x65: {  	[sflag:s28] =	ssyncset.done $0x0  }
0x66: {  	[sflag:s28] =	ssyncadd.s32 $0xFFFFD000  }
0x67: {  	[spmem:s3] =	stream.indirect.scatter.add.f32 [tilespmem:s25], [sflag:$0x8], $0x80, s24, s22, $0xb8;
	[tilespmem:$0x1FB80] =	vst v63  }
0x68: {  	_ =	swait.ge [sflag:s2], $0x3000  }
0x69: {  	[sflag:s2] =	ssyncset.done $0x0  }
0x6a: {  	s13 =	rddreg [dreg:$0x8];
	[sflag:s2] =	ssyncadd.s32 $0xFFFFD000  }
0x6b: {  	[tilespmem:s24], [sflag:$0x5] =	stream.linear.gather [hbm4b:s13+s10], $0x60, $0x38;
	[tilespmem:$0x1FB80] =	vst v63  }
0x6c: {  	s14 =	simm.s32 $0x180  }
0x6d: {  	[tilespmem:s25], [sflag:$0x2] =	stream.indirect.gather [hbm4b:s1+s22], $0x80, s14, s22, $0xb8;
	[tilespmem:$0x1FB80] =	vst v63  }
0x6e: {  	_ =	swait.ge [sflag:s5], $0x60  }
0x6f: {  	[sflag:s5] =	ssyncset.done $0x0  }
0x70: {  	[sflag:s5] =	ssyncadd.s32 $0xFFFFFFA0  }
0x71: {  	_ =	swait.ge [sflag:s8], $0x3000  }
0x72: {  	[sflag:s8] =	ssyncset.done $0x0  }
0x73: {  	[sflag:s8] =	ssyncadd.s32 $0xFFFFD000  }
0x74: {  	[spmem:s3] =	stream.indirect.scatter.add.f32 [tilespmem:s29], [sflag:$0x9], $0x80, s26, s22, $0xb8;
	[tilespmem:$0x1FB80] =	vst v63  }
0x75: {  	_ =	swait.ge [sflag:s9], $0x3000  }
0x76: {  	[sflag:s9] =	ssyncset.done $0x0  }
0x77: {  	s11 =	sadd.s32 $0x0, s17;
	[sflag:s9] =	ssyncadd.s32 $0xFFFFD000  }
0x78: {  	[tilespmem:s26], [sflag:$0x6] =	stream.linear.gather [hbm4b:s11+s4], $0x60, $0x38;
	[tilespmem:$0x1FB80] =	vst v63  }
0x79: {  	s13 =	simm.s32 $0x1E0  }
0x7a: {  	[tilespmem:s29], [sflag:$0x3] =	stream.indirect.gather [hbm4b:s1+s22], $0x80, s13, s22, $0xb8;
	[tilespmem:$0x1FB80] =	vst v63  }
0x7b: {  	_ =	swait.ge [sflag:s30], $0x60  }
0x7c: {  	[sflag:s30] =	ssyncset.done $0x0  }
0x7d: {  	[sflag:s30] =	ssyncadd.s32 $0xFFFFFFA0  }
0x7e: {  	_ =	swait.ge [sflag:s20], $0x3000  }
0x7f: {  	[sflag:s20] =	ssyncset.done $0x0  }
0x80: {  	[sflag:s20] =	ssyncadd.s32 $0xFFFFD000  }
0x81: {  	[spmem:s3] =	stream.indirect.scatter.add.f32 [tilespmem:s23], [sflag:$0x7], $0x80, s21, s22, $0xb8;
	[tilespmem:$0x1FB80] =	vst v63  }
0x82: {  	_ =	swait.ge [sflag:s31], $0x3000  }
0x83: {  	[sflag:s31] =	ssyncset.done $0x0  }
0x84: {  	s14 =	sadd.s32 $0x0, s16;
	[sflag:s31] =	ssyncadd.s32 $0xFFFFD000  }
0x85: {  	[tilespmem:s21], [sflag:$0x4] =	stream.linear.gather [hbm4b:s14+s4], $0x60, $0x38;
	[tilespmem:$0x1FB80] =	vst v63  }
0x86: {  	s11 =	simm.s32 $0x240  }
0x87: {  	[tilespmem:s23], [sflag:$0x1] =	stream.indirect.gather [hbm4b:s1+s22], $0x80, s11, s22, $0xb8;
	[tilespmem:$0x1FB80] =	vst v63  }
0x88: {  	_ =	swait.ge [sflag:s0], $0x60  }
0x89: {  	[sflag:s0] =	ssyncset.done $0x0  }
0x8a: {  	[sflag:s0] =	ssyncadd.s32 $0xFFFFFFA0  }
0x8b: {  	_ =	swait.ge [sflag:s28], $0x3000  }
0x8c: {  	[sflag:s28] =	ssyncset.done $0x0  }
0x8d: {  	[sflag:s28] =	ssyncadd.s32 $0xFFFFD000  }
0x8e: {  	[spmem:s3] =	stream.indirect.scatter.add.f32 [tilespmem:s25], [sflag:$0x8], $0x80, s24, s22, $0xb8;
	[tilespmem:$0x1FB80] =	vst v63  }
0x8f: {  	_ =	swait.ge [sflag:s2], $0x3000  }
0x90: {  	[sflag:s2] =	ssyncset.done $0x0  }
0x91: {  	s13 =	sadd.s32 $0x0, s15;
	[sflag:s2] =	ssyncadd.s32 $0xFFFFD000  }
0x92: {  	[tilespmem:s24], [sflag:$0x5] =	stream.linear.gather [hbm4b:s13+s4], $0x60, $0x38;
	[tilespmem:$0x1FB80] =	vst v63  }
0x93: {  	s14 =	simm.s32 $0x2A0  }
0x94: {  	[tilespmem:s25], [sflag:$0x2] =	stream.indirect.gather [hbm4b:s1+s22], $0x80, s14, s22, $0xb8;
	[tilespmem:$0x1FB80] =	vst v63  }
0x95: {  	_ =	swait.ge [sflag:s5], $0x60  }
0x96: {  	[sflag:s5] =	ssyncset.done $0x0  }
0x97: {  	[sflag:s5] =	ssyncadd.s32 $0xFFFFFFA0  }
0x98: {  	_ =	swait.ge [sflag:s8], $0x3000  }
0x99: {  	[sflag:s8] =	ssyncset.done $0x0  }
0x9a: {  	s13 =	simm.s32 $0x24;
	s14 =	simm.s32 $0x3C0;
	[sflag:s8] =	ssyncadd.s32 $0xFFFFD000  }
.LBB2_4:
0x9b: {  	[spmem:s3] =	stream.indirect.scatter.add.f32 [tilespmem:s29], [sflag:$0x9], $0x80, s26, s22, $0xb8;
	[tilespmem:$0x1FB80] =	vst v63  }
0x9c: {  	s10 =	smov.u32 s13  }
0x9d: {  	p0 =	sne.s32 s13, $0x480;
	s13 =	sadd.s32 $0x24, s13;
	_ =	swait.ge [sflag:s9], $0x3000  }
0x9e: {  	[sflag:s9] =	ssyncset.done $0x0  }
0x9f: {  	s11 =	sadd.s32 s10, s17;
	[sflag:s9] =	ssyncadd.s32 $0xFFFFD000  }
0xa0: {  	[tilespmem:s26], [sflag:$0x6] =	stream.linear.gather [hbm4b:s11+s4], $0x60, $0x38;
	[tilespmem:$0x1FB80] =	vst v63  }
0xa1: {  	s11 =	sadd.s32 $0xFFFFFF40, s14  }
0xa2: {  	[tilespmem:s29], [sflag:$0x3] =	stream.indirect.gather [hbm4b:s1+s22], $0x80, s11, s22, $0xb8;
	[tilespmem:$0x1FB80] =	vst v63  }
0xa3: {  	_ =	swait.ge [sflag:s30], $0x60  }
0xa4: {  	[sflag:s30] =	ssyncset.done $0x0  }
0xa5: {  	[sflag:s30] =	ssyncadd.s32 $0xFFFFFFA0  }
0xa6: {  	_ =	swait.ge [sflag:s20], $0x3000  }
0xa7: {  	[sflag:s20] =	ssyncset.done $0x0  }
0xa8: {  	[sflag:s20] =	ssyncadd.s32 $0xFFFFD000  }
0xa9: {  	[spmem:s3] =	stream.indirect.scatter.add.f32 [tilespmem:s23], [sflag:$0x7], $0x80, s21, s22, $0xb8;
	[tilespmem:$0x1FB80] =	vst v63  }
0xaa: {  	_ =	swait.ge [sflag:s31], $0x3000  }
0xab: {  	[sflag:s31] =	ssyncset.done $0x0  }
0xac: {  	s11 =	sadd.s32 s10, s16;
	[sflag:s31] =	ssyncadd.s32 $0xFFFFD000  }
0xad: {  	[tilespmem:s21], [sflag:$0x4] =	stream.linear.gather [hbm4b:s11+s4], $0x60, $0x38;
	[tilespmem:$0x1FB80] =	vst v63  }
0xae: {  	s11 =	sadd.s32 $0xFFFFFFA0, s14  }
0xaf: {  	[tilespmem:s23], [sflag:$0x1] =	stream.indirect.gather [hbm4b:s1+s22], $0x80, s11, s22, $0xb8;
	[tilespmem:$0x1FB80] =	vst v63  }
0xb0: {  	_ =	swait.ge [sflag:s0], $0x60  }
0xb1: {  	[sflag:s0] =	ssyncset.done $0x0  }
0xb2: {  	[sflag:s0] =	ssyncadd.s32 $0xFFFFFFA0  }
0xb3: {  	_ =	swait.ge [sflag:s28], $0x3000  }
0xb4: {  	[sflag:s28] =	ssyncset.done $0x0  }
0xb5: {  	[sflag:s28] =	ssyncadd.s32 $0xFFFFD000  }
0xb6: {  	[spmem:s3] =	stream.indirect.scatter.add.f32 [tilespmem:s25], [sflag:$0x8], $0x80, s24, s22, $0xb8;
	[tilespmem:$0x1FB80] =	vst v63  }
0xb7: {  	_ =	swait.ge [sflag:s2], $0x3000  }
0xb8: {  	[sflag:s2] =	ssyncset.done $0x0  }
0xb9: {  	s10 =	sadd.s32 s10, s15;
	[sflag:s2] =	ssyncadd.s32 $0xFFFFD000  }
0xba: {  	[tilespmem:s24], [sflag:$0x5] =	stream.linear.gather [hbm4b:s10+s4], $0x60, $0x38;
	[tilespmem:$0x1FB80] =	vst v63  }
0xbb: {  	_ = 	snop  }
0xbc: {  	[tilespmem:s25], [sflag:$0x2] =	stream.indirect.gather [hbm4b:s1+s22], $0x80, s14, s22, $0xb8;
	[tilespmem:$0x1FB80] =	vst v63  }
0xbd: {  	_ =	swait.ge [sflag:s5], $0x60  }
.Ltmp1:
0xbe: {  	[sflag:s5] =	ssyncset.done $0x0;
	(pc) =	sbr.rel @p0 .LBB2_4-.Ltmp1, $4  }
0xbf: {  	[sflag:s5] =	ssyncadd.s32 $0xFFFFFFA0  }
0xc0: {  	_ =	swait.ge [sflag:s8], $0x3000  }
0xc1: {  	[sflag:s8] =	ssyncset.done $0x0  }
0xc2: {  	s14 =	sadd.s32 $0x120, s14;
	[sflag:s8] =	ssyncadd.s32 $0xFFFFD000  }
0xc3: {  	[spmem:s3] =	stream.indirect.scatter.add.f32 [tilespmem:s29], [sflag:$0x9], $0x80, s26, s22, $0xb8;
	[tilespmem:$0x1FB80] =	vst v63  }
0xc4: {  	_ =	swait.ge [sflag:s9], $0x3000  }
0xc5: {  	[sflag:s9] =	ssyncset.done $0x0  }
0xc6: {  	[sflag:s9] =	ssyncadd.s32 $0xFFFFD000  }
0xc7: {  	_ =	swait.ge [sflag:s30], $0x60  }
0xc8: {  	[sflag:s30] =	ssyncset.done $0x0  }
0xc9: {  	[sflag:s30] =	ssyncadd.s32 $0xFFFFFFA0  }
0xca: {  	_ =	swait.ge [sflag:s20], $0x3000  }
0xcb: {  	[sflag:s20] =	ssyncset.done $0x0  }
0xcc: {  	[sflag:s20] =	ssyncadd.s32 $0xFFFFD000  }
0xcd: {  	[spmem:s3] =	stream.indirect.scatter.add.f32 [tilespmem:s23], [sflag:$0x7], $0x80, s21, s22, $0xb8;
	[tilespmem:$0x1FB80] =	vst v63  }
0xce: {  	_ =	swait.ge [sflag:s31], $0x3000  }
0xcf: {  	[sflag:s31] =	ssyncset.done $0x0  }
0xd0: {  	[sflag:s31] =	ssyncadd.s32 $0xFFFFD000  }
0xd1: {  	_ =	swait.ge [sflag:s0], $0x60  }
0xd2: {  	[sflag:s0] =	ssyncset.done $0x0  }
0xd3: {  	[sflag:s0] =	ssyncadd.s32 $0xFFFFFFA0  }
0xd4: {  	_ =	swait.ge [sflag:s28], $0x3000  }
0xd5: {  	[sflag:s28] =	ssyncset.done $0x0  }
0xd6: {  	[sflag:s28] =	ssyncadd.s32 $0xFFFFD000  }
0xd7: {  	[spmem:s3] =	stream.indirect.scatter.add.f32 [tilespmem:s25], [sflag:$0x8], $0x80, s24, s22, $0xb8;
	[tilespmem:$0x1FB80] =	vst v63  }
0xd8: {  	_ =	swait.ge [sflag:s2], $0x3000  }
0xd9: {  	[sflag:s2] =	ssyncset.done $0x0  }
0xda: {  	s11 =	simm.s32 $0xB900;
	s10 =	rddreg [dreg:$0x9];
	[sflag:s2] =	ssyncadd.s32 $0xFFFFD000  }
0xdb: {  	[tilespmem:s11], [sflag:$0x4] =	stream.linear.gather [hbm4b:s10+s4], $0x10, $0x38;
	[tilespmem:$0x1FB80] =	vst v63  }
0xdc: {  	_ =	swait.ge [sflag:s30], $0x10  }
0xdd: {  	[sflag:s30] =	ssyncset.done $0x0  }
0xde: {  	s14 =	simm.s32 $0x10;
	s13 =	simm.s32 $0x2700;
	[sflag:s30] =	ssyncadd.s32 $0xFFFFFFF0  }
0xdf: {  	[tilespmem:s23], [sflag:$0x1] =	stream.indirect.gather [hbm4b:s1+s14], $0x80, s13, s14, $0xb8;
	[tilespmem:$0x1FB80] =	vst v63  }
0xe0: {  	_ =	swait.ge [sflag:s20], $0x800  }
0xe1: {  	[sflag:s20] =	ssyncset.done $0x0  }
0xe2: {  	[sflag:s20] =	ssyncadd.s32 $0xFFFFF800  }
0xe3: {  	[spmem:s3] =	stream.indirect.scatter.add.f32 [tilespmem:s23], [sflag:$0xA], $0x80, s11, s14, $0xb8;
	[tilespmem:$0x1FB80] =	vst v63  }
0xe4: {  	_ =	swait.ge [sflag:s19], $0x800  }
0xe5: {  	[sflag:s19] =	ssyncset.done $0x0  }
0xe6: {  	s11 =	stileid.u32;
	[sflag:s19] =	ssyncadd.s32 $0xFFFFF800  }
0xe7: {  	s10 =	sshll.u32 s11, $0x6;
	[bflag:$0x0] =	sbarrier.arrive $0xFFFF  }
0xe8: {  	s13 =	sshrl.u32 s6, $0x3;
	s10 =	sor.u32 $0x1C0A, s10;
	s14 =	rddreg [dreg:$0xa]  }
0xe9: {  	[hbm:s14], [sflag:s10] =	dma.local [spmem:s13], $0x2800  }
0xea: {  	_ =	swait.ge [sflag:s19], $0x2800  }
0xeb: {  	s12 =	sadd.s32 $0x1, s12;
	s14 =	rddreg [dreg:$0xb]  }
0xec: {  	p0 =	sne.s32 s12, s14  }
.Ltmp2:
0xed: {  	_ = 	snop;
	(pc) =	sbr.rel @p0 .LBB2_1-.Ltmp2, $3  }
0xee: {  	_ =	sdelay $0x1  }
0xef: {  	[sflag:s19] =	ssyncset.done $0x0  }
0xf0: {  	[sflag:s19] =	ssyncadd.s32 $0xFFFFD800  }
0xf1: {  	_ =	sfence.sel $0x180000  }
0xf2: {  	[bflag:$0x0] =	sbarrier.arrive $0xFFFF  }
0xf3: {  	_ =	strace $0x9000004A  }
0xf4: {  	s0 =	stileid.u32;
	[bflag:$0x2] =	sbarrier.arrive $0xFFFF  }
0xf5: {  	p0 =	sne.s32 s0, $0x0;
	s0 =	rddreg [dreg:$0x3]  }
0xf6: {  	s0 =	sadd.s32 @!p0 $0x100000, s0  }
0xf7: {  	[sflag:s0] =	ssyncadd.tile.s32 @!p0 $0x1;
	_ =	shalt  }
.Lfunc_end2:
_tile_overlayer_lowered:
.L_overlay_start_2:
0xf8: {  	(tag) =	ssettag $0x2  }
0xf9: {  	s0 =	rddreg [dreg:$0x0];
	s2 =	stileid.u32  }
0xfa: {  	s1 =	rddreg [dreg:$0x1];
	p0 =	sne.s32 s2, $0x0  }
0xfb: {  	s3 =	rddreg [dreg:$0x2];
	[bflag:$0x3] =	sbarrier.arrive $0xFFFF;
	s2 =	simm.s32 @!p0 $0x1C0A  }
0xfc: {  	[timem:s3], [sflag:s2] =	dma.local @!p0 [hbm:s0], s1  }
0xfd: {  	s0 =	simm.s32 @!p0 $0xA  }
0xfe: {  	_ =	swait.ge @!p0 [sflag:s0], s1  }
0xff: {  	s1 =	ssub.s32 @!p0 $0x0, s1;
	[sflag:s0] =	ssyncset.done @!p0 $0x0  }
0x100: {  	[sflag:s0] =	ssyncadd.s32 @!p0 s1  }
0x101: {  	[bflag:$0x3] =	sbarrier.arrive $0xFFFF  }
0x102: {  	_ =	shalt  }

// kernel: kernel.15.cloned.1.call-start
scs
__scs_entry_jumppad:
0x0: {  	(pc) =	sbr.rel $0x88, $3  }
0x1: {  	(tag) =	ssettag $0x0;
	lr =	simm.s32 $0x1  }
0x2: {  	[smem:$0x3F9B] =	sst lr;
	_ =	strace $0xD0000000  }
0x3: {  	_ = 	snop  }
0x4: {  	_ = 	snop  }
0x5: {  	_ = 	snop  }
0x6: {  	_ = 	snop  }
0x7: {  	_ = 	snop  }
__scs_overlays_trampoline_lowered:
0x8: {  	[smem:$0x3FAA] =	sst s0  }
0x9: {  	[smem:$0x3FAB] =	sst s1  }
0xa: {  	[smem:$0x3FAC] =	sst s2  }
0xb: {  	[smem:$0x3FAD] =	sst s3  }
0xc: {  	[smem:$0x3FAE] =	sst s4  }
0xd: {  	[smem:$0x3FAF] =	sst s5  }
0xe: {  	[smem:$0x3FB0] =	sst s6  }
0xf: {  	[smem:$0x3FB1] =	sst s7  }
0x10: {  	[smem:$0x3FB2] =	sst s8  }
0x11: {  	[smem:$0x3FB3] =	sst s9;
	s0 =	simm.s32 @!p0 $0x0  }
0x12: {  	s1 =	sld [smem:$0x3F99];
	s0 =	simm.s32 @p0 $0x1  }
0x13: {  	[smem:$0x3FB4] =	sst s0;
	s0 =	simm.s32 @!p1 $0x0  }
0x14: {  	s2 =	sld [smem:$0x3F98];
	s0 =	simm.s32 @p1 $0x1  }
0x15: {  	[smem:$0x3FB5] =	sst s0;
	s0 =	simm.s32 @!p2 $0x0  }
0x16: {  	s3 =	sld [smem:$0x3FDB];
	s0 =	simm.s32 @p2 $0x1  }
0x17: {  	s4 =	simm.s32 $0x1BF5;
	[smem:$0x3FB7] =	sst s0  }
0x18: {  	s0 =	sld [smem:$0x3F9A];
	_ =	swait.ge [sflag:s4], $0x0  }
0x19: {  	s7 =	sld [smem:$0x3F9B]  }
0x1a: {  	s8 =	sadd.s32 $0xFFFFE003, lr  }
0x1b: {  	s9 =	sadd.s32 $0xFFFFFEF7, lr;
	s5 =	simm.s32 $0xFFFFFFFF;
	p2 =	slt.u32 s8, $0xFFFFF086  }
0x1c: {  	p1 =	slt.u32 s9, $0xF7A;
	s5 =	simm.s32 @!p2 $0x0  }
0x1d: {  	s5 =	simm.s32 @p1 $0x1;
	p0 =	seq.s32 s7, s2  }
0x1e: {  	s7 =	smul.u32 @!p0 $0xF7A, s2;
	p2 =	seq.s32 @!p0 s5, $0x0  }
0x1f: {  	s9 =	smul.u32 $0xF7A, s1;
	s8 =	simm.s32 @!p0 $0x1BF5;
	p2 =	por !p2, p0  }
0x20: {  	[sflag:s8] =	ssyncset.s32 @!p0 $0xFFFFF086;
	s6 =	sadd.s32 @!p0 s3, s7;
	s7 =	simm.s32 @!p0 $0x108  }
0x21: {  	s3 =	sadd.s32 s3, s9;
	s6 =	sadd.s32 @!p0 $0x88, s6;
	s7 =	simm.s32 @p2 $0x1082  }
0x22: {  	[simem:s7], [sflag:s8] =	dma.local @!p0 [hbm:s6], $0xF7A  }
0x23: {  	s9 =	sor.u32 $0xD0000000, s2;
	s6 =	simm.s32 $0x108;
	_ =	swait.ge @!p0 [sflag:s8], $0x0  }
0x24: {  	s3 =	sadd.s32 $0x88, s3;
	s6 =	simm.s32 @!p1 $0x1082;
	[sflag:s4] =	ssyncset.s32 $0xFFFFF086  }
0x25: {  	[simem:s6], [sflag:s4] =	dma.local [hbm:s3], $0xF7A  }
0x26: {  	[smem:$0x3F9B] =	sst s1;
	(tag) =	ssettag s2;
	_ =	strace s9  }
0x27: {  	s1 =	sld [smem:$0x3FAB]  }
0x28: {  	s2 =	sld [smem:$0x3FAC]  }
0x29: {  	s4 =	sld [smem:$0x3FAE]  }
0x2a: {  	p0 =	seq.s32 s5, $0x0;
	s5 =	sld [smem:$0x3FAF]  }
0x2b: {  	s6 =	sld [smem:$0x3FB0]  }
0x2c: {  	s7 =	sld [smem:$0x3FB1]  }
0x2d: {  	s3 =	simm.s32 $0x108;
	s8 =	sld [smem:$0x3FB2]  }
0x2e: {  	s3 =	simm.s32 @!p0 $0x1082;
	s9 =	sld [smem:$0x3FB3]  }
0x2f: {  	lr =	sadd.s32 s0, s3;
	s0 =	sld [smem:$0x3FAA]  }
0x30: {  	s3 =	sld [smem:$0x3FAD]  }
0x31: {  	[smem:$0x3FB6] =	sst s10  }
0x32: {  	s10 =	sld [smem:$0x3FB4];
	_ =	sdelay $0x3  }
0x33: {  	p0 =	seq.s32 s10, $0x1;
	s10 =	sld [smem:$0x3FB6];
	_ =	sdelay $0x3  }
0x34: {  	[smem:$0x3FB6] =	sst s10  }
0x35: {  	s10 =	sld [smem:$0x3FB5];
	_ =	sdelay $0x3  }
0x36: {  	p1 =	seq.s32 s10, $0x1;
	s10 =	sld [smem:$0x3FB6];
	_ =	sdelay $0x3  }
0x37: {  	[smem:$0x3FB6] =	sst s10  }
0x38: {  	s10 =	sld [smem:$0x3FB7]  }
0x39: {  	_ = 	snop;
	(pc) =	sbr.ind lr, $3  }
0x3a: {  	_ = 	snop  }
0x3b: {  	_ = 	snop  }
0x3c: {  	p2 =	seq.s32 s10, $0x1;
	s10 =	sld [smem:$0x3FB6]  }
0x3d: {  	_ =	shalt  }
0x3e: {  	_ =	shalt  }
0x3f: {  	_ =	shalt  }
0x40: {  	_ =	shalt  }
0x41: {  	_ =	shalt  }
0x42: {  	_ =	shalt  }
0x43: {  	_ =	shalt  }
0x44: {  	_ =	shalt  }
0x45: {  	_ =	shalt  }
0x46: {  	_ =	shalt  }
0x47: {  	_ =	shalt  }
0x48: {  	_ =	shalt  }
0x49: {  	_ =	shalt  }
0x4a: {  	_ =	shalt  }
0x4b: {  	_ =	shalt  }
0x4c: {  	_ =	shalt  }
0x4d: {  	_ =	shalt  }
0x4e: {  	_ =	shalt  }
0x4f: {  	_ =	shalt  }
0x50: {  	_ =	shalt  }
0x51: {  	_ =	shalt  }
0x52: {  	_ =	shalt  }
0x53: {  	_ =	shalt  }
0x54: {  	_ =	shalt  }
0x55: {  	_ =	shalt  }
0x56: {  	_ =	shalt  }
0x57: {  	_ =	shalt  }
0x58: {  	_ =	shalt  }
0x59: {  	_ =	shalt  }
0x5a: {  	_ =	shalt  }
0x5b: {  	_ =	shalt  }
0x5c: {  	_ =	shalt  }
0x5d: {  	_ =	shalt  }
0x5e: {  	_ =	shalt  }
0x5f: {  	_ =	shalt  }
0x60: {  	_ =	shalt  }
0x61: {  	_ =	shalt  }
0x62: {  	_ =	shalt  }
0x63: {  	_ =	shalt  }
0x64: {  	_ =	shalt  }
0x65: {  	_ =	shalt  }
0x66: {  	_ =	shalt  }
0x67: {  	_ =	shalt  }
0x68: {  	_ =	shalt  }
0x69: {  	_ =	shalt  }
0x6a: {  	_ =	shalt  }
0x6b: {  	_ =	shalt  }
0x6c: {  	_ =	shalt  }
0x6d: {  	_ =	shalt  }
0x6e: {  	_ =	shalt  }
0x6f: {  	_ =	shalt  }
0x70: {  	_ =	shalt  }
0x71: {  	_ =	shalt  }
0x72: {  	_ =	shalt  }
0x73: {  	_ =	shalt  }
0x74: {  	_ =	shalt  }
0x75: {  	_ =	shalt  }
0x76: {  	_ =	shalt  }
0x77: {  	_ =	shalt  }
0x78: {  	_ =	shalt  }
0x79: {  	_ =	shalt  }
0x7a: {  	_ =	shalt  }
0x7b: {  	_ =	shalt  }
0x7c: {  	_ =	shalt  }
0x7d: {  	_ =	shalt  }
0x7e: {  	_ =	shalt  }
0x7f: {  	_ =	shalt  }
0x80: {  	_ =	shalt  }
0x81: {  	_ =	shalt  }
0x82: {  	_ =	shalt  }
0x83: {  	_ =	shalt  }
0x84: {  	_ =	shalt  }
0x85: {  	_ =	shalt  }
0x86: {  	_ =	shalt  }
0x87: {  	_ =	shalt  }
.Lfunc_end0:
.L_simem_size_0:
called_computation.2_lowered:
.L_overlay_start_0:
0x88: {  	s2 =	sld [smem:$0x3FD9]  }
0x89: {  	s3 =	sld [smem:$0x3FFE];
	_ =	sdelay $0x1  }
0x8a: {  	s1 =	srdreg.scid  }
0x8b: {  	s0 =	sand.u32 $0x1, s1  }
0x8c: {  	s16 =	sshll.u32 s0, $0xA;
	s2 =	sadd.s32 s3, s2  }
0x8d: {  	s2 =	sadd.s32 s2, s16  }
0x8e: {  	[smem:$0x3FC2] =	sst s2  }
0x8f: {  	_ = 	snop  }
0x90: {  	(tm) =	ssettm $0x1  }
0x91: {  	s17 =	sld [smem:$0x3FFB];
	_ =	sdelay $0x3  }
0x92: {  	_ =	strace s17  }
0x93: {  	s2 =	sld [smem:$0x3FFC];
	_ =	sdelay $0x3  }
0x94: {  	_ =	strace s2  }
0x95: {  	s2 =	sld [smem:$0x3FFD];
	_ =	sdelay $0x3  }
0x96: {  	_ =	strace s2  }
0x97: {  	_ =	strace $0x8FFFFFFF  }
0x98: {  	s18 =	sld [smem:$0x3FDB];
	_ =	sdelay $0x1  }
0x99: {  	s19 =	simm.s32 $_scs_section_size  }
0x9a: {  	s4 =	simm.s32 $_size__tile_overlayer_lowered;
	s5 =	simm.s32 $_tile_overlayer_lowered  }
0x9b: {  	s22 =	simm.s32 $0x1BFF;
	s21 =	sshll.u32 s5, $0x1;
	s2 =	sadd.s32 s19, s18  }
0x9c: {  	s6 =	simm.s32 $0x0;
	s20 =	sshll.u32 s4, $0x1;
	s4 =	sadd.s32 s21, s2  }
0x9d: {  	[timem:s6], [sflag:s22] =	dma.local [hbm:s4], s20  }
0x9e: {  	_ =	swait.ge [sflag:s22], s20  }
0x9f: {  	s3 =	ssub.s32 $0x0, s20;
	[sflag:s22] =	ssyncset.done $0x0  }
0xa0: {  	[sflag:s22] =	ssyncadd.s32 s3;
	_ =	sdelay $0x1  }
0xa1: {  	s23 =	simm.s32 $0x1B8B  }
0xa2: {  	_ =	swait.ge [sflag:s23], $0x1  }
0xa3: {  	[sflag:s23] =	ssyncset.done $0x0  }
0xa4: {  	s25 =	simm.s32 $0x1B8E;
	s24 =	sld [smem:$0x3FFE];
	[sflag:s23] =	ssyncadd.s32 $0xFFFFFFFF  }
0xa5: {  	s26 =	simm.s32 $execute0_lowered;
	[smem:$0x3FD2] =	sst s25  }
0xa6: {  	s4 =	sshll.u32 s26, $0x1;
	_ =	strace $0x8000004C;
	[dreg:$0x1] =	wrdreg $0xFFFFFFFF  }
0xa7: {  	s28 =	simm.s32 $_size_execute0_lowered;
	s2 =	sadd.s32 s2, s4;
	[dreg:$0x0] =	wrdreg $0x0  }
0xa8: {  	s4 =	sshll.u32 s28, $0x1;
	[dreg:$0x2] =	wrdreg s2  }
0xa9: {  	[dreg:$0x3] =	wrdreg s4  }
0xaa: {  	[dreg:$0x4] =	wrdreg $0xC0  }
0xab: {  	_ =	task [dreg:s6], $0x5FFFF  }
0xac: {  	[dreg:$0x1] =	wrdreg $0xFFFFFFFF  }
0xad: {  	[dreg:$0x0] =	wrdreg $0x60  }
0xae: {  	[dreg:$0x2] =	wrdreg s24  }
0xaf: {  	[dreg:$0x3] =	wrdreg $0xBB800  }
0xb0: {  	[dreg:$0x4] =	wrdreg $0x9  }
0xb1: {  	_ =	task.clear_ibuf [dreg:s6], $0x5FFFF;
	_ =	strace $0x9000004C  }
0xb2: {  	s29 =	simm.s32 $0x9;
	_ =	strace $0x8000004E  }
0xb3: {  	_ =	swait.ge [sflag:s29], $0x1  }
0xb4: {  	[sflag:s29] =	ssyncadd.s32 $0xFFFFFFFF  }
0xb5: {  	_ =	strace $0x9000004E  }
0xb6: {  	_ =	sfence  }
0xb7: {  	s30 =	sld [smem:$0x0];
	_ =	sdelay $0x2  }
0xb8: {  	s31 =	sshll.u32 s1, $0xD;
	s1 =	sshrl.u32 s1, $0x2  }
0xb9: {  	s3 =	sand.u32 $0x4000, s31;
	s1 =	sadd.s32 s1, s30  }
0xba: {  	s0 =	sor.u32 s3, s0;
	s1 =	sshll.u32 s1, $0x11  }
0xbb: {  	s0 =	sor.u32 s1, s0  }
0xbc: {  	s0 =	sadd.s32 $0x8F2B, s0  }
0xbd: {  	[sflag:s0] =	ssyncadd.remote.s32 $0x1  }
0xbe: {  	_ =	sfence.sel $0xFFFF  }
0xbf: {  	[dreg:$0x0] =	wrdreg $0xFFFFFFFF;
	(pc) =	sbr.abs _section_cstart, $3  }
0xc0: {  	[dreg:$0x1] =	wrdreg $0xFFFFFFFF  }
0xc1: {  	_ =	task.clear_ibuf [dreg:s6], $0x2FFFF;
	_ =	strace $0x9FFFFFFF  }
0xc2: {  	(tm) =	ssettm $0x7FFFFFFF  }
0xc3: {  	_ =	shalt  }
tec
execute0_lowered:
.L_overlay_start_1:
0x0: {  	(tag) =	ssettag $0x1  }
0x1: {  	s0 =	srdreg.scid;
	s1 =	rddreg [dreg:$0x0]  }
0x2: {  	s12 =	stileid.u32;
	s2 =	rddreg [dreg:$0x1]  }
0x3: {  	s29 =	simm.s32 $0x8900;
	s30 =	simm.s32 $0x4;
	s6 =	smul.u32 $0x2800, s12  }
0x4: {  	s31 =	simm.s32 $0x7;
	s28 =	simm.s32 $0x2;
	s10 =	smul.u32 $0x50000, s12  }
0x5: {  	s0 =	sand.u32 $0x1, s0;
	s3 =	sshll.u32 s12, $0x1;
	s17 =	smul.u32 $0x4E20, s12  }
0x6: {  	s11 =	sadd.s32 $0xCC00, s1;
	s4 =	sor.u32 s0, s3;
	s5 =	smul.u32 $0x28000, s0  }
0x7: {  	s3 =	simm.s32 $0x0;
	s9 =	ssub.s32 $0x2, s0;
	s0 =	smul.u32 $0x2710, s0  }
0x8: {  	s12 =	simm.s32 $0x0;
	s4 =	smul.u32 $0x2710, s4;
	[smem:$0x7FF] =	sst s3  }
0x9: {  	s13 =	sshrl.u32 s9, $0x1;
	s16 =	sshrl.u32 s10, $0x2;
	_ =	strace $0x8000004D  }
0xa: {  	s5 =	sadd.s32 s6, s5;
	s14 =	ssub.s32 s9, s13;
	s6 =	sadd.s32 s16, s2  }
0xb: {  	s0 =	sadd.s32 s0, s17;
	s9 =	simm.s32 $0x9;
	s7 =	sshrl.u32 s4, $0x3  }
0xc: {  	s4 =	sadd.s32 $0x16A00, s1;
	s23 =	smax.u32 s14, $0x1;
	s24 =	sadd.s32 $0x2A0, s0  }
0xd: {  	s25 =	sadd.s32 $0x240, s0;
	s0 =	sadd.s32 $0x1E0, s0;
	s8 =	sadd.s32 s7, s1  }
0xe: {  	s1 =	sadd.s32 s5, s1;
	s7 =	sadd.s32 s11, s7;
	[dreg:$0xa] =	wrdreg s23  }
0xf: {  	s26 =	sshrl.u32 s25, $0x3;
	s0 =	sshrl.u32 s0, $0x3;
	s15 =	sadd.s32 $0x2400, s8  }
0x10: {  	s23 =	simm.s32 $0x2900;
	s18 =	sadd.s32 $0xC, s7;
	[dreg:$0x3] =	wrdreg s15  }
0x11: {  	s25 =	simm.s32 $0x5900;
	s19 =	sadd.s32 $0x18, s7;
	[dreg:$0x4] =	wrdreg s18  }
0x12: {  	s5 =	simm.s32 $0x6;
	s20 =	sadd.s32 $0x24, s7;
	[dreg:$0x5] =	wrdreg s19  }
0x13: {  	s21 =	sadd.s32 $0x30, s7;
	s22 =	sadd.s32 $0x4E0, s7;
	[dreg:$0x6] =	wrdreg s20  }
0x14: {  	s1 =	sadd.s32 $0x3DC00, s1;
	s16 =	sadd.s32 s26, s11;
	[dreg:$0x7] =	wrdreg s21  }
0x15: {  	s17 =	sadd.s32 s0, s11;
	s26 =	simm.s32 $0x2880;
	[dreg:$0x8] =	wrdreg s22  }
0x16: {  	s0 =	simm.s32 $0x5;
	s8 =	simm.s32 $0x3;
	[dreg:$0x9] =	wrdreg s1  }
0x17: {  	s1 =	sshrl.u32 s24, $0x3;
	s18 =	simm.s32 $0xB980;
	s19 =	simm.s32 $0xA  }
0x18: {  	s20 =	simm.s32 $0x1;
	s21 =	simm.s32 $0x2780;
	s22 =	simm.s32 $0x60  }
0x19: {  	v0 =	vimm.f32 $0.0e+00;
	s24 =	simm.s32 $0x2800;
	s15 =	sadd.s32 s1, s11;
	s1 =	simm.s32 $0x8  }
.LBB2_1:
0x1a: {  	[tilespmem:$0xB980] =	vst v0  }
0x1b: {  	[tilespmem:$0xB990] =	vst v0  }
0x1c: {  	[tilespmem:$0xB9A0] =	vst v0  }
0x1d: {  	[tilespmem:$0xB9B0] =	vst v0  }
0x1e: {  	[tilespmem:$0xB9C0] =	vst v0  }
0x1f: {  	[tilespmem:$0xB9D0] =	vst v0  }
0x20: {  	[tilespmem:$0xB9E0] =	vst v0  }
0x21: {  	[tilespmem:$0xB9F0] =	vst v0  }
0x22: {  	[tilespmem:$0xBA00] =	vst v0  }
0x23: {  	[tilespmem:$0xBA10] =	vst v0  }
0x24: {  	[tilespmem:$0xBA20] =	vst v0  }
0x25: {  	[tilespmem:$0xBA30] =	vst v0  }
0x26: {  	[tilespmem:$0xBA40] =	vst v0  }
0x27: {  	[tilespmem:$0xBA50] =	vst v0  }
0x28: {  	[tilespmem:$0xBA60] =	vst v0  }
0x29: {  	[tilespmem:$0xBA70] =	vst v0  }
0x2a: {  	[tilespmem:$0xBA80] =	vst v0  }
0x2b: {  	[tilespmem:$0xBA90] =	vst v0  }
0x2c: {  	[tilespmem:$0xBAA0] =	vst v0  }
0x2d: {  	[tilespmem:$0xBAB0] =	vst v0  }
0x2e: {  	[tilespmem:$0xBAC0] =	vst v0  }
0x2f: {  	[tilespmem:$0xBAD0] =	vst v0  }
0x30: {  	[tilespmem:$0xBAE0] =	vst v0  }
0x31: {  	[tilespmem:$0xBAF0] =	vst v0  }
0x32: {  	[tilespmem:$0xBB00] =	vst v0  }
0x33: {  	[tilespmem:$0xBB10] =	vst v0  }
0x34: {  	[tilespmem:$0xBB20] =	vst v0  }
0x35: {  	[tilespmem:$0xBB30] =	vst v0  }
0x36: {  	[tilespmem:$0xBB40] =	vst v0  }
0x37: {  	[tilespmem:$0xBB50] =	vst v0  }
0x38: {  	[tilespmem:$0xBB60] =	vst v0  }
0x39: {  	[tilespmem:$0xBB70] =	vst v0;
	s10 =	rddreg [dreg:$0x3]  }
0x3a: {  	[tilespmem:s3], [sflag:$0x1] =	stream.linear.gather [hbm4b:s10+s3], $0x2710, $0x38;
	[tilespmem:$0x1FB80] =	vst v63  }
0x3b: {  	s14 =	sadd.s32 $0x0, s6  }
0x3c: {  	[spmem:s14] =	stream.linear.scatter [tilespmem:s18], [sflag:$0xA], $0x200, $0x38;
	[tilespmem:$0x1FB80] =	vst v63  }
0x3d: {  	s10 =	simm.s32 $0x800;
	_ =	swait.ge [sflag:s19], $0x200  }
.LBB2_2:
0x3e: {  	s13 =	sshra.s32 s10, $0x2;
	[sflag:s19] =	ssyncset.done $0x0;
	p0 =	sne.s32 s10, $0x4F800  }
.Ltmp0:
0x3f: {  	s13 =	sadd.s32 s13, s6;
	[sflag:s19] =	ssyncadd.s32 $0xFFFFFE00;
	(pc) =	sbr.rel @p0 .LBB2_2-.Ltmp0, $3  }
0x40: {  	[spmem:s13] =	stream.linear.scatter [tilespmem:s18], [sflag:$0xA], $0x200, $0x38;
	[tilespmem:$0x1FB80] =	vst v63  }
0x41: {  	s10 =	sadd.s32 $0x800, s10;
	_ =	sdelay $0x1  }
0x42: {  	_ =	swait.ge [sflag:s19], $0x200  }
0x43: {  	[sflag:s19] =	ssyncset.done $0x0  }
0x44: {  	[sflag:s19] =	ssyncadd.s32 $0xFFFFFE00  }
0x45: {  	_ =	swait.ge [sflag:s20], $0x2710  }
0x46: {  	[sflag:s20] =	ssyncset.done $0x0  }
0x47: {  	[sflag:s20] =	ssyncadd.s32 $0xFFFFD8F0  }
0x48: {  	s10 =	simm.s32 $0x0;
	[bflag:$0x0] =	sbarrier.arrive $0xFFFF  }
0x49: {  	[tilespmem:s21], [sflag:$0x4] =	stream.linear.gather [hbm4b:s7+s10], $0x60, $0x38;
	[tilespmem:$0x1FB80] =	vst v63  }
0x4a: {  	_ = 	snop  }
0x4b: {  	[tilespmem:s23], [sflag:$0x1] =	stream.indirect.gather [hbm4b:s4+s22], $0x80, s10, s22, $0xb8;
	[tilespmem:$0x1FB80] =	vst v63  }
0x4c: {  	s11 =	rddreg [dreg:$0x4]  }
0x4d: {  	[tilespmem:s24], [sflag:$0x5] =	stream.linear.gather [hbm4b:s11+s10], $0x60, $0x38;
	[tilespmem:$0x1FB80] =	vst v63  }
0x4e: {  	_ = 	snop  }
0x4f: {  	[tilespmem:s25], [sflag:$0x2] =	stream.indirect.gather [hbm4b:s4+s22], $0x80, s22, s22, $0xb8;
	[tilespmem:$0x1FB80] =	vst v63  }
0x50: {  	s13 =	rddreg [dreg:$0x5]  }
0x51: {  	[tilespmem:s26], [sflag:$0x6] =	stream.linear.gather [hbm4b:s13+s10], $0x60, $0x38;
	[tilespmem:$0x1FB80] =	vst v63  }
0x52: {  	s14 =	simm.s32 $0xC0  }
0x53: {  	[tilespmem:s29], [sflag:$0x3] =	stream.indirect.gather [hbm4b:s4+s22], $0x80, s14, s22, $0xb8;
	[tilespmem:$0x1FB80] =	vst v63  }
0x54: {  	_ =	swait.ge [sflag:s30], $0x60  }
0x55: {  	[sflag:s30] =	ssyncset.done $0x0  }
0x56: {  	[sflag:s30] =	ssyncadd.s32 $0xFFFFFFA0  }
0x57: {  	_ =	swait.ge [sflag:s20], $0x3000  }
0x58: {  	[sflag:s20] =	ssyncset.done $0x0  }
0x59: {  	[sflag:s20] =	ssyncadd.s32 $0xFFFFD000  }
0x5a: {  	[spmem:s2] =	stream.indirect.scatter.add.f32 [tilespmem:s23], [sflag:$0x7], $0x80, s21, s22, $0xb8;
	[tilespmem:$0x1FB80] =	vst v63  }
0x5b: {  	_ =	swait.ge [sflag:s31], $0x3000  }
0x5c: {  	[sflag:s31] =	ssyncset.done $0x0  }
0x5d: {  	s13 =	rddreg [dreg:$0x6];
	[sflag:s31] =	ssyncadd.s32 $0xFFFFD000  }
0x5e: {  	[tilespmem:s21], [sflag:$0x4] =	stream.linear.gather [hbm4b:s13+s10], $0x60, $0x38;
	[tilespmem:$0x1FB80] =	vst v63  }
0x5f: {  	s14 =	simm.s32 $0x120  }
0x60: {  	[tilespmem:s23], [sflag:$0x1] =	stream.indirect.gather [hbm4b:s4+s22], $0x80, s14, s22, $0xb8;
	[tilespmem:$0x1FB80] =	vst v63  }
0x61: {  	_ =	swait.ge [sflag:s0], $0x60  }
0x62: {  	[sflag:s0] =	ssyncset.done $0x0  }
0x63: {  	[sflag:s0] =	ssyncadd.s32 $0xFFFFFFA0  }
0x64: {  	_ =	swait.ge [sflag:s28], $0x3000  }
0x65: {  	[sflag:s28] =	ssyncset.done $0x0  }
0x66: {  	[sflag:s28] =	ssyncadd.s32 $0xFFFFD000  }
0x67: {  	[spmem:s2] =	stream.indirect.scatter.add.f32 [tilespmem:s25], [sflag:$0x8], $0x80, s24, s22, $0xb8;
	[tilespmem:$0x1FB80] =	vst v63  }
0x68: {  	_ =	swait.ge [sflag:s1], $0x3000  }
0x69: {  	[sflag:s1] =	ssyncset.done $0x0  }
0x6a: {  	s13 =	rddreg [dreg:$0x7];
	[sflag:s1] =	ssyncadd.s32 $0xFFFFD000  }
0x6b: {  	[tilespmem:s24], [sflag:$0x5] =	stream.linear.gather [hbm4b:s13+s10], $0x60, $0x38;
	[tilespmem:$0x1FB80] =	vst v63  }
0x6c: {  	s14 =	simm.s32 $0x180  }
0x6d: {  	[tilespmem:s25], [sflag:$0x2] =	stream.indirect.gather [hbm4b:s4+s22], $0x80, s14, s22, $0xb8;
	[tilespmem:$0x1FB80] =	vst v63  }
0x6e: {  	_ =	swait.ge [sflag:s5], $0x60  }
0x6f: {  	[sflag:s5] =	ssyncset.done $0x0  }
0x70: {  	[sflag:s5] =	ssyncadd.s32 $0xFFFFFFA0  }
0x71: {  	_ =	swait.ge [sflag:s8], $0x3000  }
0x72: {  	[sflag:s8] =	ssyncset.done $0x0  }
0x73: {  	[sflag:s8] =	ssyncadd.s32 $0xFFFFD000  }
0x74: {  	[spmem:s2] =	stream.indirect.scatter.add.f32 [tilespmem:s29], [sflag:$0x9], $0x80, s26, s22, $0xb8;
	[tilespmem:$0x1FB80] =	vst v63  }
0x75: {  	_ =	swait.ge [sflag:s9], $0x3000  }
0x76: {  	[sflag:s9] =	ssyncset.done $0x0  }
0x77: {  	s11 =	sadd.s32 $0x0, s17;
	[sflag:s9] =	ssyncadd.s32 $0xFFFFD000  }
0x78: {  	[tilespmem:s26], [sflag:$0x6] =	stream.linear.gather [hbm4b:s11+s3], $0x60, $0x38;
	[tilespmem:$0x1FB80] =	vst v63  }
0x79: {  	s13 =	simm.s32 $0x1E0  }
0x7a: {  	[tilespmem:s29], [sflag:$0x3] =	stream.indirect.gather [hbm4b:s4+s22], $0x80, s13, s22, $0xb8;
	[tilespmem:$0x1FB80] =	vst v63  }
0x7b: {  	_ =	swait.ge [sflag:s30], $0x60  }
0x7c: {  	[sflag:s30] =	ssyncset.done $0x0  }
0x7d: {  	[sflag:s30] =	ssyncadd.s32 $0xFFFFFFA0  }
0x7e: {  	_ =	swait.ge [sflag:s20], $0x3000  }
0x7f: {  	[sflag:s20] =	ssyncset.done $0x0  }
0x80: {  	[sflag:s20] =	ssyncadd.s32 $0xFFFFD000  }
0x81: {  	[spmem:s2] =	stream.indirect.scatter.add.f32 [tilespmem:s23], [sflag:$0x7], $0x80, s21, s22, $0xb8;
	[tilespmem:$0x1FB80] =	vst v63  }
0x82: {  	_ =	swait.ge [sflag:s31], $0x3000  }
0x83: {  	[sflag:s31] =	ssyncset.done $0x0  }
0x84: {  	s14 =	sadd.s32 $0x0, s16;
	[sflag:s31] =	ssyncadd.s32 $0xFFFFD000  }
0x85: {  	[tilespmem:s21], [sflag:$0x4] =	stream.linear.gather [hbm4b:s14+s3], $0x60, $0x38;
	[tilespmem:$0x1FB80] =	vst v63  }
0x86: {  	s11 =	simm.s32 $0x240  }
0x87: {  	[tilespmem:s23], [sflag:$0x1] =	stream.indirect.gather [hbm4b:s4+s22], $0x80, s11, s22, $0xb8;
	[tilespmem:$0x1FB80] =	vst v63  }
0x88: {  	_ =	swait.ge [sflag:s0], $0x60  }
0x89: {  	[sflag:s0] =	ssyncset.done $0x0  }
0x8a: {  	[sflag:s0] =	ssyncadd.s32 $0xFFFFFFA0  }
0x8b: {  	_ =	swait.ge [sflag:s28], $0x3000  }
0x8c: {  	[sflag:s28] =	ssyncset.done $0x0  }
0x8d: {  	[sflag:s28] =	ssyncadd.s32 $0xFFFFD000  }
0x8e: {  	[spmem:s2] =	stream.indirect.scatter.add.f32 [tilespmem:s25], [sflag:$0x8], $0x80, s24, s22, $0xb8;
	[tilespmem:$0x1FB80] =	vst v63  }
0x8f: {  	_ =	swait.ge [sflag:s1], $0x3000  }
0x90: {  	[sflag:s1] =	ssyncset.done $0x0  }
0x91: {  	s13 =	sadd.s32 $0x0, s15;
	[sflag:s1] =	ssyncadd.s32 $0xFFFFD000  }
0x92: {  	[tilespmem:s24], [sflag:$0x5] =	stream.linear.gather [hbm4b:s13+s3], $0x60, $0x38;
	[tilespmem:$0x1FB80] =	vst v63  }
0x93: {  	s14 =	simm.s32 $0x2A0  }
0x94: {  	[tilespmem:s25], [sflag:$0x2] =	stream.indirect.gather [hbm4b:s4+s22], $0x80, s14, s22, $0xb8;
	[tilespmem:$0x1FB80] =	vst v63  }
0x95: {  	_ =	swait.ge [sflag:s5], $0x60  }
0x96: {  	[sflag:s5] =	ssyncset.done $0x0  }
0x97: {  	[sflag:s5] =	ssyncadd.s32 $0xFFFFFFA0  }
0x98: {  	_ =	swait.ge [sflag:s8], $0x3000  }
0x99: {  	[sflag:s8] =	ssyncset.done $0x0  }
0x9a: {  	s13 =	simm.s32 $0x24;
	s14 =	simm.s32 $0x3C0;
	[sflag:s8] =	ssyncadd.s32 $0xFFFFD000  }
.LBB2_4:
0x9b: {  	[spmem:s2] =	stream.indirect.scatter.add.f32 [tilespmem:s29], [sflag:$0x9], $0x80, s26, s22, $0xb8;
	[tilespmem:$0x1FB80] =	vst v63  }
0x9c: {  	s10 =	smov.u32 s13  }
0x9d: {  	p0 =	sne.s32 s13, $0x480;
	s13 =	sadd.s32 $0x24, s13;
	_ =	swait.ge [sflag:s9], $0x3000  }
0x9e: {  	[sflag:s9] =	ssyncset.done $0x0  }
0x9f: {  	s11 =	sadd.s32 s10, s17;
	[sflag:s9] =	ssyncadd.s32 $0xFFFFD000  }
0xa0: {  	[tilespmem:s26], [sflag:$0x6] =	stream.linear.gather [hbm4b:s11+s3], $0x60, $0x38;
	[tilespmem:$0x1FB80] =	vst v63  }
0xa1: {  	s11 =	sadd.s32 $0xFFFFFF40, s14  }
0xa2: {  	[tilespmem:s29], [sflag:$0x3] =	stream.indirect.gather [hbm4b:s4+s22], $0x80, s11, s22, $0xb8;
	[tilespmem:$0x1FB80] =	vst v63  }
0xa3: {  	_ =	swait.ge [sflag:s30], $0x60  }
0xa4: {  	[sflag:s30] =	ssyncset.done $0x0  }
0xa5: {  	[sflag:s30] =	ssyncadd.s32 $0xFFFFFFA0  }
0xa6: {  	_ =	swait.ge [sflag:s20], $0x3000  }
0xa7: {  	[sflag:s20] =	ssyncset.done $0x0  }
0xa8: {  	[sflag:s20] =	ssyncadd.s32 $0xFFFFD000  }
0xa9: {  	[spmem:s2] =	stream.indirect.scatter.add.f32 [tilespmem:s23], [sflag:$0x7], $0x80, s21, s22, $0xb8;
	[tilespmem:$0x1FB80] =	vst v63  }
0xaa: {  	_ =	swait.ge [sflag:s31], $0x3000  }
0xab: {  	[sflag:s31] =	ssyncset.done $0x0  }
0xac: {  	s11 =	sadd.s32 s10, s16;
	[sflag:s31] =	ssyncadd.s32 $0xFFFFD000  }
0xad: {  	[tilespmem:s21], [sflag:$0x4] =	stream.linear.gather [hbm4b:s11+s3], $0x60, $0x38;
	[tilespmem:$0x1FB80] =	vst v63  }
0xae: {  	s11 =	sadd.s32 $0xFFFFFFA0, s14  }
0xaf: {  	[tilespmem:s23], [sflag:$0x1] =	stream.indirect.gather [hbm4b:s4+s22], $0x80, s11, s22, $0xb8;
	[tilespmem:$0x1FB80] =	vst v63  }
0xb0: {  	_ =	swait.ge [sflag:s0], $0x60  }
0xb1: {  	[sflag:s0] =	ssyncset.done $0x0  }
0xb2: {  	[sflag:s0] =	ssyncadd.s32 $0xFFFFFFA0  }
0xb3: {  	_ =	swait.ge [sflag:s28], $0x3000  }
0xb4: {  	[sflag:s28] =	ssyncset.done $0x0  }
0xb5: {  	[sflag:s28] =	ssyncadd.s32 $0xFFFFD000  }
0xb6: {  	[spmem:s2] =	stream.indirect.scatter.add.f32 [tilespmem:s25], [sflag:$0x8], $0x80, s24, s22, $0xb8;
	[tilespmem:$0x1FB80] =	vst v63  }
0xb7: {  	_ =	swait.ge [sflag:s1], $0x3000  }
0xb8: {  	[sflag:s1] =	ssyncset.done $0x0  }
0xb9: {  	s10 =	sadd.s32 s10, s15;
	[sflag:s1] =	ssyncadd.s32 $0xFFFFD000  }
0xba: {  	[tilespmem:s24], [sflag:$0x5] =	stream.linear.gather [hbm4b:s10+s3], $0x60, $0x38;
	[tilespmem:$0x1FB80] =	vst v63  }
0xbb: {  	_ = 	snop  }
0xbc: {  	[tilespmem:s25], [sflag:$0x2] =	stream.indirect.gather [hbm4b:s4+s22], $0x80, s14, s22, $0xb8;
	[tilespmem:$0x1FB80] =	vst v63  }
0xbd: {  	_ =	swait.ge [sflag:s5], $0x60  }
.Ltmp1:
0xbe: {  	[sflag:s5] =	ssyncset.done $0x0;
	(pc) =	sbr.rel @p0 .LBB2_4-.Ltmp1, $4  }
0xbf: {  	[sflag:s5] =	ssyncadd.s32 $0xFFFFFFA0  }
0xc0: {  	_ =	swait.ge [sflag:s8], $0x3000  }
0xc1: {  	[sflag:s8] =	ssyncset.done $0x0  }
0xc2: {  	s14 =	sadd.s32 $0x120, s14;
	[sflag:s8] =	ssyncadd.s32 $0xFFFFD000  }
0xc3: {  	[spmem:s2] =	stream.indirect.scatter.add.f32 [tilespmem:s29], [sflag:$0x9], $0x80, s26, s22, $0xb8;
	[tilespmem:$0x1FB80] =	vst v63  }
0xc4: {  	_ =	swait.ge [sflag:s9], $0x3000  }
0xc5: {  	[sflag:s9] =	ssyncset.done $0x0  }
0xc6: {  	[sflag:s9] =	ssyncadd.s32 $0xFFFFD000  }
0xc7: {  	_ =	swait.ge [sflag:s30], $0x60  }
0xc8: {  	[sflag:s30] =	ssyncset.done $0x0  }
0xc9: {  	[sflag:s30] =	ssyncadd.s32 $0xFFFFFFA0  }
0xca: {  	_ =	swait.ge [sflag:s20], $0x3000  }
0xcb: {  	[sflag:s20] =	ssyncset.done $0x0  }
0xcc: {  	[sflag:s20] =	ssyncadd.s32 $0xFFFFD000  }
0xcd: {  	[spmem:s2] =	stream.indirect.scatter.add.f32 [tilespmem:s23], [sflag:$0x7], $0x80, s21, s22, $0xb8;
	[tilespmem:$0x1FB80] =	vst v63  }
0xce: {  	_ =	swait.ge [sflag:s31], $0x3000  }
0xcf: {  	[sflag:s31] =	ssyncset.done $0x0  }
0xd0: {  	[sflag:s31] =	ssyncadd.s32 $0xFFFFD000  }
0xd1: {  	_ =	swait.ge [sflag:s0], $0x60  }
0xd2: {  	[sflag:s0] =	ssyncset.done $0x0  }
0xd3: {  	[sflag:s0] =	ssyncadd.s32 $0xFFFFFFA0  }
0xd4: {  	_ =	swait.ge [sflag:s28], $0x3000  }
0xd5: {  	[sflag:s28] =	ssyncset.done $0x0  }
0xd6: {  	[sflag:s28] =	ssyncadd.s32 $0xFFFFD000  }
0xd7: {  	[spmem:s2] =	stream.indirect.scatter.add.f32 [tilespmem:s25], [sflag:$0x8], $0x80, s24, s22, $0xb8;
	[tilespmem:$0x1FB80] =	vst v63  }
0xd8: {  	_ =	swait.ge [sflag:s1], $0x3000  }
0xd9: {  	[sflag:s1] =	ssyncset.done $0x0  }
0xda: {  	s11 =	simm.s32 $0xB900;
	s10 =	rddreg [dreg:$0x8];
	[sflag:s1] =	ssyncadd.s32 $0xFFFFD000  }
0xdb: {  	[tilespmem:s11], [sflag:$0x4] =	stream.linear.gather [hbm4b:s10+s3], $0x10, $0x38;
	[tilespmem:$0x1FB80] =	vst v63  }
0xdc: {  	_ =	swait.ge [sflag:s30], $0x10  }
0xdd: {  	[sflag:s30] =	ssyncset.done $0x0  }
0xde: {  	s14 =	simm.s32 $0x10;
	s13 =	simm.s32 $0x2700;
	[sflag:s30] =	ssyncadd.s32 $0xFFFFFFF0  }
0xdf: {  	[tilespmem:s23], [sflag:$0x1] =	stream.indirect.gather [hbm4b:s4+s14], $0x80, s13, s14, $0xb8;
	[tilespmem:$0x1FB80] =	vst v63  }
0xe0: {  	_ =	swait.ge [sflag:s20], $0x800  }
0xe1: {  	[sflag:s20] =	ssyncset.done $0x0  }
0xe2: {  	[sflag:s20] =	ssyncadd.s32 $0xFFFFF800  }
0xe3: {  	[spmem:s2] =	stream.indirect.scatter.add.f32 [tilespmem:s23], [sflag:$0xA], $0x80, s11, s14, $0xb8;
	[tilespmem:$0x1FB80] =	vst v63  }
0xe4: {  	_ =	swait.ge [sflag:s19], $0x800  }
0xe5: {  	[sflag:s19] =	ssyncset.done $0x0  }
0xe6: {  	s11 =	stileid.u32;
	[sflag:s19] =	ssyncadd.s32 $0xFFFFF800  }
0xe7: {  	s10 =	sshll.u32 s11, $0x6;
	[bflag:$0x0] =	sbarrier.arrive $0xFFFF  }
0xe8: {  	s13 =	sshrl.u32 s6, $0x3;
	s10 =	sor.u32 $0x1C0A, s10;
	s14 =	rddreg [dreg:$0x9]  }
0xe9: {  	[hbm:s14], [sflag:s10] =	dma.local [spmem:s13], $0x2800  }
0xea: {  	_ =	swait.ge [sflag:s19], $0x2800  }
0xeb: {  	s12 =	sadd.s32 $0x1, s12;
	s14 =	rddreg [dreg:$0xa]  }
0xec: {  	p0 =	sne.s32 s12, s14  }
.Ltmp2:
0xed: {  	_ = 	snop;
	(pc) =	sbr.rel @p0 .LBB2_1-.Ltmp2, $3  }
0xee: {  	_ =	sdelay $0x1  }
0xef: {  	[sflag:s19] =	ssyncset.done $0x0  }
0xf0: {  	[sflag:s19] =	ssyncadd.s32 $0xFFFFD800  }
0xf1: {  	_ =	sfence.sel $0x180000  }
0xf2: {  	[bflag:$0x0] =	sbarrier.arrive $0xFFFF  }
0xf3: {  	_ =	strace $0x9000004D  }
0xf4: {  	s0 =	stileid.u32;
	[bflag:$0x2] =	sbarrier.arrive $0xFFFF  }
0xf5: {  	p0 =	sne.s32 s0, $0x0;
	s0 =	rddreg [dreg:$0x2]  }
0xf6: {  	s0 =	sadd.s32 @!p0 $0x100000, s0  }
0xf7: {  	[sflag:s0] =	ssyncadd.tile.s32 @!p0 $0x1;
	_ =	shalt  }
.Lfunc_end2:
_tile_overlayer_lowered:
.L_overlay_start_2:
0xf8: {  	(tag) =	ssettag $0x2  }
0xf9: {  	s0 =	rddreg [dreg:$0x0];
	s2 =	stileid.u32  }
0xfa: {  	s1 =	rddreg [dreg:$0x1];
	p0 =	sne.s32 s2, $0x0  }
0xfb: {  	s3 =	rddreg [dreg:$0x2];
	[bflag:$0x3] =	sbarrier.arrive $0xFFFF;
	s2 =	simm.s32 @!p0 $0x1C0A  }
0xfc: {  	[timem:s3], [sflag:s2] =	dma.local @!p0 [hbm:s0], s1  }
0xfd: {  	s0 =	simm.s32 @!p0 $0xA  }
0xfe: {  	_ =	swait.ge @!p0 [sflag:s0], s1  }
0xff: {  	s1 =	ssub.s32 @!p0 $0x0, s1;
	[sflag:s0] =	ssyncset.done @!p0 $0x0  }
0x100: {  	[sflag:s0] =	ssyncadd.s32 @!p0 s1  }
0x101: {  	[bflag:$0x3] =	sbarrier.arrive $0xFFFF  }
0x102: {  	_ =	shalt  }

// kernel: kernel.9.cloned.1.call-start
scs
__scs_entry_jumppad:
0x0: {  	(pc) =	sbr.rel $0x88, $3  }
0x1: {  	(tag) =	ssettag $0x0;
	lr =	simm.s32 $0x1  }
0x2: {  	[smem:$0x3F9B] =	sst lr;
	_ =	strace $0xD0000000  }
0x3: {  	_ = 	snop  }
0x4: {  	_ = 	snop  }
0x5: {  	_ = 	snop  }
0x6: {  	_ = 	snop  }
0x7: {  	_ = 	snop  }
__scs_overlays_trampoline_lowered:
0x8: {  	[smem:$0x3FAA] =	sst s0  }
0x9: {  	[smem:$0x3FAB] =	sst s1  }
0xa: {  	[smem:$0x3FAC] =	sst s2  }
0xb: {  	[smem:$0x3FAD] =	sst s3  }
0xc: {  	[smem:$0x3FAE] =	sst s4  }
0xd: {  	[smem:$0x3FAF] =	sst s5  }
0xe: {  	[smem:$0x3FB0] =	sst s6  }
0xf: {  	[smem:$0x3FB1] =	sst s7  }
0x10: {  	[smem:$0x3FB2] =	sst s8  }
0x11: {  	[smem:$0x3FB3] =	sst s9;
	s0 =	simm.s32 @!p0 $0x0  }
0x12: {  	s1 =	sld [smem:$0x3F99];
	s0 =	simm.s32 @p0 $0x1  }
0x13: {  	[smem:$0x3FB4] =	sst s0;
	s0 =	simm.s32 @!p1 $0x0  }
0x14: {  	s2 =	sld [smem:$0x3F98];
	s0 =	simm.s32 @p1 $0x1  }
0x15: {  	[smem:$0x3FB5] =	sst s0;
	s0 =	simm.s32 @!p2 $0x0  }
0x16: {  	s3 =	sld [smem:$0x3FDB];
	s0 =	simm.s32 @p2 $0x1  }
0x17: {  	s4 =	simm.s32 $0x1BF5;
	[smem:$0x3FB7] =	sst s0  }
0x18: {  	s0 =	sld [smem:$0x3F9A];
	_ =	swait.ge [sflag:s4], $0x0  }
0x19: {  	s7 =	sld [smem:$0x3F9B]  }
0x1a: {  	s8 =	sadd.s32 $0xFFFFE003, lr  }
0x1b: {  	s9 =	sadd.s32 $0xFFFFFEF7, lr;
	s5 =	simm.s32 $0xFFFFFFFF;
	p2 =	slt.u32 s8, $0xFFFFF086  }
0x1c: {  	p1 =	slt.u32 s9, $0xF7A;
	s5 =	simm.s32 @!p2 $0x0  }
0x1d: {  	s5 =	simm.s32 @p1 $0x1;
	p0 =	seq.s32 s7, s2  }
0x1e: {  	s7 =	smul.u32 @!p0 $0xF7A, s2;
	p2 =	seq.s32 @!p0 s5, $0x0  }
0x1f: {  	s9 =	smul.u32 $0xF7A, s1;
	s8 =	simm.s32 @!p0 $0x1BF5;
	p2 =	por !p2, p0  }
0x20: {  	[sflag:s8] =	ssyncset.s32 @!p0 $0xFFFFF086;
	s6 =	sadd.s32 @!p0 s3, s7;
	s7 =	simm.s32 @!p0 $0x108  }
0x21: {  	s3 =	sadd.s32 s3, s9;
	s6 =	sadd.s32 @!p0 $0x88, s6;
	s7 =	simm.s32 @p2 $0x1082  }
0x22: {  	[simem:s7], [sflag:s8] =	dma.local @!p0 [hbm:s6], $0xF7A  }
0x23: {  	s9 =	sor.u32 $0xD0000000, s2;
	s6 =	simm.s32 $0x108;
	_ =	swait.ge @!p0 [sflag:s8], $0x0  }
0x24: {  	s3 =	sadd.s32 $0x88, s3;
	s6 =	simm.s32 @!p1 $0x1082;
	[sflag:s4] =	ssyncset.s32 $0xFFFFF086  }
0x25: {  	[simem:s6], [sflag:s4] =	dma.local [hbm:s3], $0xF7A  }
0x26: {  	[smem:$0x3F9B] =	sst s1;
	(tag) =	ssettag s2;
	_ =	strace s9  }
0x27: {  	s1 =	sld [smem:$0x3FAB]  }
0x28: {  	s2 =	sld [smem:$0x3FAC]  }
0x29: {  	s4 =	sld [smem:$0x3FAE]  }
0x2a: {  	p0 =	seq.s32 s5, $0x0;
	s5 =	sld [smem:$0x3FAF]  }
0x2b: {  	s6 =	sld [smem:$0x3FB0]  }
0x2c: {  	s7 =	sld [smem:$0x3FB1]  }
0x2d: {  	s3 =	simm.s32 $0x108;
	s8 =	sld [smem:$0x3FB2]  }
0x2e: {  	s3 =	simm.s32 @!p0 $0x1082;
	s9 =	sld [smem:$0x3FB3]  }
0x2f: {  	lr =	sadd.s32 s0, s3;
	s0 =	sld [smem:$0x3FAA]  }
0x30: {  	s3 =	sld [smem:$0x3FAD]  }
0x31: {  	[smem:$0x3FB6] =	sst s10  }
0x32: {  	s10 =	sld [smem:$0x3FB4];
	_ =	sdelay $0x3  }
0x33: {  	p0 =	seq.s32 s10, $0x1;
	s10 =	sld [smem:$0x3FB6];
	_ =	sdelay $0x3  }
0x34: {  	[smem:$0x3FB6] =	sst s10  }
0x35: {  	s10 =	sld [smem:$0x3FB5];
	_ =	sdelay $0x3  }
0x36: {  	p1 =	seq.s32 s10, $0x1;
	s10 =	sld [smem:$0x3FB6];
	_ =	sdelay $0x3  }
0x37: {  	[smem:$0x3FB6] =	sst s10  }
0x38: {  	s10 =	sld [smem:$0x3FB7]  }
0x39: {  	_ = 	snop;
	(pc) =	sbr.ind lr, $3  }
0x3a: {  	_ = 	snop  }
0x3b: {  	_ = 	snop  }
0x3c: {  	p2 =	seq.s32 s10, $0x1;
	s10 =	sld [smem:$0x3FB6]  }
0x3d: {  	_ =	shalt  }
0x3e: {  	_ =	shalt  }
0x3f: {  	_ =	shalt  }
0x40: {  	_ =	shalt  }
0x41: {  	_ =	shalt  }
0x42: {  	_ =	shalt  }
0x43: {  	_ =	shalt  }
0x44: {  	_ =	shalt  }
0x45: {  	_ =	shalt  }
0x46: {  	_ =	shalt  }
0x47: {  	_ =	shalt  }
0x48: {  	_ =	shalt  }
0x49: {  	_ =	shalt  }
0x4a: {  	_ =	shalt  }
0x4b: {  	_ =	shalt  }
0x4c: {  	_ =	shalt  }
0x4d: {  	_ =	shalt  }
0x4e: {  	_ =	shalt  }
0x4f: {  	_ =	shalt  }
0x50: {  	_ =	shalt  }
0x51: {  	_ =	shalt  }
0x52: {  	_ =	shalt  }
0x53: {  	_ =	shalt  }
0x54: {  	_ =	shalt  }
0x55: {  	_ =	shalt  }
0x56: {  	_ =	shalt  }
0x57: {  	_ =	shalt  }
0x58: {  	_ =	shalt  }
0x59: {  	_ =	shalt  }
0x5a: {  	_ =	shalt  }
0x5b: {  	_ =	shalt  }
0x5c: {  	_ =	shalt  }
0x5d: {  	_ =	shalt  }
0x5e: {  	_ =	shalt  }
0x5f: {  	_ =	shalt  }
0x60: {  	_ =	shalt  }
0x61: {  	_ =	shalt  }
0x62: {  	_ =	shalt  }
0x63: {  	_ =	shalt  }
0x64: {  	_ =	shalt  }
0x65: {  	_ =	shalt  }
0x66: {  	_ =	shalt  }
0x67: {  	_ =	shalt  }
0x68: {  	_ =	shalt  }
0x69: {  	_ =	shalt  }
0x6a: {  	_ =	shalt  }
0x6b: {  	_ =	shalt  }
0x6c: {  	_ =	shalt  }
0x6d: {  	_ =	shalt  }
0x6e: {  	_ =	shalt  }
0x6f: {  	_ =	shalt  }
0x70: {  	_ =	shalt  }
0x71: {  	_ =	shalt  }
0x72: {  	_ =	shalt  }
0x73: {  	_ =	shalt  }
0x74: {  	_ =	shalt  }
0x75: {  	_ =	shalt  }
0x76: {  	_ =	shalt  }
0x77: {  	_ =	shalt  }
0x78: {  	_ =	shalt  }
0x79: {  	_ =	shalt  }
0x7a: {  	_ =	shalt  }
0x7b: {  	_ =	shalt  }
0x7c: {  	_ =	shalt  }
0x7d: {  	_ =	shalt  }
0x7e: {  	_ =	shalt  }
0x7f: {  	_ =	shalt  }
0x80: {  	_ =	shalt  }
0x81: {  	_ =	shalt  }
0x82: {  	_ =	shalt  }
0x83: {  	_ =	shalt  }
0x84: {  	_ =	shalt  }
0x85: {  	_ =	shalt  }
0x86: {  	_ =	shalt  }
0x87: {  	_ =	shalt  }
.Lfunc_end0:
.L_simem_size_0:
called_computation_lowered:
.L_overlay_start_0:
0x88: {  	s2 =	sld [smem:$0x3FD9]  }
0x89: {  	s3 =	sld [smem:$0x3FFE];
	_ =	sdelay $0x1  }
0x8a: {  	s1 =	srdreg.scid  }
0x8b: {  	s0 =	sand.u32 $0x1, s1  }
0x8c: {  	s17 =	sshll.u32 s0, $0xA;
	s2 =	sadd.s32 s3, s2  }
0x8d: {  	s2 =	sadd.s32 s2, s17  }
0x8e: {  	[smem:$0x3FC2] =	sst s2  }
0x8f: {  	_ = 	snop  }
0x90: {  	s2 =	sld [smem:$0x3FD0];
	(tm) =	ssettm $0x1  }
0x91: {  	s18 =	sld [smem:$0x3FFB];
	_ =	sdelay $0x3  }
0x92: {  	_ =	strace s18  }
0x93: {  	s3 =	sld [smem:$0x3FFC];
	_ =	sdelay $0x3  }
0x94: {  	_ =	strace s3  }
0x95: {  	s3 =	sld [smem:$0x3FFD];
	_ =	sdelay $0x3  }
0x96: {  	_ =	strace s3  }
0x97: {  	_ =	strace $0x8FFFFFFF  }
0x98: {  	s19 =	sld [smem:$0x3FDB];
	_ =	sdelay $0x1  }
0x99: {  	s4 =	simm.s32 $_scs_section_size  }
0x9a: {  	s5 =	simm.s32 $_size__tile_overlayer_lowered;
	s6 =	simm.s32 $_tile_overlayer_lowered  }
0x9b: {  	s22 =	simm.s32 $0x1BFF;
	s21 =	sshll.u32 s6, $0x1;
	s3 =	sadd.s32 s4, s19  }
0x9c: {  	s7 =	simm.s32 $0x0;
	s20 =	sshll.u32 s5, $0x1;
	s5 =	sadd.s32 s21, s3  }
0x9d: {  	[timem:s7], [sflag:s22] =	dma.local [hbm:s5], s20  }
0x9e: {  	_ =	swait.ge [sflag:s22], s20  }
0x9f: {  	s4 =	ssub.s32 $0x0, s20;
	[sflag:s22] =	ssyncset.done $0x0  }
0xa0: {  	[sflag:s22] =	ssyncadd.s32 s4;
	_ =	sdelay $0x1  }
0xa1: {  	s23 =	simm.s32 $0x1B8B  }
0xa2: {  	_ =	swait.ge [sflag:s23], $0x1  }
0xa3: {  	[sflag:s23] =	ssyncset.done $0x0  }
0xa4: {  	s25 =	simm.s32 $0x1B8E;
	s24 =	sld [smem:$0x3FFE];
	[sflag:s23] =	ssyncadd.s32 $0xFFFFFFFF  }
0xa5: {  	s26 =	simm.s32 $execute0_lowered;
	[smem:$0x3FD2] =	sst s25  }
0xa6: {  	s5 =	sshll.u32 s26, $0x1;
	_ =	strace $0x80000046;
	[dreg:$0x1] =	wrdreg $0xFFFFFFFF  }
0xa7: {  	s28 =	simm.s32 $_size_execute0_lowered;
	s3 =	sadd.s32 s3, s5;
	[dreg:$0x0] =	wrdreg $0x0  }
0xa8: {  	s5 =	sshll.u32 s28, $0x1;
	[dreg:$0x2] =	wrdreg s3  }
0xa9: {  	[dreg:$0x3] =	wrdreg s5  }
0xaa: {  	[dreg:$0x4] =	wrdreg $0xC0  }
0xab: {  	_ =	task [dreg:s7], $0x5FFFF  }
0xac: {  	[dreg:$0x1] =	wrdreg $0xFFFFFFFF  }
0xad: {  	[dreg:$0x0] =	wrdreg $0x60  }
0xae: {  	[dreg:$0x2] =	wrdreg s24  }
0xaf: {  	[dreg:$0x3] =	wrdreg s2  }
0xb0: {  	[dreg:$0x4] =	wrdreg $0x7C000  }
0xb1: {  	[dreg:$0x5] =	wrdreg $0x9  }
0xb2: {  	_ =	task.clear_ibuf [dreg:s7], $0x6FFFF;
	_ =	strace $0x90000046  }
0xb3: {  	s29 =	simm.s32 $0x9;
	_ =	strace $0x80000048  }
0xb4: {  	_ =	swait.ge [sflag:s29], $0x1  }
0xb5: {  	[sflag:s29] =	ssyncadd.s32 $0xFFFFFFFF  }
0xb6: {  	_ =	strace $0x90000048  }
0xb7: {  	_ =	sfence  }
0xb8: {  	s30 =	sld [smem:$0x0];
	_ =	sdelay $0x2  }
0xb9: {  	s31 =	sshll.u32 s1, $0xD;
	s1 =	sshrl.u32 s1, $0x2  }
0xba: {  	s3 =	sand.u32 $0x4000, s31;
	s1 =	sadd.s32 s1, s30  }
0xbb: {  	s0 =	sor.u32 s3, s0;
	s1 =	sshll.u32 s1, $0x11  }
0xbc: {  	s0 =	sor.u32 s1, s0  }
0xbd: {  	s0 =	sadd.s32 $0x8F2B, s0  }
0xbe: {  	[sflag:s0] =	ssyncadd.remote.s32 $0x1  }
0xbf: {  	_ =	sfence.sel $0xFFFF  }
0xc0: {  	[dreg:$0x0] =	wrdreg $0xFFFFFFFF;
	(pc) =	sbr.abs _section_cstart, $3  }
0xc1: {  	[dreg:$0x1] =	wrdreg $0xFFFFFFFF  }
0xc2: {  	_ =	task.clear_ibuf [dreg:s7], $0x2FFFF;
	_ =	strace $0x9FFFFFFF  }
0xc3: {  	(tm) =	ssettm $0x7FFFFFFF  }
tec
execute0_lowered:
.L_overlay_start_1:
0x0: {  	(tag) =	ssettag $0x1  }
0x1: {  	s4 =	rddreg [dreg:$0x0]  }
0x2: {  	s1 =	srdreg.scid;
	s5 =	rddreg [dreg:$0x1]  }
0x3: {  	s0 =	stileid.u32;
	s2 =	rddreg [dreg:$0x2];
	s3 =	simm.s32 $0x0  }
0x4: {  	s12 =	simm.s32 $0x3;
	s13 =	simm.s32 $0x1;
	s14 =	simm.s32 $0x2  }
0x5: {  	s15 =	simm.s32 $0x80;
	s16 =	simm.s32 $0x7680;
	s17 =	simm.s32 $0x7780  }
0x6: {  	s18 =	simm.s32 $0x7700;
	s19 =	simm.s32 $0x7800;
	s20 =	simm.s32 $0x10  }
0x7: {  	s21 =	simm.s32 $0x7880;
	s22 =	simm.s32 $0x7900;
	s23 =	simm.s32 $0x4F00  }
0x8: {  	s25 =	simm.s32 $0x0;
	s6 =	sand.u32 $0x1, s1;
	s1 =	rddreg [dreg:$0x3]  }
0x9: {  	s7 =	smul.u32 $0x280, s0;
	s9 =	sshll.u32 s0, $0x1;
	[smem:$0x7FF] =	sst s3  }
0xa: {  	s24 =	sshll.u32 s0, $0x6;
	s8 =	smul.u32 $0x2800, s6;
	s9 =	sor.u32 s6, s9  }
0xb: {  	_ =	strace $0x80000047;
	s6 =	ssub.s32 $0x2, s6;
	s24 =	sor.u32 $0x1C03, s24  }
0xc: {  	s9 =	smul.u32 $0x4E2, s9;
	s31 =	sshrl.u32 s6, $0x1;
	s8 =	sadd.s32 s7, s8  }
0xd: {  	s11 =	ssub.s32 s6, s31;
	s6 =	sadd.s32 s7, s2;
	s8 =	sshrl.u32 s8, $0x3  }
0xe: {  	s10 =	sadd.s32 s9, s4;
	s5 =	sadd.s32 s5, s9;
	s9 =	smax.u32 s11, $0x1  }
0xf: {  	s11 =	simm.s32 $0x7980;
	s8 =	sadd.s32 s8, s4;
	s4 =	sadd.s32 $0x2400, s10  }
0x10: {  	v0 =	vimm.f32 $0.0e+00;
	v1 =	vimm.f32 $1.000000000e+00;
	s7 =	sadd.s32 $0xCC00, s10;
	s10 =	simm.s32 $0x2780;
	s8 =	sadd.s32 $0xC200, s8  }
.LBB2_1:
0x11: {  	[tilespmem:s3], [sflag:$0x1] =	stream.linear.gather [hbm4b:s4+s3], $0x2710, $0x38;
	[tilespmem:$0x7E80] =	vst v63  }
0x12: {  	_ = 	snop  }
0x13: {  	[tilespmem:s10], [sflag:$0x2] =	stream.linear.gather [hbm4b:s5+s3], $0x2710, $0x38;
	[tilespmem:$0x7E80] =	vst v63  }
0x14: {  	[tilespmem:$0x7980] =	vst v0  }
0x15: {  	[tilespmem:$0x7990] =	vst v0  }
0x16: {  	[tilespmem:$0x79A0] =	vst v0  }
0x17: {  	[tilespmem:$0x79B0] =	vst v0  }
0x18: {  	[tilespmem:$0x79C0] =	vst v0  }
0x19: {  	[tilespmem:$0x79D0] =	vst v0  }
0x1a: {  	[tilespmem:$0x79E0] =	vst v0  }
0x1b: {  	[tilespmem:$0x79F0] =	vst v0  }
0x1c: {  	[tilespmem:$0x7A00] =	vst v0  }
0x1d: {  	[tilespmem:$0x7A10] =	vst v0  }
0x1e: {  	[tilespmem:$0x7A20] =	vst v0  }
0x1f: {  	[tilespmem:$0x7A30] =	vst v0  }
0x20: {  	[tilespmem:$0x7A40] =	vst v0  }
0x21: {  	[tilespmem:$0x7A50] =	vst v0  }
0x22: {  	[tilespmem:$0x7A60] =	vst v0  }
0x23: {  	[tilespmem:$0x7A70] =	vst v0  }
0x24: {  	[tilespmem:$0x7A80] =	vst v0  }
0x25: {  	[tilespmem:$0x7A90] =	vst v0  }
0x26: {  	[tilespmem:$0x7AA0] =	vst v0  }
0x27: {  	[tilespmem:$0x7AB0] =	vst v0  }
0x28: {  	[tilespmem:$0x7AC0] =	vst v0  }
0x29: {  	[tilespmem:$0x7AD0] =	vst v0  }
0x2a: {  	[tilespmem:$0x7AE0] =	vst v0  }
0x2b: {  	[tilespmem:$0x7AF0] =	vst v0  }
0x2c: {  	[tilespmem:$0x7B00] =	vst v0  }
0x2d: {  	[tilespmem:$0x7B10] =	vst v0  }
0x2e: {  	[tilespmem:$0x7B20] =	vst v0  }
0x2f: {  	[tilespmem:$0x7B30] =	vst v0  }
0x30: {  	[tilespmem:$0x7B40] =	vst v0  }
0x31: {  	[tilespmem:$0x7B50] =	vst v0  }
0x32: {  	[tilespmem:$0x7B60] =	vst v0  }
0x33: {  	[tilespmem:$0x7B70] =	vst v0  }
0x34: {  	[tilespmem:$0x7B80] =	vst v0  }
0x35: {  	[tilespmem:$0x7B90] =	vst v0  }
0x36: {  	[tilespmem:$0x7BA0] =	vst v0  }
0x37: {  	[tilespmem:$0x7BB0] =	vst v0  }
0x38: {  	[tilespmem:$0x7BC0] =	vst v0  }
0x39: {  	[tilespmem:$0x7BD0] =	vst v0  }
0x3a: {  	[tilespmem:$0x7BE0] =	vst v0  }
0x3b: {  	[tilespmem:$0x7BF0] =	vst v0  }
0x3c: {  	[spmem:s6] =	stream.linear.scatter [tilespmem:s11], [sflag:$0x3], $0x280, $0x38;
	[tilespmem:$0x7E80] =	vst v63  }
0x3d: {  	_ =	swait.ge [sflag:s12], $0x280  }
0x3e: {  	[sflag:s12] =	ssyncset.done $0x0  }
0x3f: {  	[sflag:s12] =	ssyncadd.s32 $0xFFFFFD80  }
0x40: {  	_ =	swait.ge [sflag:s13], $0x2710  }
0x41: {  	[sflag:s13] =	ssyncset.done $0x0  }
0x42: {  	[sflag:s13] =	ssyncadd.s32 $0xFFFFD8F0  }
0x43: {  	_ =	swait.ge [sflag:s14], $0x2710  }
0x44: {  	[sflag:s14] =	ssyncset.done $0x0  }
0x45: {  	[sflag:s14] =	ssyncadd.s32 $0xFFFFD8F0  }
0x46: {  	[bflag:$0x0] =	sbarrier.arrive $0xFFFF  }
0x47: {  	v2 =	vld [tilespmem:$0x0]  }
0x48: {  	v3 =	vld [tilespmem:$0x2780]  }
0x49: {  	v4 =	vld [tilespmem:$0x10]  }
0x4a: {  	v6 =	vld [tilespmem:$0x20]  }
0x4b: {  	v45 =	vld [tilespmem:$0x40]  }
0x4c: {  	v47 =	vld [tilespmem:$0x50]  }
0x4d: {  	v50 =	vld [tilespmem:$0x70];
	[tilespmem:$0x7680] =	vst v2  }
0x4e: {  	v5 =	vld [tilespmem:$0x2790];
	[tilespmem:$0x7690] =	vst v4  }
0x4f: {  	[tilespmem:$0x76A0] =	vst v6  }
0x50: {  	v7 =	vld [tilespmem:$0x27A0];
	[tilespmem:$0x76C0] =	vst v45  }
0x51: {  	vm0 =	veq.s32 v2, v3;
	[tilespmem:$0x76D0] =	vst v47  }
0x52: {  	v44 =	vld [tilespmem:$0x27B0];
	[tilespmem:$0x76F0] =	vst v50;
	v3 =	vsel vm0, $0x2710, v3  }
0x53: {  	vm12 =	veq.s32 v4, v5;
	v2 =	vsel vm0, $0x0, v1;
	[tilespmem:$0x4F00] =	vst v3;
	v3 =	vld [tilespmem:$0x30]  }
0x54: {  	[tilespmem:$0x7780] =	vst v2;
	v2 =	vsel vm12, $0x2710, v5  }
0x55: {  	v46 =	vld [tilespmem:$0x27C0];
	vm13 =	veq.s32 v6, v7;
	[tilespmem:$0x4F10] =	vst v2;
	v2 =	vsel vm12, $0x0, v1  }
0x56: {  	[tilespmem:$0x7790] =	vst v2;
	v2 =	vsel vm13, $0x2710, v7  }
0x57: {  	[tilespmem:$0x4F20] =	vst v2;
	v2 =	vsel vm13, $0x0, v1  }
0x58: {  	v48 =	vld [tilespmem:$0x27D0];
	[tilespmem:$0x77A0] =	vst v2;
	vm14 =	veq.s32 v3, v44  }
0x59: {  	[tilespmem:$0x76B0] =	vst v3;
	v3 =	vld [tilespmem:$0x60];
	v2 =	vsel vm14, $0x2710, v44  }
0x5a: {  	v49 =	vld [tilespmem:$0x27E0];
	vm15 =	veq.s32 v45, v46;
	[tilespmem:$0x4F30] =	vst v2;
	v2 =	vsel vm14, $0x0, v1  }
0x5b: {  	[tilespmem:$0x77B0] =	vst v2;
	v2 =	vsel vm15, $0x2710, v46  }
0x5c: {  	v51 =	vld [tilespmem:$0x27F0];
	[tilespmem:$0x4F40] =	vst v2;
	v2 =	vsel vm15, $0x0, v1  }
0x5d: {  	vm4 =	veq.s32 v47, v48;
	[tilespmem:$0x77C0] =	vst v2  }
0x5e: {  	v2 =	vsel vm4, $0x2710, v48;
	[tilespmem:$0x76E0] =	vst v3  }
0x5f: {  	vm5 =	veq.s32 v3, v49;
	[tilespmem:$0x4F50] =	vst v2;
	v2 =	vsel vm4, $0x0, v1  }
0x60: {  	[tilespmem:$0x77D0] =	vst v2;
	v2 =	vsel vm5, $0x2710, v49  }
0x61: {  	vm6 =	veq.s32 v50, v51;
	[tilespmem:$0x4F60] =	vst v2;
	v2 =	vsel vm5, $0x0, v1  }
0x62: {  	[tilespmem:$0x77E0] =	vst v2;
	v2 =	vsel vm6, $0x2710, v51  }
0x63: {  	[tilespmem:$0x4F70] =	vst v2;
	v2 =	vsel vm6, $0x0, v1  }
0x64: {  	[tilespmem:$0x77F0] =	vst v2  }
0x65: {  	[spmem:s2] =	stream.indirect.scatter.add.f32 [tilespmem:s17], [sflag:$0x1], $0x1, s16, s15, $0xb8;
	[tilespmem:$0x7E80] =	vst v63  }
0x66: {  	v2 =	vld [tilespmem:$0x80]  }
0x67: {  	v3 =	vld [tilespmem:$0x2800]  }
0x68: {  	v52 =	vld [tilespmem:$0x90]  }
0x69: {  	v54 =	vld [tilespmem:$0xA0]  }
0x6a: {  	v57 =	vld [tilespmem:$0xC0]  }
0x6b: {  	v59 =	vld [tilespmem:$0xD0]  }
0x6c: {  	v62 =	vld [tilespmem:$0xF0];
	[tilespmem:$0x7700] =	vst v2  }
0x6d: {  	v53 =	vld [tilespmem:$0x2810];
	[tilespmem:$0x7710] =	vst v52  }
0x6e: {  	[tilespmem:$0x7720] =	vst v54  }
0x6f: {  	v55 =	vld [tilespmem:$0x2820];
	[tilespmem:$0x7740] =	vst v57  }
0x70: {  	vm7 =	veq.s32 v2, v3;
	[tilespmem:$0x7750] =	vst v59  }
0x71: {  	v56 =	vld [tilespmem:$0x2830];
	[tilespmem:$0x7770] =	vst v62;
	v3 =	vsel vm7, $0x2710, v3  }
0x72: {  	vm8 =	veq.s32 v52, v53;
	v2 =	vsel vm7, $0x0, v1;
	[tilespmem:$0x4F80] =	vst v3;
	v3 =	vld [tilespmem:$0xB0]  }
0x73: {  	[tilespmem:$0x7800] =	vst v2;
	v2 =	vsel vm8, $0x2710, v53  }
0x74: {  	v58 =	vld [tilespmem:$0x2840];
	vm9 =	veq.s32 v54, v55;
	[tilespmem:$0x4F90] =	vst v2;
	v2 =	vsel vm8, $0x0, v1  }
0x75: {  	[tilespmem:$0x7810] =	vst v2;
	v2 =	vsel vm9, $0x2710, v55  }
0x76: {  	[tilespmem:$0x4FA0] =	vst v2;
	v2 =	vsel vm9, $0x0, v1  }
0x77: {  	v60 =	vld [tilespmem:$0x2850];
	[tilespmem:$0x7820] =	vst v2;
	vm10 =	veq.s32 v3, v56  }
0x78: {  	[tilespmem:$0x7730] =	vst v3;
	v3 =	vld [tilespmem:$0xE0];
	v2 =	vsel vm10, $0x2710, v56  }
0x79: {  	v61 =	vld [tilespmem:$0x2860];
	vm11 =	veq.s32 v57, v58;
	[tilespmem:$0x4FB0] =	vst v2;
	v2 =	vsel vm10, $0x0, v1  }
0x7a: {  	[tilespmem:$0x7830] =	vst v2;
	v2 =	vsel vm11, $0x2710, v58  }
0x7b: {  	v63 =	vld [tilespmem:$0x2870];
	[tilespmem:$0x4FC0] =	vst v2;
	v2 =	vsel vm11, $0x0, v1  }
0x7c: {  	vm12 =	veq.s32 v59, v60;
	[tilespmem:$0x7840] =	vst v2  }
0x7d: {  	v2 =	vsel vm12, $0x2710, v60;
	[tilespmem:$0x7760] =	vst v3  }
0x7e: {  	vm13 =	veq.s32 v3, v61;
	[tilespmem:$0x4FD0] =	vst v2;
	v2 =	vsel vm12, $0x0, v1  }
0x7f: {  	[tilespmem:$0x7850] =	vst v2;
	v2 =	vsel vm13, $0x2710, v61  }
0x80: {  	vm14 =	veq.s32 v62, v63;
	[tilespmem:$0x4FE0] =	vst v2;
	v2 =	vsel vm13, $0x0, v1  }
0x81: {  	[tilespmem:$0x7860] =	vst v2;
	v2 =	vsel vm14, $0x2710, v63  }
0x82: {  	[tilespmem:$0x4FF0] =	vst v2;
	v2 =	vsel vm14, $0x0, v1  }
0x83: {  	[tilespmem:$0x7870] =	vst v2  }
0x84: {  	[spmem:s2] =	stream.indirect.scatter.add.f32 [tilespmem:s19], [sflag:$0x2], $0x1, s18, s15, $0xb8;
	[tilespmem:$0x7E80] =	vst v63  }
0x85: {  	_ =	swait.ge [sflag:s13], $0x80  }
0x86: {  	[sflag:s13] =	ssyncset.done $0x0  }
0x87: {  	s26 =	simm.s32 $0x1F0;
	[sflag:s13] =	ssyncadd.s32 $0xFFFFFF80  }
0x88: {  	v2 =	vld [tilespmem:s26+$0xFFFFFF10]  }
0x89: {  	v3 =	vld [tilespmem:s26+$0x2690];
	_ =	sdelay $0x4  }
0x8a: {  	vm15 =	veq.s32 v2, v3  }
0x8b: {  	v3 =	vsel vm15, $0x2710, v3  }
0x8c: {  	[tilespmem:s26+$0x4E10] =	vst v3  }
0x8d: {  	v3 =	vsel vm15, $0x0, v1;
	[tilespmem:$0x7680] =	vst v2  }
0x8e: {  	[tilespmem:$0x7780] =	vst v3  }
0x8f: {  	v2 =	vld [tilespmem:s26+$0xFFFFFF20]  }
0x90: {  	v3 =	vld [tilespmem:s26+$0x26A0];
	_ =	sdelay $0x4  }
0x91: {  	vm4 =	veq.s32 v2, v3  }
0x92: {  	v3 =	vsel vm4, $0x2710, v3  }
0x93: {  	[tilespmem:s26+$0x4E20] =	vst v3  }
0x94: {  	v3 =	vsel vm4, $0x0, v1;
	[tilespmem:$0x7690] =	vst v2  }
0x95: {  	[tilespmem:$0x7790] =	vst v3  }
0x96: {  	v2 =	vld [tilespmem:s26+$0xFFFFFF30]  }
0x97: {  	v3 =	vld [tilespmem:s26+$0x26B0];
	_ =	sdelay $0x4  }
0x98: {  	vm5 =	veq.s32 v2, v3  }
0x99: {  	v3 =	vsel vm5, $0x2710, v3  }
0x9a: {  	[tilespmem:s26+$0x4E30] =	vst v3  }
0x9b: {  	v3 =	vsel vm5, $0x0, v1;
	[tilespmem:$0x76A0] =	vst v2  }
0x9c: {  	[tilespmem:$0x77A0] =	vst v3  }
0x9d: {  	v2 =	vld [tilespmem:s26+$0xFFFFFF40]  }
0x9e: {  	v3 =	vld [tilespmem:s26+$0x26C0];
	_ =	sdelay $0x4  }
0x9f: {  	vm6 =	veq.s32 v2, v3  }
0xa0: {  	v3 =	vsel vm6, $0x2710, v3  }
0xa1: {  	[tilespmem:s26+$0x4E40] =	vst v3  }
0xa2: {  	v3 =	vsel vm6, $0x0, v1;
	[tilespmem:$0x76B0] =	vst v2  }
0xa3: {  	[tilespmem:$0x77B0] =	vst v3  }
0xa4: {  	v2 =	vld [tilespmem:s26+$0xFFFFFF50]  }
0xa5: {  	v3 =	vld [tilespmem:s26+$0x26D0];
	_ =	sdelay $0x4  }
0xa6: {  	vm7 =	veq.s32 v2, v3  }
0xa7: {  	v3 =	vsel vm7, $0x2710, v3  }
0xa8: {  	[tilespmem:s26+$0x4E50] =	vst v3  }
0xa9: {  	v3 =	vsel vm7, $0x0, v1;
	[tilespmem:$0x76C0] =	vst v2  }
0xaa: {  	[tilespmem:$0x77C0] =	vst v3  }
0xab: {  	v2 =	vld [tilespmem:s26+$0xFFFFFF60]  }
0xac: {  	v3 =	vld [tilespmem:s26+$0x26E0];
	_ =	sdelay $0x4  }
0xad: {  	vm8 =	veq.s32 v2, v3  }
0xae: {  	v3 =	vsel vm8, $0x2710, v3  }
0xaf: {  	[tilespmem:s26+$0x4E60] =	vst v3  }
0xb0: {  	v3 =	vsel vm8, $0x0, v1;
	[tilespmem:$0x76D0] =	vst v2  }
0xb1: {  	[tilespmem:$0x77D0] =	vst v3  }
0xb2: {  	v2 =	vld [tilespmem:s26+$0xFFFFFF70]  }
0xb3: {  	v3 =	vld [tilespmem:s26+$0x26F0];
	_ =	sdelay $0x4  }
0xb4: {  	vm9 =	veq.s32 v2, v3  }
0xb5: {  	v3 =	vsel vm9, $0x2710, v3  }
0xb6: {  	[tilespmem:s26+$0x4E70] =	vst v3  }
0xb7: {  	v3 =	vsel vm9, $0x0, v1;
	[tilespmem:$0x76E0] =	vst v2  }
0xb8: {  	[tilespmem:$0x77E0] =	vst v3  }
0xb9: {  	v2 =	vld [tilespmem:s26+$0xFFFFFF80]  }
0xba: {  	v3 =	vld [tilespmem:s26+$0x2700];
	_ =	sdelay $0x4  }
0xbb: {  	vm10 =	veq.s32 v2, v3  }
0xbc: {  	v3 =	vsel vm10, $0x2710, v3  }
0xbd: {  	[tilespmem:s26+$0x4E80] =	vst v3  }
0xbe: {  	v3 =	vsel vm10, $0x0, v1;
	[tilespmem:$0x76F0] =	vst v2  }
0xbf: {  	[tilespmem:$0x77F0] =	vst v3  }
0xc0: {  	[spmem:s2] =	stream.indirect.scatter.add.f32 [tilespmem:s17], [sflag:$0x1], $0x1, s16, s15, $0xb8;
	[tilespmem:$0x7E80] =	vst v63  }
0xc1: {  	_ =	swait.ge [sflag:s14], $0x80  }
0xc2: {  	[sflag:s14] =	ssyncset.done $0x0  }
0xc3: {  	[sflag:s14] =	ssyncadd.s32 $0xFFFFFF80  }
0xc4: {  	v2 =	vld [tilespmem:s26+$0xFFFFFF90]  }
0xc5: {  	v3 =	vld [tilespmem:s26+$0x2710];
	_ =	sdelay $0x4  }
0xc6: {  	vm11 =	veq.s32 v2, v3  }
0xc7: {  	v3 =	vsel vm11, $0x2710, v3  }
0xc8: {  	[tilespmem:s26+$0x4E90] =	vst v3  }
0xc9: {  	v3 =	vsel vm11, $0x0, v1;
	[tilespmem:$0x7700] =	vst v2  }
0xca: {  	[tilespmem:$0x7800] =	vst v3  }
0xcb: {  	v2 =	vld [tilespmem:s26+$0xFFFFFFA0]  }
0xcc: {  	v3 =	vld [tilespmem:s26+$0x2720];
	_ =	sdelay $0x4  }
0xcd: {  	vm12 =	veq.s32 v2, v3  }
0xce: {  	v3 =	vsel vm12, $0x2710, v3  }
0xcf: {  	[tilespmem:s26+$0x4EA0] =	vst v3  }
0xd0: {  	v3 =	vsel vm12, $0x0, v1;
	[tilespmem:$0x7710] =	vst v2  }
0xd1: {  	[tilespmem:$0x7810] =	vst v3  }
0xd2: {  	v2 =	vld [tilespmem:s26+$0xFFFFFFB0]  }
0xd3: {  	v3 =	vld [tilespmem:s26+$0x2730];
	_ =	sdelay $0x4  }
0xd4: {  	vm13 =	veq.s32 v2, v3  }
0xd5: {  	v3 =	vsel vm13, $0x2710, v3  }
0xd6: {  	[tilespmem:s26+$0x4EB0] =	vst v3  }
0xd7: {  	v3 =	vsel vm13, $0x0, v1;
	[tilespmem:$0x7720] =	vst v2  }
0xd8: {  	[tilespmem:$0x7820] =	vst v3  }
0xd9: {  	v2 =	vld [tilespmem:s26+$0xFFFFFFC0]  }
0xda: {  	v3 =	vld [tilespmem:s26+$0x2740];
	_ =	sdelay $0x4  }
0xdb: {  	vm14 =	veq.s32 v2, v3  }
0xdc: {  	v3 =	vsel vm14, $0x2710, v3  }
0xdd: {  	[tilespmem:s26+$0x4EC0] =	vst v3  }
0xde: {  	v3 =	vsel vm14, $0x0, v1;
	[tilespmem:$0x7730] =	vst v2  }
0xdf: {  	[tilespmem:$0x7830] =	vst v3  }
0xe0: {  	v2 =	vld [tilespmem:s26+$0xFFFFFFD0]  }
0xe1: {  	v3 =	vld [tilespmem:s26+$0x2750];
	_ =	sdelay $0x4  }
0xe2: {  	vm15 =	veq.s32 v2, v3  }
0xe3: {  	v3 =	vsel vm15, $0x2710, v3  }
0xe4: {  	[tilespmem:s26+$0x4ED0] =	vst v3  }
0xe5: {  	v3 =	vsel vm15, $0x0, v1;
	[tilespmem:$0x7740] =	vst v2  }
0xe6: {  	[tilespmem:$0x7840] =	vst v3  }
0xe7: {  	s28 =	simm.s32 $0xBC0;
	v2 =	vld [tilespmem:s26+$0xFFFFFFE0]  }
.LBB2_2:
0xe8: {  	p0 =	sne.s32 s28, $0x9BC0;
	v3 =	vld [tilespmem:s26+$0x2760];
	s29 =	smov.u32 s28;
	s28 =	sadd.s32 $0x400, s28  }
0xe9: {  	_ =	sdelay $0x3  }
0xea: {  	vm0 =	veq.s32 v2, v3  }
0xeb: {  	v3 =	vsel vm0, $0x2710, v3;
	v4 =	vsel vm0, $0x0, v1  }
0xec: {  	[tilespmem:s26+$0x4EE0] =	vst v3  }
0xed: {  	[tilespmem:$0x7750] =	vst v2  }
0xee: {  	[tilespmem:$0x7850] =	vst v4  }
0xef: {  	v2 =	vld [tilespmem:s26+$0xFFFFFFF0]  }
0xf0: {  	v3 =	vld [tilespmem:s26+$0x2770];
	_ =	sdelay $0x4  }
0xf1: {  	vm0 =	veq.s32 v2, v3  }
0xf2: {  	v3 =	vsel vm0, $0x2710, v3;
	v4 =	vsel vm0, $0x0, v1  }
0xf3: {  	[tilespmem:s26+$0x4EF0] =	vst v3  }
0xf4: {  	[tilespmem:$0x7760] =	vst v2  }
0xf5: {  	[tilespmem:$0x7860] =	vst v4  }
0xf6: {  	v2 =	vld [tilespmem:s26+$0x0]  }
0xf7: {  	v3 =	vld [tilespmem:s26+$0x2780];
	_ =	sdelay $0x4  }
0xf8: {  	vm0 =	veq.s32 v2, v3  }
0xf9: {  	v3 =	vsel vm0, $0x2710, v3;
	v4 =	vsel vm0, $0x0, v1  }
0xfa: {  	[tilespmem:s26+$0x4F00] =	vst v3  }
0xfb: {  	[tilespmem:$0x7770] =	vst v2  }
0xfc: {  	[tilespmem:$0x7870] =	vst v4  }
0xfd: {  	[spmem:s2] =	stream.indirect.scatter.add.f32 [tilespmem:s19], [sflag:$0x2], $0x1, s18, s15, $0xb8;
	[tilespmem:$0x7E80] =	vst v63  }
0xfe: {  	_ =	swait.ge [sflag:s13], $0x80  }
0xff: {  	[sflag:s13] =	ssyncset.done $0x0  }
0x100: {  	s26 =	sshra.s32 s29, $0x2;
	[sflag:s13] =	ssyncadd.s32 $0xFFFFFF80  }
0x101: {  	v2 =	vld [tilespmem:s26+$0xFFFFFF10]  }
0x102: {  	v3 =	vld [tilespmem:s26+$0x2690];
	_ =	sdelay $0x4  }
0x103: {  	vm0 =	veq.s32 v2, v3  }
0x104: {  	v3 =	vsel vm0, $0x2710, v3;
	v4 =	vsel vm0, $0x0, v1  }
0x105: {  	[tilespmem:s26+$0x4E10] =	vst v3  }
0x106: {  	[tilespmem:$0x7680] =	vst v2  }
0x107: {  	[tilespmem:$0x7780] =	vst v4  }
0x108: {  	v2 =	vld [tilespmem:s26+$0xFFFFFF20]  }
0x109: {  	v3 =	vld [tilespmem:s26+$0x26A0];
	_ =	sdelay $0x4  }
0x10a: {  	vm0 =	veq.s32 v2, v3  }
0x10b: {  	v3 =	vsel vm0, $0x2710, v3;
	v4 =	vsel vm0, $0x0, v1  }
0x10c: {  	[tilespmem:s26+$0x4E20] =	vst v3  }
0x10d: {  	[tilespmem:$0x7690] =	vst v2  }
0x10e: {  	[tilespmem:$0x7790] =	vst v4  }
0x10f: {  	v2 =	vld [tilespmem:s26+$0xFFFFFF30]  }
0x110: {  	v3 =	vld [tilespmem:s26+$0x26B0];
	_ =	sdelay $0x4  }
0x111: {  	vm0 =	veq.s32 v2, v3  }
0x112: {  	v3 =	vsel vm0, $0x2710, v3;
	v4 =	vsel vm0, $0x0, v1  }
0x113: {  	[tilespmem:s26+$0x4E30] =	vst v3  }
0x114: {  	[tilespmem:$0x76A0] =	vst v2  }
0x115: {  	[tilespmem:$0x77A0] =	vst v4  }
0x116: {  	v2 =	vld [tilespmem:s26+$0xFFFFFF40]  }
0x117: {  	v3 =	vld [tilespmem:s26+$0x26C0];
	_ =	sdelay $0x4  }
0x118: {  	vm0 =	veq.s32 v2, v3  }
0x119: {  	v3 =	vsel vm0, $0x2710, v3;
	v4 =	vsel vm0, $0x0, v1  }
0x11a: {  	[tilespmem:s26+$0x4E40] =	vst v3  }
0x11b: {  	[tilespmem:$0x76B0] =	vst v2  }
0x11c: {  	[tilespmem:$0x77B0] =	vst v4  }
0x11d: {  	v2 =	vld [tilespmem:s26+$0xFFFFFF50]  }
0x11e: {  	v3 =	vld [tilespmem:s26+$0x26D0];
	_ =	sdelay $0x4  }
0x11f: {  	vm0 =	veq.s32 v2, v3  }
0x120: {  	v3 =	vsel vm0, $0x2710, v3;
	v4 =	vsel vm0, $0x0, v1  }
0x121: {  	[tilespmem:s26+$0x4E50] =	vst v3  }
0x122: {  	[tilespmem:$0x76C0] =	vst v2  }
0x123: {  	[tilespmem:$0x77C0] =	vst v4  }
0x124: {  	v2 =	vld [tilespmem:s26+$0xFFFFFF60]  }
0x125: {  	v3 =	vld [tilespmem:s26+$0x26E0];
	_ =	sdelay $0x4  }
0x126: {  	vm0 =	veq.s32 v2, v3  }
0x127: {  	v3 =	vsel vm0, $0x2710, v3;
	v4 =	vsel vm0, $0x0, v1  }
0x128: {  	[tilespmem:s26+$0x4E60] =	vst v3  }
0x129: {  	[tilespmem:$0x76D0] =	vst v2  }
0x12a: {  	[tilespmem:$0x77D0] =	vst v4  }
0x12b: {  	v2 =	vld [tilespmem:s26+$0xFFFFFF70]  }
0x12c: {  	v3 =	vld [tilespmem:s26+$0x26F0];
	_ =	sdelay $0x4  }
0x12d: {  	vm0 =	veq.s32 v2, v3  }
0x12e: {  	v3 =	vsel vm0, $0x2710, v3;
	v4 =	vsel vm0, $0x0, v1  }
0x12f: {  	[tilespmem:s26+$0x4E70] =	vst v3  }
0x130: {  	[tilespmem:$0x76E0] =	vst v2  }
0x131: {  	[tilespmem:$0x77E0] =	vst v4  }
0x132: {  	v2 =	vld [tilespmem:s26+$0xFFFFFF80]  }
0x133: {  	v3 =	vld [tilespmem:s26+$0x2700];
	_ =	sdelay $0x4  }
0x134: {  	vm0 =	veq.s32 v2, v3  }
0x135: {  	v3 =	vsel vm0, $0x2710, v3;
	v4 =	vsel vm0, $0x0, v1  }
0x136: {  	[tilespmem:s26+$0x4E80] =	vst v3  }
0x137: {  	[tilespmem:$0x76F0] =	vst v2  }
0x138: {  	[tilespmem:$0x77F0] =	vst v4  }
0x139: {  	[spmem:s2] =	stream.indirect.scatter.add.f32 [tilespmem:s17], [sflag:$0x1], $0x1, s16, s15, $0xb8;
	[tilespmem:$0x7E80] =	vst v63  }
0x13a: {  	_ =	swait.ge [sflag:s14], $0x80  }
0x13b: {  	[sflag:s14] =	ssyncset.done $0x0  }
0x13c: {  	[sflag:s14] =	ssyncadd.s32 $0xFFFFFF80  }
0x13d: {  	v2 =	vld [tilespmem:s26+$0xFFFFFF90]  }
0x13e: {  	v3 =	vld [tilespmem:s26+$0x2710];
	_ =	sdelay $0x4  }
0x13f: {  	vm0 =	veq.s32 v2, v3  }
0x140: {  	v3 =	vsel vm0, $0x2710, v3;
	v4 =	vsel vm0, $0x0, v1  }
0x141: {  	[tilespmem:s26+$0x4E90] =	vst v3  }
0x142: {  	[tilespmem:$0x7700] =	vst v2  }
0x143: {  	[tilespmem:$0x7800] =	vst v4  }
0x144: {  	v2 =	vld [tilespmem:s26+$0xFFFFFFA0]  }
0x145: {  	v3 =	vld [tilespmem:s26+$0x2720];
	_ =	sdelay $0x4  }
0x146: {  	vm0 =	veq.s32 v2, v3  }
0x147: {  	v3 =	vsel vm0, $0x2710, v3;
	v4 =	vsel vm0, $0x0, v1  }
0x148: {  	[tilespmem:s26+$0x4EA0] =	vst v3  }
0x149: {  	[tilespmem:$0x7710] =	vst v2  }
0x14a: {  	[tilespmem:$0x7810] =	vst v4  }
0x14b: {  	v2 =	vld [tilespmem:s26+$0xFFFFFFB0]  }
0x14c: {  	v3 =	vld [tilespmem:s26+$0x2730];
	_ =	sdelay $0x4  }
0x14d: {  	vm0 =	veq.s32 v2, v3  }
0x14e: {  	v3 =	vsel vm0, $0x2710, v3;
	v4 =	vsel vm0, $0x0, v1  }
0x14f: {  	[tilespmem:s26+$0x4EB0] =	vst v3  }
0x150: {  	[tilespmem:$0x7720] =	vst v2  }
0x151: {  	[tilespmem:$0x7820] =	vst v4  }
0x152: {  	v2 =	vld [tilespmem:s26+$0xFFFFFFC0]  }
0x153: {  	v3 =	vld [tilespmem:s26+$0x2740];
	_ =	sdelay $0x4  }
0x154: {  	vm0 =	veq.s32 v2, v3  }
0x155: {  	v3 =	vsel vm0, $0x2710, v3;
	v4 =	vsel vm0, $0x0, v1  }
0x156: {  	[tilespmem:s26+$0x4EC0] =	vst v3  }
0x157: {  	[tilespmem:$0x7730] =	vst v2  }
0x158: {  	[tilespmem:$0x7830] =	vst v4  }
0x159: {  	v2 =	vld [tilespmem:s26+$0xFFFFFFD0]  }
0x15a: {  	v3 =	vld [tilespmem:s26+$0x2750];
	_ =	sdelay $0x4  }
0x15b: {  	vm0 =	veq.s32 v2, v3  }
.Ltmp0:
0x15c: {  	v3 =	vsel vm0, $0x2710, v3;
	v4 =	vsel vm0, $0x0, v1;
	(pc) =	sbr.rel @p0 .LBB2_2-.Ltmp0, $4  }
0x15d: {  	[tilespmem:s26+$0x4ED0] =	vst v3  }
0x15e: {  	[tilespmem:$0x7740] =	vst v2  }
0x15f: {  	[tilespmem:$0x7840] =	vst v4  }
0x160: {  	v2 =	vld [tilespmem:s26+$0xFFFFFFE0]  }
0x161: {  	v3 =	vld [tilespmem:s26+$0x2760];
	_ =	sdelay $0x4  }
0x162: {  	vm0 =	veq.s32 v2, v3  }
0x163: {  	v3 =	vsel vm0, $0x2710, v3  }
0x164: {  	[tilespmem:s26+$0x4EE0] =	vst v3  }
0x165: {  	v3 =	vsel vm0, $0x0, v1;
	[tilespmem:$0x7750] =	vst v2  }
0x166: {  	[tilespmem:$0x7850] =	vst v3  }
0x167: {  	v2 =	vld [tilespmem:s26+$0xFFFFFFF0]  }
0x168: {  	v3 =	vld [tilespmem:s26+$0x2770];
	_ =	sdelay $0x4  }
0x169: {  	vm13 =	veq.s32 v2, v3  }
0x16a: {  	v3 =	vsel vm13, $0x2710, v3  }
0x16b: {  	[tilespmem:s26+$0x4EF0] =	vst v3  }
0x16c: {  	v3 =	vsel vm13, $0x0, v1;
	[tilespmem:$0x7760] =	vst v2  }
0x16d: {  	[tilespmem:$0x7860] =	vst v3  }
0x16e: {  	v2 =	vld [tilespmem:s26+$0x0]  }
0x16f: {  	v3 =	vld [tilespmem:s26+$0x2780];
	_ =	sdelay $0x4  }
0x170: {  	vm14 =	veq.s32 v2, v3  }
0x171: {  	v3 =	vsel vm14, $0x2710, v3  }
0x172: {  	[tilespmem:s26+$0x4F00] =	vst v3  }
0x173: {  	v3 =	vsel vm14, $0x0, v1;
	[tilespmem:$0x7770] =	vst v2  }
0x174: {  	[tilespmem:$0x7870] =	vst v3  }
0x175: {  	[spmem:s2] =	stream.indirect.scatter.add.f32 [tilespmem:s19], [sflag:$0x2], $0x1, s18, s15, $0xb8;
	[tilespmem:$0x7E80] =	vst v63  }
0x176: {  	_ =	swait.ge [sflag:s13], $0x80  }
0x177: {  	[sflag:s13] =	ssyncset.done $0x0  }
0x178: {  	[sflag:s13] =	ssyncadd.s32 $0xFFFFFF80  }
0x179: {  	_ =	swait.ge [sflag:s14], $0x80  }
0x17a: {  	[sflag:s14] =	ssyncset.done $0x0  }
0x17b: {  	[sflag:s14] =	ssyncadd.s32 $0xFFFFFF80  }
0x17c: {  	v2 =	vld [tilespmem:$0x2700]  }
0x17d: {  	v3 =	vld [tilespmem:$0x4E80];
	_ =	sdelay $0x4  }
0x17e: {  	vm15 =	veq.s32 v2, v3  }
0x17f: {  	[tilespmem:$0x7880] =	vst v2;
	v3 =	vsel vm15, $0x2710, v3  }
0x180: {  	v2 =	vsel vm15, $0x0, v1;
	[tilespmem:$0x7600] =	vst v3  }
0x181: {  	[tilespmem:$0x7900] =	vst v2  }
0x182: {  	[spmem:s2] =	stream.indirect.scatter.add.f32 [tilespmem:s22], [sflag:$0x3], $0x1, s21, s20, $0xb8;
	[tilespmem:$0x7E80] =	vst v63  }
0x183: {  	_ =	swait.ge [sflag:s12], $0x10  }
0x184: {  	[sflag:s12] =	ssyncset.done $0x0  }
0x185: {  	[sflag:s12] =	ssyncadd.s32 $0xFFFFFFF0  }
0x186: {  	[hbm4b:s7+s3] =	stream.linear.scatter [tilespmem:s23], [sflag:$0x3], $0x2710, $0x38;
	[tilespmem:$0x7E80] =	vst v63  }
0x187: {  	_ =	swait.ge [sflag:s12], $0x2710  }
0x188: {  	s25 =	sadd.s32 $0x1, s25;
	[sflag:s12] =	ssyncset.done $0x0  }
0x189: {  	p0 =	sne.s32 s25, s9;
	[sflag:s12] =	ssyncadd.s32 $0xFFFFD8F0  }
.Ltmp1:
0x18a: {  	s31 =	sshrl.u32 s6, $0x3;
	[bflag:$0x0] =	sbarrier.arrive $0xFFFF;
	(pc) =	sbr.rel @p0 .LBB2_1-.Ltmp1, $4  }
0x18b: {  	[hbm:s8], [sflag:s24] =	dma.local [spmem:s31], $0x50  }
0x18c: {  	_ =	swait.ge [sflag:s12], $0x50  }
0x18d: {  	[sflag:s12] =	ssyncset.done $0x0  }
0x18e: {  	[sflag:s12] =	ssyncadd.s32 $0xFFFFFFB0  }
0x18f: {  	_ =	sfence.sel $0x180000  }
0x190: {  	[bflag:$0x0] =	sbarrier.arrive $0xFFFF  }
0x191: {  	p0 =	sne.s32 s0, $0x0;
	_ =	strace $0x90000047  }
0x192: {  	s0 =	sadd.s32 @!p0 $0x100000, s1;
	[bflag:$0x2] =	sbarrier.arrive $0xFFFF  }
0x193: {  	[sflag:s0] =	ssyncadd.tile.s32 @!p0 $0x1;
	_ =	shalt  }
.Lfunc_end2:
_tile_overlayer_lowered:
.L_overlay_start_2:
0x194: {  	(tag) =	ssettag $0x2  }
0x195: {  	s0 =	rddreg [dreg:$0x0];
	s2 =	stileid.u32  }
0x196: {  	s1 =	rddreg [dreg:$0x1];
	p0 =	sne.s32 s2, $0x0  }
0x197: {  	s3 =	rddreg [dreg:$0x2];
	[bflag:$0x3] =	sbarrier.arrive $0xFFFF;
	s2 =	simm.s32 @!p0 $0x1C03  }
0x198: {  	[timem:s3], [sflag:s2] =	dma.local @!p0 [hbm:s0], s1  }
0x199: {  	s0 =	simm.s32 @!p0 $0x3  }
0x19a: {  	_ =	swait.ge @!p0 [sflag:s0], s1  }
0x19b: {  	s1 =	ssub.s32 @!p0 $0x0, s1;
	[sflag:s0] =	ssyncset.done @!p0 $0x0  }
0x19c: {  	[sflag:s0] =	ssyncadd.s32 @!p0 s1  }
0x19d: {  	[bflag:$0x3] =	sbarrier.arrive $0xFFFF  }
0x19e: {  	_ =	shalt  }

</sc_bundles>
